<compile_context>
chip_gen: v7x
topology: tpu7x:2x2x1
jax: 0.10.2.dev20260603
libtpu: 0.0.44.dev20260713+nightly
codegen_flags: <defaults>
</compile_context>

<pallas_src>
import functools

import jax
import jax.numpy as jnp
from jax import lax
from jax.experimental import pallas as pl
from jax.experimental.pallas import tpu as pltpu
from jax.experimental.pallas import tpu_sc as plsc

_CONF_T = 0.01
_IOU_T = 0.45
_TOPK = 200
_KSEL = 48
_KFULL = 200
_B = 4
_N = 8732
_NCLS = 20
_L = _B * _NCLS
_W = 8960
_C = 256
_IMG_H = 300.0
_IMG_W = 300.0

_KMAX = 0x3F7FFFFF
_KTHR = 0x3C23D70A
_KINACT = _KMAX - _KTHR
_NV = _W // 16
_NVC = _C // 16
_NW = 32



def _sc_sort_body(keys_hbm, x1_hbm, y1_hbm, x2_hbm, y2_hbm,
                  okey, ox1, oy1, ox2, oy2, ocnt,
                  kA, iA, kB, iB, vx1, vy1, vx2, vy2,
                  hist, base, s1, s2, s3, s4, scnt):
    cid = lax.axis_index("c")
    sid = lax.axis_index("s")
    wid = sid * 2 + cid

    def process(lane):
        batch = ((lane >= _NCLS).astype(jnp.int32)
                 + (lane >= 2 * _NCLS) + (lane >= 3 * _NCLS))
        pltpu.sync_copy(keys_hbm.at[lane], kA)

        kthr = _KINACT
        lane16 = lax.iota(jnp.int32, 16)

        one16 = jnp.ones((16,), jnp.int32)
        zero16 = jnp.zeros((16,), jnp.int32)

        z16 = jnp.zeros((16,), jnp.int32)
        big16 = jnp.full((16,), jnp.int32(_W + 16))
        bufs = ((kA, iA, kB, iB), (kB, iB, kA, iA))

        def radix_pass(p, shift, nvr, count_active=False, limit=None):
            src_k, src_i, dst_k, dst_i = bufs[p % 2]

            def zbody(j, _):
                hist[pl.ds(j * 16, 16)] = z16
                return 0

            lax.fori_loop(0, 32, zbody, 0)

            def hbody(i, acc):
                kv = src_k[pl.ds(i * 16, 16)]
                dig = (kv >> shift) & 511
                cnt, last = plsc.scan_count(dig)
                plsc.addupdate_scatter(hist, [dig], cnt, mask=last)
                if count_active:
                    acc = acc + jnp.sum(jnp.where(kv < kthr, one16, zero16))
                return acc

            acc = lax.fori_loop(0, nvr, hbody, jnp.int32(0))
            if count_active:
                scnt[...] = jnp.broadcast_to(acc, (16,))
                pltpu.sync_copy(scnt, ocnt.at[lane])

            def sbody(j, carry):
                h = hist[pl.ds(j * 16, 16)]
                c = plsc.cumsum(h)
                base[pl.ds(j * 16, 16)] = c - h + carry
                return carry + jnp.max(c)

            lax.fori_loop(0, 32, sbody, jnp.int32(0))

            limit = None
            m16 = None
            if p == 0:
                def mbody(j, mv):
                    sl = pl.ds(j * 16, 16)
                    e = base[sl] + hist[sl]
                    return jnp.minimum(mv, jnp.where(e >= _C, e, big16))

                mvec = lax.fori_loop(0, 32, mbody, big16)
                m16 = (jnp.min(mvec) + 15) >> 4
                limit = m16 * 16

            def pbody(i, _):
                s = pl.ds(i * 16, 16)
                kv = src_k[s]
                if p == 0:
                    iv = lane16 + i * 16
                else:
                    iv = src_i[s]
                dig = (kv >> shift) & 511
                cnt, last = plsc.scan_count(dig)
                pos = plsc.load_gather(base, [dig]) + cnt - 1
                if limit is None:
                    plsc.store_scatter(dst_k, [pos], kv)
                    plsc.store_scatter(dst_i, [pos], iv)
                else:
                    inreg = pos < limit
                    plsc.store_scatter(dst_k, [pos], kv, mask=inreg)
                    plsc.store_scatter(dst_i, [pos], iv, mask=inreg)
                plsc.addupdate_scatter(base, [dig], cnt, mask=last)
                return 0

            lax.fori_loop(0, nvr, pbody, 0)
            return m16

        m16 = radix_pass(0, 18, _NV, count_active=True)
        radix_pass(1, 0, m16)
        radix_pass(2, 9, m16)
        radix_pass(3, 18, m16)

        pltpu.sync_copy(x1_hbm.at[batch], vx1)
        pltpu.sync_copy(y1_hbm.at[batch], vy1)
        pltpu.sync_copy(x2_hbm.at[batch], vx2)
        pltpu.sync_copy(y2_hbm.at[batch], vy2)

        def gbody(j, _):
            s = pl.ds(j * 16, 16)
            iv = iA[s]
            s1[s] = plsc.load_gather(vx1, [iv])
            s2[s] = plsc.load_gather(vy1, [iv])
            s3[s] = plsc.load_gather(vx2, [iv])
            s4[s] = plsc.load_gather(vy2, [iv])
            return 0

        lax.fori_loop(0, _NVC, gbody, 0)

        pltpu.sync_copy(kA.at[pl.ds(0, _C)], okey.at[lane])
        pltpu.sync_copy(s1, ox1.at[lane])
        pltpu.sync_copy(s2, oy1.at[lane])
        pltpu.sync_copy(s3, ox2.at[lane])
        pltpu.sync_copy(s4, oy2.at[lane])

    for r in range(3):
        lane = wid + _NW * r
        if r < 2:
            process(lane)
        else:
            @pl.when(lane < _L)
            def _():
                process(lane)


@functools.partial(jax.jit, static_argnums=())
def _sc_sort(keys, bx1, by1, bx2, by2):
    mesh = plsc.VectorSubcoreMesh(core_axis_name="c", subcore_axis_name="s",
                                  num_cores=2, num_subcores=16)
    f32 = jnp.float32
    return pl.kernel(
        _sc_sort_body,
        out_type=[
            jax.ShapeDtypeStruct((_L, _C), jnp.int32),
            jax.ShapeDtypeStruct((_L, _C), f32),
            jax.ShapeDtypeStruct((_L, _C), f32),
            jax.ShapeDtypeStruct((_L, _C), f32),
            jax.ShapeDtypeStruct((_L, _C), f32),
            jax.ShapeDtypeStruct((_L, 16), jnp.int32),
        ],
        mesh=mesh,
        scratch_types=[
            pltpu.VMEM((_W,), jnp.int32),
            pltpu.VMEM((_W,), jnp.int32),
            pltpu.VMEM((_W,), jnp.int32),
            pltpu.VMEM((_W,), jnp.int32),
            pltpu.VMEM((_W,), f32),
            pltpu.VMEM((_W,), f32),
            pltpu.VMEM((_W,), f32),
            pltpu.VMEM((_W,), f32),
            pltpu.VMEM((512,), jnp.int32),
            pltpu.VMEM((512,), jnp.int32),
            pltpu.VMEM((_C,), f32),
            pltpu.VMEM((_C,), f32),
            pltpu.VMEM((_C,), f32),
            pltpu.VMEM((_C,), f32),
            pltpu.VMEM((16,), jnp.int32),
        ],
        compiler_params=pltpu.CompilerParams(needs_layout_passes=False),
    )(keys, bx1, by1, bx2, by2)



def _make_nms_body(width, ksel, with_flag):
    def body(scores_ref, x1_ref, y1_ref, x2_ref, y2_ref, *refs):
        if with_flag:
            (cls_out, conf_out, ox1_out, oy1_out, ox2_out, oy2_out,
             flag_out, work_ref, area_ref) = refs
        else:
            (cls_out, conf_out, ox1_out, oy1_out, ox2_out, oy2_out,
             work_ref, area_ref) = refs

        scores = scores_ref[...]
        work_ref[...] = jnp.where(scores > _CONF_T, scores, -jnp.inf)
        x1 = x1_ref[...]
        y1 = y1_ref[...]
        x2 = x2_ref[...]
        y2 = y2_ref[...]
        area_ref[...] = (jnp.maximum(x2 - x1, 0.0)
                         * jnp.maximum(y2 - y1, 0.0))

        iota = lax.broadcasted_iota(jnp.int32, (_L, width), 1)
        lane = lax.broadcasted_iota(jnp.int32, (_L, 1), 0)
        clsvec = (lane % _NCLS + 1).astype(jnp.float32)
        col = lax.broadcasted_iota(jnp.int32, (_L, ksel), 1)

        def step(k, _):
            work = work_ref[...]
            m = jnp.max(work, axis=1, keepdims=True)
            msk = work == m
            idx = jnp.min(jnp.where(msk, iota, width), axis=1, keepdims=True)
            onehot = iota == idx

            x1 = x1_ref[...]
            y1 = y1_ref[...]
            x2 = x2_ref[...]
            y2 = y2_ref[...]
            zero = jnp.zeros_like(x1)
            sx1 = jnp.sum(jnp.where(onehot, x1, zero), axis=1, keepdims=True)
            sy1 = jnp.sum(jnp.where(onehot, y1, zero), axis=1, keepdims=True)
            sx2 = jnp.sum(jnp.where(onehot, x2, zero), axis=1, keepdims=True)
            sy2 = jnp.sum(jnp.where(onehot, y2, zero), axis=1, keepdims=True)

            xi1 = jnp.maximum(sx1, x1)
            yi1 = jnp.maximum(sy1, y1)
            xi2 = jnp.minimum(sx2, x2)
            yi2 = jnp.minimum(sy2, y2)
            inter = (jnp.maximum(xi2 - xi1, 0.0)
                     * jnp.maximum(yi2 - yi1, 0.0))
            a1 = (jnp.maximum(sx2 - sx1, 0.0)
                  * jnp.maximum(sy2 - sy1, 0.0))
            iou = inter / (a1 + area_ref[...] - inter + 1e-8)

            supp = (iou >= _IOU_T) | onehot
            work_ref[...] = jnp.where(supp, -jnp.inf, work)

            ok = m > 0.0
            z1 = jnp.zeros_like(m)
            here = col == k
            for ref, val in ((cls_out, clsvec), (conf_out, m),
                             (ox1_out, sx1), (oy1_out, sy1),
                             (ox2_out, sx2), (oy2_out, sy2)):
                v = jnp.where(ok, val, z1)
                ref[...] = jnp.where(here, v, ref[...])
            if with_flag:
                flag_out[...] = jnp.broadcast_to(
                    jnp.where(ok, z1, z1 + 1.0), (_L, 128))
            return 0

        lax.fori_loop(0, ksel, step, 0, unroll=4)

    return body


def _tc_nms(scores, x1, y1, x2, y2, width, ksel, with_flag):
    f32 = jnp.float32
    out_sd = [jax.ShapeDtypeStruct((_L, ksel), f32)] * 6
    if with_flag:
        out_sd = out_sd + [jax.ShapeDtypeStruct((_L, 128), f32)]
    return pl.pallas_call(
        _make_nms_body(width, ksel, with_flag),
        out_shape=out_sd,
        scratch_shapes=[
            pltpu.VMEM((_L, width), f32),
            pltpu.VMEM((_L, width), f32),
        ],
    )(scores, x1, y1, x2, y2)



def _decode_boxes(y_pred):
    cx = y_pred[..., -12] * y_pred[..., -4] * y_pred[..., -6] + y_pred[..., -8]
    cy = y_pred[..., -11] * y_pred[..., -3] * y_pred[..., -5] + y_pred[..., -7]
    w = jnp.exp(y_pred[..., -10] * y_pred[..., -2]) * y_pred[..., -6]
    h = jnp.exp(y_pred[..., -9] * y_pred[..., -1]) * y_pred[..., -5]
    xmin = (cx - 0.5 * w) * _IMG_W
    ymin = (cy - 0.5 * h) * _IMG_H
    xmax = (cx + 0.5 * w) * _IMG_W
    ymax = (cy + 0.5 * h) * _IMG_H
    return xmin, ymin, xmax, ymax


def kernel(y_pred):
    xmin, ymin, xmax, ymax = _decode_boxes(y_pred)
    confs = y_pred[..., 1:_NCLS + 1]

    pad = _W - _N
    scores = jnp.transpose(confs, (0, 2, 1))
    scores = jnp.pad(scores, ((0, 0), (0, 0), (0, pad))).reshape(_L, _W)
    sbits = lax.bitcast_convert_type(scores, jnp.int32)
    keys = jnp.where(sbits > _KTHR, _KMAX - sbits, _KINACT)

    boxes_b = [jnp.pad(a, ((0, 0), (0, pad)))
               for a in (xmin, ymin, xmax, ymax)]

    skey, sx1, sy1, sx2, sy2, cnt = _sc_sort(keys, *boxes_b)
    sscores = lax.bitcast_convert_type(_KMAX - skey, jnp.float32)

    fast = _tc_nms(sscores, sx1, sy1, sx2, sy2, _C, _KSEL, True)
    fast_rows, flag = fast[:6], fast[6]
    exhausted = flag[:, 0] > 0.0

    flat_conf = fast_rows[1].reshape(_B, _NCLS * _KSEL)
    _, top_idx = lax.top_k(flat_conf, _TOPK)
    v200 = jnp.take_along_axis(flat_conf, top_idx[:, -1:], axis=1)
    v_lane = jnp.repeat(v200[:, 0], _NCLS)

    conf_last = fast_rows[1][:, _KSEL - 1]
    bad_a = (~exhausted) & (conf_last >= v_lane)
    bad_b = exhausted & (cnt[:, 0] > _C)
    need_fb = jnp.any(bad_a | bad_b)

    def fast_path(_):
        stacked = jnp.stack([f.reshape(_B, _NCLS * _KSEL)
                             for f in fast_rows], axis=-1)
        return jnp.take_along_axis(stacked, top_idx[..., None], axis=1)

    def fallback(_):
        def lanes(a):
            return jnp.broadcast_to(
                a[:, None, :], (_B, _NCLS, _W)).reshape(_L, _W)
        full = _tc_nms(scores, *[lanes(a) for a in boxes_b], _W, _KFULL,
                       False)
        fc = full[1].reshape(_B, _NCLS * _KFULL)
        _, ti = lax.top_k(fc, _TOPK)
        stacked = jnp.stack([f.reshape(_B, _NCLS * _KFULL)
                             for f in full], axis=-1)
        return jnp.take_along_axis(stacked, ti[..., None], axis=1)

    return lax.cond(need_fb, fallback, fast_path, None)

# --- scband reference (transcript-rebuilt; emitter-appended) ---
"""Pipeline reference for scband-decode-detections-68496138436838 (READ-ONLY COPY).

The authoritative reference and input builder live on the scoring server;
editing this copy changes nothing except your own understanding.
"""

import jax, jax.numpy as jnp
import numpy as np

CONF_THRESH = 0.01
IOU_THRESH = 0.45
TOP_K = 200
NMS_MAX = 400
IMG_H = 300.0
IMG_W = 300.0


def setup_inputs(seed: int = 0) -> dict:
    key = jax.random.key(seed)
    y_pred = jax.random.uniform(key, (4, 8732, 33), dtype=jnp.float32)
    return {"y_pred": y_pred}


def _decode(y_pred):
    cx = y_pred[..., -12] * y_pred[..., -4] * y_pred[..., -6] + y_pred[..., -8]
    cy = y_pred[..., -11] * y_pred[..., -3] * y_pred[..., -5] + y_pred[..., -7]
    w = jnp.exp(y_pred[..., -10] * y_pred[..., -2]) * y_pred[..., -6]
    h = jnp.exp(y_pred[..., -9] * y_pred[..., -1]) * y_pred[..., -5]
    xmin = (cx - 0.5 * w) * IMG_W
    ymin = (cy - 0.5 * h) * IMG_H
    xmax = (cx + 0.5 * w) * IMG_W
    ymax = (cy + 0.5 * h) * IMG_H
    boxes = jnp.stack([xmin, ymin, xmax, ymax], axis=-1)
    confs = y_pred[..., :-12]
    return confs, boxes


def _iou_one_vs_all(box, boxes):
    xi1 = jnp.maximum(box[0], boxes[:, 0])
    yi1 = jnp.maximum(box[1], boxes[:, 1])
    xi2 = jnp.minimum(box[2], boxes[:, 2])
    yi2 = jnp.minimum(box[3], boxes[:, 3])
    inter = jnp.maximum(xi2 - xi1, 0.0) * jnp.maximum(yi2 - yi1, 0.0)
    a1 = jnp.maximum(box[2] - box[0], 0.0) * jnp.maximum(box[3] - box[1], 0.0)
    a2 = jnp.maximum(boxes[:, 2] - boxes[:, 0], 0.0) * jnp.maximum(boxes[:, 3] - boxes[:, 1], 0.0)
    return inter / (a1 + a2 - inter + 1e-8)


def _nms_single_class(scores, boxes, class_id):
    # confidence-threshold filter: mask out low-confidence boxes
    work = jnp.where(scores > CONF_THRESH, scores, -jnp.inf)

    def step(work, _):
        idx = jnp.argmax(work)
        ok = work[idx] > -jnp.inf
        sel_box = boxes[idx]
        sel_conf = scores[idx]
        iou = _iou_one_vs_all(sel_box, boxes)
        new_work = jnp.where(iou >= IOU_THRESH, -jnp.inf, work)
        new_work = new_work.at[idx].set(-jnp.inf)
        row = jnp.concatenate([jnp.stack([class_id, sel_conf]), sel_box])
        row = jnp.where(ok, row, jnp.zeros_like(row))
        return new_work, row

    _, rows = jax.lax.scan(step, work, None, length=NMS_MAX)
    return rows  # [NMS_MAX, 6], zero-padded like tf.pad in the original


def _decode_batch_item(confs_b, boxes_b):
    n_classes = confs_b.shape[-1]
    class_ids = jnp.arange(1, n_classes)

    def per_class(c):
        return _nms_single_class(confs_b[:, c], boxes_b, c.astype(jnp.float32))

    rows = jax.vmap(per_class)(class_ids)  # [n_classes-1, NMS_MAX, 6]
    flat = rows.reshape(-1, 6)
    _, top_idx = jax.lax.top_k(flat[:, 1], TOP_K)
    return flat[top_idx]  # [TOP_K, 6]


def reference(y_pred):
    confs, boxes = _decode(y_pred)
    return jax.vmap(_decode_batch_item)(confs, boxes)  # [B, TOP_K, 6]

if __name__ == "__main__":
    import jax
    _d = setup_inputs()
    print(jax.jit(kernel)(*tuple(_d.values())))

</pallas_src>

<mosaic_0001>
#map = affine_map<(d0, d1) -> (0, 0)>
module attributes {stable_mosaic.version = 14 : i64} {
  func.func @_sc_sort_body(%arg0: i32, %arg1: i32, %arg2: memref<80x8960xi32, #tpu.memory_space<hbm>>, %arg3: memref<4x8960xf32, #tpu.memory_space<hbm>>, %arg4: memref<4x8960xf32, #tpu.memory_space<hbm>>, %arg5: memref<4x8960xf32, #tpu.memory_space<hbm>>, %arg6: memref<4x8960xf32, #tpu.memory_space<hbm>>, %arg7: memref<80x256xi32, #tpu.memory_space<hbm>>, %arg8: memref<80x256xf32, #tpu.memory_space<hbm>>, %arg9: memref<80x256xf32, #tpu.memory_space<hbm>>, %arg10: memref<80x256xf32, #tpu.memory_space<hbm>>, %arg11: memref<80x256xf32, #tpu.memory_space<hbm>>, %arg12: memref<80x16xi32, #tpu.memory_space<hbm>>, %arg13: memref<8960xi32, #tpu.memory_space<vmem>>, %arg14: memref<8960xi32, #tpu.memory_space<vmem>>, %arg15: memref<8960xi32, #tpu.memory_space<vmem>>, %arg16: memref<8960xi32, #tpu.memory_space<vmem>>, %arg17: memref<8960xf32, #tpu.memory_space<vmem>>, %arg18: memref<8960xf32, #tpu.memory_space<vmem>>, %arg19: memref<8960xf32, #tpu.memory_space<vmem>>, %arg20: memref<8960xf32, #tpu.memory_space<vmem>>, %arg21: memref<512xi32, #tpu.memory_space<vmem>>, %arg22: memref<512xi32, #tpu.memory_space<vmem>>, %arg23: memref<256xf32, #tpu.memory_space<vmem>>, %arg24: memref<256xf32, #tpu.memory_space<vmem>>, %arg25: memref<256xf32, #tpu.memory_space<vmem>>, %arg26: memref<256xf32, #tpu.memory_space<vmem>>, %arg27: memref<16xi32, #tpu.memory_space<vmem>>) attributes {dimension_semantics = [#tpu.dimension_semantics<core_parallel>, #tpu.dimension_semantics<subcore_parallel>], iteration_bounds = array<i64: 2, 16>, scalar_prefetch = 0 : i64, scratch_operands = 15 : i64, tpu.core_type = #tpu.core_type<sc_vector_subcore>, window_params = [{transform_indices = #map}, {transform_indices = #map}, {transform_indices = #map}, {transform_indices = #map}, {transform_indices = #map}, {transform_indices = #map}, {transform_indices = #map}, {transform_indices = #map}, {transform_indices = #map}, {transform_indices = #map}, {transform_indices = #map}]} {
    %mul3A = arith.constant 2 : i32
    %mul3A_0 = arith.muli %arg1, %mul3A : i32
    %add3A = arith.addi %mul3A_0, %arg0 : i32
    %add3A_1 = arith.constant 0 : i32
    %add3A_2 = arith.addi %add3A, %add3A_1 : i32
    %ge3A = arith.constant 20 : i32
    %ge3A_3 = arith.cmpi sge, %add3A_2, %ge3A : i32
    %convert_element_type3A = arith.extui %ge3A_3 : i1 to i32
    %ge3A_4 = arith.constant 40 : i32
    %ge3A_5 = arith.cmpi sge, %add3A_2, %ge3A_4 : i32
    %convert_element_type3A_6 = arith.extui %ge3A_5 : i1 to i32
    %add3A_7 = arith.addi %convert_element_type3A, %convert_element_type3A_6 : i32
    %ge3A_8 = arith.constant 60 : i32
    %ge3A_9 = arith.cmpi sge, %add3A_2, %ge3A_8 : i32
    %convert_element_type3A_10 = arith.extui %ge3A_9 : i1 to i32
    %add3A_11 = arith.addi %add3A_7, %convert_element_type3A_10 : i32
    "tpu.region"() ({
      %run_scoped3A = tpu.sem_alloc : memref<!tpu.dma_semaphore, #tpu.memory_space<semaphore_mem>>
      %dma_start3A = arith.constant 0 : i32
      %dma_start3A_373 = tpu.memref_slice %arg2[%add3A_2, %dma_start3A] : memref<80x8960xi32, #tpu.memory_space<hbm>> -> memref<1x8960xi32, #tpu.memory_space<hbm>>
      %dma_start3A_374 = tpu.memref_squeeze %dma_start3A_373 : memref<1x8960xi32, #tpu.memory_space<hbm>> -> memref<8960xi32, #tpu.memory_space<hbm>>
      %dma_start3A_375 = arith.constant 0 : i32
      %dma_start3A_376 = tpu.memref_slice %arg2[%add3A_2, %dma_start3A_375] : memref<80x8960xi32, #tpu.memory_space<hbm>> -> memref<1x8960xi32, #tpu.memory_space<hbm>>
      %dma_start3A_377 = tpu.memref_squeeze %dma_start3A_376 : memref<1x8960xi32, #tpu.memory_space<hbm>> -> memref<8960xi32, #tpu.memory_space<hbm>>
      tpu.enqueue_dma source(%dma_start3A_377 : memref<8960xi32, #tpu.memory_space<hbm>>) target(%arg13 : memref<8960xi32, #tpu.memory_space<vmem>>) target_semaphore(%run_scoped3A : memref<!tpu.dma_semaphore, #tpu.memory_space<semaphore_mem>>)
      %dma_wait3A = arith.constant 0 : i32
      %dma_wait3A_378 = tpu.memref_slice %arg2[%add3A_2, %dma_wait3A] : memref<80x8960xi32, #tpu.memory_space<hbm>> -> memref<1x8960xi32, #tpu.memory_space<hbm>>
      %dma_wait3A_379 = tpu.memref_squeeze %dma_wait3A_378 : memref<1x8960xi32, #tpu.memory_space<hbm>> -> memref<8960xi32, #tpu.memory_space<hbm>>
      %dma_wait3A_380 = arith.constant 0 : i32
      %dma_wait3A_381 = tpu.memref_slice %arg2[%add3A_2, %dma_wait3A_380] : memref<80x8960xi32, #tpu.memory_space<hbm>> -> memref<1x8960xi32, #tpu.memory_space<hbm>>
      %dma_wait3A_382 = tpu.memref_squeeze %dma_wait3A_381 : memref<1x8960xi32, #tpu.memory_space<hbm>> -> memref<8960xi32, #tpu.memory_space<hbm>>
      tpu.wait_dma2 semaphore(%run_scoped3A : memref<!tpu.dma_semaphore, #tpu.memory_space<semaphore_mem>>) src(%dma_wait3A_382 : memref<8960xi32, #tpu.memory_space<hbm>>) dst(%arg13 : memref<8960xi32, #tpu.memory_space<vmem>>)
      tpu.yield
    }) : () -> ()
    %iota3A = tpu.iota {dimensions = array<i32: 0>} : vector<16xi32>
    %broadcast_in_dim3A = arith.constant 1 : i32
    %broadcast_in_dim3A_12 = vector.broadcast %broadcast_in_dim3A : i32 to vector<16xi32>
    %broadcast_in_dim3A_13 = arith.constant 0 : i32
    %broadcast_in_dim3A_14 = vector.broadcast %broadcast_in_dim3A_13 : i32 to vector<16xi32>
    %broadcast_in_dim3A_15 = arith.constant 0 : i32
    %broadcast_in_dim3A_16 = vector.broadcast %broadcast_in_dim3A_15 : i32 to vector<16xi32>
    %broadcast_in_dim3A_17 = arith.constant 8976 : i32
    %broadcast_in_dim3A_18 = vector.broadcast %broadcast_in_dim3A_17 : i32 to vector<16xi32>
    %scan3A = arith.constant 0 : i32
    %scan3A_19 = arith.constant 0 : i32
    %scan3A_20 = arith.constant 32 : i32
    %scan3A_21 = arith.addi %scan3A_19, %scan3A_20 : i32
    %scan3A_22 = arith.constant 1 : i32
    %scan3A_23 = scf.for %scan3A_373 = %scan3A_19 to %scan3A_21 step %scan3A_22 iter_args(%scan3A_374 = %scan3A) -> (i32)  : i32 {
      %mul3A_375 = arith.constant 16 : i32
      %mul3A_376 = arith.muli %scan3A_373, %mul3A_375 : i32
      %swap3A_377 = arith.index_cast %mul3A_376 : i32 to index
      %swap3A_378 = tpu.vector_load %arg21[%swap3A_377] {strides = array<i32>} : memref<512xi32, #tpu.memory_space<vmem>>, vector<16xi32>,
      tpu.vector_store %arg21[%swap3A_377], %broadcast_in_dim3A_16 {strides = array<i32>} : memref<512xi32, #tpu.memory_space<vmem>>, vector<16xi32>,
      %scan3A_379 = arith.constant 0 : i32
      scf.yield %scan3A_379 : i32
    }
    %scan3A_24 = arith.constant 32 : i32
    %scan3A_25 = arith.constant 0 : i32
    %scan3A_26 = arith.constant 0 : i32
    %scan3A_27 = arith.constant 560 : i32
    %scan3A_28 = arith.addi %scan3A_26, %scan3A_27 : i32
    %scan3A_29 = arith.constant 1 : i32
    %scan3A_30 = scf.for %scan3A_373 = %scan3A_26 to %scan3A_28 step %scan3A_29 iter_args(%scan3A_374 = %scan3A_25) -> (i32)  : i32 {
      %mul3A_375 = arith.constant 16 : i32
      %mul3A_376 = arith.muli %scan3A_373, %mul3A_375 : i32
      %get3A = arith.index_cast %mul3A_376 : i32 to index
      %get3A_377 = tpu.vector_load %arg13[%get3A] {strides = array<i32>} : memref<8960xi32, #tpu.memory_space<vmem>>, vector<16xi32>,
      %shift_right_arithmetic3A_378 = arith.constant 18 : i32
      %shift_right_arithmetic3A_379 = vector.broadcast %shift_right_arithmetic3A_378 : i32 to vector<16xi32>
      %shift_right_arithmetic3A_380 = arith.shrsi %get3A_377, %shift_right_arithmetic3A_379 : vector<16xi32>
      %and3A = arith.constant 511 : i32
      %and3A_381 = vector.broadcast %and3A : i32 to vector<16xi32>
      %and3A_382 = arith.andi %shift_right_arithmetic3A_380, %and3A_381 : vector<16xi32>
      %broadcast_in_dim3A_383 = arith.constant true
      %broadcast_in_dim3A_384 = vector.broadcast %broadcast_in_dim3A_383 : i1 to vector<16xi1>
      %unique3A, %unique3A_385 = tpu.scan_count mask(%broadcast_in_dim3A_384 : vector<16xi1>) value(%and3A_382 : vector<16xi32>) : vector<16xi1>, vector<16xi32>
      tpu.vector_store_idx %arg21[%and3A_382], %unique3A_385 masked %unique3A {add = true} : memref<512xi32, #tpu.memory_space<vmem>>[vector<16xi32>], vector<16xi32>, vector<16xi1>
      %lt3A_386 = arith.constant 56371445 : i32
      %lt3A_387 = vector.broadcast %lt3A_386 : i32 to vector<16xi32>
      %lt3A_388 = arith.cmpi slt, %get3A_377, %lt3A_387 : vector<16xi32>
      %select_n3A = arith.select %lt3A_388, %broadcast_in_dim3A_12, %broadcast_in_dim3A_14 : vector<16xi1>, vector<16xi32>
      %reduce_sum3A = arith.constant true
      %reduce_sum3A_389 = vector.broadcast %reduce_sum3A : i1 to vector<16xi1>
      %reduce_sum3A_390 = tpu.scan <sum>, %select_n3A masked %reduce_sum3A_389 : vector<16xi32>, vector<16xi1> -> vector<16xi32>
      %reduce_sum3A_391 = vector.extract %reduce_sum3A_390[15] : i32 from vector<16xi32>
      %add3A_392 = arith.addi %scan3A_374, %reduce_sum3A_391 : i32
      scf.yield %add3A_392 : i32
    }
    %scan3A_31 = arith.constant 560 : i32
    %broadcast_in_dim3A_32 = vector.broadcast %scan3A_30 : i32 to vector<16xi32>
    %swap3A = arith.constant 0 : index
    %swap3A_33 = tpu.vector_load %arg27[%swap3A] {strides = array<i32>} : memref<16xi32, #tpu.memory_space<vmem>>, vector<16xi32>,
    tpu.vector_store %arg27[%swap3A], %broadcast_in_dim3A_32 {strides = array<i32>} : memref<16xi32, #tpu.memory_space<vmem>>, vector<16xi32>,
    "tpu.region"() ({
      %run_scoped3A = tpu.sem_alloc : memref<!tpu.dma_semaphore, #tpu.memory_space<semaphore_mem>>
      %dma_start3A = arith.constant 0 : i32
      %dma_start3A_373 = tpu.memref_slice %arg12[%add3A_2, %dma_start3A] : memref<80x16xi32, #tpu.memory_space<hbm>> -> memref<1x16xi32, #tpu.memory_space<hbm>>
      %dma_start3A_374 = tpu.memref_squeeze %dma_start3A_373 : memref<1x16xi32, #tpu.memory_space<hbm>> -> memref<16xi32, #tpu.memory_space<hbm>>
      %dma_start3A_375 = arith.constant 0 : i32
      %dma_start3A_376 = tpu.memref_slice %arg12[%add3A_2, %dma_start3A_375] : memref<80x16xi32, #tpu.memory_space<hbm>> -> memref<1x16xi32, #tpu.memory_space<hbm>>
      %dma_start3A_377 = tpu.memref_squeeze %dma_start3A_376 : memref<1x16xi32, #tpu.memory_space<hbm>> -> memref<16xi32, #tpu.memory_space<hbm>>
      tpu.enqueue_dma source(%arg27 : memref<16xi32, #tpu.memory_space<vmem>>) target(%dma_start3A_377 : memref<16xi32, #tpu.memory_space<hbm>>) target_semaphore(%run_scoped3A : memref<!tpu.dma_semaphore, #tpu.memory_space<semaphore_mem>>)
      %dma_wait3A = arith.constant 0 : i32
      %dma_wait3A_378 = tpu.memref_slice %arg12[%add3A_2, %dma_wait3A] : memref<80x16xi32, #tpu.memory_space<hbm>> -> memref<1x16xi32, #tpu.memory_space<hbm>>
      %dma_wait3A_379 = tpu.memref_squeeze %dma_wait3A_378 : memref<1x16xi32, #tpu.memory_space<hbm>> -> memref<16xi32, #tpu.memory_space<hbm>>
      %dma_wait3A_380 = arith.constant 0 : i32
      %dma_wait3A_381 = tpu.memref_slice %arg12[%add3A_2, %dma_wait3A_380] : memref<80x16xi32, #tpu.memory_space<hbm>> -> memref<1x16xi32, #tpu.memory_space<hbm>>
      %dma_wait3A_382 = tpu.memref_squeeze %dma_wait3A_381 : memref<1x16xi32, #tpu.memory_space<hbm>> -> memref<16xi32, #tpu.memory_space<hbm>>
      tpu.wait_dma2 semaphore(%run_scoped3A : memref<!tpu.dma_semaphore, #tpu.memory_space<semaphore_mem>>) src(%arg27 : memref<16xi32, #tpu.memory_space<vmem>>) dst(%dma_wait3A_382 : memref<16xi32, #tpu.memory_space<hbm>>)
      tpu.yield
    }) : () -> ()
    %scan3A_34 = arith.constant 0 : i32
    %scan3A_35 = arith.constant 0 : i32
    %scan3A_36 = arith.constant 32 : i32
    %scan3A_37 = arith.addi %scan3A_35, %scan3A_36 : i32
    %scan3A_38 = arith.constant 1 : i32
    %scan3A_39 = scf.for %scan3A_373 = %scan3A_35 to %scan3A_37 step %scan3A_38 iter_args(%scan3A_374 = %scan3A_34) -> (i32)  : i32 {
      %mul3A_375 = arith.constant 16 : i32
      %mul3A_376 = arith.muli %scan3A_373, %mul3A_375 : i32
      %get3A = arith.index_cast %mul3A_376 : i32 to index
      %get3A_377 = tpu.vector_load %arg21[%get3A] {strides = array<i32>} : memref<512xi32, #tpu.memory_space<vmem>>, vector<16xi32>,
      %broadcast_in_dim3A_378 = arith.constant true
      %broadcast_in_dim3A_379 = vector.broadcast %broadcast_in_dim3A_378 : i1 to vector<16xi1>
      %masked_cumsum3A = tpu.scan <sum>, %get3A_377 masked %broadcast_in_dim3A_379 : vector<16xi32>, vector<16xi1> -> vector<16xi32>
      %sub3A = arith.subi %masked_cumsum3A, %get3A_377 : vector<16xi32>
      %add3A_380 = vector.broadcast %scan3A_374 : i32 to vector<16xi32>
      %add3A_381 = arith.addi %sub3A, %add3A_380 : vector<16xi32>
      %mul3A_382 = arith.constant 16 : i32
      %mul3A_383 = arith.muli %scan3A_373, %mul3A_382 : i32
      %swap3A_384 = arith.index_cast %mul3A_383 : i32 to index
      %swap3A_385 = tpu.vector_load %arg22[%swap3A_384] {strides = array<i32>} : memref<512xi32, #tpu.memory_space<vmem>>, vector<16xi32>,
      tpu.vector_store %arg22[%swap3A_384], %add3A_381 {strides = array<i32>} : memref<512xi32, #tpu.memory_space<vmem>>, vector<16xi32>,
      %reduce_max3A = arith.constant true
      %reduce_max3A_386 = vector.broadcast %reduce_max3A : i1 to vector<16xi1>
      %reduce_max3A_387 = arith.constant -2147483648 : i32
      %reduce_max3A_388 = vector.broadcast %reduce_max3A_387 : i32 to vector<16xi32>
      %reduce_max3A_389 = arith.xori %masked_cumsum3A, %reduce_max3A_388 : vector<16xi32>
      %reduce_max3A_390 = tpu.scan <max>, %reduce_max3A_389 masked %reduce_max3A_386 : vector<16xi32>, vector<16xi1> -> vector<16xi32>
      %reduce_max3A_391 = arith.xori %reduce_max3A_390, %reduce_max3A_388 : vector<16xi32>
      %reduce_max3A_392 = vector.extract %reduce_max3A_391[15] : i32 from vector<16xi32>
      %add3A_393 = arith.addi %scan3A_374, %reduce_max3A_392 : i32
      scf.yield %add3A_393 : i32
    }
    %scan3A_40 = arith.constant 32 : i32
    %scan3A_41 = arith.constant 0 : i32
    %scan3A_42 = arith.constant 32 : i32
    %scan3A_43 = arith.addi %scan3A_41, %scan3A_42 : i32
    %scan3A_44 = arith.constant 1 : i32
    %scan3A_45 = scf.for %scan3A_373 = %scan3A_41 to %scan3A_43 step %scan3A_44 iter_args(%scan3A_374 = %broadcast_in_dim3A_18) -> (vector<16xi32>)  : i32 {
      %mul3A_375 = arith.constant 16 : i32
      %mul3A_376 = arith.muli %scan3A_373, %mul3A_375 : i32
      %get3A = arith.index_cast %mul3A_376 : i32 to index
      %get3A_377 = tpu.vector_load %arg22[%get3A] {strides = array<i32>} : memref<512xi32, #tpu.memory_space<vmem>>, vector<16xi32>,
      %get3A_378 = arith.index_cast %mul3A_376 : i32 to index
      %get3A_379 = tpu.vector_load %arg21[%get3A_378] {strides = array<i32>} : memref<512xi32, #tpu.memory_space<vmem>>, vector<16xi32>,
      %add3A_380 = arith.addi %get3A_377, %get3A_379 : vector<16xi32>
      %ge3A_381 = arith.constant 256 : i32
      %ge3A_382 = vector.broadcast %ge3A_381 : i32 to vector<16xi32>
      %ge3A_383 = arith.cmpi sge, %add3A_380, %ge3A_382 : vector<16xi32>
      %select_n3A = arith.select %ge3A_383, %add3A_380, %broadcast_in_dim3A_18 : vector<16xi1>, vector<16xi32>
      %min3A = arith.minsi %scan3A_374, %select_n3A : vector<16xi32>
      scf.yield %min3A : vector<16xi32>
    }
    %scan3A_46 = arith.constant 32 : i32
    %reduce_min3A = arith.constant true
    %reduce_min3A_47 = vector.broadcast %reduce_min3A : i1 to vector<16xi1>
    %reduce_min3A_48 = arith.constant -2147483648 : i32
    %reduce_min3A_49 = vector.broadcast %reduce_min3A_48 : i32 to vector<16xi32>
    %reduce_min3A_50 = arith.xori %scan3A_45, %reduce_min3A_49 : vector<16xi32>
    %reduce_min3A_51 = tpu.scan <min>, %reduce_min3A_50 masked %reduce_min3A_47 : vector<16xi32>, vector<16xi1> -> vector<16xi32>
    %reduce_min3A_52 = arith.xori %reduce_min3A_51, %reduce_min3A_49 : vector<16xi32>
    %reduce_min3A_53 = vector.extract %reduce_min3A_52[15] : i32 from vector<16xi32>
    %add3A_54 = arith.constant 15 : i32
    %add3A_55 = arith.addi %reduce_min3A_53, %add3A_54 : i32
    %shift_right_arithmetic3A = arith.constant 4 : i32
    %shift_right_arithmetic3A_56 = arith.shrsi %add3A_55, %shift_right_arithmetic3A : i32
    %mul3A_57 = arith.constant 16 : i32
    %mul3A_58 = arith.muli %shift_right_arithmetic3A_56, %mul3A_57 : i32
    %scan3A_59 = arith.constant 0 : i32
    %scan3A_60 = arith.constant 0 : i32
    %scan3A_61 = arith.constant 560 : i32
    %scan3A_62 = arith.addi %scan3A_60, %scan3A_61 : i32
    %scan3A_63 = arith.constant 1 : i32
    %scan3A_64 = scf.for %scan3A_373 = %scan3A_60 to %scan3A_62 step %scan3A_63 iter_args(%scan3A_374 = %scan3A_59) -> (i32)  : i32 {
      %mul3A_375 = arith.constant 16 : i32
      %mul3A_376 = arith.muli %scan3A_373, %mul3A_375 : i32
      %get3A = arith.index_cast %mul3A_376 : i32 to index
      %get3A_377 = tpu.vector_load %arg13[%get3A] {strides = array<i32>} : memref<8960xi32, #tpu.memory_space<vmem>>, vector<16xi32>,
      %mul3A_378 = arith.constant 16 : i32
      %mul3A_379 = arith.muli %scan3A_373, %mul3A_378 : i32
      %add3A_380 = vector.broadcast %mul3A_379 : i32 to vector<16xi32>
      %add3A_381 = arith.addi %iota3A, %add3A_380 : vector<16xi32>
      %shift_right_arithmetic3A_382 = arith.constant 18 : i32
      %shift_right_arithmetic3A_383 = vector.broadcast %shift_right_arithmetic3A_382 : i32 to vector<16xi32>
      %shift_right_arithmetic3A_384 = arith.shrsi %get3A_377, %shift_right_arithmetic3A_383 : vector<16xi32>
      %and3A = arith.constant 511 : i32
      %and3A_385 = vector.broadcast %and3A : i32 to vector<16xi32>
      %and3A_386 = arith.andi %shift_right_arithmetic3A_384, %and3A_385 : vector<16xi32>
      %broadcast_in_dim3A_387 = arith.constant true
      %broadcast_in_dim3A_388 = vector.broadcast %broadcast_in_dim3A_387 : i1 to vector<16xi1>
      %unique3A, %unique3A_389 = tpu.scan_count mask(%broadcast_in_dim3A_388 : vector<16xi1>) value(%and3A_386 : vector<16xi32>) : vector<16xi1>, vector<16xi32>
      %gather3A = tpu.vector_load_idx %arg22[%and3A_386] : memref<512xi32, #tpu.memory_space<vmem>>[vector<16xi32>], vector<16xi32>,
      %add3A_390 = arith.addi %gather3A, %unique3A_389 : vector<16xi32>
      %sub3A = arith.constant 1 : i32
      %sub3A_391 = vector.broadcast %sub3A : i32 to vector<16xi32>
      %sub3A_392 = arith.subi %add3A_390, %sub3A_391 : vector<16xi32>
      %lt3A_393 = vector.broadcast %mul3A_58 : i32 to vector<16xi32>
      %lt3A_394 = arith.cmpi slt, %sub3A_392, %lt3A_393 : vector<16xi32>
      tpu.vector_store_idx %arg15[%sub3A_392], %get3A_377 masked %lt3A_394 : memref<8960xi32, #tpu.memory_space<vmem>>[vector<16xi32>], vector<16xi32>, vector<16xi1>
      tpu.vector_store_idx %arg16[%sub3A_392], %add3A_381 masked %lt3A_394 : memref<8960xi32, #tpu.memory_space<vmem>>[vector<16xi32>], vector<16xi32>, vector<16xi1>
      tpu.vector_store_idx %arg22[%and3A_386], %unique3A_389 masked %unique3A {add = true} : memref<512xi32, #tpu.memory_space<vmem>>[vector<16xi32>], vector<16xi32>, vector<16xi1>
      %scan3A_395 = arith.constant 0 : i32
      scf.yield %scan3A_395 : i32
    }
    %scan3A_65 = arith.constant 560 : i32
    %scan3A_66 = arith.constant 0 : i32
    %scan3A_67 = arith.constant 0 : i32
    %scan3A_68 = arith.constant 32 : i32
    %scan3A_69 = arith.addi %scan3A_67, %scan3A_68 : i32
    %scan3A_70 = arith.constant 1 : i32
    %scan3A_71 = scf.for %scan3A_373 = %scan3A_67 to %scan3A_69 step %scan3A_70 iter_args(%scan3A_374 = %scan3A_66) -> (i32)  : i32 {
      %mul3A_375 = arith.constant 16 : i32
      %mul3A_376 = arith.muli %scan3A_373, %mul3A_375 : i32
      %swap3A_377 = arith.index_cast %mul3A_376 : i32 to index
      %swap3A_378 = tpu.vector_load %arg21[%swap3A_377] {strides = array<i32>} : memref<512xi32, #tpu.memory_space<vmem>>, vector<16xi32>,
      tpu.vector_store %arg21[%swap3A_377], %broadcast_in_dim3A_16 {strides = array<i32>} : memref<512xi32, #tpu.memory_space<vmem>>, vector<16xi32>,
      %scan3A_379 = arith.constant 0 : i32
      scf.yield %scan3A_379 : i32
    }
    %scan3A_72 = arith.constant 32 : i32
    %while3A = arith.constant 0 : i32
    %while3A_73 = arith.constant 0 : i32
    %while3A_74 = arith.subi %shift_right_arithmetic3A_56, %while3A_73 : i32
    %while3A_75 = arith.addi %while3A_73, %while3A_74 : i32
    %while3A_76 = arith.constant 1 : i32
    %while3A_77 = arith.divsi %while3A_74, %while3A_76 : i32
    %while3A_78 = arith.muli %while3A_77, %while3A_76 : i32
    %while3A_79 = arith.addi %while3A_73, %while3A_78 : i32
    %while3A_80 = arith.constant 1 : i32
    scf.for %while3A_373 = %while3A_73 to %while3A_79 step %while3A_80  : i32 {
      %mul3A_374 = arith.constant 16 : i32
      %mul3A_375 = arith.muli %while3A_373, %mul3A_374 : i32
      %get3A = arith.index_cast %mul3A_375 : i32 to index
      %get3A_376 = tpu.vector_load %arg15[%get3A] {strides = array<i32>} : memref<8960xi32, #tpu.memory_space<vmem>>, vector<16xi32>,
      %shift_right_arithmetic3A_377 = arith.constant 0 : i32
      %shift_right_arithmetic3A_378 = vector.broadcast %shift_right_arithmetic3A_377 : i32 to vector<16xi32>
      %shift_right_arithmetic3A_379 = arith.shrsi %get3A_376, %shift_right_arithmetic3A_378 : vector<16xi32>
      %and3A = arith.constant 511 : i32
      %and3A_380 = vector.broadcast %and3A : i32 to vector<16xi32>
      %and3A_381 = arith.andi %shift_right_arithmetic3A_379, %and3A_380 : vector<16xi32>
      %broadcast_in_dim3A_382 = arith.constant true
      %broadcast_in_dim3A_383 = vector.broadcast %broadcast_in_dim3A_382 : i1 to vector<16xi1>
      %unique3A, %unique3A_384 = tpu.scan_count mask(%broadcast_in_dim3A_383 : vector<16xi1>) value(%and3A_381 : vector<16xi32>) : vector<16xi1>, vector<16xi32>
      tpu.vector_store_idx %arg21[%and3A_381], %unique3A_384 masked %unique3A {add = true} : memref<512xi32, #tpu.memory_space<vmem>>[vector<16xi32>], vector<16xi32>, vector<16xi1>
    }
    %while3A_81 = arith.constant 1 : i32
    scf.for %while3A_373 = %while3A_79 to %while3A_75 step %while3A_81  : i32 {
      %mul3A_374 = arith.constant 16 : i32
      %mul3A_375 = arith.muli %while3A_373, %mul3A_374 : i32
      %get3A = arith.index_cast %mul3A_375 : i32 to index
      %get3A_376 = tpu.vector_load %arg15[%get3A] {strides = array<i32>} : memref<8960xi32, #tpu.memory_space<vmem>>, vector<16xi32>,
      %shift_right_arithmetic3A_377 = arith.constant 0 : i32
      %shift_right_arithmetic3A_378 = vector.broadcast %shift_right_arithmetic3A_377 : i32 to vector<16xi32>
      %shift_right_arithmetic3A_379 = arith.shrsi %get3A_376, %shift_right_arithmetic3A_378 : vector<16xi32>
      %and3A = arith.constant 511 : i32
      %and3A_380 = vector.broadcast %and3A : i32 to vector<16xi32>
      %and3A_381 = arith.andi %shift_right_arithmetic3A_379, %and3A_380 : vector<16xi32>
      %broadcast_in_dim3A_382 = arith.constant true
      %broadcast_in_dim3A_383 = vector.broadcast %broadcast_in_dim3A_382 : i1 to vector<16xi1>
      %unique3A, %unique3A_384 = tpu.scan_count mask(%broadcast_in_dim3A_383 : vector<16xi1>) value(%and3A_381 : vector<16xi32>) : vector<16xi1>, vector<16xi32>
      tpu.vector_store_idx %arg21[%and3A_381], %unique3A_384 masked %unique3A {add = true} : memref<512xi32, #tpu.memory_space<vmem>>[vector<16xi32>], vector<16xi32>, vector<16xi1>
    }
    %scan3A_82 = arith.constant 0 : i32
    %scan3A_83 = arith.constant 0 : i32
    %scan3A_84 = arith.constant 32 : i32
    %scan3A_85 = arith.addi %scan3A_83, %scan3A_84 : i32
    %scan3A_86 = arith.constant 1 : i32
    %scan3A_87 = scf.for %scan3A_373 = %scan3A_83 to %scan3A_85 step %scan3A_86 iter_args(%scan3A_374 = %scan3A_82) -> (i32)  : i32 {
      %mul3A_375 = arith.constant 16 : i32
      %mul3A_376 = arith.muli %scan3A_373, %mul3A_375 : i32
      %get3A = arith.index_cast %mul3A_376 : i32 to index
      %get3A_377 = tpu.vector_load %arg21[%get3A] {strides = array<i32>} : memref<512xi32, #tpu.memory_space<vmem>>, vector<16xi32>,
      %broadcast_in_dim3A_378 = arith.constant true
      %broadcast_in_dim3A_379 = vector.broadcast %broadcast_in_dim3A_378 : i1 to vector<16xi1>
      %masked_cumsum3A = tpu.scan <sum>, %get3A_377 masked %broadcast_in_dim3A_379 : vector<16xi32>, vector<16xi1> -> vector<16xi32>
      %sub3A = arith.subi %masked_cumsum3A, %get3A_377 : vector<16xi32>
      %add3A_380 = vector.broadcast %scan3A_374 : i32 to vector<16xi32>
      %add3A_381 = arith.addi %sub3A, %add3A_380 : vector<16xi32>
      %mul3A_382 = arith.constant 16 : i32
      %mul3A_383 = arith.muli %scan3A_373, %mul3A_382 : i32
      %swap3A_384 = arith.index_cast %mul3A_383 : i32 to index
      %swap3A_385 = tpu.vector_load %arg22[%swap3A_384] {strides = array<i32>} : memref<512xi32, #tpu.memory_space<vmem>>, vector<16xi32>,
      tpu.vector_store %arg22[%swap3A_384], %add3A_381 {strides = array<i32>} : memref<512xi32, #tpu.memory_space<vmem>>, vector<16xi32>,
      %reduce_max3A = arith.constant true
      %reduce_max3A_386 = vector.broadcast %reduce_max3A : i1 to vector<16xi1>
      %reduce_max3A_387 = arith.constant -2147483648 : i32
      %reduce_max3A_388 = vector.broadcast %reduce_max3A_387 : i32 to vector<16xi32>
      %reduce_max3A_389 = arith.xori %masked_cumsum3A, %reduce_max3A_388 : vector<16xi32>
      %reduce_max3A_390 = tpu.scan <max>, %reduce_max3A_389 masked %reduce_max3A_386 : vector<16xi32>, vector<16xi1> -> vector<16xi32>
      %reduce_max3A_391 = arith.xori %reduce_max3A_390, %reduce_max3A_388 : vector<16xi32>
      %reduce_max3A_392 = vector.extract %reduce_max3A_391[15] : i32 from vector<16xi32>
      %add3A_393 = arith.addi %scan3A_374, %reduce_max3A_392 : i32
      scf.yield %add3A_393 : i32
    }
    %scan3A_88 = arith.constant 32 : i32
    %while3A_89 = arith.constant 0 : i32
    %while3A_90 = arith.constant 0 : i32
    %while3A_91 = arith.subi %shift_right_arithmetic3A_56, %while3A_89 : i32
    %while3A_92 = arith.addi %while3A_89, %while3A_91 : i32
    %while3A_93 = arith.constant 1 : i32
    %while3A_94 = arith.divsi %while3A_91, %while3A_93 : i32
    %while3A_95 = arith.muli %while3A_94, %while3A_93 : i32
    %while3A_96 = arith.addi %while3A_89, %while3A_95 : i32
    %while3A_97 = arith.constant 1 : i32
    %while3A_98 = scf.for %while3A_373 = %while3A_89 to %while3A_96 step %while3A_97 iter_args(%while3A_374 = %while3A_90) -> (i32)  : i32 {
      %mul3A_375 = arith.constant 16 : i32
      %mul3A_376 = arith.muli %while3A_373, %mul3A_375 : i32
      %get3A = arith.index_cast %mul3A_376 : i32 to index
      %get3A_377 = tpu.vector_load %arg15[%get3A] {strides = array<i32>} : memref<8960xi32, #tpu.memory_space<vmem>>, vector<16xi32>,
      %get3A_378 = arith.index_cast %mul3A_376 : i32 to index
      %get3A_379 = tpu.vector_load %arg16[%get3A_378] {strides = array<i32>} : memref<8960xi32, #tpu.memory_space<vmem>>, vector<16xi32>,
      %shift_right_arithmetic3A_380 = arith.constant 0 : i32
      %shift_right_arithmetic3A_381 = vector.broadcast %shift_right_arithmetic3A_380 : i32 to vector<16xi32>
      %shift_right_arithmetic3A_382 = arith.shrsi %get3A_377, %shift_right_arithmetic3A_381 : vector<16xi32>
      %and3A = arith.constant 511 : i32
      %and3A_383 = vector.broadcast %and3A : i32 to vector<16xi32>
      %and3A_384 = arith.andi %shift_right_arithmetic3A_382, %and3A_383 : vector<16xi32>
      %broadcast_in_dim3A_385 = arith.constant true
      %broadcast_in_dim3A_386 = vector.broadcast %broadcast_in_dim3A_385 : i1 to vector<16xi1>
      %unique3A, %unique3A_387 = tpu.scan_count mask(%broadcast_in_dim3A_386 : vector<16xi1>) value(%and3A_384 : vector<16xi32>) : vector<16xi1>, vector<16xi32>
      %gather3A = tpu.vector_load_idx %arg22[%and3A_384] : memref<512xi32, #tpu.memory_space<vmem>>[vector<16xi32>], vector<16xi32>,
      %add3A_388 = arith.addi %gather3A, %unique3A_387 : vector<16xi32>
      %sub3A = arith.constant 1 : i32
      %sub3A_389 = vector.broadcast %sub3A : i32 to vector<16xi32>
      %sub3A_390 = arith.subi %add3A_388, %sub3A_389 : vector<16xi32>
      tpu.vector_store_idx %arg13[%sub3A_390], %get3A_377 : memref<8960xi32, #tpu.memory_space<vmem>>[vector<16xi32>], vector<16xi32>,
      tpu.vector_store_idx %arg14[%sub3A_390], %get3A_379 : memref<8960xi32, #tpu.memory_space<vmem>>[vector<16xi32>], vector<16xi32>,
      tpu.vector_store_idx %arg22[%and3A_384], %unique3A_387 masked %unique3A {add = true} : memref<512xi32, #tpu.memory_space<vmem>>[vector<16xi32>], vector<16xi32>, vector<16xi1>
      %while3A_391 = arith.constant 0 : i32
      scf.yield %while3A_391 : i32
    }
    %while3A_99 = arith.constant 1 : i32
    %while3A_100 = scf.for %while3A_373 = %while3A_96 to %while3A_92 step %while3A_99 iter_args(%while3A_374 = %while3A_98) -> (i32)  : i32 {
      %mul3A_375 = arith.constant 16 : i32
      %mul3A_376 = arith.muli %while3A_373, %mul3A_375 : i32
      %get3A = arith.index_cast %mul3A_376 : i32 to index
      %get3A_377 = tpu.vector_load %arg15[%get3A] {strides = array<i32>} : memref<8960xi32, #tpu.memory_space<vmem>>, vector<16xi32>,
      %get3A_378 = arith.index_cast %mul3A_376 : i32 to index
      %get3A_379 = tpu.vector_load %arg16[%get3A_378] {strides = array<i32>} : memref<8960xi32, #tpu.memory_space<vmem>>, vector<16xi32>,
      %shift_right_arithmetic3A_380 = arith.constant 0 : i32
      %shift_right_arithmetic3A_381 = vector.broadcast %shift_right_arithmetic3A_380 : i32 to vector<16xi32>
      %shift_right_arithmetic3A_382 = arith.shrsi %get3A_377, %shift_right_arithmetic3A_381 : vector<16xi32>
      %and3A = arith.constant 511 : i32
      %and3A_383 = vector.broadcast %and3A : i32 to vector<16xi32>
      %and3A_384 = arith.andi %shift_right_arithmetic3A_382, %and3A_383 : vector<16xi32>
      %broadcast_in_dim3A_385 = arith.constant true
      %broadcast_in_dim3A_386 = vector.broadcast %broadcast_in_dim3A_385 : i1 to vector<16xi1>
      %unique3A, %unique3A_387 = tpu.scan_count mask(%broadcast_in_dim3A_386 : vector<16xi1>) value(%and3A_384 : vector<16xi32>) : vector<16xi1>, vector<16xi32>
      %gather3A = tpu.vector_load_idx %arg22[%and3A_384] : memref<512xi32, #tpu.memory_space<vmem>>[vector<16xi32>], vector<16xi32>,
      %add3A_388 = arith.addi %gather3A, %unique3A_387 : vector<16xi32>
      %sub3A = arith.constant 1 : i32
      %sub3A_389 = vector.broadcast %sub3A : i32 to vector<16xi32>
      %sub3A_390 = arith.subi %add3A_388, %sub3A_389 : vector<16xi32>
      tpu.vector_store_idx %arg13[%sub3A_390], %get3A_377 : memref<8960xi32, #tpu.memory_space<vmem>>[vector<16xi32>], vector<16xi32>,
      tpu.vector_store_idx %arg14[%sub3A_390], %get3A_379 : memref<8960xi32, #tpu.memory_space<vmem>>[vector<16xi32>], vector<16xi32>,
      tpu.vector_store_idx %arg22[%and3A_384], %unique3A_387 masked %unique3A {add = true} : memref<512xi32, #tpu.memory_space<vmem>>[vector<16xi32>], vector<16xi32>, vector<16xi1>
      %while3A_391 = arith.constant 0 : i32
      scf.yield %while3A_391 : i32
    }
    %scan3A_101 = arith.constant 0 : i32
    %scan3A_102 = arith.constant 0 : i32
    %scan3A_103 = arith.constant 32 : i32
    %scan3A_104 = arith.addi %scan3A_102, %scan3A_103 : i32
    %scan3A_105 = arith.constant 1 : i32
    %scan3A_106 = scf.for %scan3A_373 = %scan3A_102 to %scan3A_104 step %scan3A_105 iter_args(%scan3A_374 = %scan3A_101) -> (i32)  : i32 {
      %mul3A_375 = arith.constant 16 : i32
      %mul3A_376 = arith.muli %scan3A_373, %mul3A_375 : i32
      %swap3A_377 = arith.index_cast %mul3A_376 : i32 to index
      %swap3A_378 = tpu.vector_load %arg21[%swap3A_377] {strides = array<i32>} : memref<512xi32, #tpu.memory_space<vmem>>, vector<16xi32>,
      tpu.vector_store %arg21[%swap3A_377], %broadcast_in_dim3A_16 {strides = array<i32>} : memref<512xi32, #tpu.memory_space<vmem>>, vector<16xi32>,
      %scan3A_379 = arith.constant 0 : i32
      scf.yield %scan3A_379 : i32
    }
    %scan3A_107 = arith.constant 32 : i32
    %while3A_108 = arith.constant 0 : i32
    %while3A_109 = arith.constant 0 : i32
    %while3A_110 = arith.subi %shift_right_arithmetic3A_56, %while3A_109 : i32
    %while3A_111 = arith.addi %while3A_109, %while3A_110 : i32
    %while3A_112 = arith.constant 1 : i32
    %while3A_113 = arith.divsi %while3A_110, %while3A_112 : i32
    %while3A_114 = arith.muli %while3A_113, %while3A_112 : i32
    %while3A_115 = arith.addi %while3A_109, %while3A_114 : i32
    %while3A_116 = arith.constant 1 : i32
    scf.for %while3A_373 = %while3A_109 to %while3A_115 step %while3A_116  : i32 {
      %mul3A_374 = arith.constant 16 : i32
      %mul3A_375 = arith.muli %while3A_373, %mul3A_374 : i32
      %get3A = arith.index_cast %mul3A_375 : i32 to index
      %get3A_376 = tpu.vector_load %arg13[%get3A] {strides = array<i32>} : memref<8960xi32, #tpu.memory_space<vmem>>, vector<16xi32>,
      %shift_right_arithmetic3A_377 = arith.constant 9 : i32
      %shift_right_arithmetic3A_378 = vector.broadcast %shift_right_arithmetic3A_377 : i32 to vector<16xi32>
      %shift_right_arithmetic3A_379 = arith.shrsi %get3A_376, %shift_right_arithmetic3A_378 : vector<16xi32>
      %and3A = arith.constant 511 : i32
      %and3A_380 = vector.broadcast %and3A : i32 to vector<16xi32>
      %and3A_381 = arith.andi %shift_right_arithmetic3A_379, %and3A_380 : vector<16xi32>
      %broadcast_in_dim3A_382 = arith.constant true
      %broadcast_in_dim3A_383 = vector.broadcast %broadcast_in_dim3A_382 : i1 to vector<16xi1>
      %unique3A, %unique3A_384 = tpu.scan_count mask(%broadcast_in_dim3A_383 : vector<16xi1>) value(%and3A_381 : vector<16xi32>) : vector<16xi1>, vector<16xi32>
      tpu.vector_store_idx %arg21[%and3A_381], %unique3A_384 masked %unique3A {add = true} : memref<512xi32, #tpu.memory_space<vmem>>[vector<16xi32>], vector<16xi32>, vector<16xi1>
    }
    %while3A_117 = arith.constant 1 : i32
    scf.for %while3A_373 = %while3A_115 to %while3A_111 step %while3A_117  : i32 {
      %mul3A_374 = arith.constant 16 : i32
      %mul3A_375 = arith.muli %while3A_373, %mul3A_374 : i32
      %get3A = arith.index_cast %mul3A_375 : i32 to index
      %get3A_376 = tpu.vector_load %arg13[%get3A] {strides = array<i32>} : memref<8960xi32, #tpu.memory_space<vmem>>, vector<16xi32>,
      %shift_right_arithmetic3A_377 = arith.constant 9 : i32
      %shift_right_arithmetic3A_378 = vector.broadcast %shift_right_arithmetic3A_377 : i32 to vector<16xi32>
      %shift_right_arithmetic3A_379 = arith.shrsi %get3A_376, %shift_right_arithmetic3A_378 : vector<16xi32>
      %and3A = arith.constant 511 : i32
      %and3A_380 = vector.broadcast %and3A : i32 to vector<16xi32>
      %and3A_381 = arith.andi %shift_right_arithmetic3A_379, %and3A_380 : vector<16xi32>
      %broadcast_in_dim3A_382 = arith.constant true
      %broadcast_in_dim3A_383 = vector.broadcast %broadcast_in_dim3A_382 : i1 to vector<16xi1>
      %unique3A, %unique3A_384 = tpu.scan_count mask(%broadcast_in_dim3A_383 : vector<16xi1>) value(%and3A_381 : vector<16xi32>) : vector<16xi1>, vector<16xi32>
      tpu.vector_store_idx %arg21[%and3A_381], %unique3A_384 masked %unique3A {add = true} : memref<512xi32, #tpu.memory_space<vmem>>[vector<16xi32>], vector<16xi32>, vector<16xi1>
    }
    %scan3A_118 = arith.constant 0 : i32
    %scan3A_119 = arith.constant 0 : i32
    %scan3A_120 = arith.constant 32 : i32
    %scan3A_121 = arith.addi %scan3A_119, %scan3A_120 : i32
    %scan3A_122 = arith.constant 1 : i32
    %scan3A_123 = scf.for %scan3A_373 = %scan3A_119 to %scan3A_121 step %scan3A_122 iter_args(%scan3A_374 = %scan3A_118) -> (i32)  : i32 {
      %mul3A_375 = arith.constant 16 : i32
      %mul3A_376 = arith.muli %scan3A_373, %mul3A_375 : i32
      %get3A = arith.index_cast %mul3A_376 : i32 to index
      %get3A_377 = tpu.vector_load %arg21[%get3A] {strides = array<i32>} : memref<512xi32, #tpu.memory_space<vmem>>, vector<16xi32>,
      %broadcast_in_dim3A_378 = arith.constant true
      %broadcast_in_dim3A_379 = vector.broadcast %broadcast_in_dim3A_378 : i1 to vector<16xi1>
      %masked_cumsum3A = tpu.scan <sum>, %get3A_377 masked %broadcast_in_dim3A_379 : vector<16xi32>, vector<16xi1> -> vector<16xi32>
      %sub3A = arith.subi %masked_cumsum3A, %get3A_377 : vector<16xi32>
      %add3A_380 = vector.broadcast %scan3A_374 : i32 to vector<16xi32>
      %add3A_381 = arith.addi %sub3A, %add3A_380 : vector<16xi32>
      %mul3A_382 = arith.constant 16 : i32
      %mul3A_383 = arith.muli %scan3A_373, %mul3A_382 : i32
      %swap3A_384 = arith.index_cast %mul3A_383 : i32 to index
      %swap3A_385 = tpu.vector_load %arg22[%swap3A_384] {strides = array<i32>} : memref<512xi32, #tpu.memory_space<vmem>>, vector<16xi32>,
      tpu.vector_store %arg22[%swap3A_384], %add3A_381 {strides = array<i32>} : memref<512xi32, #tpu.memory_space<vmem>>, vector<16xi32>,
      %reduce_max3A = arith.constant true
      %reduce_max3A_386 = vector.broadcast %reduce_max3A : i1 to vector<16xi1>
      %reduce_max3A_387 = arith.constant -2147483648 : i32
      %reduce_max3A_388 = vector.broadcast %reduce_max3A_387 : i32 to vector<16xi32>
      %reduce_max3A_389 = arith.xori %masked_cumsum3A, %reduce_max3A_388 : vector<16xi32>
      %reduce_max3A_390 = tpu.scan <max>, %reduce_max3A_389 masked %reduce_max3A_386 : vector<16xi32>, vector<16xi1> -> vector<16xi32>
      %reduce_max3A_391 = arith.xori %reduce_max3A_390, %reduce_max3A_388 : vector<16xi32>
      %reduce_max3A_392 = vector.extract %reduce_max3A_391[15] : i32 from vector<16xi32>
      %add3A_393 = arith.addi %scan3A_374, %reduce_max3A_392 : i32
      scf.yield %add3A_393 : i32
    }
    %scan3A_124 = arith.constant 32 : i32
    %while3A_125 = arith.constant 0 : i32
    %while3A_126 = arith.constant 0 : i32
    %while3A_127 = arith.subi %shift_right_arithmetic3A_56, %while3A_125 : i32
    %while3A_128 = arith.addi %while3A_125, %while3A_127 : i32
    %while3A_129 = arith.constant 1 : i32
    %while3A_130 = arith.divsi %while3A_127, %while3A_129 : i32
    %while3A_131 = arith.muli %while3A_130, %while3A_129 : i32
    %while3A_132 = arith.addi %while3A_125, %while3A_131 : i32
    %while3A_133 = arith.constant 1 : i32
    %while3A_134 = scf.for %while3A_373 = %while3A_125 to %while3A_132 step %while3A_133 iter_args(%while3A_374 = %while3A_126) -> (i32)  : i32 {
      %mul3A_375 = arith.constant 16 : i32
      %mul3A_376 = arith.muli %while3A_373, %mul3A_375 : i32
      %get3A = arith.index_cast %mul3A_376 : i32 to index
      %get3A_377 = tpu.vector_load %arg13[%get3A] {strides = array<i32>} : memref<8960xi32, #tpu.memory_space<vmem>>, vector<16xi32>,
      %get3A_378 = arith.index_cast %mul3A_376 : i32 to index
      %get3A_379 = tpu.vector_load %arg14[%get3A_378] {strides = array<i32>} : memref<8960xi32, #tpu.memory_space<vmem>>, vector<16xi32>,
      %shift_right_arithmetic3A_380 = arith.constant 9 : i32
      %shift_right_arithmetic3A_381 = vector.broadcast %shift_right_arithmetic3A_380 : i32 to vector<16xi32>
      %shift_right_arithmetic3A_382 = arith.shrsi %get3A_377, %shift_right_arithmetic3A_381 : vector<16xi32>
      %and3A = arith.constant 511 : i32
      %and3A_383 = vector.broadcast %and3A : i32 to vector<16xi32>
      %and3A_384 = arith.andi %shift_right_arithmetic3A_382, %and3A_383 : vector<16xi32>
      %broadcast_in_dim3A_385 = arith.constant true
      %broadcast_in_dim3A_386 = vector.broadcast %broadcast_in_dim3A_385 : i1 to vector<16xi1>
      %unique3A, %unique3A_387 = tpu.scan_count mask(%broadcast_in_dim3A_386 : vector<16xi1>) value(%and3A_384 : vector<16xi32>) : vector<16xi1>, vector<16xi32>
      %gather3A = tpu.vector_load_idx %arg22[%and3A_384] : memref<512xi32, #tpu.memory_space<vmem>>[vector<16xi32>], vector<16xi32>,
      %add3A_388 = arith.addi %gather3A, %unique3A_387 : vector<16xi32>
      %sub3A = arith.constant 1 : i32
      %sub3A_389 = vector.broadcast %sub3A : i32 to vector<16xi32>
      %sub3A_390 = arith.subi %add3A_388, %sub3A_389 : vector<16xi32>
      tpu.vector_store_idx %arg15[%sub3A_390], %get3A_377 : memref<8960xi32, #tpu.memory_space<vmem>>[vector<16xi32>], vector<16xi32>,
      tpu.vector_store_idx %arg16[%sub3A_390], %get3A_379 : memref<8960xi32, #tpu.memory_space<vmem>>[vector<16xi32>], vector<16xi32>,
      tpu.vector_store_idx %arg22[%and3A_384], %unique3A_387 masked %unique3A {add = true} : memref<512xi32, #tpu.memory_space<vmem>>[vector<16xi32>], vector<16xi32>, vector<16xi1>
      %while3A_391 = arith.constant 0 : i32
      scf.yield %while3A_391 : i32
    }
    %while3A_135 = arith.constant 1 : i32
    %while3A_136 = scf.for %while3A_373 = %while3A_132 to %while3A_128 step %while3A_135 iter_args(%while3A_374 = %while3A_134) -> (i32)  : i32 {
      %mul3A_375 = arith.constant 16 : i32
      %mul3A_376 = arith.muli %while3A_373, %mul3A_375 : i32
      %get3A = arith.index_cast %mul3A_376 : i32 to index
      %get3A_377 = tpu.vector_load %arg13[%get3A] {strides = array<i32>} : memref<8960xi32, #tpu.memory_space<vmem>>, vector<16xi32>,
      %get3A_378 = arith.index_cast %mul3A_376 : i32 to index
      %get3A_379 = tpu.vector_load %arg14[%get3A_378] {strides = array<i32>} : memref<8960xi32, #tpu.memory_space<vmem>>, vector<16xi32>,
      %shift_right_arithmetic3A_380 = arith.constant 9 : i32
      %shift_right_arithmetic3A_381 = vector.broadcast %shift_right_arithmetic3A_380 : i32 to vector<16xi32>
      %shift_right_arithmetic3A_382 = arith.shrsi %get3A_377, %shift_right_arithmetic3A_381 : vector<16xi32>
      %and3A = arith.constant 511 : i32
      %and3A_383 = vector.broadcast %and3A : i32 to vector<16xi32>
      %and3A_384 = arith.andi %shift_right_arithmetic3A_382, %and3A_383 : vector<16xi32>
      %broadcast_in_dim3A_385 = arith.constant true
      %broadcast_in_dim3A_386 = vector.broadcast %broadcast_in_dim3A_385 : i1 to vector<16xi1>
      %unique3A, %unique3A_387 = tpu.scan_count mask(%broadcast_in_dim3A_386 : vector<16xi1>) value(%and3A_384 : vector<16xi32>) : vector<16xi1>, vector<16xi32>
      %gather3A = tpu.vector_load_idx %arg22[%and3A_384] : memref<512xi32, #tpu.memory_space<vmem>>[vector<16xi32>], vector<16xi32>,
      %add3A_388 = arith.addi %gather3A, %unique3A_387 : vector<16xi32>
      %sub3A = arith.constant 1 : i32
      %sub3A_389 = vector.broadcast %sub3A : i32 to vector<16xi32>
      %sub3A_390 = arith.subi %add3A_388, %sub3A_389 : vector<16xi32>
      tpu.vector_store_idx %arg15[%sub3A_390], %get3A_377 : memref<8960xi32, #tpu.memory_space<vmem>>[vector<16xi32>], vector<16xi32>,
      tpu.vector_store_idx %arg16[%sub3A_390], %get3A_379 : memref<8960xi32, #tpu.memory_space<vmem>>[vector<16xi32>], vector<16xi32>,
      tpu.vector_store_idx %arg22[%and3A_384], %unique3A_387 masked %unique3A {add = true} : memref<512xi32, #tpu.memory_space<vmem>>[vector<16xi32>], vector<16xi32>, vector<16xi1>
      %while3A_391 = arith.constant 0 : i32
      scf.yield %while3A_391 : i32
    }
    %scan3A_137 = arith.constant 0 : i32
    %scan3A_138 = arith.constant 0 : i32
    %scan3A_139 = arith.constant 32 : i32
    %scan3A_140 = arith.addi %scan3A_138, %scan3A_139 : i32
    %scan3A_141 = arith.constant 1 : i32
    %scan3A_142 = scf.for %scan3A_373 = %scan3A_138 to %scan3A_140 step %scan3A_141 iter_args(%scan3A_374 = %scan3A_137) -> (i32)  : i32 {
      %mul3A_375 = arith.constant 16 : i32
      %mul3A_376 = arith.muli %scan3A_373, %mul3A_375 : i32
      %swap3A_377 = arith.index_cast %mul3A_376 : i32 to index
      %swap3A_378 = tpu.vector_load %arg21[%swap3A_377] {strides = array<i32>} : memref<512xi32, #tpu.memory_space<vmem>>, vector<16xi32>,
      tpu.vector_store %arg21[%swap3A_377], %broadcast_in_dim3A_16 {strides = array<i32>} : memref<512xi32, #tpu.memory_space<vmem>>, vector<16xi32>,
      %scan3A_379 = arith.constant 0 : i32
      scf.yield %scan3A_379 : i32
    }
    %scan3A_143 = arith.constant 32 : i32
    %while3A_144 = arith.constant 0 : i32
    %while3A_145 = arith.constant 0 : i32
    %while3A_146 = arith.subi %shift_right_arithmetic3A_56, %while3A_145 : i32
    %while3A_147 = arith.addi %while3A_145, %while3A_146 : i32
    %while3A_148 = arith.constant 1 : i32
    %while3A_149 = arith.divsi %while3A_146, %while3A_148 : i32
    %while3A_150 = arith.muli %while3A_149, %while3A_148 : i32
    %while3A_151 = arith.addi %while3A_145, %while3A_150 : i32
    %while3A_152 = arith.constant 1 : i32
    scf.for %while3A_373 = %while3A_145 to %while3A_151 step %while3A_152  : i32 {
      %mul3A_374 = arith.constant 16 : i32
      %mul3A_375 = arith.muli %while3A_373, %mul3A_374 : i32
      %get3A = arith.index_cast %mul3A_375 : i32 to index
      %get3A_376 = tpu.vector_load %arg15[%get3A] {strides = array<i32>} : memref<8960xi32, #tpu.memory_space<vmem>>, vector<16xi32>,
      %shift_right_arithmetic3A_377 = arith.constant 18 : i32
      %shift_right_arithmetic3A_378 = vector.broadcast %shift_right_arithmetic3A_377 : i32 to vector<16xi32>
      %shift_right_arithmetic3A_379 = arith.shrsi %get3A_376, %shift_right_arithmetic3A_378 : vector<16xi32>
      %and3A = arith.constant 511 : i32
      %and3A_380 = vector.broadcast %and3A : i32 to vector<16xi32>
      %and3A_381 = arith.andi %shift_right_arithmetic3A_379, %and3A_380 : vector<16xi32>
      %broadcast_in_dim3A_382 = arith.constant true
      %broadcast_in_dim3A_383 = vector.broadcast %broadcast_in_dim3A_382 : i1 to vector<16xi1>
      %unique3A, %unique3A_384 = tpu.scan_count mask(%broadcast_in_dim3A_383 : vector<16xi1>) value(%and3A_381 : vector<16xi32>) : vector<16xi1>, vector<16xi32>
      tpu.vector_store_idx %arg21[%and3A_381], %unique3A_384 masked %unique3A {add = true} : memref<512xi32, #tpu.memory_space<vmem>>[vector<16xi32>], vector<16xi32>, vector<16xi1>
    }
    %while3A_153 = arith.constant 1 : i32
    scf.for %while3A_373 = %while3A_151 to %while3A_147 step %while3A_153  : i32 {
      %mul3A_374 = arith.constant 16 : i32
      %mul3A_375 = arith.muli %while3A_373, %mul3A_374 : i32
      %get3A = arith.index_cast %mul3A_375 : i32 to index
      %get3A_376 = tpu.vector_load %arg15[%get3A] {strides = array<i32>} : memref<8960xi32, #tpu.memory_space<vmem>>, vector<16xi32>,
      %shift_right_arithmetic3A_377 = arith.constant 18 : i32
      %shift_right_arithmetic3A_378 = vector.broadcast %shift_right_arithmetic3A_377 : i32 to vector<16xi32>
      %shift_right_arithmetic3A_379 = arith.shrsi %get3A_376, %shift_right_arithmetic3A_378 : vector<16xi32>
      %and3A = arith.constant 511 : i32
      %and3A_380 = vector.broadcast %and3A : i32 to vector<16xi32>
      %and3A_381 = arith.andi %shift_right_arithmetic3A_379, %and3A_380 : vector<16xi32>
      %broadcast_in_dim3A_382 = arith.constant true
      %broadcast_in_dim3A_383 = vector.broadcast %broadcast_in_dim3A_382 : i1 to vector<16xi1>
      %unique3A, %unique3A_384 = tpu.scan_count mask(%broadcast_in_dim3A_383 : vector<16xi1>) value(%and3A_381 : vector<16xi32>) : vector<16xi1>, vector<16xi32>
      tpu.vector_store_idx %arg21[%and3A_381], %unique3A_384 masked %unique3A {add = true} : memref<512xi32, #tpu.memory_space<vmem>>[vector<16xi32>], vector<16xi32>, vector<16xi1>
    }
    %scan3A_154 = arith.constant 0 : i32
    %scan3A_155 = arith.constant 0 : i32
    %scan3A_156 = arith.constant 32 : i32
    %scan3A_157 = arith.addi %scan3A_155, %scan3A_156 : i32
    %scan3A_158 = arith.constant 1 : i32
    %scan3A_159 = scf.for %scan3A_373 = %scan3A_155 to %scan3A_157 step %scan3A_158 iter_args(%scan3A_374 = %scan3A_154) -> (i32)  : i32 {
      %mul3A_375 = arith.constant 16 : i32
      %mul3A_376 = arith.muli %scan3A_373, %mul3A_375 : i32
      %get3A = arith.index_cast %mul3A_376 : i32 to index
      %get3A_377 = tpu.vector_load %arg21[%get3A] {strides = array<i32>} : memref<512xi32, #tpu.memory_space<vmem>>, vector<16xi32>,
      %broadcast_in_dim3A_378 = arith.constant true
      %broadcast_in_dim3A_379 = vector.broadcast %broadcast_in_dim3A_378 : i1 to vector<16xi1>
      %masked_cumsum3A = tpu.scan <sum>, %get3A_377 masked %broadcast_in_dim3A_379 : vector<16xi32>, vector<16xi1> -> vector<16xi32>
      %sub3A = arith.subi %masked_cumsum3A, %get3A_377 : vector<16xi32>
      %add3A_380 = vector.broadcast %scan3A_374 : i32 to vector<16xi32>
      %add3A_381 = arith.addi %sub3A, %add3A_380 : vector<16xi32>
      %mul3A_382 = arith.constant 16 : i32
      %mul3A_383 = arith.muli %scan3A_373, %mul3A_382 : i32
      %swap3A_384 = arith.index_cast %mul3A_383 : i32 to index
      %swap3A_385 = tpu.vector_load %arg22[%swap3A_384] {strides = array<i32>} : memref<512xi32, #tpu.memory_space<vmem>>, vector<16xi32>,
      tpu.vector_store %arg22[%swap3A_384], %add3A_381 {strides = array<i32>} : memref<512xi32, #tpu.memory_space<vmem>>, vector<16xi32>,
      %reduce_max3A = arith.constant true
      %reduce_max3A_386 = vector.broadcast %reduce_max3A : i1 to vector<16xi1>
      %reduce_max3A_387 = arith.constant -2147483648 : i32
      %reduce_max3A_388 = vector.broadcast %reduce_max3A_387 : i32 to vector<16xi32>
      %reduce_max3A_389 = arith.xori %masked_cumsum3A, %reduce_max3A_388 : vector<16xi32>
      %reduce_max3A_390 = tpu.scan <max>, %reduce_max3A_389 masked %reduce_max3A_386 : vector<16xi32>, vector<16xi1> -> vector<16xi32>
      %reduce_max3A_391 = arith.xori %reduce_max3A_390, %reduce_max3A_388 : vector<16xi32>
      %reduce_max3A_392 = vector.extract %reduce_max3A_391[15] : i32 from vector<16xi32>
      %add3A_393 = arith.addi %scan3A_374, %reduce_max3A_392 : i32
      scf.yield %add3A_393 : i32
    }
    %scan3A_160 = arith.constant 32 : i32
    %while3A_161 = arith.constant 0 : i32
    %while3A_162 = arith.constant 0 : i32
    %while3A_163 = arith.subi %shift_right_arithmetic3A_56, %while3A_161 : i32
    %while3A_164 = arith.addi %while3A_161, %while3A_163 : i32
    %while3A_165 = arith.constant 1 : i32
    %while3A_166 = arith.divsi %while3A_163, %while3A_165 : i32
    %while3A_167 = arith.muli %while3A_166, %while3A_165 : i32
    %while3A_168 = arith.addi %while3A_161, %while3A_167 : i32
    %while3A_169 = arith.constant 1 : i32
    %while3A_170 = scf.for %while3A_373 = %while3A_161 to %while3A_168 step %while3A_169 iter_args(%while3A_374 = %while3A_162) -> (i32)  : i32 {
      %mul3A_375 = arith.constant 16 : i32
      %mul3A_376 = arith.muli %while3A_373, %mul3A_375 : i32
      %get3A = arith.index_cast %mul3A_376 : i32 to index
      %get3A_377 = tpu.vector_load %arg15[%get3A] {strides = array<i32>} : memref<8960xi32, #tpu.memory_space<vmem>>, vector<16xi32>,
      %get3A_378 = arith.index_cast %mul3A_376 : i32 to index
      %get3A_379 = tpu.vector_load %arg16[%get3A_378] {strides = array<i32>} : memref<8960xi32, #tpu.memory_space<vmem>>, vector<16xi32>,
      %shift_right_arithmetic3A_380 = arith.constant 18 : i32
      %shift_right_arithmetic3A_381 = vector.broadcast %shift_right_arithmetic3A_380 : i32 to vector<16xi32>
      %shift_right_arithmetic3A_382 = arith.shrsi %get3A_377, %shift_right_arithmetic3A_381 : vector<16xi32>
      %and3A = arith.constant 511 : i32
      %and3A_383 = vector.broadcast %and3A : i32 to vector<16xi32>
      %and3A_384 = arith.andi %shift_right_arithmetic3A_382, %and3A_383 : vector<16xi32>
      %broadcast_in_dim3A_385 = arith.constant true
      %broadcast_in_dim3A_386 = vector.broadcast %broadcast_in_dim3A_385 : i1 to vector<16xi1>
      %unique3A, %unique3A_387 = tpu.scan_count mask(%broadcast_in_dim3A_386 : vector<16xi1>) value(%and3A_384 : vector<16xi32>) : vector<16xi1>, vector<16xi32>
      %gather3A = tpu.vector_load_idx %arg22[%and3A_384] : memref<512xi32, #tpu.memory_space<vmem>>[vector<16xi32>], vector<16xi32>,
      %add3A_388 = arith.addi %gather3A, %unique3A_387 : vector<16xi32>
      %sub3A = arith.constant 1 : i32
      %sub3A_389 = vector.broadcast %sub3A : i32 to vector<16xi32>
      %sub3A_390 = arith.subi %add3A_388, %sub3A_389 : vector<16xi32>
      tpu.vector_store_idx %arg13[%sub3A_390], %get3A_377 : memref<8960xi32, #tpu.memory_space<vmem>>[vector<16xi32>], vector<16xi32>,
      tpu.vector_store_idx %arg14[%sub3A_390], %get3A_379 : memref<8960xi32, #tpu.memory_space<vmem>>[vector<16xi32>], vector<16xi32>,
      tpu.vector_store_idx %arg22[%and3A_384], %unique3A_387 masked %unique3A {add = true} : memref<512xi32, #tpu.memory_space<vmem>>[vector<16xi32>], vector<16xi32>, vector<16xi1>
      %while3A_391 = arith.constant 0 : i32
      scf.yield %while3A_391 : i32
    }
    %while3A_171 = arith.constant 1 : i32
    %while3A_172 = scf.for %while3A_373 = %while3A_168 to %while3A_164 step %while3A_171 iter_args(%while3A_374 = %while3A_170) -> (i32)  : i32 {
      %mul3A_375 = arith.constant 16 : i32
      %mul3A_376 = arith.muli %while3A_373, %mul3A_375 : i32
      %get3A = arith.index_cast %mul3A_376 : i32 to index
      %get3A_377 = tpu.vector_load %arg15[%get3A] {strides = array<i32>} : memref<8960xi32, #tpu.memory_space<vmem>>, vector<16xi32>,
      %get3A_378 = arith.index_cast %mul3A_376 : i32 to index
      %get3A_379 = tpu.vector_load %arg16[%get3A_378] {strides = array<i32>} : memref<8960xi32, #tpu.memory_space<vmem>>, vector<16xi32>,
      %shift_right_arithmetic3A_380 = arith.constant 18 : i32
      %shift_right_arithmetic3A_381 = vector.broadcast %shift_right_arithmetic3A_380 : i32 to vector<16xi32>
      %shift_right_arithmetic3A_382 = arith.shrsi %get3A_377, %shift_right_arithmetic3A_381 : vector<16xi32>
      %and3A = arith.constant 511 : i32
      %and3A_383 = vector.broadcast %and3A : i32 to vector<16xi32>
      %and3A_384 = arith.andi %shift_right_arithmetic3A_382, %and3A_383 : vector<16xi32>
      %broadcast_in_dim3A_385 = arith.constant true
      %broadcast_in_dim3A_386 = vector.broadcast %broadcast_in_dim3A_385 : i1 to vector<16xi1>
      %unique3A, %unique3A_387 = tpu.scan_count mask(%broadcast_in_dim3A_386 : vector<16xi1>) value(%and3A_384 : vector<16xi32>) : vector<16xi1>, vector<16xi32>
      %gather3A = tpu.vector_load_idx %arg22[%and3A_384] : memref<512xi32, #tpu.memory_space<vmem>>[vector<16xi32>], vector<16xi32>,
      %add3A_388 = arith.addi %gather3A, %unique3A_387 : vector<16xi32>
      %sub3A = arith.constant 1 : i32
      %sub3A_389 = vector.broadcast %sub3A : i32 to vector<16xi32>
      %sub3A_390 = arith.subi %add3A_388, %sub3A_389 : vector<16xi32>
      tpu.vector_store_idx %arg13[%sub3A_390], %get3A_377 : memref<8960xi32, #tpu.memory_space<vmem>>[vector<16xi32>], vector<16xi32>,
      tpu.vector_store_idx %arg14[%sub3A_390], %get3A_379 : memref<8960xi32, #tpu.memory_space<vmem>>[vector<16xi32>], vector<16xi32>,
      tpu.vector_store_idx %arg22[%and3A_384], %unique3A_387 masked %unique3A {add = true} : memref<512xi32, #tpu.memory_space<vmem>>[vector<16xi32>], vector<16xi32>, vector<16xi1>
      %while3A_391 = arith.constant 0 : i32
      scf.yield %while3A_391 : i32
    }
    "tpu.region"() ({
      %run_scoped3A = tpu.sem_alloc : memref<!tpu.dma_semaphore, #tpu.memory_space<semaphore_mem>>
      %dma_start3A = arith.constant 0 : i32
      %dma_start3A_373 = tpu.memref_slice %arg3[%add3A_11, %dma_start3A] : memref<4x8960xf32, #tpu.memory_space<hbm>> -> memref<1x8960xf32, #tpu.memory_space<hbm>>
      %dma_start3A_374 = tpu.memref_squeeze %dma_start3A_373 : memref<1x8960xf32, #tpu.memory_space<hbm>> -> memref<8960xf32, #tpu.memory_space<hbm>>
      %dma_start3A_375 = arith.constant 0 : i32
      %dma_start3A_376 = tpu.memref_slice %arg3[%add3A_11, %dma_start3A_375] : memref<4x8960xf32, #tpu.memory_space<hbm>> -> memref<1x8960xf32, #tpu.memory_space<hbm>>
      %dma_start3A_377 = tpu.memref_squeeze %dma_start3A_376 : memref<1x8960xf32, #tpu.memory_space<hbm>> -> memref<8960xf32, #tpu.memory_space<hbm>>
      tpu.enqueue_dma source(%dma_start3A_377 : memref<8960xf32, #tpu.memory_space<hbm>>) target(%arg17 : memref<8960xf32, #tpu.memory_space<vmem>>) target_semaphore(%run_scoped3A : memref<!tpu.dma_semaphore, #tpu.memory_space<semaphore_mem>>)
      %dma_wait3A = arith.constant 0 : i32
      %dma_wait3A_378 = tpu.memref_slice %arg3[%add3A_11, %dma_wait3A] : memref<4x8960xf32, #tpu.memory_space<hbm>> -> memref<1x8960xf32, #tpu.memory_space<hbm>>
      %dma_wait3A_379 = tpu.memref_squeeze %dma_wait3A_378 : memref<1x8960xf32, #tpu.memory_space<hbm>> -> memref<8960xf32, #tpu.memory_space<hbm>>
      %dma_wait3A_380 = arith.constant 0 : i32
      %dma_wait3A_381 = tpu.memref_slice %arg3[%add3A_11, %dma_wait3A_380] : memref<4x8960xf32, #tpu.memory_space<hbm>> -> memref<1x8960xf32, #tpu.memory_space<hbm>>
      %dma_wait3A_382 = tpu.memref_squeeze %dma_wait3A_381 : memref<1x8960xf32, #tpu.memory_space<hbm>> -> memref<8960xf32, #tpu.memory_space<hbm>>
      tpu.wait_dma2 semaphore(%run_scoped3A : memref<!tpu.dma_semaphore, #tpu.memory_space<semaphore_mem>>) src(%dma_wait3A_382 : memref<8960xf32, #tpu.memory_space<hbm>>) dst(%arg17 : memref<8960xf32, #tpu.memory_space<vmem>>)
      tpu.yield
    }) : () -> ()
    "tpu.region"() ({
      %run_scoped3A = tpu.sem_alloc : memref<!tpu.dma_semaphore, #tpu.memory_space<semaphore_mem>>
      %dma_start3A = arith.constant 0 : i32
      %dma_start3A_373 = tpu.memref_slice %arg4[%add3A_11, %dma_start3A] : memref<4x8960xf32, #tpu.memory_space<hbm>> -> memref<1x8960xf32, #tpu.memory_space<hbm>>
      %dma_start3A_374 = tpu.memref_squeeze %dma_start3A_373 : memref<1x8960xf32, #tpu.memory_space<hbm>> -> memref<8960xf32, #tpu.memory_space<hbm>>
      %dma_start3A_375 = arith.constant 0 : i32
      %dma_start3A_376 = tpu.memref_slice %arg4[%add3A_11, %dma_start3A_375] : memref<4x8960xf32, #tpu.memory_space<hbm>> -> memref<1x8960xf32, #tpu.memory_space<hbm>>
      %dma_start3A_377 = tpu.memref_squeeze %dma_start3A_376 : memref<1x8960xf32, #tpu.memory_space<hbm>> -> memref<8960xf32, #tpu.memory_space<hbm>>
      tpu.enqueue_dma source(%dma_start3A_377 : memref<8960xf32, #tpu.memory_space<hbm>>) target(%arg18 : memref<8960xf32, #tpu.memory_space<vmem>>) target_semaphore(%run_scoped3A : memref<!tpu.dma_semaphore, #tpu.memory_space<semaphore_mem>>)
      %dma_wait3A = arith.constant 0 : i32
      %dma_wait3A_378 = tpu.memref_slice %arg4[%add3A_11, %dma_wait3A] : memref<4x8960xf32, #tpu.memory_space<hbm>> -> memref<1x8960xf32, #tpu.memory_space<hbm>>
      %dma_wait3A_379 = tpu.memref_squeeze %dma_wait3A_378 : memref<1x8960xf32, #tpu.memory_space<hbm>> -> memref<8960xf32, #tpu.memory_space<hbm>>
      %dma_wait3A_380 = arith.constant 0 : i32
      %dma_wait3A_381 = tpu.memref_slice %arg4[%add3A_11, %dma_wait3A_380] : memref<4x8960xf32, #tpu.memory_space<hbm>> -> memref<1x8960xf32, #tpu.memory_space<hbm>>
      %dma_wait3A_382 = tpu.memref_squeeze %dma_wait3A_381 : memref<1x8960xf32, #tpu.memory_space<hbm>> -> memref<8960xf32, #tpu.memory_space<hbm>>
      tpu.wait_dma2 semaphore(%run_scoped3A : memref<!tpu.dma_semaphore, #tpu.memory_space<semaphore_mem>>) src(%dma_wait3A_382 : memref<8960xf32, #tpu.memory_space<hbm>>) dst(%arg18 : memref<8960xf32, #tpu.memory_space<vmem>>)
      tpu.yield
    }) : () -> ()
    "tpu.region"() ({
      %run_scoped3A = tpu.sem_alloc : memref<!tpu.dma_semaphore, #tpu.memory_space<semaphore_mem>>
      %dma_start3A = arith.constant 0 : i32
      %dma_start3A_373 = tpu.memref_slice %arg5[%add3A_11, %dma_start3A] : memref<4x8960xf32, #tpu.memory_space<hbm>> -> memref<1x8960xf32, #tpu.memory_space<hbm>>
      %dma_start3A_374 = tpu.memref_squeeze %dma_start3A_373 : memref<1x8960xf32, #tpu.memory_space<hbm>> -> memref<8960xf32, #tpu.memory_space<hbm>>
      %dma_start3A_375 = arith.constant 0 : i32
      %dma_start3A_376 = tpu.memref_slice %arg5[%add3A_11, %dma_start3A_375] : memref<4x8960xf32, #tpu.memory_space<hbm>> -> memref<1x8960xf32, #tpu.memory_space<hbm>>
      %dma_start3A_377 = tpu.memref_squeeze %dma_start3A_376 : memref<1x8960xf32, #tpu.memory_space<hbm>> -> memref<8960xf32, #tpu.memory_space<hbm>>
      tpu.enqueue_dma source(%dma_start3A_377 : memref<8960xf32, #tpu.memory_space<hbm>>) target(%arg19 : memref<8960xf32, #tpu.memory_space<vmem>>) target_semaphore(%run_scoped3A : memref<!tpu.dma_semaphore, #tpu.memory_space<semaphore_mem>>)
      %dma_wait3A = arith.constant 0 : i32
      %dma_wait3A_378 = tpu.memref_slice %arg5[%add3A_11, %dma_wait3A] : memref<4x8960xf32, #tpu.memory_space<hbm>> -> memref<1x8960xf32, #tpu.memory_space<hbm>>
      %dma_wait3A_379 = tpu.memref_squeeze %dma_wait3A_378 : memref<1x8960xf32, #tpu.memory_space<hbm>> -> memref<8960xf32, #tpu.memory_space<hbm>>
      %dma_wait3A_380 = arith.constant 0 : i32
      %dma_wait3A_381 = tpu.memref_slice %arg5[%add3A_11, %dma_wait3A_380] : memref<4x8960xf32, #tpu.memory_space<hbm>> -> memref<1x8960xf32, #tpu.memory_space<hbm>>
      %dma_wait3A_382 = tpu.memref_squeeze %dma_wait3A_381 : memref<1x8960xf32, #tpu.memory_space<hbm>> -> memref<8960xf32, #tpu.memory_space<hbm>>
      tpu.wait_dma2 semaphore(%run_scoped3A : memref<!tpu.dma_semaphore, #tpu.memory_space<semaphore_mem>>) src(%dma_wait3A_382 : memref<8960xf32, #tpu.memory_space<hbm>>) dst(%arg19 : memref<8960xf32, #tpu.memory_space<vmem>>)
      tpu.yield
    }) : () -> ()
    "tpu.region"() ({
      %run_scoped3A = tpu.sem_alloc : memref<!tpu.dma_semaphore, #tpu.memory_space<semaphore_mem>>
      %dma_start3A = arith.constant 0 : i32
      %dma_start3A_373 = tpu.memref_slice %arg6[%add3A_11, %dma_start3A] : memref<4x8960xf32, #tpu.memory_space<hbm>> -> memref<1x8960xf32, #tpu.memory_space<hbm>>
      %dma_start3A_374 = tpu.memref_squeeze %dma_start3A_373 : memref<1x8960xf32, #tpu.memory_space<hbm>> -> memref<8960xf32, #tpu.memory_space<hbm>>
      %dma_start3A_375 = arith.constant 0 : i32
      %dma_start3A_376 = tpu.memref_slice %arg6[%add3A_11, %dma_start3A_375] : memref<4x8960xf32, #tpu.memory_space<hbm>> -> memref<1x8960xf32, #tpu.memory_space<hbm>>
      %dma_start3A_377 = tpu.memref_squeeze %dma_start3A_376 : memref<1x8960xf32, #tpu.memory_space<hbm>> -> memref<8960xf32, #tpu.memory_space<hbm>>
      tpu.enqueue_dma source(%dma_start3A_377 : memref<8960xf32, #tpu.memory_space<hbm>>) target(%arg20 : memref<8960xf32, #tpu.memory_space<vmem>>) target_semaphore(%run_scoped3A : memref<!tpu.dma_semaphore, #tpu.memory_space<semaphore_mem>>)
      %dma_wait3A = arith.constant 0 : i32
      %dma_wait3A_378 = tpu.memref_slice %arg6[%add3A_11, %dma_wait3A] : memref<4x8960xf32, #tpu.memory_space<hbm>> -> memref<1x8960xf32, #tpu.memory_space<hbm>>
      %dma_wait3A_379 = tpu.memref_squeeze %dma_wait3A_378 : memref<1x8960xf32, #tpu.memory_space<hbm>> -> memref<8960xf32, #tpu.memory_space<hbm>>
      %dma_wait3A_380 = arith.constant 0 : i32
      %dma_wait3A_381 = tpu.memref_slice %arg6[%add3A_11, %dma_wait3A_380] : memref<4x8960xf32, #tpu.memory_space<hbm>> -> memref<1x8960xf32, #tpu.memory_space<hbm>>
      %dma_wait3A_382 = tpu.memref_squeeze %dma_wait3A_381 : memref<1x8960xf32, #tpu.memory_space<hbm>> -> memref<8960xf32, #tpu.memory_space<hbm>>
      tpu.wait_dma2 semaphore(%run_scoped3A : memref<!tpu.dma_semaphore, #tpu.memory_space<semaphore_mem>>) src(%dma_wait3A_382 : memref<8960xf32, #tpu.memory_space<hbm>>) dst(%arg20 : memref<8960xf32, #tpu.memory_space<vmem>>)
      tpu.yield
    }) : () -> ()
    %scan3A_173 = arith.constant 0 : i32
    %scan3A_174 = arith.constant 0 : i32
    %scan3A_175 = arith.constant 16 : i32
    %scan3A_176 = arith.addi %scan3A_174, %scan3A_175 : i32
    %scan3A_177 = arith.constant 1 : i32
    %scan3A_178 = scf.for %scan3A_373 = %scan3A_174 to %scan3A_176 step %scan3A_177 iter_args(%scan3A_374 = %scan3A_173) -> (i32)  : i32 {
      %mul3A_375 = arith.constant 16 : i32
      %mul3A_376 = arith.muli %scan3A_373, %mul3A_375 : i32
      %get3A = arith.index_cast %mul3A_376 : i32 to index
      %get3A_377 = tpu.vector_load %arg14[%get3A] {strides = array<i32>} : memref<8960xi32, #tpu.memory_space<vmem>>, vector<16xi32>,
      %gather3A = tpu.vector_load_idx %arg17[%get3A_377] : memref<8960xf32, #tpu.memory_space<vmem>>[vector<16xi32>], vector<16xf32>,
      %swap3A_378 = arith.index_cast %mul3A_376 : i32 to index
      %swap3A_379 = tpu.vector_load %arg23[%swap3A_378] {strides = array<i32>} : memref<256xf32, #tpu.memory_space<vmem>>, vector<16xf32>,
      tpu.vector_store %arg23[%swap3A_378], %gather3A {strides = array<i32>} : memref<256xf32, #tpu.memory_space<vmem>>, vector<16xf32>,
      %gather3A_380 = tpu.vector_load_idx %arg18[%get3A_377] : memref<8960xf32, #tpu.memory_space<vmem>>[vector<16xi32>], vector<16xf32>,
      %swap3A_381 = arith.index_cast %mul3A_376 : i32 to index
      %swap3A_382 = tpu.vector_load %arg24[%swap3A_381] {strides = array<i32>} : memref<256xf32, #tpu.memory_space<vmem>>, vector<16xf32>,
      tpu.vector_store %arg24[%swap3A_381], %gather3A_380 {strides = array<i32>} : memref<256xf32, #tpu.memory_space<vmem>>, vector<16xf32>,
      %gather3A_383 = tpu.vector_load_idx %arg19[%get3A_377] : memref<8960xf32, #tpu.memory_space<vmem>>[vector<16xi32>], vector<16xf32>,
      %swap3A_384 = arith.index_cast %mul3A_376 : i32 to index
      %swap3A_385 = tpu.vector_load %arg25[%swap3A_384] {strides = array<i32>} : memref<256xf32, #tpu.memory_space<vmem>>, vector<16xf32>,
      tpu.vector_store %arg25[%swap3A_384], %gather3A_383 {strides = array<i32>} : memref<256xf32, #tpu.memory_space<vmem>>, vector<16xf32>,
      %gather3A_386 = tpu.vector_load_idx %arg20[%get3A_377] : memref<8960xf32, #tpu.memory_space<vmem>>[vector<16xi32>], vector<16xf32>,
      %swap3A_387 = arith.index_cast %mul3A_376 : i32 to index
      %swap3A_388 = tpu.vector_load %arg26[%swap3A_387] {strides = array<i32>} : memref<256xf32, #tpu.memory_space<vmem>>, vector<16xf32>,
      tpu.vector_store %arg26[%swap3A_387], %gather3A_386 {strides = array<i32>} : memref<256xf32, #tpu.memory_space<vmem>>, vector<16xf32>,
      %scan3A_389 = arith.constant 0 : i32
      scf.yield %scan3A_389 : i32
    }
    %scan3A_179 = arith.constant 16 : i32
    "tpu.region"() ({
      %run_scoped3A = tpu.sem_alloc : memref<!tpu.dma_semaphore, #tpu.memory_space<semaphore_mem>>
      %dma_start3A = arith.constant 0 : i32
      %dma_start3A_373 = tpu.memref_slice %arg13[%dma_start3A] : memref<8960xi32, #tpu.memory_space<vmem>> -> memref<256xi32, #tpu.memory_space<vmem>>
      %dma_start3A_374 = arith.constant 0 : i32
      %dma_start3A_375 = tpu.memref_slice %arg7[%add3A_2, %dma_start3A_374] : memref<80x256xi32, #tpu.memory_space<hbm>> -> memref<1x256xi32, #tpu.memory_space<hbm>>
      %dma_start3A_376 = tpu.memref_squeeze %dma_start3A_375 : memref<1x256xi32, #tpu.memory_space<hbm>> -> memref<256xi32, #tpu.memory_space<hbm>>
      %dma_start3A_377 = arith.constant 0 : i32
      %dma_start3A_378 = tpu.memref_slice %arg7[%add3A_2, %dma_start3A_377] : memref<80x256xi32, #tpu.memory_space<hbm>> -> memref<1x256xi32, #tpu.memory_space<hbm>>
      %dma_start3A_379 = tpu.memref_squeeze %dma_start3A_378 : memref<1x256xi32, #tpu.memory_space<hbm>> -> memref<256xi32, #tpu.memory_space<hbm>>
      %dma_start3A_380 = arith.constant 0 : i32
      %dma_start3A_381 = tpu.memref_slice %arg13[%dma_start3A_380] : memref<8960xi32, #tpu.memory_space<vmem>> -> memref<256xi32, #tpu.memory_space<vmem>>
      tpu.enqueue_dma source(%dma_start3A_381 : memref<256xi32, #tpu.memory_space<vmem>>) target(%dma_start3A_379 : memref<256xi32, #tpu.memory_space<hbm>>) target_semaphore(%run_scoped3A : memref<!tpu.dma_semaphore, #tpu.memory_space<semaphore_mem>>)
      %dma_wait3A = arith.constant 0 : i32
      %dma_wait3A_382 = tpu.memref_slice %arg13[%dma_wait3A] : memref<8960xi32, #tpu.memory_space<vmem>> -> memref<256xi32, #tpu.memory_space<vmem>>
      %dma_wait3A_383 = arith.constant 0 : i32
      %dma_wait3A_384 = tpu.memref_slice %arg7[%add3A_2, %dma_wait3A_383] : memref<80x256xi32, #tpu.memory_space<hbm>> -> memref<1x256xi32, #tpu.memory_space<hbm>>
      %dma_wait3A_385 = tpu.memref_squeeze %dma_wait3A_384 : memref<1x256xi32, #tpu.memory_space<hbm>> -> memref<256xi32, #tpu.memory_space<hbm>>
      %dma_wait3A_386 = arith.constant 0 : i32
      %dma_wait3A_387 = tpu.memref_slice %arg7[%add3A_2, %dma_wait3A_386] : memref<80x256xi32, #tpu.memory_space<hbm>> -> memref<1x256xi32, #tpu.memory_space<hbm>>
      %dma_wait3A_388 = tpu.memref_squeeze %dma_wait3A_387 : memref<1x256xi32, #tpu.memory_space<hbm>> -> memref<256xi32, #tpu.memory_space<hbm>>
      %dma_wait3A_389 = arith.constant 0 : i32
      %dma_wait3A_390 = tpu.memref_slice %arg13[%dma_wait3A_389] : memref<8960xi32, #tpu.memory_space<vmem>> -> memref<256xi32, #tpu.memory_space<vmem>>
      tpu.wait_dma2 semaphore(%run_scoped3A : memref<!tpu.dma_semaphore, #tpu.memory_space<semaphore_mem>>) src(%dma_wait3A_390 : memref<256xi32, #tpu.memory_space<vmem>>) dst(%dma_wait3A_388 : memref<256xi32, #tpu.memory_space<hbm>>)
      tpu.yield
    }) : () -> ()
    "tpu.region"() ({
      %run_scoped3A = tpu.sem_alloc : memref<!tpu.dma_semaphore, #tpu.memory_space<semaphore_mem>>
      %dma_start3A = arith.constant 0 : i32
      %dma_start3A_373 = tpu.memref_slice %arg8[%add3A_2, %dma_start3A] : memref<80x256xf32, #tpu.memory_space<hbm>> -> memref<1x256xf32, #tpu.memory_space<hbm>>
      %dma_start3A_374 = tpu.memref_squeeze %dma_start3A_373 : memref<1x256xf32, #tpu.memory_space<hbm>> -> memref<256xf32, #tpu.memory_space<hbm>>
      %dma_start3A_375 = arith.constant 0 : i32
      %dma_start3A_376 = tpu.memref_slice %arg8[%add3A_2, %dma_start3A_375] : memref<80x256xf32, #tpu.memory_space<hbm>> -> memref<1x256xf32, #tpu.memory_space<hbm>>
      %dma_start3A_377 = tpu.memref_squeeze %dma_start3A_376 : memref<1x256xf32, #tpu.memory_space<hbm>> -> memref<256xf32, #tpu.memory_space<hbm>>
      tpu.enqueue_dma source(%arg23 : memref<256xf32, #tpu.memory_space<vmem>>) target(%dma_start3A_377 : memref<256xf32, #tpu.memory_space<hbm>>) target_semaphore(%run_scoped3A : memref<!tpu.dma_semaphore, #tpu.memory_space<semaphore_mem>>)
      %dma_wait3A = arith.constant 0 : i32
      %dma_wait3A_378 = tpu.memref_slice %arg8[%add3A_2, %dma_wait3A] : memref<80x256xf32, #tpu.memory_space<hbm>> -> memref<1x256xf32, #tpu.memory_space<hbm>>
      %dma_wait3A_379 = tpu.memref_squeeze %dma_wait3A_378 : memref<1x256xf32, #tpu.memory_space<hbm>> -> memref<256xf32, #tpu.memory_space<hbm>>
      %dma_wait3A_380 = arith.constant 0 : i32
      %dma_wait3A_381 = tpu.memref_slice %arg8[%add3A_2, %dma_wait3A_380] : memref<80x256xf32, #tpu.memory_space<hbm>> -> memref<1x256xf32, #tpu.memory_space<hbm>>
      %dma_wait3A_382 = tpu.memref_squeeze %dma_wait3A_381 : memref<1x256xf32, #tpu.memory_space<hbm>> -> memref<256xf32, #tpu.memory_space<hbm>>
      tpu.wait_dma2 semaphore(%run_scoped3A : memref<!tpu.dma_semaphore, #tpu.memory_space<semaphore_mem>>) src(%arg23 : memref<256xf32, #tpu.memory_space<vmem>>) dst(%dma_wait3A_382 : memref<256xf32, #tpu.memory_space<hbm>>)
      tpu.yield
    }) : () -> ()
    "tpu.region"() ({
      %run_scoped3A = tpu.sem_alloc : memref<!tpu.dma_semaphore, #tpu.memory_space<semaphore_mem>>
      %dma_start3A = arith.constant 0 : i32
      %dma_start3A_373 = tpu.memref_slice %arg9[%add3A_2, %dma_start3A] : memref<80x256xf32, #tpu.memory_space<hbm>> -> memref<1x256xf32, #tpu.memory_space<hbm>>
      %dma_start3A_374 = tpu.memref_squeeze %dma_start3A_373 : memref<1x256xf32, #tpu.memory_space<hbm>> -> memref<256xf32, #tpu.memory_space<hbm>>
      %dma_start3A_375 = arith.constant 0 : i32
      %dma_start3A_376 = tpu.memref_slice %arg9[%add3A_2, %dma_start3A_375] : memref<80x256xf32, #tpu.memory_space<hbm>> -> memref<1x256xf32, #tpu.memory_space<hbm>>
      %dma_start3A_377 = tpu.memref_squeeze %dma_start3A_376 : memref<1x256xf32, #tpu.memory_space<hbm>> -> memref<256xf32, #tpu.memory_space<hbm>>
      tpu.enqueue_dma source(%arg24 : memref<256xf32, #tpu.memory_space<vmem>>) target(%dma_start3A_377 : memref<256xf32, #tpu.memory_space<hbm>>) target_semaphore(%run_scoped3A : memref<!tpu.dma_semaphore, #tpu.memory_space<semaphore_mem>>)
      %dma_wait3A = arith.constant 0 : i32
      %dma_wait3A_378 = tpu.memref_slice %arg9[%add3A_2, %dma_wait3A] : memref<80x256xf32, #tpu.memory_space<hbm>> -> memref<1x256xf32, #tpu.memory_space<hbm>>
      %dma_wait3A_379 = tpu.memref_squeeze %dma_wait3A_378 : memref<1x256xf32, #tpu.memory_space<hbm>> -> memref<256xf32, #tpu.memory_space<hbm>>
      %dma_wait3A_380 = arith.constant 0 : i32
      %dma_wait3A_381 = tpu.memref_slice %arg9[%add3A_2, %dma_wait3A_380] : memref<80x256xf32, #tpu.memory_space<hbm>> -> memref<1x256xf32, #tpu.memory_space<hbm>>
      %dma_wait3A_382 = tpu.memref_squeeze %dma_wait3A_381 : memref<1x256xf32, #tpu.memory_space<hbm>> -> memref<256xf32, #tpu.memory_space<hbm>>
      tpu.wait_dma2 semaphore(%run_scoped3A : memref<!tpu.dma_semaphore, #tpu.memory_space<semaphore_mem>>) src(%arg24 : memref<256xf32, #tpu.memory_space<vmem>>) dst(%dma_wait3A_382 : memref<256xf32, #tpu.memory_space<hbm>>)
      tpu.yield
    }) : () -> ()
    "tpu.region"() ({
      %run_scoped3A = tpu.sem_alloc : memref<!tpu.dma_semaphore, #tpu.memory_space<semaphore_mem>>
      %dma_start3A = arith.constant 0 : i32
      %dma_start3A_373 = tpu.memref_slice %arg10[%add3A_2, %dma_start3A] : memref<80x256xf32, #tpu.memory_space<hbm>> -> memref<1x256xf32, #tpu.memory_space<hbm>>
      %dma_start3A_374 = tpu.memref_squeeze %dma_start3A_373 : memref<1x256xf32, #tpu.memory_space<hbm>> -> memref<256xf32, #tpu.memory_space<hbm>>
      %dma_start3A_375 = arith.constant 0 : i32
      %dma_start3A_376 = tpu.memref_slice %arg10[%add3A_2, %dma_start3A_375] : memref<80x256xf32, #tpu.memory_space<hbm>> -> memref<1x256xf32, #tpu.memory_space<hbm>>
      %dma_start3A_377 = tpu.memref_squeeze %dma_start3A_376 : memref<1x256xf32, #tpu.memory_space<hbm>> -> memref<256xf32, #tpu.memory_space<hbm>>
      tpu.enqueue_dma source(%arg25 : memref<256xf32, #tpu.memory_space<vmem>>) target(%dma_start3A_377 : memref<256xf32, #tpu.memory_space<hbm>>) target_semaphore(%run_scoped3A : memref<!tpu.dma_semaphore, #tpu.memory_space<semaphore_mem>>)
      %dma_wait3A = arith.constant 0 : i32
      %dma_wait3A_378 = tpu.memref_slice %arg10[%add3A_2, %dma_wait3A] : memref<80x256xf32, #tpu.memory_space<hbm>> -> memref<1x256xf32, #tpu.memory_space<hbm>>
      %dma_wait3A_379 = tpu.memref_squeeze %dma_wait3A_378 : memref<1x256xf32, #tpu.memory_space<hbm>> -> memref<256xf32, #tpu.memory_space<hbm>>
      %dma_wait3A_380 = arith.constant 0 : i32
      %dma_wait3A_381 = tpu.memref_slice %arg10[%add3A_2, %dma_wait3A_380] : memref<80x256xf32, #tpu.memory_space<hbm>> -> memref<1x256xf32, #tpu.memory_space<hbm>>
      %dma_wait3A_382 = tpu.memref_squeeze %dma_wait3A_381 : memref<1x256xf32, #tpu.memory_space<hbm>> -> memref<256xf32, #tpu.memory_space<hbm>>
      tpu.wait_dma2 semaphore(%run_scoped3A : memref<!tpu.dma_semaphore, #tpu.memory_space<semaphore_mem>>) src(%arg25 : memref<256xf32, #tpu.memory_space<vmem>>) dst(%dma_wait3A_382 : memref<256xf32, #tpu.memory_space<hbm>>)
      tpu.yield
    }) : () -> ()
    "tpu.region"() ({
      %run_scoped3A = tpu.sem_alloc : memref<!tpu.dma_semaphore, #tpu.memory_space<semaphore_mem>>
      %dma_start3A = arith.constant 0 : i32
      %dma_start3A_373 = tpu.memref_slice %arg11[%add3A_2, %dma_start3A] : memref<80x256xf32, #tpu.memory_space<hbm>> -> memref<1x256xf32, #tpu.memory_space<hbm>>
      %dma_start3A_374 = tpu.memref_squeeze %dma_start3A_373 : memref<1x256xf32, #tpu.memory_space<hbm>> -> memref<256xf32, #tpu.memory_space<hbm>>
      %dma_start3A_375 = arith.constant 0 : i32
      %dma_start3A_376 = tpu.memref_slice %arg11[%add3A_2, %dma_start3A_375] : memref<80x256xf32, #tpu.memory_space<hbm>> -> memref<1x256xf32, #tpu.memory_space<hbm>>
      %dma_start3A_377 = tpu.memref_squeeze %dma_start3A_376 : memref<1x256xf32, #tpu.memory_space<hbm>> -> memref<256xf32, #tpu.memory_space<hbm>>
      tpu.enqueue_dma source(%arg26 : memref<256xf32, #tpu.memory_space<vmem>>) target(%dma_start3A_377 : memref<256xf32, #tpu.memory_space<hbm>>) target_semaphore(%run_scoped3A : memref<!tpu.dma_semaphore, #tpu.memory_space<semaphore_mem>>)
      %dma_wait3A = arith.constant 0 : i32
      %dma_wait3A_378 = tpu.memref_slice %arg11[%add3A_2, %dma_wait3A] : memref<80x256xf32, #tpu.memory_space<hbm>> -> memref<1x256xf32, #tpu.memory_space<hbm>>
      %dma_wait3A_379 = tpu.memref_squeeze %dma_wait3A_378 : memref<1x256xf32, #tpu.memory_space<hbm>> -> memref<256xf32, #tpu.memory_space<hbm>>
      %dma_wait3A_380 = arith.constant 0 : i32
      %dma_wait3A_381 = tpu.memref_slice %arg11[%add3A_2, %dma_wait3A_380] : memref<80x256xf32, #tpu.memory_space<hbm>> -> memref<1x256xf32, #tpu.memory_space<hbm>>
      %dma_wait3A_382 = tpu.memref_squeeze %dma_wait3A_381 : memref<1x256xf32, #tpu.memory_space<hbm>> -> memref<256xf32, #tpu.memory_space<hbm>>
      tpu.wait_dma2 semaphore(%run_scoped3A : memref<!tpu.dma_semaphore, #tpu.memory_space<semaphore_mem>>) src(%arg26 : memref<256xf32, #tpu.memory_space<vmem>>) dst(%dma_wait3A_382 : memref<256xf32, #tpu.memory_space<hbm>>)
      tpu.yield
    }) : () -> ()
    %add3A_180 = arith.constant 32 : i32
    %add3A_181 = arith.addi %add3A, %add3A_180 : i32
    %ge3A_182 = arith.constant 20 : i32
    %ge3A_183 = arith.cmpi sge, %add3A_181, %ge3A_182 : i32
    %convert_element_type3A_184 = arith.extui %ge3A_183 : i1 to i32
    %ge3A_185 = arith.constant 40 : i32
    %ge3A_186 = arith.cmpi sge, %add3A_181, %ge3A_185 : i32
    %convert_element_type3A_187 = arith.extui %ge3A_186 : i1 to i32
    %add3A_188 = arith.addi %convert_element_type3A_184, %convert_element_type3A_187 : i32
    %ge3A_189 = arith.constant 60 : i32
    %ge3A_190 = arith.cmpi sge, %add3A_181, %ge3A_189 : i32
    %convert_element_type3A_191 = arith.extui %ge3A_190 : i1 to i32
    %add3A_192 = arith.addi %add3A_188, %convert_element_type3A_191 : i32
    "tpu.region"() ({
      %run_scoped3A = tpu.sem_alloc : memref<!tpu.dma_semaphore, #tpu.memory_space<semaphore_mem>>
      %dma_start3A = arith.constant 0 : i32
      %dma_start3A_373 = tpu.memref_slice %arg2[%add3A_181, %dma_start3A] : memref<80x8960xi32, #tpu.memory_space<hbm>> -> memref<1x8960xi32, #tpu.memory_space<hbm>>
      %dma_start3A_374 = tpu.memref_squeeze %dma_start3A_373 : memref<1x8960xi32, #tpu.memory_space<hbm>> -> memref<8960xi32, #tpu.memory_space<hbm>>
      %dma_start3A_375 = arith.constant 0 : i32
      %dma_start3A_376 = tpu.memref_slice %arg2[%add3A_181, %dma_start3A_375] : memref<80x8960xi32, #tpu.memory_space<hbm>> -> memref<1x8960xi32, #tpu.memory_space<hbm>>
      %dma_start3A_377 = tpu.memref_squeeze %dma_start3A_376 : memref<1x8960xi32, #tpu.memory_space<hbm>> -> memref<8960xi32, #tpu.memory_space<hbm>>
      tpu.enqueue_dma source(%dma_start3A_377 : memref<8960xi32, #tpu.memory_space<hbm>>) target(%arg13 : memref<8960xi32, #tpu.memory_space<vmem>>) target_semaphore(%run_scoped3A : memref<!tpu.dma_semaphore, #tpu.memory_space<semaphore_mem>>)
      %dma_wait3A = arith.constant 0 : i32
      %dma_wait3A_378 = tpu.memref_slice %arg2[%add3A_181, %dma_wait3A] : memref<80x8960xi32, #tpu.memory_space<hbm>> -> memref<1x8960xi32, #tpu.memory_space<hbm>>
      %dma_wait3A_379 = tpu.memref_squeeze %dma_wait3A_378 : memref<1x8960xi32, #tpu.memory_space<hbm>> -> memref<8960xi32, #tpu.memory_space<hbm>>
      %dma_wait3A_380 = arith.constant 0 : i32
      %dma_wait3A_381 = tpu.memref_slice %arg2[%add3A_181, %dma_wait3A_380] : memref<80x8960xi32, #tpu.memory_space<hbm>> -> memref<1x8960xi32, #tpu.memory_space<hbm>>
      %dma_wait3A_382 = tpu.memref_squeeze %dma_wait3A_381 : memref<1x8960xi32, #tpu.memory_space<hbm>> -> memref<8960xi32, #tpu.memory_space<hbm>>
      tpu.wait_dma2 semaphore(%run_scoped3A : memref<!tpu.dma_semaphore, #tpu.memory_space<semaphore_mem>>) src(%dma_wait3A_382 : memref<8960xi32, #tpu.memory_space<hbm>>) dst(%arg13 : memref<8960xi32, #tpu.memory_space<vmem>>)
      tpu.yield
    }) : () -> ()
    %iota3A_193 = tpu.iota {dimensions = array<i32: 0>} : vector<16xi32>
    %broadcast_in_dim3A_194 = arith.constant 1 : i32
    %broadcast_in_dim3A_195 = vector.broadcast %broadcast_in_dim3A_194 : i32 to vector<16xi32>
    %broadcast_in_dim3A_196 = arith.constant 0 : i32
    %broadcast_in_dim3A_197 = vector.broadcast %broadcast_in_dim3A_196 : i32 to vector<16xi32>
    %broadcast_in_dim3A_198 = arith.constant 0 : i32
    %broadcast_in_dim3A_199 = vector.broadcast %broadcast_in_dim3A_198 : i32 to vector<16xi32>
    %broadcast_in_dim3A_200 = arith.constant 8976 : i32
    %broadcast_in_dim3A_201 = vector.broadcast %broadcast_in_dim3A_200 : i32 to vector<16xi32>
    %scan3A_202 = arith.constant 0 : i32
    %scan3A_203 = arith.constant 0 : i32
    %scan3A_204 = arith.constant 32 : i32
    %scan3A_205 = arith.addi %scan3A_203, %scan3A_204 : i32
    %scan3A_206 = arith.constant 1 : i32
    %scan3A_207 = scf.for %scan3A_373 = %scan3A_203 to %scan3A_205 step %scan3A_206 iter_args(%scan3A_374 = %scan3A_202) -> (i32)  : i32 {
      %mul3A_375 = arith.constant 16 : i32
      %mul3A_376 = arith.muli %scan3A_373, %mul3A_375 : i32
      %swap3A_377 = arith.index_cast %mul3A_376 : i32 to index
      %swap3A_378 = tpu.vector_load %arg21[%swap3A_377] {strides = array<i32>} : memref<512xi32, #tpu.memory_space<vmem>>, vector<16xi32>,
      tpu.vector_store %arg21[%swap3A_377], %broadcast_in_dim3A_199 {strides = array<i32>} : memref<512xi32, #tpu.memory_space<vmem>>, vector<16xi32>,
      %scan3A_379 = arith.constant 0 : i32
      scf.yield %scan3A_379 : i32
    }
    %scan3A_208 = arith.constant 32 : i32
    %scan3A_209 = arith.constant 0 : i32
    %scan3A_210 = arith.constant 0 : i32
    %scan3A_211 = arith.constant 560 : i32
    %scan3A_212 = arith.addi %scan3A_210, %scan3A_211 : i32
    %scan3A_213 = arith.constant 1 : i32
    %scan3A_214 = scf.for %scan3A_373 = %scan3A_210 to %scan3A_212 step %scan3A_213 iter_args(%scan3A_374 = %scan3A_209) -> (i32)  : i32 {
      %mul3A_375 = arith.constant 16 : i32
      %mul3A_376 = arith.muli %scan3A_373, %mul3A_375 : i32
      %get3A = arith.index_cast %mul3A_376 : i32 to index
      %get3A_377 = tpu.vector_load %arg13[%get3A] {strides = array<i32>} : memref<8960xi32, #tpu.memory_space<vmem>>, vector<16xi32>,
      %shift_right_arithmetic3A_378 = arith.constant 18 : i32
      %shift_right_arithmetic3A_379 = vector.broadcast %shift_right_arithmetic3A_378 : i32 to vector<16xi32>
      %shift_right_arithmetic3A_380 = arith.shrsi %get3A_377, %shift_right_arithmetic3A_379 : vector<16xi32>
      %and3A = arith.constant 511 : i32
      %and3A_381 = vector.broadcast %and3A : i32 to vector<16xi32>
      %and3A_382 = arith.andi %shift_right_arithmetic3A_380, %and3A_381 : vector<16xi32>
      %broadcast_in_dim3A_383 = arith.constant true
      %broadcast_in_dim3A_384 = vector.broadcast %broadcast_in_dim3A_383 : i1 to vector<16xi1>
      %unique3A, %unique3A_385 = tpu.scan_count mask(%broadcast_in_dim3A_384 : vector<16xi1>) value(%and3A_382 : vector<16xi32>) : vector<16xi1>, vector<16xi32>
      tpu.vector_store_idx %arg21[%and3A_382], %unique3A_385 masked %unique3A {add = true} : memref<512xi32, #tpu.memory_space<vmem>>[vector<16xi32>], vector<16xi32>, vector<16xi1>
      %lt3A_386 = arith.constant 56371445 : i32
      %lt3A_387 = vector.broadcast %lt3A_386 : i32 to vector<16xi32>
      %lt3A_388 = arith.cmpi slt, %get3A_377, %lt3A_387 : vector<16xi32>
      %select_n3A = arith.select %lt3A_388, %broadcast_in_dim3A_195, %broadcast_in_dim3A_197 : vector<16xi1>, vector<16xi32>
      %reduce_sum3A = arith.constant true
      %reduce_sum3A_389 = vector.broadcast %reduce_sum3A : i1 to vector<16xi1>
      %reduce_sum3A_390 = tpu.scan <sum>, %select_n3A masked %reduce_sum3A_389 : vector<16xi32>, vector<16xi1> -> vector<16xi32>
      %reduce_sum3A_391 = vector.extract %reduce_sum3A_390[15] : i32 from vector<16xi32>
      %add3A_392 = arith.addi %scan3A_374, %reduce_sum3A_391 : i32
      scf.yield %add3A_392 : i32
    }
    %scan3A_215 = arith.constant 560 : i32
    %broadcast_in_dim3A_216 = vector.broadcast %scan3A_214 : i32 to vector<16xi32>
    %swap3A_217 = arith.constant 0 : index
    %swap3A_218 = tpu.vector_load %arg27[%swap3A_217] {strides = array<i32>} : memref<16xi32, #tpu.memory_space<vmem>>, vector<16xi32>,
    tpu.vector_store %arg27[%swap3A_217], %broadcast_in_dim3A_216 {strides = array<i32>} : memref<16xi32, #tpu.memory_space<vmem>>, vector<16xi32>,
    "tpu.region"() ({
      %run_scoped3A = tpu.sem_alloc : memref<!tpu.dma_semaphore, #tpu.memory_space<semaphore_mem>>
      %dma_start3A = arith.constant 0 : i32
      %dma_start3A_373 = tpu.memref_slice %arg12[%add3A_181, %dma_start3A] : memref<80x16xi32, #tpu.memory_space<hbm>> -> memref<1x16xi32, #tpu.memory_space<hbm>>
      %dma_start3A_374 = tpu.memref_squeeze %dma_start3A_373 : memref<1x16xi32, #tpu.memory_space<hbm>> -> memref<16xi32, #tpu.memory_space<hbm>>
      %dma_start3A_375 = arith.constant 0 : i32
      %dma_start3A_376 = tpu.memref_slice %arg12[%add3A_181, %dma_start3A_375] : memref<80x16xi32, #tpu.memory_space<hbm>> -> memref<1x16xi32, #tpu.memory_space<hbm>>
      %dma_start3A_377 = tpu.memref_squeeze %dma_start3A_376 : memref<1x16xi32, #tpu.memory_space<hbm>> -> memref<16xi32, #tpu.memory_space<hbm>>
      tpu.enqueue_dma source(%arg27 : memref<16xi32, #tpu.memory_space<vmem>>) target(%dma_start3A_377 : memref<16xi32, #tpu.memory_space<hbm>>) target_semaphore(%run_scoped3A : memref<!tpu.dma_semaphore, #tpu.memory_space<semaphore_mem>>)
      %dma_wait3A = arith.constant 0 : i32
      %dma_wait3A_378 = tpu.memref_slice %arg12[%add3A_181, %dma_wait3A] : memref<80x16xi32, #tpu.memory_space<hbm>> -> memref<1x16xi32, #tpu.memory_space<hbm>>
      %dma_wait3A_379 = tpu.memref_squeeze %dma_wait3A_378 : memref<1x16xi32, #tpu.memory_space<hbm>> -> memref<16xi32, #tpu.memory_space<hbm>>
      %dma_wait3A_380 = arith.constant 0 : i32
      %dma_wait3A_381 = tpu.memref_slice %arg12[%add3A_181, %dma_wait3A_380] : memref<80x16xi32, #tpu.memory_space<hbm>> -> memref<1x16xi32, #tpu.memory_space<hbm>>
      %dma_wait3A_382 = tpu.memref_squeeze %dma_wait3A_381 : memref<1x16xi32, #tpu.memory_space<hbm>> -> memref<16xi32, #tpu.memory_space<hbm>>
      tpu.wait_dma2 semaphore(%run_scoped3A : memref<!tpu.dma_semaphore, #tpu.memory_space<semaphore_mem>>) src(%arg27 : memref<16xi32, #tpu.memory_space<vmem>>) dst(%dma_wait3A_382 : memref<16xi32, #tpu.memory_space<hbm>>)
      tpu.yield
    }) : () -> ()
    %scan3A_219 = arith.constant 0 : i32
    %scan3A_220 = arith.constant 0 : i32
    %scan3A_221 = arith.constant 32 : i32
    %scan3A_222 = arith.addi %scan3A_220, %scan3A_221 : i32
    %scan3A_223 = arith.constant 1 : i32
    %scan3A_224 = scf.for %scan3A_373 = %scan3A_220 to %scan3A_222 step %scan3A_223 iter_args(%scan3A_374 = %scan3A_219) -> (i32)  : i32 {
      %mul3A_375 = arith.constant 16 : i32
      %mul3A_376 = arith.muli %scan3A_373, %mul3A_375 : i32
      %get3A = arith.index_cast %mul3A_376 : i32 to index
      %get3A_377 = tpu.vector_load %arg21[%get3A] {strides = array<i32>} : memref<512xi32, #tpu.memory_space<vmem>>, vector<16xi32>,
      %broadcast_in_dim3A_378 = arith.constant true
      %broadcast_in_dim3A_379 = vector.broadcast %broadcast_in_dim3A_378 : i1 to vector<16xi1>
      %masked_cumsum3A = tpu.scan <sum>, %get3A_377 masked %broadcast_in_dim3A_379 : vector<16xi32>, vector<16xi1> -> vector<16xi32>
      %sub3A = arith.subi %masked_cumsum3A, %get3A_377 : vector<16xi32>
      %add3A_380 = vector.broadcast %scan3A_374 : i32 to vector<16xi32>
      %add3A_381 = arith.addi %sub3A, %add3A_380 : vector<16xi32>
      %mul3A_382 = arith.constant 16 : i32
      %mul3A_383 = arith.muli %scan3A_373, %mul3A_382 : i32
      %swap3A_384 = arith.index_cast %mul3A_383 : i32 to index
      %swap3A_385 = tpu.vector_load %arg22[%swap3A_384] {strides = array<i32>} : memref<512xi32, #tpu.memory_space<vmem>>, vector<16xi32>,
      tpu.vector_store %arg22[%swap3A_384], %add3A_381 {strides = array<i32>} : memref<512xi32, #tpu.memory_space<vmem>>, vector<16xi32>,
      %reduce_max3A = arith.constant true
      %reduce_max3A_386 = vector.broadcast %reduce_max3A : i1 to vector<16xi1>
      %reduce_max3A_387 = arith.constant -2147483648 : i32
      %reduce_max3A_388 = vector.broadcast %reduce_max3A_387 : i32 to vector<16xi32>
      %reduce_max3A_389 = arith.xori %masked_cumsum3A, %reduce_max3A_388 : vector<16xi32>
      %reduce_max3A_390 = tpu.scan <max>, %reduce_max3A_389 masked %reduce_max3A_386 : vector<16xi32>, vector<16xi1> -> vector<16xi32>
      %reduce_max3A_391 = arith.xori %reduce_max3A_390, %reduce_max3A_388 : vector<16xi32>
      %reduce_max3A_392 = vector.extract %reduce_max3A_391[15] : i32 from vector<16xi32>
      %add3A_393 = arith.addi %scan3A_374, %reduce_max3A_392 : i32
      scf.yield %add3A_393 : i32
    }
    %scan3A_225 = arith.constant 32 : i32
    %scan3A_226 = arith.constant 0 : i32
    %scan3A_227 = arith.constant 32 : i32
    %scan3A_228 = arith.addi %scan3A_226, %scan3A_227 : i32
    %scan3A_229 = arith.constant 1 : i32
    %scan3A_230 = scf.for %scan3A_373 = %scan3A_226 to %scan3A_228 step %scan3A_229 iter_args(%scan3A_374 = %broadcast_in_dim3A_201) -> (vector<16xi32>)  : i32 {
      %mul3A_375 = arith.constant 16 : i32
      %mul3A_376 = arith.muli %scan3A_373, %mul3A_375 : i32
      %get3A = arith.index_cast %mul3A_376 : i32 to index
      %get3A_377 = tpu.vector_load %arg22[%get3A] {strides = array<i32>} : memref<512xi32, #tpu.memory_space<vmem>>, vector<16xi32>,
      %get3A_378 = arith.index_cast %mul3A_376 : i32 to index
      %get3A_379 = tpu.vector_load %arg21[%get3A_378] {strides = array<i32>} : memref<512xi32, #tpu.memory_space<vmem>>, vector<16xi32>,
      %add3A_380 = arith.addi %get3A_377, %get3A_379 : vector<16xi32>
      %ge3A_381 = arith.constant 256 : i32
      %ge3A_382 = vector.broadcast %ge3A_381 : i32 to vector<16xi32>
      %ge3A_383 = arith.cmpi sge, %add3A_380, %ge3A_382 : vector<16xi32>
      %select_n3A = arith.select %ge3A_383, %add3A_380, %broadcast_in_dim3A_201 : vector<16xi1>, vector<16xi32>
      %min3A = arith.minsi %scan3A_374, %select_n3A : vector<16xi32>
      scf.yield %min3A : vector<16xi32>
    }
    %scan3A_231 = arith.constant 32 : i32
    %reduce_min3A_232 = arith.constant true
    %reduce_min3A_233 = vector.broadcast %reduce_min3A_232 : i1 to vector<16xi1>
    %reduce_min3A_234 = arith.constant -2147483648 : i32
    %reduce_min3A_235 = vector.broadcast %reduce_min3A_234 : i32 to vector<16xi32>
    %reduce_min3A_236 = arith.xori %scan3A_230, %reduce_min3A_235 : vector<16xi32>
    %reduce_min3A_237 = tpu.scan <min>, %reduce_min3A_236 masked %reduce_min3A_233 : vector<16xi32>, vector<16xi1> -> vector<16xi32>
    %reduce_min3A_238 = arith.xori %reduce_min3A_237, %reduce_min3A_235 : vector<16xi32>
    %reduce_min3A_239 = vector.extract %reduce_min3A_238[15] : i32 from vector<16xi32>
    %add3A_240 = arith.constant 15 : i32
    %add3A_241 = arith.addi %reduce_min3A_239, %add3A_240 : i32
    %shift_right_arithmetic3A_242 = arith.constant 4 : i32
    %shift_right_arithmetic3A_243 = arith.shrsi %add3A_241, %shift_right_arithmetic3A_242 : i32
    %mul3A_244 = arith.constant 16 : i32
    %mul3A_245 = arith.muli %shift_right_arithmetic3A_243, %mul3A_244 : i32
    %scan3A_246 = arith.constant 0 : i32
    %scan3A_247 = arith.constant 0 : i32
    %scan3A_248 = arith.constant 560 : i32
    %scan3A_249 = arith.addi %scan3A_247, %scan3A_248 : i32
    %scan3A_250 = arith.constant 1 : i32
    %scan3A_251 = scf.for %scan3A_373 = %scan3A_247 to %scan3A_249 step %scan3A_250 iter_args(%scan3A_374 = %scan3A_246) -> (i32)  : i32 {
      %mul3A_375 = arith.constant 16 : i32
      %mul3A_376 = arith.muli %scan3A_373, %mul3A_375 : i32
      %get3A = arith.index_cast %mul3A_376 : i32 to index
      %get3A_377 = tpu.vector_load %arg13[%get3A] {strides = array<i32>} : memref<8960xi32, #tpu.memory_space<vmem>>, vector<16xi32>,
      %mul3A_378 = arith.constant 16 : i32
      %mul3A_379 = arith.muli %scan3A_373, %mul3A_378 : i32
      %add3A_380 = vector.broadcast %mul3A_379 : i32 to vector<16xi32>
      %add3A_381 = arith.addi %iota3A_193, %add3A_380 : vector<16xi32>
      %shift_right_arithmetic3A_382 = arith.constant 18 : i32
      %shift_right_arithmetic3A_383 = vector.broadcast %shift_right_arithmetic3A_382 : i32 to vector<16xi32>
      %shift_right_arithmetic3A_384 = arith.shrsi %get3A_377, %shift_right_arithmetic3A_383 : vector<16xi32>
      %and3A = arith.constant 511 : i32
      %and3A_385 = vector.broadcast %and3A : i32 to vector<16xi32>
      %and3A_386 = arith.andi %shift_right_arithmetic3A_384, %and3A_385 : vector<16xi32>
      %broadcast_in_dim3A_387 = arith.constant true
      %broadcast_in_dim3A_388 = vector.broadcast %broadcast_in_dim3A_387 : i1 to vector<16xi1>
      %unique3A, %unique3A_389 = tpu.scan_count mask(%broadcast_in_dim3A_388 : vector<16xi1>) value(%and3A_386 : vector<16xi32>) : vector<16xi1>, vector<16xi32>
      %gather3A = tpu.vector_load_idx %arg22[%and3A_386] : memref<512xi32, #tpu.memory_space<vmem>>[vector<16xi32>], vector<16xi32>,
      %add3A_390 = arith.addi %gather3A, %unique3A_389 : vector<16xi32>
      %sub3A = arith.constant 1 : i32
      %sub3A_391 = vector.broadcast %sub3A : i32 to vector<16xi32>
      %sub3A_392 = arith.subi %add3A_390, %sub3A_391 : vector<16xi32>
      %lt3A_393 = vector.broadcast %mul3A_245 : i32 to vector<16xi32>
      %lt3A_394 = arith.cmpi slt, %sub3A_392, %lt3A_393 : vector<16xi32>
      tpu.vector_store_idx %arg15[%sub3A_392], %get3A_377 masked %lt3A_394 : memref<8960xi32, #tpu.memory_space<vmem>>[vector<16xi32>], vector<16xi32>, vector<16xi1>
      tpu.vector_store_idx %arg16[%sub3A_392], %add3A_381 masked %lt3A_394 : memref<8960xi32, #tpu.memory_space<vmem>>[vector<16xi32>], vector<16xi32>, vector<16xi1>
      tpu.vector_store_idx %arg22[%and3A_386], %unique3A_389 masked %unique3A {add = true} : memref<512xi32, #tpu.memory_space<vmem>>[vector<16xi32>], vector<16xi32>, vector<16xi1>
      %scan3A_395 = arith.constant 0 : i32
      scf.yield %scan3A_395 : i32
    }
    %scan3A_252 = arith.constant 560 : i32
    %scan3A_253 = arith.constant 0 : i32
    %scan3A_254 = arith.constant 0 : i32
    %scan3A_255 = arith.constant 32 : i32
    %scan3A_256 = arith.addi %scan3A_254, %scan3A_255 : i32
    %scan3A_257 = arith.constant 1 : i32
    %scan3A_258 = scf.for %scan3A_373 = %scan3A_254 to %scan3A_256 step %scan3A_257 iter_args(%scan3A_374 = %scan3A_253) -> (i32)  : i32 {
      %mul3A_375 = arith.constant 16 : i32
      %mul3A_376 = arith.muli %scan3A_373, %mul3A_375 : i32
      %swap3A_377 = arith.index_cast %mul3A_376 : i32 to index
      %swap3A_378 = tpu.vector_load %arg21[%swap3A_377] {strides = array<i32>} : memref<512xi32, #tpu.memory_space<vmem>>, vector<16xi32>,
      tpu.vector_store %arg21[%swap3A_377], %broadcast_in_dim3A_199 {strides = array<i32>} : memref<512xi32, #tpu.memory_space<vmem>>, vector<16xi32>,
      %scan3A_379 = arith.constant 0 : i32
      scf.yield %scan3A_379 : i32
    }
    %scan3A_259 = arith.constant 32 : i32
    %while3A_260 = arith.constant 0 : i32
    %while3A_261 = arith.constant 0 : i32
    %while3A_262 = arith.subi %shift_right_arithmetic3A_243, %while3A_261 : i32
    %while3A_263 = arith.addi %while3A_261, %while3A_262 : i32
    %while3A_264 = arith.constant 1 : i32
    %while3A_265 = arith.divsi %while3A_262, %while3A_264 : i32
    %while3A_266 = arith.muli %while3A_265, %while3A_264 : i32
    %while3A_267 = arith.addi %while3A_261, %while3A_266 : i32
    %while3A_268 = arith.constant 1 : i32
    scf.for %while3A_373 = %while3A_261 to %while3A_267 step %while3A_268  : i32 {
      %mul3A_374 = arith.constant 16 : i32
      %mul3A_375 = arith.muli %while3A_373, %mul3A_374 : i32
      %get3A = arith.index_cast %mul3A_375 : i32 to index
      %get3A_376 = tpu.vector_load %arg15[%get3A] {strides = array<i32>} : memref<8960xi32, #tpu.memory_space<vmem>>, vector<16xi32>,
      %shift_right_arithmetic3A_377 = arith.constant 0 : i32
      %shift_right_arithmetic3A_378 = vector.broadcast %shift_right_arithmetic3A_377 : i32 to vector<16xi32>
      %shift_right_arithmetic3A_379 = arith.shrsi %get3A_376, %shift_right_arithmetic3A_378 : vector<16xi32>
      %and3A = arith.constant 511 : i32
      %and3A_380 = vector.broadcast %and3A : i32 to vector<16xi32>
      %and3A_381 = arith.andi %shift_right_arithmetic3A_379, %and3A_380 : vector<16xi32>
      %broadcast_in_dim3A_382 = arith.constant true
      %broadcast_in_dim3A_383 = vector.broadcast %broadcast_in_dim3A_382 : i1 to vector<16xi1>
      %unique3A, %unique3A_384 = tpu.scan_count mask(%broadcast_in_dim3A_383 : vector<16xi1>) value(%and3A_381 : vector<16xi32>) : vector<16xi1>, vector<16xi32>
      tpu.vector_store_idx %arg21[%and3A_381], %unique3A_384 masked %unique3A {add = true} : memref<512xi32, #tpu.memory_space<vmem>>[vector<16xi32>], vector<16xi32>, vector<16xi1>
    }
    %while3A_269 = arith.constant 1 : i32
    scf.for %while3A_373 = %while3A_267 to %while3A_263 step %while3A_269  : i32 {
      %mul3A_374 = arith.constant 16 : i32
      %mul3A_375 = arith.muli %while3A_373, %mul3A_374 : i32
      %get3A = arith.index_cast %mul3A_375 : i32 to index
      %get3A_376 = tpu.vector_load %arg15[%get3A] {strides = array<i32>} : memref<8960xi32, #tpu.memory_space<vmem>>, vector<16xi32>,
      %shift_right_arithmetic3A_377 = arith.constant 0 : i32
      %shift_right_arithmetic3A_378 = vector.broadcast %shift_right_arithmetic3A_377 : i32 to vector<16xi32>
      %shift_right_arithmetic3A_379 = arith.shrsi %get3A_376, %shift_right_arithmetic3A_378 : vector<16xi32>
      %and3A = arith.constant 511 : i32
      %and3A_380 = vector.broadcast %and3A : i32 to vector<16xi32>
      %and3A_381 = arith.andi %shift_right_arithmetic3A_379, %and3A_380 : vector<16xi32>
      %broadcast_in_dim3A_382 = arith.constant true
      %broadcast_in_dim3A_383 = vector.broadcast %broadcast_in_dim3A_382 : i1 to vector<16xi1>
      %unique3A, %unique3A_384 = tpu.scan_count mask(%broadcast_in_dim3A_383 : vector<16xi1>) value(%and3A_381 : vector<16xi32>) : vector<16xi1>, vector<16xi32>
      tpu.vector_store_idx %arg21[%and3A_381], %unique3A_384 masked %unique3A {add = true} : memref<512xi32, #tpu.memory_space<vmem>>[vector<16xi32>], vector<16xi32>, vector<16xi1>
    }
    %scan3A_270 = arith.constant 0 : i32
    %scan3A_271 = arith.constant 0 : i32
    %scan3A_272 = arith.constant 32 : i32
    %scan3A_273 = arith.addi %scan3A_271, %scan3A_272 : i32
    %scan3A_274 = arith.constant 1 : i32
    %scan3A_275 = scf.for %scan3A_373 = %scan3A_271 to %scan3A_273 step %scan3A_274 iter_args(%scan3A_374 = %scan3A_270) -> (i32)  : i32 {
      %mul3A_375 = arith.constant 16 : i32
      %mul3A_376 = arith.muli %scan3A_373, %mul3A_375 : i32
      %get3A = arith.index_cast %mul3A_376 : i32 to index
      %get3A_377 = tpu.vector_load %arg21[%get3A] {strides = array<i32>} : memref<512xi32, #tpu.memory_space<vmem>>, vector<16xi32>,
      %broadcast_in_dim3A_378 = arith.constant true
      %broadcast_in_dim3A_379 = vector.broadcast %broadcast_in_dim3A_378 : i1 to vector<16xi1>
      %masked_cumsum3A = tpu.scan <sum>, %get3A_377 masked %broadcast_in_dim3A_379 : vector<16xi32>, vector<16xi1> -> vector<16xi32>
      %sub3A = arith.subi %masked_cumsum3A, %get3A_377 : vector<16xi32>
      %add3A_380 = vector.broadcast %scan3A_374 : i32 to vector<16xi32>
      %add3A_381 = arith.addi %sub3A, %add3A_380 : vector<16xi32>
      %mul3A_382 = arith.constant 16 : i32
      %mul3A_383 = arith.muli %scan3A_373, %mul3A_382 : i32
      %swap3A_384 = arith.index_cast %mul3A_383 : i32 to index
      %swap3A_385 = tpu.vector_load %arg22[%swap3A_384] {strides = array<i32>} : memref<512xi32, #tpu.memory_space<vmem>>, vector<16xi32>,
      tpu.vector_store %arg22[%swap3A_384], %add3A_381 {strides = array<i32>} : memref<512xi32, #tpu.memory_space<vmem>>, vector<16xi32>,
      %reduce_max3A = arith.constant true
      %reduce_max3A_386 = vector.broadcast %reduce_max3A : i1 to vector<16xi1>
      %reduce_max3A_387 = arith.constant -2147483648 : i32
      %reduce_max3A_388 = vector.broadcast %reduce_max3A_387 : i32 to vector<16xi32>
      %reduce_max3A_389 = arith.xori %masked_cumsum3A, %reduce_max3A_388 : vector<16xi32>
      %reduce_max3A_390 = tpu.scan <max>, %reduce_max3A_389 masked %reduce_max3A_386 : vector<16xi32>, vector<16xi1> -> vector<16xi32>
      %reduce_max3A_391 = arith.xori %reduce_max3A_390, %reduce_max3A_388 : vector<16xi32>
      %reduce_max3A_392 = vector.extract %reduce_max3A_391[15] : i32 from vector<16xi32>
      %add3A_393 = arith.addi %scan3A_374, %reduce_max3A_392 : i32
      scf.yield %add3A_393 : i32
    }
    %scan3A_276 = arith.constant 32 : i32
    %while3A_277 = arith.constant 0 : i32
    %while3A_278 = arith.constant 0 : i32
    %while3A_279 = arith.subi %shift_right_arithmetic3A_243, %while3A_277 : i32
    %while3A_280 = arith.addi %while3A_277, %while3A_279 : i32
    %while3A_281 = arith.constant 1 : i32
    %while3A_282 = arith.divsi %while3A_279, %while3A_281 : i32
    %while3A_283 = arith.muli %while3A_282, %while3A_281 : i32
    %while3A_284 = arith.addi %while3A_277, %while3A_283 : i32
    %while3A_285 = arith.constant 1 : i32
    %while3A_286 = scf.for %while3A_373 = %while3A_277 to %while3A_284 step %while3A_285 iter_args(%while3A_374 = %while3A_278) -> (i32)  : i32 {
      %mul3A_375 = arith.constant 16 : i32
      %mul3A_376 = arith.muli %while3A_373, %mul3A_375 : i32
      %get3A = arith.index_cast %mul3A_376 : i32 to index
      %get3A_377 = tpu.vector_load %arg15[%get3A] {strides = array<i32>} : memref<8960xi32, #tpu.memory_space<vmem>>, vector<16xi32>,
      %get3A_378 = arith.index_cast %mul3A_376 : i32 to index
      %get3A_379 = tpu.vector_load %arg16[%get3A_378] {strides = array<i32>} : memref<8960xi32, #tpu.memory_space<vmem>>, vector<16xi32>,
      %shift_right_arithmetic3A_380 = arith.constant 0 : i32
      %shift_right_arithmetic3A_381 = vector.broadcast %shift_right_arithmetic3A_380 : i32 to vector<16xi32>
      %shift_right_arithmetic3A_382 = arith.shrsi %get3A_377, %shift_right_arithmetic3A_381 : vector<16xi32>
      %and3A = arith.constant 511 : i32
      %and3A_383 = vector.broadcast %and3A : i32 to vector<16xi32>
      %and3A_384 = arith.andi %shift_right_arithmetic3A_382, %and3A_383 : vector<16xi32>
      %broadcast_in_dim3A_385 = arith.constant true
      %broadcast_in_dim3A_386 = vector.broadcast %broadcast_in_dim3A_385 : i1 to vector<16xi1>
      %unique3A, %unique3A_387 = tpu.scan_count mask(%broadcast_in_dim3A_386 : vector<16xi1>) value(%and3A_384 : vector<16xi32>) : vector<16xi1>, vector<16xi32>
      %gather3A = tpu.vector_load_idx %arg22[%and3A_384] : memref<512xi32, #tpu.memory_space<vmem>>[vector<16xi32>], vector<16xi32>,
      %add3A_388 = arith.addi %gather3A, %unique3A_387 : vector<16xi32>
      %sub3A = arith.constant 1 : i32
      %sub3A_389 = vector.broadcast %sub3A : i32 to vector<16xi32>
      %sub3A_390 = arith.subi %add3A_388, %sub3A_389 : vector<16xi32>
      tpu.vector_store_idx %arg13[%sub3A_390], %get3A_377 : memref<8960xi32, #tpu.memory_space<vmem>>[vector<16xi32>], vector<16xi32>,
      tpu.vector_store_idx %arg14[%sub3A_390], %get3A_379 : memref<8960xi32, #tpu.memory_space<vmem>>[vector<16xi32>], vector<16xi32>,
      tpu.vector_store_idx %arg22[%and3A_384], %unique3A_387 masked %unique3A {add = true} : memref<512xi32, #tpu.memory_space<vmem>>[vector<16xi32>], vector<16xi32>, vector<16xi1>
      %while3A_391 = arith.constant 0 : i32
      scf.yield %while3A_391 : i32
    }
    %while3A_287 = arith.constant 1 : i32
    %while3A_288 = scf.for %while3A_373 = %while3A_284 to %while3A_280 step %while3A_287 iter_args(%while3A_374 = %while3A_286) -> (i32)  : i32 {
      %mul3A_375 = arith.constant 16 : i32
      %mul3A_376 = arith.muli %while3A_373, %mul3A_375 : i32
      %get3A = arith.index_cast %mul3A_376 : i32 to index
      %get3A_377 = tpu.vector_load %arg15[%get3A] {strides = array<i32>} : memref<8960xi32, #tpu.memory_space<vmem>>, vector<16xi32>,
      %get3A_378 = arith.index_cast %mul3A_376 : i32 to index
      %get3A_379 = tpu.vector_load %arg16[%get3A_378] {strides = array<i32>} : memref<8960xi32, #tpu.memory_space<vmem>>, vector<16xi32>,
      %shift_right_arithmetic3A_380 = arith.constant 0 : i32
      %shift_right_arithmetic3A_381 = vector.broadcast %shift_right_arithmetic3A_380 : i32 to vector<16xi32>
      %shift_right_arithmetic3A_382 = arith.shrsi %get3A_377, %shift_right_arithmetic3A_381 : vector<16xi32>
      %and3A = arith.constant 511 : i32
      %and3A_383 = vector.broadcast %and3A : i32 to vector<16xi32>
      %and3A_384 = arith.andi %shift_right_arithmetic3A_382, %and3A_383 : vector<16xi32>
      %broadcast_in_dim3A_385 = arith.constant true
      %broadcast_in_dim3A_386 = vector.broadcast %broadcast_in_dim3A_385 : i1 to vector<16xi1>
      %unique3A, %unique3A_387 = tpu.scan_count mask(%broadcast_in_dim3A_386 : vector<16xi1>) value(%and3A_384 : vector<16xi32>) : vector<16xi1>, vector<16xi32>
      %gather3A = tpu.vector_load_idx %arg22[%and3A_384] : memref<512xi32, #tpu.memory_space<vmem>>[vector<16xi32>], vector<16xi32>,
      %add3A_388 = arith.addi %gather3A, %unique3A_387 : vector<16xi32>
      %sub3A = arith.constant 1 : i32
      %sub3A_389 = vector.broadcast %sub3A : i32 to vector<16xi32>
      %sub3A_390 = arith.subi %add3A_388, %sub3A_389 : vector<16xi32>
      tpu.vector_store_idx %arg13[%sub3A_390], %get3A_377 : memref<8960xi32, #tpu.memory_space<vmem>>[vector<16xi32>], vector<16xi32>,
      tpu.vector_store_idx %arg14[%sub3A_390], %get3A_379 : memref<8960xi32, #tpu.memory_space<vmem>>[vector<16xi32>], vector<16xi32>,
      tpu.vector_store_idx %arg22[%and3A_384], %unique3A_387 masked %unique3A {add = true} : memref<512xi32, #tpu.memory_space<vmem>>[vector<16xi32>], vector<16xi32>, vector<16xi1>
      %while3A_391 = arith.constant 0 : i32
      scf.yield %while3A_391 : i32
    }
    %scan3A_289 = arith.constant 0 : i32
    %scan3A_290 = arith.constant 0 : i32
    %scan3A_291 = arith.constant 32 : i32
    %scan3A_292 = arith.addi %scan3A_290, %scan3A_291 : i32
    %scan3A_293 = arith.constant 1 : i32
    %scan3A_294 = scf.for %scan3A_373 = %scan3A_290 to %scan3A_292 step %scan3A_293 iter_args(%scan3A_374 = %scan3A_289) -> (i32)  : i32 {
      %mul3A_375 = arith.constant 16 : i32
      %mul3A_376 = arith.muli %scan3A_373, %mul3A_375 : i32
      %swap3A_377 = arith.index_cast %mul3A_376 : i32 to index
      %swap3A_378 = tpu.vector_load %arg21[%swap3A_377] {strides = array<i32>} : memref<512xi32, #tpu.memory_space<vmem>>, vector<16xi32>,
      tpu.vector_store %arg21[%swap3A_377], %broadcast_in_dim3A_199 {strides = array<i32>} : memref<512xi32, #tpu.memory_space<vmem>>, vector<16xi32>,
      %scan3A_379 = arith.constant 0 : i32
      scf.yield %scan3A_379 : i32
    }
    %scan3A_295 = arith.constant 32 : i32
    %while3A_296 = arith.constant 0 : i32
    %while3A_297 = arith.constant 0 : i32
    %while3A_298 = arith.subi %shift_right_arithmetic3A_243, %while3A_297 : i32
    %while3A_299 = arith.addi %while3A_297, %while3A_298 : i32
    %while3A_300 = arith.constant 1 : i32
    %while3A_301 = arith.divsi %while3A_298, %while3A_300 : i32
    %while3A_302 = arith.muli %while3A_301, %while3A_300 : i32
    %while3A_303 = arith.addi %while3A_297, %while3A_302 : i32
    %while3A_304 = arith.constant 1 : i32
    scf.for %while3A_373 = %while3A_297 to %while3A_303 step %while3A_304  : i32 {
      %mul3A_374 = arith.constant 16 : i32
      %mul3A_375 = arith.muli %while3A_373, %mul3A_374 : i32
      %get3A = arith.index_cast %mul3A_375 : i32 to index
      %get3A_376 = tpu.vector_load %arg13[%get3A] {strides = array<i32>} : memref<8960xi32, #tpu.memory_space<vmem>>, vector<16xi32>,
      %shift_right_arithmetic3A_377 = arith.constant 9 : i32
      %shift_right_arithmetic3A_378 = vector.broadcast %shift_right_arithmetic3A_377 : i32 to vector<16xi32>
      %shift_right_arithmetic3A_379 = arith.shrsi %get3A_376, %shift_right_arithmetic3A_378 : vector<16xi32>
      %and3A = arith.constant 511 : i32
      %and3A_380 = vector.broadcast %and3A : i32 to vector<16xi32>
      %and3A_381 = arith.andi %shift_right_arithmetic3A_379, %and3A_380 : vector<16xi32>
      %broadcast_in_dim3A_382 = arith.constant true
      %broadcast_in_dim3A_383 = vector.broadcast %broadcast_in_dim3A_382 : i1 to vector<16xi1>
      %unique3A, %unique3A_384 = tpu.scan_count mask(%broadcast_in_dim3A_383 : vector<16xi1>) value(%and3A_381 : vector<16xi32>) : vector<16xi1>, vector<16xi32>
      tpu.vector_store_idx %arg21[%and3A_381], %unique3A_384 masked %unique3A {add = true} : memref<512xi32, #tpu.memory_space<vmem>>[vector<16xi32>], vector<16xi32>, vector<16xi1>
    }
    %while3A_305 = arith.constant 1 : i32
    scf.for %while3A_373 = %while3A_303 to %while3A_299 step %while3A_305  : i32 {
      %mul3A_374 = arith.constant 16 : i32
      %mul3A_375 = arith.muli %while3A_373, %mul3A_374 : i32
      %get3A = arith.index_cast %mul3A_375 : i32 to index
      %get3A_376 = tpu.vector_load %arg13[%get3A] {strides = array<i32>} : memref<8960xi32, #tpu.memory_space<vmem>>, vector<16xi32>,
      %shift_right_arithmetic3A_377 = arith.constant 9 : i32
      %shift_right_arithmetic3A_378 = vector.broadcast %shift_right_arithmetic3A_377 : i32 to vector<16xi32>
      %shift_right_arithmetic3A_379 = arith.shrsi %get3A_376, %shift_right_arithmetic3A_378 : vector<16xi32>
      %and3A = arith.constant 511 : i32
      %and3A_380 = vector.broadcast %and3A : i32 to vector<16xi32>
      %and3A_381 = arith.andi %shift_right_arithmetic3A_379, %and3A_380 : vector<16xi32>
      %broadcast_in_dim3A_382 = arith.constant true
      %broadcast_in_dim3A_383 = vector.broadcast %broadcast_in_dim3A_382 : i1 to vector<16xi1>
      %unique3A, %unique3A_384 = tpu.scan_count mask(%broadcast_in_dim3A_383 : vector<16xi1>) value(%and3A_381 : vector<16xi32>) : vector<16xi1>, vector<16xi32>
      tpu.vector_store_idx %arg21[%and3A_381], %unique3A_384 masked %unique3A {add = true} : memref<512xi32, #tpu.memory_space<vmem>>[vector<16xi32>], vector<16xi32>, vector<16xi1>
    }
    %scan3A_306 = arith.constant 0 : i32
    %scan3A_307 = arith.constant 0 : i32
    %scan3A_308 = arith.constant 32 : i32
    %scan3A_309 = arith.addi %scan3A_307, %scan3A_308 : i32
    %scan3A_310 = arith.constant 1 : i32
    %scan3A_311 = scf.for %scan3A_373 = %scan3A_307 to %scan3A_309 step %scan3A_310 iter_args(%scan3A_374 = %scan3A_306) -> (i32)  : i32 {
      %mul3A_375 = arith.constant 16 : i32
      %mul3A_376 = arith.muli %scan3A_373, %mul3A_375 : i32
      %get3A = arith.index_cast %mul3A_376 : i32 to index
      %get3A_377 = tpu.vector_load %arg21[%get3A] {strides = array<i32>} : memref<512xi32, #tpu.memory_space<vmem>>, vector<16xi32>,
      %broadcast_in_dim3A_378 = arith.constant true
      %broadcast_in_dim3A_379 = vector.broadcast %broadcast_in_dim3A_378 : i1 to vector<16xi1>
      %masked_cumsum3A = tpu.scan <sum>, %get3A_377 masked %broadcast_in_dim3A_379 : vector<16xi32>, vector<16xi1> -> vector<16xi32>
      %sub3A = arith.subi %masked_cumsum3A, %get3A_377 : vector<16xi32>
      %add3A_380 = vector.broadcast %scan3A_374 : i32 to vector<16xi32>
      %add3A_381 = arith.addi %sub3A, %add3A_380 : vector<16xi32>
      %mul3A_382 = arith.constant 16 : i32
      %mul3A_383 = arith.muli %scan3A_373, %mul3A_382 : i32
      %swap3A_384 = arith.index_cast %mul3A_383 : i32 to index
      %swap3A_385 = tpu.vector_load %arg22[%swap3A_384] {strides = array<i32>} : memref<512xi32, #tpu.memory_space<vmem>>, vector<16xi32>,
      tpu.vector_store %arg22[%swap3A_384], %add3A_381 {strides = array<i32>} : memref<512xi32, #tpu.memory_space<vmem>>, vector<16xi32>,
      %reduce_max3A = arith.constant true
      %reduce_max3A_386 = vector.broadcast %reduce_max3A : i1 to vector<16xi1>
      %reduce_max3A_387 = arith.constant -2147483648 : i32
      %reduce_max3A_388 = vector.broadcast %reduce_max3A_387 : i32 to vector<16xi32>
      %reduce_max3A_389 = arith.xori %masked_cumsum3A, %reduce_max3A_388 : vector<16xi32>
      %reduce_max3A_390 = tpu.scan <max>, %reduce_max3A_389 masked %reduce_max3A_386 : vector<16xi32>, vector<16xi1> -> vector<16xi32>
      %reduce_max3A_391 = arith.xori %reduce_max3A_390, %reduce_max3A_388 : vector<16xi32>
      %reduce_max3A_392 = vector.extract %reduce_max3A_391[15] : i32 from vector<16xi32>
      %add3A_393 = arith.addi %scan3A_374, %reduce_max3A_392 : i32
      scf.yield %add3A_393 : i32
    }
    %scan3A_312 = arith.constant 32 : i32
    %while3A_313 = arith.constant 0 : i32
    %while3A_314 = arith.constant 0 : i32
    %while3A_315 = arith.subi %shift_right_arithmetic3A_243, %while3A_313 : i32
    %while3A_316 = arith.addi %while3A_313, %while3A_315 : i32
    %while3A_317 = arith.constant 1 : i32
    %while3A_318 = arith.divsi %while3A_315, %while3A_317 : i32
    %while3A_319 = arith.muli %while3A_318, %while3A_317 : i32
    %while3A_320 = arith.addi %while3A_313, %while3A_319 : i32
    %while3A_321 = arith.constant 1 : i32
    %while3A_322 = scf.for %while3A_373 = %while3A_313 to %while3A_320 step %while3A_321 iter_args(%while3A_374 = %while3A_314) -> (i32)  : i32 {
      %mul3A_375 = arith.constant 16 : i32
      %mul3A_376 = arith.muli %while3A_373, %mul3A_375 : i32
      %get3A = arith.index_cast %mul3A_376 : i32 to index
      %get3A_377 = tpu.vector_load %arg13[%get3A] {strides = array<i32>} : memref<8960xi32, #tpu.memory_space<vmem>>, vector<16xi32>,
      %get3A_378 = arith.index_cast %mul3A_376 : i32 to index
      %get3A_379 = tpu.vector_load %arg14[%get3A_378] {strides = array<i32>} : memref<8960xi32, #tpu.memory_space<vmem>>, vector<16xi32>,
      %shift_right_arithmetic3A_380 = arith.constant 9 : i32
      %shift_right_arithmetic3A_381 = vector.broadcast %shift_right_arithmetic3A_380 : i32 to vector<16xi32>
      %shift_right_arithmetic3A_382 = arith.shrsi %get3A_377, %shift_right_arithmetic3A_381 : vector<16xi32>
      %and3A = arith.constant 511 : i32
      %and3A_383 = vector.broadcast %and3A : i32 to vector<16xi32>
      %and3A_384 = arith.andi %shift_right_arithmetic3A_382, %and3A_383 : vector<16xi32>
      %broadcast_in_dim3A_385 = arith.constant true
      %broadcast_in_dim3A_386 = vector.broadcast %broadcast_in_dim3A_385 : i1 to vector<16xi1>
      %unique3A, %unique3A_387 = tpu.scan_count mask(%broadcast_in_dim3A_386 : vector<16xi1>) value(%and3A_384 : vector<16xi32>) : vector<16xi1>, vector<16xi32>
      %gather3A = tpu.vector_load_idx %arg22[%and3A_384] : memref<512xi32, #tpu.memory_space<vmem>>[vector<16xi32>], vector<16xi32>,
      %add3A_388 = arith.addi %gather3A, %unique3A_387 : vector<16xi32>
      %sub3A = arith.constant 1 : i32
      %sub3A_389 = vector.broadcast %sub3A : i32 to vector<16xi32>
      %sub3A_390 = arith.subi %add3A_388, %sub3A_389 : vector<16xi32>
      tpu.vector_store_idx %arg15[%sub3A_390], %get3A_377 : memref<8960xi32, #tpu.memory_space<vmem>>[vector<16xi32>], vector<16xi32>,
      tpu.vector_store_idx %arg16[%sub3A_390], %get3A_379 : memref<8960xi32, #tpu.memory_space<vmem>>[vector<16xi32>], vector<16xi32>,
      tpu.vector_store_idx %arg22[%and3A_384], %unique3A_387 masked %unique3A {add = true} : memref<512xi32, #tpu.memory_space<vmem>>[vector<16xi32>], vector<16xi32>, vector<16xi1>
      %while3A_391 = arith.constant 0 : i32
      scf.yield %while3A_391 : i32
    }
    %while3A_323 = arith.constant 1 : i32
    %while3A_324 = scf.for %while3A_373 = %while3A_320 to %while3A_316 step %while3A_323 iter_args(%while3A_374 = %while3A_322) -> (i32)  : i32 {
      %mul3A_375 = arith.constant 16 : i32
      %mul3A_376 = arith.muli %while3A_373, %mul3A_375 : i32
      %get3A = arith.index_cast %mul3A_376 : i32 to index
      %get3A_377 = tpu.vector_load %arg13[%get3A] {strides = array<i32>} : memref<8960xi32, #tpu.memory_space<vmem>>, vector<16xi32>,
      %get3A_378 = arith.index_cast %mul3A_376 : i32 to index
      %get3A_379 = tpu.vector_load %arg14[%get3A_378] {strides = array<i32>} : memref<8960xi32, #tpu.memory_space<vmem>>, vector<16xi32>,
      %shift_right_arithmetic3A_380 = arith.constant 9 : i32
      %shift_right_arithmetic3A_381 = vector.broadcast %shift_right_arithmetic3A_380 : i32 to vector<16xi32>
      %shift_right_arithmetic3A_382 = arith.shrsi %get3A_377, %shift_right_arithmetic3A_381 : vector<16xi32>
      %and3A = arith.constant 511 : i32
      %and3A_383 = vector.broadcast %and3A : i32 to vector<16xi32>
      %and3A_384 = arith.andi %shift_right_arithmetic3A_382, %and3A_383 : vector<16xi32>
      %broadcast_in_dim3A_385 = arith.constant true
      %broadcast_in_dim3A_386 = vector.broadcast %broadcast_in_dim3A_385 : i1 to vector<16xi1>
      %unique3A, %unique3A_387 = tpu.scan_count mask(%broadcast_in_dim3A_386 : vector<16xi1>) value(%and3A_384 : vector<16xi32>) : vector<16xi1>, vector<16xi32>
      %gather3A = tpu.vector_load_idx %arg22[%and3A_384] : memref<512xi32, #tpu.memory_space<vmem>>[vector<16xi32>], vector<16xi32>,
      %add3A_388 = arith.addi %gather3A, %unique3A_387 : vector<16xi32>
      %sub3A = arith.constant 1 : i32
      %sub3A_389 = vector.broadcast %sub3A : i32 to vector<16xi32>
      %sub3A_390 = arith.subi %add3A_388, %sub3A_389 : vector<16xi32>
      tpu.vector_store_idx %arg15[%sub3A_390], %get3A_377 : memref<8960xi32, #tpu.memory_space<vmem>>[vector<16xi32>], vector<16xi32>,
      tpu.vector_store_idx %arg16[%sub3A_390], %get3A_379 : memref<8960xi32, #tpu.memory_space<vmem>>[vector<16xi32>], vector<16xi32>,
      tpu.vector_store_idx %arg22[%and3A_384], %unique3A_387 masked %unique3A {add = true} : memref<512xi32, #tpu.memory_space<vmem>>[vector<16xi32>], vector<16xi32>, vector<16xi1>
      %while3A_391 = arith.constant 0 : i32
      scf.yield %while3A_391 : i32
    }
    %scan3A_325 = arith.constant 0 : i32
    %scan3A_326 = arith.constant 0 : i32
    %scan3A_327 = arith.constant 32 : i32
    %scan3A_328 = arith.addi %scan3A_326, %scan3A_327 : i32
    %scan3A_329 = arith.constant 1 : i32
    %scan3A_330 = scf.for %scan3A_373 = %scan3A_326 to %scan3A_328 step %scan3A_329 iter_args(%scan3A_374 = %scan3A_325) -> (i32)  : i32 {
      %mul3A_375 = arith.constant 16 : i32
      %mul3A_376 = arith.muli %scan3A_373, %mul3A_375 : i32
      %swap3A_377 = arith.index_cast %mul3A_376 : i32 to index
      %swap3A_378 = tpu.vector_load %arg21[%swap3A_377] {strides = array<i32>} : memref<512xi32, #tpu.memory_space<vmem>>, vector<16xi32>,
      tpu.vector_store %arg21[%swap3A_377], %broadcast_in_dim3A_199 {strides = array<i32>} : memref<512xi32, #tpu.memory_space<vmem>>, vector<16xi32>,
      %scan3A_379 = arith.constant 0 : i32
      scf.yield %scan3A_379 : i32
    }
    %scan3A_331 = arith.constant 32 : i32
    %while3A_332 = arith.constant 0 : i32
    %while3A_333 = arith.constant 0 : i32
    %while3A_334 = arith.subi %shift_right_arithmetic3A_243, %while3A_333 : i32
    %while3A_335 = arith.addi %while3A_333, %while3A_334 : i32
    %while3A_336 = arith.constant 1 : i32
    %while3A_337 = arith.divsi %while3A_334, %while3A_336 : i32
    %while3A_338 = arith.muli %while3A_337, %while3A_336 : i32
    %while3A_339 = arith.addi %while3A_333, %while3A_338 : i32
    %while3A_340 = arith.constant 1 : i32
    scf.for %while3A_373 = %while3A_333 to %while3A_339 step %while3A_340  : i32 {
      %mul3A_374 = arith.constant 16 : i32
      %mul3A_375 = arith.muli %while3A_373, %mul3A_374 : i32
      %get3A = arith.index_cast %mul3A_375 : i32 to index
      %get3A_376 = tpu.vector_load %arg15[%get3A] {strides = array<i32>} : memref<8960xi32, #tpu.memory_space<vmem>>, vector<16xi32>,
      %shift_right_arithmetic3A_377 = arith.constant 18 : i32
      %shift_right_arithmetic3A_378 = vector.broadcast %shift_right_arithmetic3A_377 : i32 to vector<16xi32>
      %shift_right_arithmetic3A_379 = arith.shrsi %get3A_376, %shift_right_arithmetic3A_378 : vector<16xi32>
      %and3A = arith.constant 511 : i32
      %and3A_380 = vector.broadcast %and3A : i32 to vector<16xi32>
      %and3A_381 = arith.andi %shift_right_arithmetic3A_379, %and3A_380 : vector<16xi32>
      %broadcast_in_dim3A_382 = arith.constant true
      %broadcast_in_dim3A_383 = vector.broadcast %broadcast_in_dim3A_382 : i1 to vector<16xi1>
      %unique3A, %unique3A_384 = tpu.scan_count mask(%broadcast_in_dim3A_383 : vector<16xi1>) value(%and3A_381 : vector<16xi32>) : vector<16xi1>, vector<16xi32>
      tpu.vector_store_idx %arg21[%and3A_381], %unique3A_384 masked %unique3A {add = true} : memref<512xi32, #tpu.memory_space<vmem>>[vector<16xi32>], vector<16xi32>, vector<16xi1>
    }
    %while3A_341 = arith.constant 1 : i32
    scf.for %while3A_373 = %while3A_339 to %while3A_335 step %while3A_341  : i32 {
      %mul3A_374 = arith.constant 16 : i32
      %mul3A_375 = arith.muli %while3A_373, %mul3A_374 : i32
      %get3A = arith.index_cast %mul3A_375 : i32 to index
      %get3A_376 = tpu.vector_load %arg15[%get3A] {strides = array<i32>} : memref<8960xi32, #tpu.memory_space<vmem>>, vector<16xi32>,
      %shift_right_arithmetic3A_377 = arith.constant 18 : i32
      %shift_right_arithmetic3A_378 = vector.broadcast %shift_right_arithmetic3A_377 : i32 to vector<16xi32>
      %shift_right_arithmetic3A_379 = arith.shrsi %get3A_376, %shift_right_arithmetic3A_378 : vector<16xi32>
      %and3A = arith.constant 511 : i32
      %and3A_380 = vector.broadcast %and3A : i32 to vector<16xi32>
      %and3A_381 = arith.andi %shift_right_arithmetic3A_379, %and3A_380 : vector<16xi32>
      %broadcast_in_dim3A_382 = arith.constant true
      %broadcast_in_dim3A_383 = vector.broadcast %broadcast_in_dim3A_382 : i1 to vector<16xi1>
      %unique3A, %unique3A_384 = tpu.scan_count mask(%broadcast_in_dim3A_383 : vector<16xi1>) value(%and3A_381 : vector<16xi32>) : vector<16xi1>, vector<16xi32>
      tpu.vector_store_idx %arg21[%and3A_381], %unique3A_384 masked %unique3A {add = true} : memref<512xi32, #tpu.memory_space<vmem>>[vector<16xi32>], vector<16xi32>, vector<16xi1>
    }
    %scan3A_342 = arith.constant 0 : i32
    %scan3A_343 = arith.constant 0 : i32
    %scan3A_344 = arith.constant 32 : i32
    %scan3A_345 = arith.addi %scan3A_343, %scan3A_344 : i32
    %scan3A_346 = arith.constant 1 : i32
    %scan3A_347 = scf.for %scan3A_373 = %scan3A_343 to %scan3A_345 step %scan3A_346 iter_args(%scan3A_374 = %scan3A_342) -> (i32)  : i32 {
      %mul3A_375 = arith.constant 16 : i32
      %mul3A_376 = arith.muli %scan3A_373, %mul3A_375 : i32
      %get3A = arith.index_cast %mul3A_376 : i32 to index
      %get3A_377 = tpu.vector_load %arg21[%get3A] {strides = array<i32>} : memref<512xi32, #tpu.memory_space<vmem>>, vector<16xi32>,
      %broadcast_in_dim3A_378 = arith.constant true
      %broadcast_in_dim3A_379 = vector.broadcast %broadcast_in_dim3A_378 : i1 to vector<16xi1>
      %masked_cumsum3A = tpu.scan <sum>, %get3A_377 masked %broadcast_in_dim3A_379 : vector<16xi32>, vector<16xi1> -> vector<16xi32>
      %sub3A = arith.subi %masked_cumsum3A, %get3A_377 : vector<16xi32>
      %add3A_380 = vector.broadcast %scan3A_374 : i32 to vector<16xi32>
      %add3A_381 = arith.addi %sub3A, %add3A_380 : vector<16xi32>
      %mul3A_382 = arith.constant 16 : i32
      %mul3A_383 = arith.muli %scan3A_373, %mul3A_382 : i32
      %swap3A_384 = arith.index_cast %mul3A_383 : i32 to index
      %swap3A_385 = tpu.vector_load %arg22[%swap3A_384] {strides = array<i32>} : memref<512xi32, #tpu.memory_space<vmem>>, vector<16xi32>,
      tpu.vector_store %arg22[%swap3A_384], %add3A_381 {strides = array<i32>} : memref<512xi32, #tpu.memory_space<vmem>>, vector<16xi32>,
      %reduce_max3A = arith.constant true
      %reduce_max3A_386 = vector.broadcast %reduce_max3A : i1 to vector<16xi1>
      %reduce_max3A_387 = arith.constant -2147483648 : i32
      %reduce_max3A_388 = vector.broadcast %reduce_max3A_387 : i32 to vector<16xi32>
      %reduce_max3A_389 = arith.xori %masked_cumsum3A, %reduce_max3A_388 : vector<16xi32>
      %reduce_max3A_390 = tpu.scan <max>, %reduce_max3A_389 masked %reduce_max3A_386 : vector<16xi32>, vector<16xi1> -> vector<16xi32>
      %reduce_max3A_391 = arith.xori %reduce_max3A_390, %reduce_max3A_388 : vector<16xi32>
      %reduce_max3A_392 = vector.extract %reduce_max3A_391[15] : i32 from vector<16xi32>
      %add3A_393 = arith.addi %scan3A_374, %reduce_max3A_392 : i32
      scf.yield %add3A_393 : i32
    }
    %scan3A_348 = arith.constant 32 : i32
    %while3A_349 = arith.constant 0 : i32
    %while3A_350 = arith.constant 0 : i32
    %while3A_351 = arith.subi %shift_right_arithmetic3A_243, %while3A_349 : i32
    %while3A_352 = arith.addi %while3A_349, %while3A_351 : i32
    %while3A_353 = arith.constant 1 : i32
    %while3A_354 = arith.divsi %while3A_351, %while3A_353 : i32
    %while3A_355 = arith.muli %while3A_354, %while3A_353 : i32
    %while3A_356 = arith.addi %while3A_349, %while3A_355 : i32
    %while3A_357 = arith.constant 1 : i32
    %while3A_358 = scf.for %while3A_373 = %while3A_349 to %while3A_356 step %while3A_357 iter_args(%while3A_374 = %while3A_350) -> (i32)  : i32 {
      %mul3A_375 = arith.constant 16 : i32
      %mul3A_376 = arith.muli %while3A_373, %mul3A_375 : i32
      %get3A = arith.index_cast %mul3A_376 : i32 to index
      %get3A_377 = tpu.vector_load %arg15[%get3A] {strides = array<i32>} : memref<8960xi32, #tpu.memory_space<vmem>>, vector<16xi32>,
      %get3A_378 = arith.index_cast %mul3A_376 : i32 to index
      %get3A_379 = tpu.vector_load %arg16[%get3A_378] {strides = array<i32>} : memref<8960xi32, #tpu.memory_space<vmem>>, vector<16xi32>,
      %shift_right_arithmetic3A_380 = arith.constant 18 : i32
      %shift_right_arithmetic3A_381 = vector.broadcast %shift_right_arithmetic3A_380 : i32 to vector<16xi32>
      %shift_right_arithmetic3A_382 = arith.shrsi %get3A_377, %shift_right_arithmetic3A_381 : vector<16xi32>
      %and3A = arith.constant 511 : i32
      %and3A_383 = vector.broadcast %and3A : i32 to vector<16xi32>
      %and3A_384 = arith.andi %shift_right_arithmetic3A_382, %and3A_383 : vector<16xi32>
      %broadcast_in_dim3A_385 = arith.constant true
      %broadcast_in_dim3A_386 = vector.broadcast %broadcast_in_dim3A_385 : i1 to vector<16xi1>
      %unique3A, %unique3A_387 = tpu.scan_count mask(%broadcast_in_dim3A_386 : vector<16xi1>) value(%and3A_384 : vector<16xi32>) : vector<16xi1>, vector<16xi32>
      %gather3A = tpu.vector_load_idx %arg22[%and3A_384] : memref<512xi32, #tpu.memory_space<vmem>>[vector<16xi32>], vector<16xi32>,
      %add3A_388 = arith.addi %gather3A, %unique3A_387 : vector<16xi32>
      %sub3A = arith.constant 1 : i32
      %sub3A_389 = vector.broadcast %sub3A : i32 to vector<16xi32>
      %sub3A_390 = arith.subi %add3A_388, %sub3A_389 : vector<16xi32>
      tpu.vector_store_idx %arg13[%sub3A_390], %get3A_377 : memref<8960xi32, #tpu.memory_space<vmem>>[vector<16xi32>], vector<16xi32>,
      tpu.vector_store_idx %arg14[%sub3A_390], %get3A_379 : memref<8960xi32, #tpu.memory_space<vmem>>[vector<16xi32>], vector<16xi32>,
      tpu.vector_store_idx %arg22[%and3A_384], %unique3A_387 masked %unique3A {add = true} : memref<512xi32, #tpu.memory_space<vmem>>[vector<16xi32>], vector<16xi32>, vector<16xi1>
      %while3A_391 = arith.constant 0 : i32
      scf.yield %while3A_391 : i32
    }
    %while3A_359 = arith.constant 1 : i32
    %while3A_360 = scf.for %while3A_373 = %while3A_356 to %while3A_352 step %while3A_359 iter_args(%while3A_374 = %while3A_358) -> (i32)  : i32 {
      %mul3A_375 = arith.constant 16 : i32
      %mul3A_376 = arith.muli %while3A_373, %mul3A_375 : i32
      %get3A = arith.index_cast %mul3A_376 : i32 to index
      %get3A_377 = tpu.vector_load %arg15[%get3A] {strides = array<i32>} : memref<8960xi32, #tpu.memory_space<vmem>>, vector<16xi32>,
      %get3A_378 = arith.index_cast %mul3A_376 : i32 to index
      %get3A_379 = tpu.vector_load %arg16[%get3A_378] {strides = array<i32>} : memref<8960xi32, #tpu.memory_space<vmem>>, vector<16xi32>,
      %shift_right_arithmetic3A_380 = arith.constant 18 : i32
      %shift_right_arithmetic3A_381 = vector.broadcast %shift_right_arithmetic3A_380 : i32 to vector<16xi32>
      %shift_right_arithmetic3A_382 = arith.shrsi %get3A_377, %shift_right_arithmetic3A_381 : vector<16xi32>
      %and3A = arith.constant 511 : i32
      %and3A_383 = vector.broadcast %and3A : i32 to vector<16xi32>
      %and3A_384 = arith.andi %shift_right_arithmetic3A_382, %and3A_383 : vector<16xi32>
      %broadcast_in_dim3A_385 = arith.constant true
      %broadcast_in_dim3A_386 = vector.broadcast %broadcast_in_dim3A_385 : i1 to vector<16xi1>
      %unique3A, %unique3A_387 = tpu.scan_count mask(%broadcast_in_dim3A_386 : vector<16xi1>) value(%and3A_384 : vector<16xi32>) : vector<16xi1>, vector<16xi32>
      %gather3A = tpu.vector_load_idx %arg22[%and3A_384] : memref<512xi32, #tpu.memory_space<vmem>>[vector<16xi32>], vector<16xi32>,
      %add3A_388 = arith.addi %gather3A, %unique3A_387 : vector<16xi32>
      %sub3A = arith.constant 1 : i32
      %sub3A_389 = vector.broadcast %sub3A : i32 to vector<16xi32>
      %sub3A_390 = arith.subi %add3A_388, %sub3A_389 : vector<16xi32>
      tpu.vector_store_idx %arg13[%sub3A_390], %get3A_377 : memref<8960xi32, #tpu.memory_space<vmem>>[vector<16xi32>], vector<16xi32>,
      tpu.vector_store_idx %arg14[%sub3A_390], %get3A_379 : memref<8960xi32, #tpu.memory_space<vmem>>[vector<16xi32>], vector<16xi32>,
      tpu.vector_store_idx %arg22[%and3A_384], %unique3A_387 masked %unique3A {add = true} : memref<512xi32, #tpu.memory_space<vmem>>[vector<16xi32>], vector<16xi32>, vector<16xi1>
      %while3A_391 = arith.constant 0 : i32
      scf.yield %while3A_391 : i32
    }
    "tpu.region"() ({
      %run_scoped3A = tpu.sem_alloc : memref<!tpu.dma_semaphore, #tpu.memory_space<semaphore_mem>>
      %dma_start3A = arith.constant 0 : i32
      %dma_start3A_373 = tpu.memref_slice %arg3[%add3A_192, %dma_start3A] : memref<4x8960xf32, #tpu.memory_space<hbm>> -> memref<1x8960xf32, #tpu.memory_space<hbm>>
      %dma_start3A_374 = tpu.memref_squeeze %dma_start3A_373 : memref<1x8960xf32, #tpu.memory_space<hbm>> -> memref<8960xf32, #tpu.memory_space<hbm>>
      %dma_start3A_375 = arith.constant 0 : i32
      %dma_start3A_376 = tpu.memref_slice %arg3[%add3A_192, %dma_start3A_375] : memref<4x8960xf32, #tpu.memory_space<hbm>> -> memref<1x8960xf32, #tpu.memory_space<hbm>>
      %dma_start3A_377 = tpu.memref_squeeze %dma_start3A_376 : memref<1x8960xf32, #tpu.memory_space<hbm>> -> memref<8960xf32, #tpu.memory_space<hbm>>
      tpu.enqueue_dma source(%dma_start3A_377 : memref<8960xf32, #tpu.memory_space<hbm>>) target(%arg17 : memref<8960xf32, #tpu.memory_space<vmem>>) target_semaphore(%run_scoped3A : memref<!tpu.dma_semaphore, #tpu.memory_space<semaphore_mem>>)
      %dma_wait3A = arith.constant 0 : i32
      %dma_wait3A_378 = tpu.memref_slice %arg3[%add3A_192, %dma_wait3A] : memref<4x8960xf32, #tpu.memory_space<hbm>> -> memref<1x8960xf32, #tpu.memory_space<hbm>>
      %dma_wait3A_379 = tpu.memref_squeeze %dma_wait3A_378 : memref<1x8960xf32, #tpu.memory_space<hbm>> -> memref<8960xf32, #tpu.memory_space<hbm>>
      %dma_wait3A_380 = arith.constant 0 : i32
      %dma_wait3A_381 = tpu.memref_slice %arg3[%add3A_192, %dma_wait3A_380] : memref<4x8960xf32, #tpu.memory_space<hbm>> -> memref<1x8960xf32, #tpu.memory_space<hbm>>
      %dma_wait3A_382 = tpu.memref_squeeze %dma_wait3A_381 : memref<1x8960xf32, #tpu.memory_space<hbm>> -> memref<8960xf32, #tpu.memory_space<hbm>>
      tpu.wait_dma2 semaphore(%run_scoped3A : memref<!tpu.dma_semaphore, #tpu.memory_space<semaphore_mem>>) src(%dma_wait3A_382 : memref<8960xf32, #tpu.memory_space<hbm>>) dst(%arg17 : memref<8960xf32, #tpu.memory_space<vmem>>)
      tpu.yield
    }) : () -> ()
    "tpu.region"() ({
      %run_scoped3A = tpu.sem_alloc : memref<!tpu.dma_semaphore, #tpu.memory_space<semaphore_mem>>
      %dma_start3A = arith.constant 0 : i32
      %dma_start3A_373 = tpu.memref_slice %arg4[%add3A_192, %dma_start3A] : memref<4x8960xf32, #tpu.memory_space<hbm>> -> memref<1x8960xf32, #tpu.memory_space<hbm>>
      %dma_start3A_374 = tpu.memref_squeeze %dma_start3A_373 : memref<1x8960xf32, #tpu.memory_space<hbm>> -> memref<8960xf32, #tpu.memory_space<hbm>>
      %dma_start3A_375 = arith.constant 0 : i32
      %dma_start3A_376 = tpu.memref_slice %arg4[%add3A_192, %dma_start3A_375] : memref<4x8960xf32, #tpu.memory_space<hbm>> -> memref<1x8960xf32, #tpu.memory_space<hbm>>
      %dma_start3A_377 = tpu.memref_squeeze %dma_start3A_376 : memref<1x8960xf32, #tpu.memory_space<hbm>> -> memref<8960xf32, #tpu.memory_space<hbm>>
      tpu.enqueue_dma source(%dma_start3A_377 : memref<8960xf32, #tpu.memory_space<hbm>>) target(%arg18 : memref<8960xf32, #tpu.memory_space<vmem>>) target_semaphore(%run_scoped3A : memref<!tpu.dma_semaphore, #tpu.memory_space<semaphore_mem>>)
      %dma_wait3A = arith.constant 0 : i32
      %dma_wait3A_378 = tpu.memref_slice %arg4[%add3A_192, %dma_wait3A] : memref<4x8960xf32, #tpu.memory_space<hbm>> -> memref<1x8960xf32, #tpu.memory_space<hbm>>
      %dma_wait3A_379 = tpu.memref_squeeze %dma_wait3A_378 : memref<1x8960xf32, #tpu.memory_space<hbm>> -> memref<8960xf32, #tpu.memory_space<hbm>>
      %dma_wait3A_380 = arith.constant 0 : i32
      %dma_wait3A_381 = tpu.memref_slice %arg4[%add3A_192, %dma_wait3A_380] : memref<4x8960xf32, #tpu.memory_space<hbm>> -> memref<1x8960xf32, #tpu.memory_space<hbm>>
      %dma_wait3A_382 = tpu.memref_squeeze %dma_wait3A_381 : memref<1x8960xf32, #tpu.memory_space<hbm>> -> memref<8960xf32, #tpu.memory_space<hbm>>
      tpu.wait_dma2 semaphore(%run_scoped3A : memref<!tpu.dma_semaphore, #tpu.memory_space<semaphore_mem>>) src(%dma_wait3A_382 : memref<8960xf32, #tpu.memory_space<hbm>>) dst(%arg18 : memref<8960xf32, #tpu.memory_space<vmem>>)
      tpu.yield
    }) : () -> ()
    "tpu.region"() ({
      %run_scoped3A = tpu.sem_alloc : memref<!tpu.dma_semaphore, #tpu.memory_space<semaphore_mem>>
      %dma_start3A = arith.constant 0 : i32
      %dma_start3A_373 = tpu.memref_slice %arg5[%add3A_192, %dma_start3A] : memref<4x8960xf32, #tpu.memory_space<hbm>> -> memref<1x8960xf32, #tpu.memory_space<hbm>>
      %dma_start3A_374 = tpu.memref_squeeze %dma_start3A_373 : memref<1x8960xf32, #tpu.memory_space<hbm>> -> memref<8960xf32, #tpu.memory_space<hbm>>
      %dma_start3A_375 = arith.constant 0 : i32
      %dma_start3A_376 = tpu.memref_slice %arg5[%add3A_192, %dma_start3A_375] : memref<4x8960xf32, #tpu.memory_space<hbm>> -> memref<1x8960xf32, #tpu.memory_space<hbm>>
      %dma_start3A_377 = tpu.memref_squeeze %dma_start3A_376 : memref<1x8960xf32, #tpu.memory_space<hbm>> -> memref<8960xf32, #tpu.memory_space<hbm>>
      tpu.enqueue_dma source(%dma_start3A_377 : memref<8960xf32, #tpu.memory_space<hbm>>) target(%arg19 : memref<8960xf32, #tpu.memory_space<vmem>>) target_semaphore(%run_scoped3A : memref<!tpu.dma_semaphore, #tpu.memory_space<semaphore_mem>>)
      %dma_wait3A = arith.constant 0 : i32
      %dma_wait3A_378 = tpu.memref_slice %arg5[%add3A_192, %dma_wait3A] : memref<4x8960xf32, #tpu.memory_space<hbm>> -> memref<1x8960xf32, #tpu.memory_space<hbm>>
      %dma_wait3A_379 = tpu.memref_squeeze %dma_wait3A_378 : memref<1x8960xf32, #tpu.memory_space<hbm>> -> memref<8960xf32, #tpu.memory_space<hbm>>
      %dma_wait3A_380 = arith.constant 0 : i32
      %dma_wait3A_381 = tpu.memref_slice %arg5[%add3A_192, %dma_wait3A_380] : memref<4x8960xf32, #tpu.memory_space<hbm>> -> memref<1x8960xf32, #tpu.memory_space<hbm>>
      %dma_wait3A_382 = tpu.memref_squeeze %dma_wait3A_381 : memref<1x8960xf32, #tpu.memory_space<hbm>> -> memref<8960xf32, #tpu.memory_space<hbm>>
      tpu.wait_dma2 semaphore(%run_scoped3A : memref<!tpu.dma_semaphore, #tpu.memory_space<semaphore_mem>>) src(%dma_wait3A_382 : memref<8960xf32, #tpu.memory_space<hbm>>) dst(%arg19 : memref<8960xf32, #tpu.memory_space<vmem>>)
      tpu.yield
    }) : () -> ()
    "tpu.region"() ({
      %run_scoped3A = tpu.sem_alloc : memref<!tpu.dma_semaphore, #tpu.memory_space<semaphore_mem>>
      %dma_start3A = arith.constant 0 : i32
      %dma_start3A_373 = tpu.memref_slice %arg6[%add3A_192, %dma_start3A] : memref<4x8960xf32, #tpu.memory_space<hbm>> -> memref<1x8960xf32, #tpu.memory_space<hbm>>
      %dma_start3A_374 = tpu.memref_squeeze %dma_start3A_373 : memref<1x8960xf32, #tpu.memory_space<hbm>> -> memref<8960xf32, #tpu.memory_space<hbm>>
      %dma_start3A_375 = arith.constant 0 : i32
      %dma_start3A_376 = tpu.memref_slice %arg6[%add3A_192, %dma_start3A_375] : memref<4x8960xf32, #tpu.memory_space<hbm>> -> memref<1x8960xf32, #tpu.memory_space<hbm>>
      %dma_start3A_377 = tpu.memref_squeeze %dma_start3A_376 : memref<1x8960xf32, #tpu.memory_space<hbm>> -> memref<8960xf32, #tpu.memory_space<hbm>>
      tpu.enqueue_dma source(%dma_start3A_377 : memref<8960xf32, #tpu.memory_space<hbm>>) target(%arg20 : memref<8960xf32, #tpu.memory_space<vmem>>) target_semaphore(%run_scoped3A : memref<!tpu.dma_semaphore, #tpu.memory_space<semaphore_mem>>)
      %dma_wait3A = arith.constant 0 : i32
      %dma_wait3A_378 = tpu.memref_slice %arg6[%add3A_192, %dma_wait3A] : memref<4x8960xf32, #tpu.memory_space<hbm>> -> memref<1x8960xf32, #tpu.memory_space<hbm>>
      %dma_wait3A_379 = tpu.memref_squeeze %dma_wait3A_378 : memref<1x8960xf32, #tpu.memory_space<hbm>> -> memref<8960xf32, #tpu.memory_space<hbm>>
      %dma_wait3A_380 = arith.constant 0 : i32
      %dma_wait3A_381 = tpu.memref_slice %arg6[%add3A_192, %dma_wait3A_380] : memref<4x8960xf32, #tpu.memory_space<hbm>> -> memref<1x8960xf32, #tpu.memory_space<hbm>>
      %dma_wait3A_382 = tpu.memref_squeeze %dma_wait3A_381 : memref<1x8960xf32, #tpu.memory_space<hbm>> -> memref<8960xf32, #tpu.memory_space<hbm>>
      tpu.wait_dma2 semaphore(%run_scoped3A : memref<!tpu.dma_semaphore, #tpu.memory_space<semaphore_mem>>) src(%dma_wait3A_382 : memref<8960xf32, #tpu.memory_space<hbm>>) dst(%arg20 : memref<8960xf32, #tpu.memory_space<vmem>>)
      tpu.yield
    }) : () -> ()
    %scan3A_361 = arith.constant 0 : i32
    %scan3A_362 = arith.constant 0 : i32
    %scan3A_363 = arith.constant 16 : i32
    %scan3A_364 = arith.addi %scan3A_362, %scan3A_363 : i32
    %scan3A_365 = arith.constant 1 : i32
    %scan3A_366 = scf.for %scan3A_373 = %scan3A_362 to %scan3A_364 step %scan3A_365 iter_args(%scan3A_374 = %scan3A_361) -> (i32)  : i32 {
      %mul3A_375 = arith.constant 16 : i32
      %mul3A_376 = arith.muli %scan3A_373, %mul3A_375 : i32
      %get3A = arith.index_cast %mul3A_376 : i32 to index
      %get3A_377 = tpu.vector_load %arg14[%get3A] {strides = array<i32>} : memref<8960xi32, #tpu.memory_space<vmem>>, vector<16xi32>,
      %gather3A = tpu.vector_load_idx %arg17[%get3A_377] : memref<8960xf32, #tpu.memory_space<vmem>>[vector<16xi32>], vector<16xf32>,
      %swap3A_378 = arith.index_cast %mul3A_376 : i32 to index
      %swap3A_379 = tpu.vector_load %arg23[%swap3A_378] {strides = array<i32>} : memref<256xf32, #tpu.memory_space<vmem>>, vector<16xf32>,
      tpu.vector_store %arg23[%swap3A_378], %gather3A {strides = array<i32>} : memref<256xf32, #tpu.memory_space<vmem>>, vector<16xf32>,
      %gather3A_380 = tpu.vector_load_idx %arg18[%get3A_377] : memref<8960xf32, #tpu.memory_space<vmem>>[vector<16xi32>], vector<16xf32>,
      %swap3A_381 = arith.index_cast %mul3A_376 : i32 to index
      %swap3A_382 = tpu.vector_load %arg24[%swap3A_381] {strides = array<i32>} : memref<256xf32, #tpu.memory_space<vmem>>, vector<16xf32>,
      tpu.vector_store %arg24[%swap3A_381], %gather3A_380 {strides = array<i32>} : memref<256xf32, #tpu.memory_space<vmem>>, vector<16xf32>,
      %gather3A_383 = tpu.vector_load_idx %arg19[%get3A_377] : memref<8960xf32, #tpu.memory_space<vmem>>[vector<16xi32>], vector<16xf32>,
      %swap3A_384 = arith.index_cast %mul3A_376 : i32 to index
      %swap3A_385 = tpu.vector_load %arg25[%swap3A_384] {strides = array<i32>} : memref<256xf32, #tpu.memory_space<vmem>>, vector<16xf32>,
      tpu.vector_store %arg25[%swap3A_384], %gather3A_383 {strides = array<i32>} : memref<256xf32, #tpu.memory_space<vmem>>, vector<16xf32>,
      %gather3A_386 = tpu.vector_load_idx %arg20[%get3A_377] : memref<8960xf32, #tpu.memory_space<vmem>>[vector<16xi32>], vector<16xf32>,
      %swap3A_387 = arith.index_cast %mul3A_376 : i32 to index
      %swap3A_388 = tpu.vector_load %arg26[%swap3A_387] {strides = array<i32>} : memref<256xf32, #tpu.memory_space<vmem>>, vector<16xf32>,
      tpu.vector_store %arg26[%swap3A_387], %gather3A_386 {strides = array<i32>} : memref<256xf32, #tpu.memory_space<vmem>>, vector<16xf32>,
      %scan3A_389 = arith.constant 0 : i32
      scf.yield %scan3A_389 : i32
    }
    %scan3A_367 = arith.constant 16 : i32
    "tpu.region"() ({
      %run_scoped3A = tpu.sem_alloc : memref<!tpu.dma_semaphore, #tpu.memory_space<semaphore_mem>>
      %dma_start3A = arith.constant 0 : i32
      %dma_start3A_373 = tpu.memref_slice %arg13[%dma_start3A] : memref<8960xi32, #tpu.memory_space<vmem>> -> memref<256xi32, #tpu.memory_space<vmem>>
      %dma_start3A_374 = arith.constant 0 : i32
      %dma_start3A_375 = tpu.memref_slice %arg7[%add3A_181, %dma_start3A_374] : memref<80x256xi32, #tpu.memory_space<hbm>> -> memref<1x256xi32, #tpu.memory_space<hbm>>
      %dma_start3A_376 = tpu.memref_squeeze %dma_start3A_375 : memref<1x256xi32, #tpu.memory_space<hbm>> -> memref<256xi32, #tpu.memory_space<hbm>>
      %dma_start3A_377 = arith.constant 0 : i32
      %dma_start3A_378 = tpu.memref_slice %arg7[%add3A_181, %dma_start3A_377] : memref<80x256xi32, #tpu.memory_space<hbm>> -> memref<1x256xi32, #tpu.memory_space<hbm>>
      %dma_start3A_379 = tpu.memref_squeeze %dma_start3A_378 : memref<1x256xi32, #tpu.memory_space<hbm>> -> memref<256xi32, #tpu.memory_space<hbm>>
      %dma_start3A_380 = arith.constant 0 : i32
      %dma_start3A_381 = tpu.memref_slice %arg13[%dma_start3A_380] : memref<8960xi32, #tpu.memory_space<vmem>> -> memref<256xi32, #tpu.memory_space<vmem>>
      tpu.enqueue_dma source(%dma_start3A_381 : memref<256xi32, #tpu.memory_space<vmem>>) target(%dma_start3A_379 : memref<256xi32, #tpu.memory_space<hbm>>) target_semaphore(%run_scoped3A : memref<!tpu.dma_semaphore, #tpu.memory_space<semaphore_mem>>)
      %dma_wait3A = arith.constant 0 : i32
      %dma_wait3A_382 = tpu.memref_slice %arg13[%dma_wait3A] : memref<8960xi32, #tpu.memory_space<vmem>> -> memref<256xi32, #tpu.memory_space<vmem>>
      %dma_wait3A_383 = arith.constant 0 : i32
      %dma_wait3A_384 = tpu.memref_slice %arg7[%add3A_181, %dma_wait3A_383] : memref<80x256xi32, #tpu.memory_space<hbm>> -> memref<1x256xi32, #tpu.memory_space<hbm>>
      %dma_wait3A_385 = tpu.memref_squeeze %dma_wait3A_384 : memref<1x256xi32, #tpu.memory_space<hbm>> -> memref<256xi32, #tpu.memory_space<hbm>>
      %dma_wait3A_386 = arith.constant 0 : i32
      %dma_wait3A_387 = tpu.memref_slice %arg7[%add3A_181, %dma_wait3A_386] : memref<80x256xi32, #tpu.memory_space<hbm>> -> memref<1x256xi32, #tpu.memory_space<hbm>>
      %dma_wait3A_388 = tpu.memref_squeeze %dma_wait3A_387 : memref<1x256xi32, #tpu.memory_space<hbm>> -> memref<256xi32, #tpu.memory_space<hbm>>
      %dma_wait3A_389 = arith.constant 0 : i32
      %dma_wait3A_390 = tpu.memref_slice %arg13[%dma_wait3A_389] : memref<8960xi32, #tpu.memory_space<vmem>> -> memref<256xi32, #tpu.memory_space<vmem>>
      tpu.wait_dma2 semaphore(%run_scoped3A : memref<!tpu.dma_semaphore, #tpu.memory_space<semaphore_mem>>) src(%dma_wait3A_390 : memref<256xi32, #tpu.memory_space<vmem>>) dst(%dma_wait3A_388 : memref<256xi32, #tpu.memory_space<hbm>>)
      tpu.yield
    }) : () -> ()
    "tpu.region"() ({
      %run_scoped3A = tpu.sem_alloc : memref<!tpu.dma_semaphore, #tpu.memory_space<semaphore_mem>>
      %dma_start3A = arith.constant 0 : i32
      %dma_start3A_373 = tpu.memref_slice %arg8[%add3A_181, %dma_start3A] : memref<80x256xf32, #tpu.memory_space<hbm>> -> memref<1x256xf32, #tpu.memory_space<hbm>>
      %dma_start3A_374 = tpu.memref_squeeze %dma_start3A_373 : memref<1x256xf32, #tpu.memory_space<hbm>> -> memref<256xf32, #tpu.memory_space<hbm>>
      %dma_start3A_375 = arith.constant 0 : i32
      %dma_start3A_376 = tpu.memref_slice %arg8[%add3A_181, %dma_start3A_375] : memref<80x256xf32, #tpu.memory_space<hbm>> -> memref<1x256xf32, #tpu.memory_space<hbm>>
      %dma_start3A_377 = tpu.memref_squeeze %dma_start3A_376 : memref<1x256xf32, #tpu.memory_space<hbm>> -> memref<256xf32, #tpu.memory_space<hbm>>
      tpu.enqueue_dma source(%arg23 : memref<256xf32, #tpu.memory_space<vmem>>) target(%dma_start3A_377 : memref<256xf32, #tpu.memory_space<hbm>>) target_semaphore(%run_scoped3A : memref<!tpu.dma_semaphore, #tpu.memory_space<semaphore_mem>>)
      %dma_wait3A = arith.constant 0 : i32
      %dma_wait3A_378 = tpu.memref_slice %arg8[%add3A_181, %dma_wait3A] : memref<80x256xf32, #tpu.memory_space<hbm>> -> memref<1x256xf32, #tpu.memory_space<hbm>>
      %dma_wait3A_379 = tpu.memref_squeeze %dma_wait3A_378 : memref<1x256xf32, #tpu.memory_space<hbm>> -> memref<256xf32, #tpu.memory_space<hbm>>
      %dma_wait3A_380 = arith.constant 0 : i32
      %dma_wait3A_381 = tpu.memref_slice %arg8[%add3A_181, %dma_wait3A_380] : memref<80x256xf32, #tpu.memory_space<hbm>> -> memref<1x256xf32, #tpu.memory_space<hbm>>
      %dma_wait3A_382 = tpu.memref_squeeze %dma_wait3A_381 : memref<1x256xf32, #tpu.memory_space<hbm>> -> memref<256xf32, #tpu.memory_space<hbm>>
      tpu.wait_dma2 semaphore(%run_scoped3A : memref<!tpu.dma_semaphore, #tpu.memory_space<semaphore_mem>>) src(%arg23 : memref<256xf32, #tpu.memory_space<vmem>>) dst(%dma_wait3A_382 : memref<256xf32, #tpu.memory_space<hbm>>)
      tpu.yield
    }) : () -> ()
    "tpu.region"() ({
      %run_scoped3A = tpu.sem_alloc : memref<!tpu.dma_semaphore, #tpu.memory_space<semaphore_mem>>
      %dma_start3A = arith.constant 0 : i32
      %dma_start3A_373 = tpu.memref_slice %arg9[%add3A_181, %dma_start3A] : memref<80x256xf32, #tpu.memory_space<hbm>> -> memref<1x256xf32, #tpu.memory_space<hbm>>
      %dma_start3A_374 = tpu.memref_squeeze %dma_start3A_373 : memref<1x256xf32, #tpu.memory_space<hbm>> -> memref<256xf32, #tpu.memory_space<hbm>>
      %dma_start3A_375 = arith.constant 0 : i32
      %dma_start3A_376 = tpu.memref_slice %arg9[%add3A_181, %dma_start3A_375] : memref<80x256xf32, #tpu.memory_space<hbm>> -> memref<1x256xf32, #tpu.memory_space<hbm>>
      %dma_start3A_377 = tpu.memref_squeeze %dma_start3A_376 : memref<1x256xf32, #tpu.memory_space<hbm>> -> memref<256xf32, #tpu.memory_space<hbm>>
      tpu.enqueue_dma source(%arg24 : memref<256xf32, #tpu.memory_space<vmem>>) target(%dma_start3A_377 : memref<256xf32, #tpu.memory_space<hbm>>) target_semaphore(%run_scoped3A : memref<!tpu.dma_semaphore, #tpu.memory_space<semaphore_mem>>)
      %dma_wait3A = arith.constant 0 : i32
      %dma_wait3A_378 = tpu.memref_slice %arg9[%add3A_181, %dma_wait3A] : memref<80x256xf32, #tpu.memory_space<hbm>> -> memref<1x256xf32, #tpu.memory_space<hbm>>
      %dma_wait3A_379 = tpu.memref_squeeze %dma_wait3A_378 : memref<1x256xf32, #tpu.memory_space<hbm>> -> memref<256xf32, #tpu.memory_space<hbm>>
      %dma_wait3A_380 = arith.constant 0 : i32
      %dma_wait3A_381 = tpu.memref_slice %arg9[%add3A_181, %dma_wait3A_380] : memref<80x256xf32, #tpu.memory_space<hbm>> -> memref<1x256xf32, #tpu.memory_space<hbm>>
      %dma_wait3A_382 = tpu.memref_squeeze %dma_wait3A_381 : memref<1x256xf32, #tpu.memory_space<hbm>> -> memref<256xf32, #tpu.memory_space<hbm>>
      tpu.wait_dma2 semaphore(%run_scoped3A : memref<!tpu.dma_semaphore, #tpu.memory_space<semaphore_mem>>) src(%arg24 : memref<256xf32, #tpu.memory_space<vmem>>) dst(%dma_wait3A_382 : memref<256xf32, #tpu.memory_space<hbm>>)
      tpu.yield
    }) : () -> ()
    "tpu.region"() ({
      %run_scoped3A = tpu.sem_alloc : memref<!tpu.dma_semaphore, #tpu.memory_space<semaphore_mem>>
      %dma_start3A = arith.constant 0 : i32
      %dma_start3A_373 = tpu.memref_slice %arg10[%add3A_181, %dma_start3A] : memref<80x256xf32, #tpu.memory_space<hbm>> -> memref<1x256xf32, #tpu.memory_space<hbm>>
      %dma_start3A_374 = tpu.memref_squeeze %dma_start3A_373 : memref<1x256xf32, #tpu.memory_space<hbm>> -> memref<256xf32, #tpu.memory_space<hbm>>
      %dma_start3A_375 = arith.constant 0 : i32
      %dma_start3A_376 = tpu.memref_slice %arg10[%add3A_181, %dma_start3A_375] : memref<80x256xf32, #tpu.memory_space<hbm>> -> memref<1x256xf32, #tpu.memory_space<hbm>>
      %dma_start3A_377 = tpu.memref_squeeze %dma_start3A_376 : memref<1x256xf32, #tpu.memory_space<hbm>> -> memref<256xf32, #tpu.memory_space<hbm>>
      tpu.enqueue_dma source(%arg25 : memref<256xf32, #tpu.memory_space<vmem>>) target(%dma_start3A_377 : memref<256xf32, #tpu.memory_space<hbm>>) target_semaphore(%run_scoped3A : memref<!tpu.dma_semaphore, #tpu.memory_space<semaphore_mem>>)
      %dma_wait3A = arith.constant 0 : i32
      %dma_wait3A_378 = tpu.memref_slice %arg10[%add3A_181, %dma_wait3A] : memref<80x256xf32, #tpu.memory_space<hbm>> -> memref<1x256xf32, #tpu.memory_space<hbm>>
      %dma_wait3A_379 = tpu.memref_squeeze %dma_wait3A_378 : memref<1x256xf32, #tpu.memory_space<hbm>> -> memref<256xf32, #tpu.memory_space<hbm>>
      %dma_wait3A_380 = arith.constant 0 : i32
      %dma_wait3A_381 = tpu.memref_slice %arg10[%add3A_181, %dma_wait3A_380] : memref<80x256xf32, #tpu.memory_space<hbm>> -> memref<1x256xf32, #tpu.memory_space<hbm>>
      %dma_wait3A_382 = tpu.memref_squeeze %dma_wait3A_381 : memref<1x256xf32, #tpu.memory_space<hbm>> -> memref<256xf32, #tpu.memory_space<hbm>>
      tpu.wait_dma2 semaphore(%run_scoped3A : memref<!tpu.dma_semaphore, #tpu.memory_space<semaphore_mem>>) src(%arg25 : memref<256xf32, #tpu.memory_space<vmem>>) dst(%dma_wait3A_382 : memref<256xf32, #tpu.memory_space<hbm>>)
      tpu.yield
    }) : () -> ()
    "tpu.region"() ({
      %run_scoped3A = tpu.sem_alloc : memref<!tpu.dma_semaphore, #tpu.memory_space<semaphore_mem>>
      %dma_start3A = arith.constant 0 : i32
      %dma_start3A_373 = tpu.memref_slice %arg11[%add3A_181, %dma_start3A] : memref<80x256xf32, #tpu.memory_space<hbm>> -> memref<1x256xf32, #tpu.memory_space<hbm>>
      %dma_start3A_374 = tpu.memref_squeeze %dma_start3A_373 : memref<1x256xf32, #tpu.memory_space<hbm>> -> memref<256xf32, #tpu.memory_space<hbm>>
      %dma_start3A_375 = arith.constant 0 : i32
      %dma_start3A_376 = tpu.memref_slice %arg11[%add3A_181, %dma_start3A_375] : memref<80x256xf32, #tpu.memory_space<hbm>> -> memref<1x256xf32, #tpu.memory_space<hbm>>
      %dma_start3A_377 = tpu.memref_squeeze %dma_start3A_376 : memref<1x256xf32, #tpu.memory_space<hbm>> -> memref<256xf32, #tpu.memory_space<hbm>>
      tpu.enqueue_dma source(%arg26 : memref<256xf32, #tpu.memory_space<vmem>>) target(%dma_start3A_377 : memref<256xf32, #tpu.memory_space<hbm>>) target_semaphore(%run_scoped3A : memref<!tpu.dma_semaphore, #tpu.memory_space<semaphore_mem>>)
      %dma_wait3A = arith.constant 0 : i32
      %dma_wait3A_378 = tpu.memref_slice %arg11[%add3A_181, %dma_wait3A] : memref<80x256xf32, #tpu.memory_space<hbm>> -> memref<1x256xf32, #tpu.memory_space<hbm>>
      %dma_wait3A_379 = tpu.memref_squeeze %dma_wait3A_378 : memref<1x256xf32, #tpu.memory_space<hbm>> -> memref<256xf32, #tpu.memory_space<hbm>>
      %dma_wait3A_380 = arith.constant 0 : i32
      %dma_wait3A_381 = tpu.memref_slice %arg11[%add3A_181, %dma_wait3A_380] : memref<80x256xf32, #tpu.memory_space<hbm>> -> memref<1x256xf32, #tpu.memory_space<hbm>>
      %dma_wait3A_382 = tpu.memref_squeeze %dma_wait3A_381 : memref<1x256xf32, #tpu.memory_space<hbm>> -> memref<256xf32, #tpu.memory_space<hbm>>
      tpu.wait_dma2 semaphore(%run_scoped3A : memref<!tpu.dma_semaphore, #tpu.memory_space<semaphore_mem>>) src(%arg26 : memref<256xf32, #tpu.memory_space<vmem>>) dst(%dma_wait3A_382 : memref<256xf32, #tpu.memory_space<hbm>>)
      tpu.yield
    }) : () -> ()
    %add3A_368 = arith.constant 64 : i32
    %add3A_369 = arith.addi %add3A, %add3A_368 : i32
    %lt3A = arith.constant 80 : i32
    %lt3A_370 = arith.cmpi slt, %add3A_369, %lt3A : i32
    %convert_element_type3A_371 = arith.extui %lt3A_370 : i1 to i32
    %cond3A = arith.constant 0 : i32
    %cond3A_372 = arith.cmpi ne, %convert_element_type3A_371, %cond3A : i32
    scf.if %cond3A_372 {
      %ge3A_373 = arith.constant 20 : i32
      %ge3A_374 = arith.cmpi sge, %add3A_369, %ge3A_373 : i32
      %convert_element_type3A_375 = arith.extui %ge3A_374 : i1 to i32
      %ge3A_376 = arith.constant 40 : i32
      %ge3A_377 = arith.cmpi sge, %add3A_369, %ge3A_376 : i32
      %convert_element_type3A_378 = arith.extui %ge3A_377 : i1 to i32
      %add3A_379 = arith.addi %convert_element_type3A_375, %convert_element_type3A_378 : i32
      %ge3A_380 = arith.constant 60 : i32
      %ge3A_381 = arith.cmpi sge, %add3A_369, %ge3A_380 : i32
      %convert_element_type3A_382 = arith.extui %ge3A_381 : i1 to i32
      %add3A_383 = arith.addi %add3A_379, %convert_element_type3A_382 : i32
      "tpu.region"() ({
        %run_scoped3A = tpu.sem_alloc : memref<!tpu.dma_semaphore, #tpu.memory_space<semaphore_mem>>
        %dma_start3A = arith.constant 0 : i32
        %dma_start3A_559 = tpu.memref_slice %arg2[%add3A_369, %dma_start3A] : memref<80x8960xi32, #tpu.memory_space<hbm>> -> memref<1x8960xi32, #tpu.memory_space<hbm>>
        %dma_start3A_560 = tpu.memref_squeeze %dma_start3A_559 : memref<1x8960xi32, #tpu.memory_space<hbm>> -> memref<8960xi32, #tpu.memory_space<hbm>>
        %dma_start3A_561 = arith.constant 0 : i32
        %dma_start3A_562 = tpu.memref_slice %arg2[%add3A_369, %dma_start3A_561] : memref<80x8960xi32, #tpu.memory_space<hbm>> -> memref<1x8960xi32, #tpu.memory_space<hbm>>
        %dma_start3A_563 = tpu.memref_squeeze %dma_start3A_562 : memref<1x8960xi32, #tpu.memory_space<hbm>> -> memref<8960xi32, #tpu.memory_space<hbm>>
        tpu.enqueue_dma source(%dma_start3A_563 : memref<8960xi32, #tpu.memory_space<hbm>>) target(%arg13 : memref<8960xi32, #tpu.memory_space<vmem>>) target_semaphore(%run_scoped3A : memref<!tpu.dma_semaphore, #tpu.memory_space<semaphore_mem>>)
        %dma_wait3A = arith.constant 0 : i32
        %dma_wait3A_564 = tpu.memref_slice %arg2[%add3A_369, %dma_wait3A] : memref<80x8960xi32, #tpu.memory_space<hbm>> -> memref<1x8960xi32, #tpu.memory_space<hbm>>
        %dma_wait3A_565 = tpu.memref_squeeze %dma_wait3A_564 : memref<1x8960xi32, #tpu.memory_space<hbm>> -> memref<8960xi32, #tpu.memory_space<hbm>>
        %dma_wait3A_566 = arith.constant 0 : i32
        %dma_wait3A_567 = tpu.memref_slice %arg2[%add3A_369, %dma_wait3A_566] : memref<80x8960xi32, #tpu.memory_space<hbm>> -> memref<1x8960xi32, #tpu.memory_space<hbm>>
        %dma_wait3A_568 = tpu.memref_squeeze %dma_wait3A_567 : memref<1x8960xi32, #tpu.memory_space<hbm>> -> memref<8960xi32, #tpu.memory_space<hbm>>
        tpu.wait_dma2 semaphore(%run_scoped3A : memref<!tpu.dma_semaphore, #tpu.memory_space<semaphore_mem>>) src(%dma_wait3A_568 : memref<8960xi32, #tpu.memory_space<hbm>>) dst(%arg13 : memref<8960xi32, #tpu.memory_space<vmem>>)
        tpu.yield
      }) : () -> ()
      %iota3A_384 = tpu.iota {dimensions = array<i32: 0>} : vector<16xi32>
      %broadcast_in_dim3A_385 = arith.constant 1 : i32
      %broadcast_in_dim3A_386 = vector.broadcast %broadcast_in_dim3A_385 : i32 to vector<16xi32>
      %broadcast_in_dim3A_387 = arith.constant 0 : i32
      %broadcast_in_dim3A_388 = vector.broadcast %broadcast_in_dim3A_387 : i32 to vector<16xi32>
      %broadcast_in_dim3A_389 = arith.constant 0 : i32
      %broadcast_in_dim3A_390 = vector.broadcast %broadcast_in_dim3A_389 : i32 to vector<16xi32>
      %broadcast_in_dim3A_391 = arith.constant 8976 : i32
      %broadcast_in_dim3A_392 = vector.broadcast %broadcast_in_dim3A_391 : i32 to vector<16xi32>
      %scan3A_393 = arith.constant 0 : i32
      %scan3A_394 = arith.constant 0 : i32
      %scan3A_395 = arith.constant 32 : i32
      %scan3A_396 = arith.addi %scan3A_394, %scan3A_395 : i32
      %scan3A_397 = arith.constant 1 : i32
      %scan3A_398 = scf.for %scan3A_559 = %scan3A_394 to %scan3A_396 step %scan3A_397 iter_args(%scan3A_560 = %scan3A_393) -> (i32)  : i32 {
        %mul3A_561 = arith.constant 16 : i32
        %mul3A_562 = arith.muli %scan3A_559, %mul3A_561 : i32
        %swap3A_563 = arith.index_cast %mul3A_562 : i32 to index
        %swap3A_564 = tpu.vector_load %arg21[%swap3A_563] {strides = array<i32>} : memref<512xi32, #tpu.memory_space<vmem>>, vector<16xi32>,
        tpu.vector_store %arg21[%swap3A_563], %broadcast_in_dim3A_390 {strides = array<i32>} : memref<512xi32, #tpu.memory_space<vmem>>, vector<16xi32>,
        %scan3A_565 = arith.constant 0 : i32
        scf.yield %scan3A_565 : i32
      }
      %scan3A_399 = arith.constant 32 : i32
      %scan3A_400 = arith.constant 0 : i32
      %scan3A_401 = arith.constant 0 : i32
      %scan3A_402 = arith.constant 560 : i32
      %scan3A_403 = arith.addi %scan3A_401, %scan3A_402 : i32
      %scan3A_404 = arith.constant 1 : i32
      %scan3A_405 = scf.for %scan3A_559 = %scan3A_401 to %scan3A_403 step %scan3A_404 iter_args(%scan3A_560 = %scan3A_400) -> (i32)  : i32 {
        %mul3A_561 = arith.constant 16 : i32
        %mul3A_562 = arith.muli %scan3A_559, %mul3A_561 : i32
        %get3A = arith.index_cast %mul3A_562 : i32 to index
        %get3A_563 = tpu.vector_load %arg13[%get3A] {strides = array<i32>} : memref<8960xi32, #tpu.memory_space<vmem>>, vector<16xi32>,
        %shift_right_arithmetic3A_564 = arith.constant 18 : i32
        %shift_right_arithmetic3A_565 = vector.broadcast %shift_right_arithmetic3A_564 : i32 to vector<16xi32>
        %shift_right_arithmetic3A_566 = arith.shrsi %get3A_563, %shift_right_arithmetic3A_565 : vector<16xi32>
        %and3A = arith.constant 511 : i32
        %and3A_567 = vector.broadcast %and3A : i32 to vector<16xi32>
        %and3A_568 = arith.andi %shift_right_arithmetic3A_566, %and3A_567 : vector<16xi32>
        %broadcast_in_dim3A_569 = arith.constant true
        %broadcast_in_dim3A_570 = vector.broadcast %broadcast_in_dim3A_569 : i1 to vector<16xi1>
        %unique3A, %unique3A_571 = tpu.scan_count mask(%broadcast_in_dim3A_570 : vector<16xi1>) value(%and3A_568 : vector<16xi32>) : vector<16xi1>, vector<16xi32>
        tpu.vector_store_idx %arg21[%and3A_568], %unique3A_571 masked %unique3A {add = true} : memref<512xi32, #tpu.memory_space<vmem>>[vector<16xi32>], vector<16xi32>, vector<16xi1>
        %lt3A_572 = arith.constant 56371445 : i32
        %lt3A_573 = vector.broadcast %lt3A_572 : i32 to vector<16xi32>
        %lt3A_574 = arith.cmpi slt, %get3A_563, %lt3A_573 : vector<16xi32>
        %select_n3A = arith.select %lt3A_574, %broadcast_in_dim3A_386, %broadcast_in_dim3A_388 : vector<16xi1>, vector<16xi32>
        %reduce_sum3A = arith.constant true
        %reduce_sum3A_575 = vector.broadcast %reduce_sum3A : i1 to vector<16xi1>
        %reduce_sum3A_576 = tpu.scan <sum>, %select_n3A masked %reduce_sum3A_575 : vector<16xi32>, vector<16xi1> -> vector<16xi32>
        %reduce_sum3A_577 = vector.extract %reduce_sum3A_576[15] : i32 from vector<16xi32>
        %add3A_578 = arith.addi %scan3A_560, %reduce_sum3A_577 : i32
        scf.yield %add3A_578 : i32
      }
      %scan3A_406 = arith.constant 560 : i32
      %broadcast_in_dim3A_407 = vector.broadcast %scan3A_405 : i32 to vector<16xi32>
      %swap3A_408 = arith.constant 0 : index
      %swap3A_409 = tpu.vector_load %arg27[%swap3A_408] {strides = array<i32>} : memref<16xi32, #tpu.memory_space<vmem>>, vector<16xi32>,
      tpu.vector_store %arg27[%swap3A_408], %broadcast_in_dim3A_407 {strides = array<i32>} : memref<16xi32, #tpu.memory_space<vmem>>, vector<16xi32>,
      "tpu.region"() ({
        %run_scoped3A = tpu.sem_alloc : memref<!tpu.dma_semaphore, #tpu.memory_space<semaphore_mem>>
        %dma_start3A = arith.constant 0 : i32
        %dma_start3A_559 = tpu.memref_slice %arg12[%add3A_369, %dma_start3A] : memref<80x16xi32, #tpu.memory_space<hbm>> -> memref<1x16xi32, #tpu.memory_space<hbm>>
        %dma_start3A_560 = tpu.memref_squeeze %dma_start3A_559 : memref<1x16xi32, #tpu.memory_space<hbm>> -> memref<16xi32, #tpu.memory_space<hbm>>
        %dma_start3A_561 = arith.constant 0 : i32
        %dma_start3A_562 = tpu.memref_slice %arg12[%add3A_369, %dma_start3A_561] : memref<80x16xi32, #tpu.memory_space<hbm>> -> memref<1x16xi32, #tpu.memory_space<hbm>>
        %dma_start3A_563 = tpu.memref_squeeze %dma_start3A_562 : memref<1x16xi32, #tpu.memory_space<hbm>> -> memref<16xi32, #tpu.memory_space<hbm>>
        tpu.enqueue_dma source(%arg27 : memref<16xi32, #tpu.memory_space<vmem>>) target(%dma_start3A_563 : memref<16xi32, #tpu.memory_space<hbm>>) target_semaphore(%run_scoped3A : memref<!tpu.dma_semaphore, #tpu.memory_space<semaphore_mem>>)
        %dma_wait3A = arith.constant 0 : i32
        %dma_wait3A_564 = tpu.memref_slice %arg12[%add3A_369, %dma_wait3A] : memref<80x16xi32, #tpu.memory_space<hbm>> -> memref<1x16xi32, #tpu.memory_space<hbm>>
        %dma_wait3A_565 = tpu.memref_squeeze %dma_wait3A_564 : memref<1x16xi32, #tpu.memory_space<hbm>> -> memref<16xi32, #tpu.memory_space<hbm>>
        %dma_wait3A_566 = arith.constant 0 : i32
        %dma_wait3A_567 = tpu.memref_slice %arg12[%add3A_369, %dma_wait3A_566] : memref<80x16xi32, #tpu.memory_space<hbm>> -> memref<1x16xi32, #tpu.memory_space<hbm>>
        %dma_wait3A_568 = tpu.memref_squeeze %dma_wait3A_567 : memref<1x16xi32, #tpu.memory_space<hbm>> -> memref<16xi32, #tpu.memory_space<hbm>>
        tpu.wait_dma2 semaphore(%run_scoped3A : memref<!tpu.dma_semaphore, #tpu.memory_space<semaphore_mem>>) src(%arg27 : memref<16xi32, #tpu.memory_space<vmem>>) dst(%dma_wait3A_568 : memref<16xi32, #tpu.memory_space<hbm>>)
        tpu.yield
      }) : () -> ()
      %scan3A_410 = arith.constant 0 : i32
      %scan3A_411 = arith.constant 0 : i32
      %scan3A_412 = arith.constant 32 : i32
      %scan3A_413 = arith.addi %scan3A_411, %scan3A_412 : i32
      %scan3A_414 = arith.constant 1 : i32
      %scan3A_415 = scf.for %scan3A_559 = %scan3A_411 to %scan3A_413 step %scan3A_414 iter_args(%scan3A_560 = %scan3A_410) -> (i32)  : i32 {
        %mul3A_561 = arith.constant 16 : i32
        %mul3A_562 = arith.muli %scan3A_559, %mul3A_561 : i32
        %get3A = arith.index_cast %mul3A_562 : i32 to index
        %get3A_563 = tpu.vector_load %arg21[%get3A] {strides = array<i32>} : memref<512xi32, #tpu.memory_space<vmem>>, vector<16xi32>,
        %broadcast_in_dim3A_564 = arith.constant true
        %broadcast_in_dim3A_565 = vector.broadcast %broadcast_in_dim3A_564 : i1 to vector<16xi1>
        %masked_cumsum3A = tpu.scan <sum>, %get3A_563 masked %broadcast_in_dim3A_565 : vector<16xi32>, vector<16xi1> -> vector<16xi32>
        %sub3A = arith.subi %masked_cumsum3A, %get3A_563 : vector<16xi32>
        %add3A_566 = vector.broadcast %scan3A_560 : i32 to vector<16xi32>
        %add3A_567 = arith.addi %sub3A, %add3A_566 : vector<16xi32>
        %mul3A_568 = arith.constant 16 : i32
        %mul3A_569 = arith.muli %scan3A_559, %mul3A_568 : i32
        %swap3A_570 = arith.index_cast %mul3A_569 : i32 to index
        %swap3A_571 = tpu.vector_load %arg22[%swap3A_570] {strides = array<i32>} : memref<512xi32, #tpu.memory_space<vmem>>, vector<16xi32>,
        tpu.vector_store %arg22[%swap3A_570], %add3A_567 {strides = array<i32>} : memref<512xi32, #tpu.memory_space<vmem>>, vector<16xi32>,
        %reduce_max3A = arith.constant true
        %reduce_max3A_572 = vector.broadcast %reduce_max3A : i1 to vector<16xi1>
        %reduce_max3A_573 = arith.constant -2147483648 : i32
        %reduce_max3A_574 = vector.broadcast %reduce_max3A_573 : i32 to vector<16xi32>
        %reduce_max3A_575 = arith.xori %masked_cumsum3A, %reduce_max3A_574 : vector<16xi32>
        %reduce_max3A_576 = tpu.scan <max>, %reduce_max3A_575 masked %reduce_max3A_572 : vector<16xi32>, vector<16xi1> -> vector<16xi32>
        %reduce_max3A_577 = arith.xori %reduce_max3A_576, %reduce_max3A_574 : vector<16xi32>
        %reduce_max3A_578 = vector.extract %reduce_max3A_577[15] : i32 from vector<16xi32>
        %add3A_579 = arith.addi %scan3A_560, %reduce_max3A_578 : i32
        scf.yield %add3A_579 : i32
      }
      %scan3A_416 = arith.constant 32 : i32
      %scan3A_417 = arith.constant 0 : i32
      %scan3A_418 = arith.constant 32 : i32
      %scan3A_419 = arith.addi %scan3A_417, %scan3A_418 : i32
      %scan3A_420 = arith.constant 1 : i32
      %scan3A_421 = scf.for %scan3A_559 = %scan3A_417 to %scan3A_419 step %scan3A_420 iter_args(%scan3A_560 = %broadcast_in_dim3A_392) -> (vector<16xi32>)  : i32 {
        %mul3A_561 = arith.constant 16 : i32
        %mul3A_562 = arith.muli %scan3A_559, %mul3A_561 : i32
        %get3A = arith.index_cast %mul3A_562 : i32 to index
        %get3A_563 = tpu.vector_load %arg22[%get3A] {strides = array<i32>} : memref<512xi32, #tpu.memory_space<vmem>>, vector<16xi32>,
        %get3A_564 = arith.index_cast %mul3A_562 : i32 to index
        %get3A_565 = tpu.vector_load %arg21[%get3A_564] {strides = array<i32>} : memref<512xi32, #tpu.memory_space<vmem>>, vector<16xi32>,
        %add3A_566 = arith.addi %get3A_563, %get3A_565 : vector<16xi32>
        %ge3A_567 = arith.constant 256 : i32
        %ge3A_568 = vector.broadcast %ge3A_567 : i32 to vector<16xi32>
        %ge3A_569 = arith.cmpi sge, %add3A_566, %ge3A_568 : vector<16xi32>
        %select_n3A = arith.select %ge3A_569, %add3A_566, %broadcast_in_dim3A_392 : vector<16xi1>, vector<16xi32>
        %min3A = arith.minsi %scan3A_560, %select_n3A : vector<16xi32>
        scf.yield %min3A : vector<16xi32>
      }
      %scan3A_422 = arith.constant 32 : i32
      %reduce_min3A_423 = arith.constant true
      %reduce_min3A_424 = vector.broadcast %reduce_min3A_423 : i1 to vector<16xi1>
      %reduce_min3A_425 = arith.constant -2147483648 : i32
      %reduce_min3A_426 = vector.broadcast %reduce_min3A_425 : i32 to vector<16xi32>
      %reduce_min3A_427 = arith.xori %scan3A_421, %reduce_min3A_426 : vector<16xi32>
      %reduce_min3A_428 = tpu.scan <min>, %reduce_min3A_427 masked %reduce_min3A_424 : vector<16xi32>, vector<16xi1> -> vector<16xi32>
      %reduce_min3A_429 = arith.xori %reduce_min3A_428, %reduce_min3A_426 : vector<16xi32>
      %reduce_min3A_430 = vector.extract %reduce_min3A_429[15] : i32 from vector<16xi32>
      %add3A_431 = arith.constant 15 : i32
      %add3A_432 = arith.addi %reduce_min3A_430, %add3A_431 : i32
      %shift_right_arithmetic3A_433 = arith.constant 4 : i32
      %shift_right_arithmetic3A_434 = arith.shrsi %add3A_432, %shift_right_arithmetic3A_433 : i32
      %mul3A_435 = arith.constant 16 : i32
      %mul3A_436 = arith.muli %shift_right_arithmetic3A_434, %mul3A_435 : i32
      %scan3A_437 = arith.constant 0 : i32
      %scan3A_438 = arith.constant 0 : i32
      %scan3A_439 = arith.constant 560 : i32
      %scan3A_440 = arith.addi %scan3A_438, %scan3A_439 : i32
      %scan3A_441 = arith.constant 1 : i32
      %scan3A_442 = scf.for %scan3A_559 = %scan3A_438 to %scan3A_440 step %scan3A_441 iter_args(%scan3A_560 = %scan3A_437) -> (i32)  : i32 {
        %mul3A_561 = arith.constant 16 : i32
        %mul3A_562 = arith.muli %scan3A_559, %mul3A_561 : i32
        %get3A = arith.index_cast %mul3A_562 : i32 to index
        %get3A_563 = tpu.vector_load %arg13[%get3A] {strides = array<i32>} : memref<8960xi32, #tpu.memory_space<vmem>>, vector<16xi32>,
        %mul3A_564 = arith.constant 16 : i32
        %mul3A_565 = arith.muli %scan3A_559, %mul3A_564 : i32
        %add3A_566 = vector.broadcast %mul3A_565 : i32 to vector<16xi32>
        %add3A_567 = arith.addi %iota3A_384, %add3A_566 : vector<16xi32>
        %shift_right_arithmetic3A_568 = arith.constant 18 : i32
        %shift_right_arithmetic3A_569 = vector.broadcast %shift_right_arithmetic3A_568 : i32 to vector<16xi32>
        %shift_right_arithmetic3A_570 = arith.shrsi %get3A_563, %shift_right_arithmetic3A_569 : vector<16xi32>
        %and3A = arith.constant 511 : i32
        %and3A_571 = vector.broadcast %and3A : i32 to vector<16xi32>
        %and3A_572 = arith.andi %shift_right_arithmetic3A_570, %and3A_571 : vector<16xi32>
        %broadcast_in_dim3A_573 = arith.constant true
        %broadcast_in_dim3A_574 = vector.broadcast %broadcast_in_dim3A_573 : i1 to vector<16xi1>
        %unique3A, %unique3A_575 = tpu.scan_count mask(%broadcast_in_dim3A_574 : vector<16xi1>) value(%and3A_572 : vector<16xi32>) : vector<16xi1>, vector<16xi32>
        %gather3A = tpu.vector_load_idx %arg22[%and3A_572] : memref<512xi32, #tpu.memory_space<vmem>>[vector<16xi32>], vector<16xi32>,
        %add3A_576 = arith.addi %gather3A, %unique3A_575 : vector<16xi32>
        %sub3A = arith.constant 1 : i32
        %sub3A_577 = vector.broadcast %sub3A : i32 to vector<16xi32>
        %sub3A_578 = arith.subi %add3A_576, %sub3A_577 : vector<16xi32>
        %lt3A_579 = vector.broadcast %mul3A_436 : i32 to vector<16xi32>
        %lt3A_580 = arith.cmpi slt, %sub3A_578, %lt3A_579 : vector<16xi32>
        tpu.vector_store_idx %arg15[%sub3A_578], %get3A_563 masked %lt3A_580 : memref<8960xi32, #tpu.memory_space<vmem>>[vector<16xi32>], vector<16xi32>, vector<16xi1>
        tpu.vector_store_idx %arg16[%sub3A_578], %add3A_567 masked %lt3A_580 : memref<8960xi32, #tpu.memory_space<vmem>>[vector<16xi32>], vector<16xi32>, vector<16xi1>
        tpu.vector_store_idx %arg22[%and3A_572], %unique3A_575 masked %unique3A {add = true} : memref<512xi32, #tpu.memory_space<vmem>>[vector<16xi32>], vector<16xi32>, vector<16xi1>
        %scan3A_581 = arith.constant 0 : i32
        scf.yield %scan3A_581 : i32
      }
      %scan3A_443 = arith.constant 560 : i32
      %scan3A_444 = arith.constant 0 : i32
      %scan3A_445 = arith.constant 0 : i32
      %scan3A_446 = arith.constant 32 : i32
      %scan3A_447 = arith.addi %scan3A_445, %scan3A_446 : i32
      %scan3A_448 = arith.constant 1 : i32
      %scan3A_449 = scf.for %scan3A_559 = %scan3A_445 to %scan3A_447 step %scan3A_448 iter_args(%scan3A_560 = %scan3A_444) -> (i32)  : i32 {
        %mul3A_561 = arith.constant 16 : i32
        %mul3A_562 = arith.muli %scan3A_559, %mul3A_561 : i32
        %swap3A_563 = arith.index_cast %mul3A_562 : i32 to index
        %swap3A_564 = tpu.vector_load %arg21[%swap3A_563] {strides = array<i32>} : memref<512xi32, #tpu.memory_space<vmem>>, vector<16xi32>,
        tpu.vector_store %arg21[%swap3A_563], %broadcast_in_dim3A_390 {strides = array<i32>} : memref<512xi32, #tpu.memory_space<vmem>>, vector<16xi32>,
        %scan3A_565 = arith.constant 0 : i32
        scf.yield %scan3A_565 : i32
      }
      %scan3A_450 = arith.constant 32 : i32
      %while3A_451 = arith.constant 0 : i32
      %while3A_452 = arith.constant 0 : i32
      %while3A_453 = arith.subi %shift_right_arithmetic3A_434, %while3A_452 : i32
      %while3A_454 = arith.addi %while3A_452, %while3A_453 : i32
      %while3A_455 = arith.constant 1 : i32
      %while3A_456 = arith.divsi %while3A_453, %while3A_455 : i32
      %while3A_457 = arith.muli %while3A_456, %while3A_455 : i32
      %while3A_458 = arith.addi %while3A_452, %while3A_457 : i32
      %while3A_459 = arith.constant 1 : i32
      scf.for %while3A_559 = %while3A_452 to %while3A_458 step %while3A_459  : i32 {
        %mul3A_560 = arith.constant 16 : i32
        %mul3A_561 = arith.muli %while3A_559, %mul3A_560 : i32
        %get3A = arith.index_cast %mul3A_561 : i32 to index
        %get3A_562 = tpu.vector_load %arg15[%get3A] {strides = array<i32>} : memref<8960xi32, #tpu.memory_space<vmem>>, vector<16xi32>,
        %shift_right_arithmetic3A_563 = arith.constant 0 : i32
        %shift_right_arithmetic3A_564 = vector.broadcast %shift_right_arithmetic3A_563 : i32 to vector<16xi32>
        %shift_right_arithmetic3A_565 = arith.shrsi %get3A_562, %shift_right_arithmetic3A_564 : vector<16xi32>
        %and3A = arith.constant 511 : i32
        %and3A_566 = vector.broadcast %and3A : i32 to vector<16xi32>
        %and3A_567 = arith.andi %shift_right_arithmetic3A_565, %and3A_566 : vector<16xi32>
        %broadcast_in_dim3A_568 = arith.constant true
        %broadcast_in_dim3A_569 = vector.broadcast %broadcast_in_dim3A_568 : i1 to vector<16xi1>
        %unique3A, %unique3A_570 = tpu.scan_count mask(%broadcast_in_dim3A_569 : vector<16xi1>) value(%and3A_567 : vector<16xi32>) : vector<16xi1>, vector<16xi32>
        tpu.vector_store_idx %arg21[%and3A_567], %unique3A_570 masked %unique3A {add = true} : memref<512xi32, #tpu.memory_space<vmem>>[vector<16xi32>], vector<16xi32>, vector<16xi1>
      }
      %while3A_460 = arith.constant 1 : i32
      scf.for %while3A_559 = %while3A_458 to %while3A_454 step %while3A_460  : i32 {
        %mul3A_560 = arith.constant 16 : i32
        %mul3A_561 = arith.muli %while3A_559, %mul3A_560 : i32
        %get3A = arith.index_cast %mul3A_561 : i32 to index
        %get3A_562 = tpu.vector_load %arg15[%get3A] {strides = array<i32>} : memref<8960xi32, #tpu.memory_space<vmem>>, vector<16xi32>,
        %shift_right_arithmetic3A_563 = arith.constant 0 : i32
        %shift_right_arithmetic3A_564 = vector.broadcast %shift_right_arithmetic3A_563 : i32 to vector<16xi32>
        %shift_right_arithmetic3A_565 = arith.shrsi %get3A_562, %shift_right_arithmetic3A_564 : vector<16xi32>
        %and3A = arith.constant 511 : i32
        %and3A_566 = vector.broadcast %and3A : i32 to vector<16xi32>
        %and3A_567 = arith.andi %shift_right_arithmetic3A_565, %and3A_566 : vector<16xi32>
        %broadcast_in_dim3A_568 = arith.constant true
        %broadcast_in_dim3A_569 = vector.broadcast %broadcast_in_dim3A_568 : i1 to vector<16xi1>
        %unique3A, %unique3A_570 = tpu.scan_count mask(%broadcast_in_dim3A_569 : vector<16xi1>) value(%and3A_567 : vector<16xi32>) : vector<16xi1>, vector<16xi32>
        tpu.vector_store_idx %arg21[%and3A_567], %unique3A_570 masked %unique3A {add = true} : memref<512xi32, #tpu.memory_space<vmem>>[vector<16xi32>], vector<16xi32>, vector<16xi1>
      }
      %scan3A_461 = arith.constant 0 : i32
      %scan3A_462 = arith.constant 0 : i32
      %scan3A_463 = arith.constant 32 : i32
      %scan3A_464 = arith.addi %scan3A_462, %scan3A_463 : i32
      %scan3A_465 = arith.constant 1 : i32
      %scan3A_466 = scf.for %scan3A_559 = %scan3A_462 to %scan3A_464 step %scan3A_465 iter_args(%scan3A_560 = %scan3A_461) -> (i32)  : i32 {
        %mul3A_561 = arith.constant 16 : i32
        %mul3A_562 = arith.muli %scan3A_559, %mul3A_561 : i32
        %get3A = arith.index_cast %mul3A_562 : i32 to index
        %get3A_563 = tpu.vector_load %arg21[%get3A] {strides = array<i32>} : memref<512xi32, #tpu.memory_space<vmem>>, vector<16xi32>,
        %broadcast_in_dim3A_564 = arith.constant true
        %broadcast_in_dim3A_565 = vector.broadcast %broadcast_in_dim3A_564 : i1 to vector<16xi1>
        %masked_cumsum3A = tpu.scan <sum>, %get3A_563 masked %broadcast_in_dim3A_565 : vector<16xi32>, vector<16xi1> -> vector<16xi32>
        %sub3A = arith.subi %masked_cumsum3A, %get3A_563 : vector<16xi32>
        %add3A_566 = vector.broadcast %scan3A_560 : i32 to vector<16xi32>
        %add3A_567 = arith.addi %sub3A, %add3A_566 : vector<16xi32>
        %mul3A_568 = arith.constant 16 : i32
        %mul3A_569 = arith.muli %scan3A_559, %mul3A_568 : i32
        %swap3A_570 = arith.index_cast %mul3A_569 : i32 to index
        %swap3A_571 = tpu.vector_load %arg22[%swap3A_570] {strides = array<i32>} : memref<512xi32, #tpu.memory_space<vmem>>, vector<16xi32>,
        tpu.vector_store %arg22[%swap3A_570], %add3A_567 {strides = array<i32>} : memref<512xi32, #tpu.memory_space<vmem>>, vector<16xi32>,
        %reduce_max3A = arith.constant true
        %reduce_max3A_572 = vector.broadcast %reduce_max3A : i1 to vector<16xi1>
        %reduce_max3A_573 = arith.constant -2147483648 : i32
        %reduce_max3A_574 = vector.broadcast %reduce_max3A_573 : i32 to vector<16xi32>
        %reduce_max3A_575 = arith.xori %masked_cumsum3A, %reduce_max3A_574 : vector<16xi32>
        %reduce_max3A_576 = tpu.scan <max>, %reduce_max3A_575 masked %reduce_max3A_572 : vector<16xi32>, vector<16xi1> -> vector<16xi32>
        %reduce_max3A_577 = arith.xori %reduce_max3A_576, %reduce_max3A_574 : vector<16xi32>
        %reduce_max3A_578 = vector.extract %reduce_max3A_577[15] : i32 from vector<16xi32>
        %add3A_579 = arith.addi %scan3A_560, %reduce_max3A_578 : i32
        scf.yield %add3A_579 : i32
      }
      %scan3A_467 = arith.constant 32 : i32
      %while3A_468 = arith.constant 0 : i32
      %while3A_469 = arith.constant 0 : i32
      %while3A_470 = arith.subi %shift_right_arithmetic3A_434, %while3A_468 : i32
      %while3A_471 = arith.addi %while3A_468, %while3A_470 : i32
      %while3A_472 = arith.constant 1 : i32
      %while3A_473 = arith.divsi %while3A_470, %while3A_472 : i32
      %while3A_474 = arith.muli %while3A_473, %while3A_472 : i32
      %while3A_475 = arith.addi %while3A_468, %while3A_474 : i32
      %while3A_476 = arith.constant 1 : i32
      %while3A_477 = scf.for %while3A_559 = %while3A_468 to %while3A_475 step %while3A_476 iter_args(%while3A_560 = %while3A_469) -> (i32)  : i32 {
        %mul3A_561 = arith.constant 16 : i32
        %mul3A_562 = arith.muli %while3A_559, %mul3A_561 : i32
        %get3A = arith.index_cast %mul3A_562 : i32 to index
        %get3A_563 = tpu.vector_load %arg15[%get3A] {strides = array<i32>} : memref<8960xi32, #tpu.memory_space<vmem>>, vector<16xi32>,
        %get3A_564 = arith.index_cast %mul3A_562 : i32 to index
        %get3A_565 = tpu.vector_load %arg16[%get3A_564] {strides = array<i32>} : memref<8960xi32, #tpu.memory_space<vmem>>, vector<16xi32>,
        %shift_right_arithmetic3A_566 = arith.constant 0 : i32
        %shift_right_arithmetic3A_567 = vector.broadcast %shift_right_arithmetic3A_566 : i32 to vector<16xi32>
        %shift_right_arithmetic3A_568 = arith.shrsi %get3A_563, %shift_right_arithmetic3A_567 : vector<16xi32>
        %and3A = arith.constant 511 : i32
        %and3A_569 = vector.broadcast %and3A : i32 to vector<16xi32>
        %and3A_570 = arith.andi %shift_right_arithmetic3A_568, %and3A_569 : vector<16xi32>
        %broadcast_in_dim3A_571 = arith.constant true
        %broadcast_in_dim3A_572 = vector.broadcast %broadcast_in_dim3A_571 : i1 to vector<16xi1>
        %unique3A, %unique3A_573 = tpu.scan_count mask(%broadcast_in_dim3A_572 : vector<16xi1>) value(%and3A_570 : vector<16xi32>) : vector<16xi1>, vector<16xi32>
        %gather3A = tpu.vector_load_idx %arg22[%and3A_570] : memref<512xi32, #tpu.memory_space<vmem>>[vector<16xi32>], vector<16xi32>,
        %add3A_574 = arith.addi %gather3A, %unique3A_573 : vector<16xi32>
        %sub3A = arith.constant 1 : i32
        %sub3A_575 = vector.broadcast %sub3A : i32 to vector<16xi32>
        %sub3A_576 = arith.subi %add3A_574, %sub3A_575 : vector<16xi32>
        tpu.vector_store_idx %arg13[%sub3A_576], %get3A_563 : memref<8960xi32, #tpu.memory_space<vmem>>[vector<16xi32>], vector<16xi32>,
        tpu.vector_store_idx %arg14[%sub3A_576], %get3A_565 : memref<8960xi32, #tpu.memory_space<vmem>>[vector<16xi32>], vector<16xi32>,
        tpu.vector_store_idx %arg22[%and3A_570], %unique3A_573 masked %unique3A {add = true} : memref<512xi32, #tpu.memory_space<vmem>>[vector<16xi32>], vector<16xi32>, vector<16xi1>
        %while3A_577 = arith.constant 0 : i32
        scf.yield %while3A_577 : i32
      }
      %while3A_478 = arith.constant 1 : i32
      %while3A_479 = scf.for %while3A_559 = %while3A_475 to %while3A_471 step %while3A_478 iter_args(%while3A_560 = %while3A_477) -> (i32)  : i32 {
        %mul3A_561 = arith.constant 16 : i32
        %mul3A_562 = arith.muli %while3A_559, %mul3A_561 : i32
        %get3A = arith.index_cast %mul3A_562 : i32 to index
        %get3A_563 = tpu.vector_load %arg15[%get3A] {strides = array<i32>} : memref<8960xi32, #tpu.memory_space<vmem>>, vector<16xi32>,
        %get3A_564 = arith.index_cast %mul3A_562 : i32 to index
        %get3A_565 = tpu.vector_load %arg16[%get3A_564] {strides = array<i32>} : memref<8960xi32, #tpu.memory_space<vmem>>, vector<16xi32>,
        %shift_right_arithmetic3A_566 = arith.constant 0 : i32
        %shift_right_arithmetic3A_567 = vector.broadcast %shift_right_arithmetic3A_566 : i32 to vector<16xi32>
        %shift_right_arithmetic3A_568 = arith.shrsi %get3A_563, %shift_right_arithmetic3A_567 : vector<16xi32>
        %and3A = arith.constant 511 : i32
        %and3A_569 = vector.broadcast %and3A : i32 to vector<16xi32>
        %and3A_570 = arith.andi %shift_right_arithmetic3A_568, %and3A_569 : vector<16xi32>
        %broadcast_in_dim3A_571 = arith.constant true
        %broadcast_in_dim3A_572 = vector.broadcast %broadcast_in_dim3A_571 : i1 to vector<16xi1>
        %unique3A, %unique3A_573 = tpu.scan_count mask(%broadcast_in_dim3A_572 : vector<16xi1>) value(%and3A_570 : vector<16xi32>) : vector<16xi1>, vector<16xi32>
        %gather3A = tpu.vector_load_idx %arg22[%and3A_570] : memref<512xi32, #tpu.memory_space<vmem>>[vector<16xi32>], vector<16xi32>,
        %add3A_574 = arith.addi %gather3A, %unique3A_573 : vector<16xi32>
        %sub3A = arith.constant 1 : i32
        %sub3A_575 = vector.broadcast %sub3A : i32 to vector<16xi32>
        %sub3A_576 = arith.subi %add3A_574, %sub3A_575 : vector<16xi32>
        tpu.vector_store_idx %arg13[%sub3A_576], %get3A_563 : memref<8960xi32, #tpu.memory_space<vmem>>[vector<16xi32>], vector<16xi32>,
        tpu.vector_store_idx %arg14[%sub3A_576], %get3A_565 : memref<8960xi32, #tpu.memory_space<vmem>>[vector<16xi32>], vector<16xi32>,
        tpu.vector_store_idx %arg22[%and3A_570], %unique3A_573 masked %unique3A {add = true} : memref<512xi32, #tpu.memory_space<vmem>>[vector<16xi32>], vector<16xi32>, vector<16xi1>
        %while3A_577 = arith.constant 0 : i32
        scf.yield %while3A_577 : i32
      }
      %scan3A_480 = arith.constant 0 : i32
      %scan3A_481 = arith.constant 0 : i32
      %scan3A_482 = arith.constant 32 : i32
      %scan3A_483 = arith.addi %scan3A_481, %scan3A_482 : i32
      %scan3A_484 = arith.constant 1 : i32
      %scan3A_485 = scf.for %scan3A_559 = %scan3A_481 to %scan3A_483 step %scan3A_484 iter_args(%scan3A_560 = %scan3A_480) -> (i32)  : i32 {
        %mul3A_561 = arith.constant 16 : i32
        %mul3A_562 = arith.muli %scan3A_559, %mul3A_561 : i32
        %swap3A_563 = arith.index_cast %mul3A_562 : i32 to index
        %swap3A_564 = tpu.vector_load %arg21[%swap3A_563] {strides = array<i32>} : memref<512xi32, #tpu.memory_space<vmem>>, vector<16xi32>,
        tpu.vector_store %arg21[%swap3A_563], %broadcast_in_dim3A_390 {strides = array<i32>} : memref<512xi32, #tpu.memory_space<vmem>>, vector<16xi32>,
        %scan3A_565 = arith.constant 0 : i32
        scf.yield %scan3A_565 : i32
      }
      %scan3A_486 = arith.constant 32 : i32
      %while3A_487 = arith.constant 0 : i32
      %while3A_488 = arith.constant 0 : i32
      %while3A_489 = arith.subi %shift_right_arithmetic3A_434, %while3A_488 : i32
      %while3A_490 = arith.addi %while3A_488, %while3A_489 : i32
      %while3A_491 = arith.constant 1 : i32
      %while3A_492 = arith.divsi %while3A_489, %while3A_491 : i32
      %while3A_493 = arith.muli %while3A_492, %while3A_491 : i32
      %while3A_494 = arith.addi %while3A_488, %while3A_493 : i32
      %while3A_495 = arith.constant 1 : i32
      scf.for %while3A_559 = %while3A_488 to %while3A_494 step %while3A_495  : i32 {
        %mul3A_560 = arith.constant 16 : i32
        %mul3A_561 = arith.muli %while3A_559, %mul3A_560 : i32
        %get3A = arith.index_cast %mul3A_561 : i32 to index
        %get3A_562 = tpu.vector_load %arg13[%get3A] {strides = array<i32>} : memref<8960xi32, #tpu.memory_space<vmem>>, vector<16xi32>,
        %shift_right_arithmetic3A_563 = arith.constant 9 : i32
        %shift_right_arithmetic3A_564 = vector.broadcast %shift_right_arithmetic3A_563 : i32 to vector<16xi32>
        %shift_right_arithmetic3A_565 = arith.shrsi %get3A_562, %shift_right_arithmetic3A_564 : vector<16xi32>
        %and3A = arith.constant 511 : i32
        %and3A_566 = vector.broadcast %and3A : i32 to vector<16xi32>
        %and3A_567 = arith.andi %shift_right_arithmetic3A_565, %and3A_566 : vector<16xi32>
        %broadcast_in_dim3A_568 = arith.constant true
        %broadcast_in_dim3A_569 = vector.broadcast %broadcast_in_dim3A_568 : i1 to vector<16xi1>
        %unique3A, %unique3A_570 = tpu.scan_count mask(%broadcast_in_dim3A_569 : vector<16xi1>) value(%and3A_567 : vector<16xi32>) : vector<16xi1>, vector<16xi32>
        tpu.vector_store_idx %arg21[%and3A_567], %unique3A_570 masked %unique3A {add = true} : memref<512xi32, #tpu.memory_space<vmem>>[vector<16xi32>], vector<16xi32>, vector<16xi1>
      }
      %while3A_496 = arith.constant 1 : i32
      scf.for %while3A_559 = %while3A_494 to %while3A_490 step %while3A_496  : i32 {
        %mul3A_560 = arith.constant 16 : i32
        %mul3A_561 = arith.muli %while3A_559, %mul3A_560 : i32
        %get3A = arith.index_cast %mul3A_561 : i32 to index
        %get3A_562 = tpu.vector_load %arg13[%get3A] {strides = array<i32>} : memref<8960xi32, #tpu.memory_space<vmem>>, vector<16xi32>,
        %shift_right_arithmetic3A_563 = arith.constant 9 : i32
        %shift_right_arithmetic3A_564 = vector.broadcast %shift_right_arithmetic3A_563 : i32 to vector<16xi32>
        %shift_right_arithmetic3A_565 = arith.shrsi %get3A_562, %shift_right_arithmetic3A_564 : vector<16xi32>
        %and3A = arith.constant 511 : i32
        %and3A_566 = vector.broadcast %and3A : i32 to vector<16xi32>
        %and3A_567 = arith.andi %shift_right_arithmetic3A_565, %and3A_566 : vector<16xi32>
        %broadcast_in_dim3A_568 = arith.constant true
        %broadcast_in_dim3A_569 = vector.broadcast %broadcast_in_dim3A_568 : i1 to vector<16xi1>
        %unique3A, %unique3A_570 = tpu.scan_count mask(%broadcast_in_dim3A_569 : vector<16xi1>) value(%and3A_567 : vector<16xi32>) : vector<16xi1>, vector<16xi32>
        tpu.vector_store_idx %arg21[%and3A_567], %unique3A_570 masked %unique3A {add = true} : memref<512xi32, #tpu.memory_space<vmem>>[vector<16xi32>], vector<16xi32>, vector<16xi1>
      }
      %scan3A_497 = arith.constant 0 : i32
      %scan3A_498 = arith.constant 0 : i32
      %scan3A_499 = arith.constant 32 : i32
      %scan3A_500 = arith.addi %scan3A_498, %scan3A_499 : i32
      %scan3A_501 = arith.constant 1 : i32
      %scan3A_502 = scf.for %scan3A_559 = %scan3A_498 to %scan3A_500 step %scan3A_501 iter_args(%scan3A_560 = %scan3A_497) -> (i32)  : i32 {
        %mul3A_561 = arith.constant 16 : i32
        %mul3A_562 = arith.muli %scan3A_559, %mul3A_561 : i32
        %get3A = arith.index_cast %mul3A_562 : i32 to index
        %get3A_563 = tpu.vector_load %arg21[%get3A] {strides = array<i32>} : memref<512xi32, #tpu.memory_space<vmem>>, vector<16xi32>,
        %broadcast_in_dim3A_564 = arith.constant true
        %broadcast_in_dim3A_565 = vector.broadcast %broadcast_in_dim3A_564 : i1 to vector<16xi1>
        %masked_cumsum3A = tpu.scan <sum>, %get3A_563 masked %broadcast_in_dim3A_565 : vector<16xi32>, vector<16xi1> -> vector<16xi32>
        %sub3A = arith.subi %masked_cumsum3A, %get3A_563 : vector<16xi32>
        %add3A_566 = vector.broadcast %scan3A_560 : i32 to vector<16xi32>
        %add3A_567 = arith.addi %sub3A, %add3A_566 : vector<16xi32>
        %mul3A_568 = arith.constant 16 : i32
        %mul3A_569 = arith.muli %scan3A_559, %mul3A_568 : i32
        %swap3A_570 = arith.index_cast %mul3A_569 : i32 to index
        %swap3A_571 = tpu.vector_load %arg22[%swap3A_570] {strides = array<i32>} : memref<512xi32, #tpu.memory_space<vmem>>, vector<16xi32>,
        tpu.vector_store %arg22[%swap3A_570], %add3A_567 {strides = array<i32>} : memref<512xi32, #tpu.memory_space<vmem>>, vector<16xi32>,
        %reduce_max3A = arith.constant true
        %reduce_max3A_572 = vector.broadcast %reduce_max3A : i1 to vector<16xi1>
        %reduce_max3A_573 = arith.constant -2147483648 : i32
        %reduce_max3A_574 = vector.broadcast %reduce_max3A_573 : i32 to vector<16xi32>
        %reduce_max3A_575 = arith.xori %masked_cumsum3A, %reduce_max3A_574 : vector<16xi32>
        %reduce_max3A_576 = tpu.scan <max>, %reduce_max3A_575 masked %reduce_max3A_572 : vector<16xi32>, vector<16xi1> -> vector<16xi32>
        %reduce_max3A_577 = arith.xori %reduce_max3A_576, %reduce_max3A_574 : vector<16xi32>
        %reduce_max3A_578 = vector.extract %reduce_max3A_577[15] : i32 from vector<16xi32>
        %add3A_579 = arith.addi %scan3A_560, %reduce_max3A_578 : i32
        scf.yield %add3A_579 : i32
      }
      %scan3A_503 = arith.constant 32 : i32
      %while3A_504 = arith.constant 0 : i32
      %while3A_505 = arith.constant 0 : i32
      %while3A_506 = arith.subi %shift_right_arithmetic3A_434, %while3A_504 : i32
      %while3A_507 = arith.addi %while3A_504, %while3A_506 : i32
      %while3A_508 = arith.constant 1 : i32
      %while3A_509 = arith.divsi %while3A_506, %while3A_508 : i32
      %while3A_510 = arith.muli %while3A_509, %while3A_508 : i32
      %while3A_511 = arith.addi %while3A_504, %while3A_510 : i32
      %while3A_512 = arith.constant 1 : i32
      %while3A_513 = scf.for %while3A_559 = %while3A_504 to %while3A_511 step %while3A_512 iter_args(%while3A_560 = %while3A_505) -> (i32)  : i32 {
        %mul3A_561 = arith.constant 16 : i32
        %mul3A_562 = arith.muli %while3A_559, %mul3A_561 : i32
        %get3A = arith.index_cast %mul3A_562 : i32 to index
        %get3A_563 = tpu.vector_load %arg13[%get3A] {strides = array<i32>} : memref<8960xi32, #tpu.memory_space<vmem>>, vector<16xi32>,
        %get3A_564 = arith.index_cast %mul3A_562 : i32 to index
        %get3A_565 = tpu.vector_load %arg14[%get3A_564] {strides = array<i32>} : memref<8960xi32, #tpu.memory_space<vmem>>, vector<16xi32>,
        %shift_right_arithmetic3A_566 = arith.constant 9 : i32
        %shift_right_arithmetic3A_567 = vector.broadcast %shift_right_arithmetic3A_566 : i32 to vector<16xi32>
        %shift_right_arithmetic3A_568 = arith.shrsi %get3A_563, %shift_right_arithmetic3A_567 : vector<16xi32>
        %and3A = arith.constant 511 : i32
        %and3A_569 = vector.broadcast %and3A : i32 to vector<16xi32>
        %and3A_570 = arith.andi %shift_right_arithmetic3A_568, %and3A_569 : vector<16xi32>
        %broadcast_in_dim3A_571 = arith.constant true
        %broadcast_in_dim3A_572 = vector.broadcast %broadcast_in_dim3A_571 : i1 to vector<16xi1>
        %unique3A, %unique3A_573 = tpu.scan_count mask(%broadcast_in_dim3A_572 : vector<16xi1>) value(%and3A_570 : vector<16xi32>) : vector<16xi1>, vector<16xi32>
        %gather3A = tpu.vector_load_idx %arg22[%and3A_570] : memref<512xi32, #tpu.memory_space<vmem>>[vector<16xi32>], vector<16xi32>,
        %add3A_574 = arith.addi %gather3A, %unique3A_573 : vector<16xi32>
        %sub3A = arith.constant 1 : i32
        %sub3A_575 = vector.broadcast %sub3A : i32 to vector<16xi32>
        %sub3A_576 = arith.subi %add3A_574, %sub3A_575 : vector<16xi32>
        tpu.vector_store_idx %arg15[%sub3A_576], %get3A_563 : memref<8960xi32, #tpu.memory_space<vmem>>[vector<16xi32>], vector<16xi32>,
        tpu.vector_store_idx %arg16[%sub3A_576], %get3A_565 : memref<8960xi32, #tpu.memory_space<vmem>>[vector<16xi32>], vector<16xi32>,
        tpu.vector_store_idx %arg22[%and3A_570], %unique3A_573 masked %unique3A {add = true} : memref<512xi32, #tpu.memory_space<vmem>>[vector<16xi32>], vector<16xi32>, vector<16xi1>
        %while3A_577 = arith.constant 0 : i32
        scf.yield %while3A_577 : i32
      }
      %while3A_514 = arith.constant 1 : i32
      %while3A_515 = scf.for %while3A_559 = %while3A_511 to %while3A_507 step %while3A_514 iter_args(%while3A_560 = %while3A_513) -> (i32)  : i32 {
        %mul3A_561 = arith.constant 16 : i32
        %mul3A_562 = arith.muli %while3A_559, %mul3A_561 : i32
        %get3A = arith.index_cast %mul3A_562 : i32 to index
        %get3A_563 = tpu.vector_load %arg13[%get3A] {strides = array<i32>} : memref<8960xi32, #tpu.memory_space<vmem>>, vector<16xi32>,
        %get3A_564 = arith.index_cast %mul3A_562 : i32 to index
        %get3A_565 = tpu.vector_load %arg14[%get3A_564] {strides = array<i32>} : memref<8960xi32, #tpu.memory_space<vmem>>, vector<16xi32>,
        %shift_right_arithmetic3A_566 = arith.constant 9 : i32
        %shift_right_arithmetic3A_567 = vector.broadcast %shift_right_arithmetic3A_566 : i32 to vector<16xi32>
        %shift_right_arithmetic3A_568 = arith.shrsi %get3A_563, %shift_right_arithmetic3A_567 : vector<16xi32>
        %and3A = arith.constant 511 : i32
        %and3A_569 = vector.broadcast %and3A : i32 to vector<16xi32>
        %and3A_570 = arith.andi %shift_right_arithmetic3A_568, %and3A_569 : vector<16xi32>
        %broadcast_in_dim3A_571 = arith.constant true
        %broadcast_in_dim3A_572 = vector.broadcast %broadcast_in_dim3A_571 : i1 to vector<16xi1>
        %unique3A, %unique3A_573 = tpu.scan_count mask(%broadcast_in_dim3A_572 : vector<16xi1>) value(%and3A_570 : vector<16xi32>) : vector<16xi1>, vector<16xi32>
        %gather3A = tpu.vector_load_idx %arg22[%and3A_570] : memref<512xi32, #tpu.memory_space<vmem>>[vector<16xi32>], vector<16xi32>,
        %add3A_574 = arith.addi %gather3A, %unique3A_573 : vector<16xi32>
        %sub3A = arith.constant 1 : i32
        %sub3A_575 = vector.broadcast %sub3A : i32 to vector<16xi32>
        %sub3A_576 = arith.subi %add3A_574, %sub3A_575 : vector<16xi32>
        tpu.vector_store_idx %arg15[%sub3A_576], %get3A_563 : memref<8960xi32, #tpu.memory_space<vmem>>[vector<16xi32>], vector<16xi32>,
        tpu.vector_store_idx %arg16[%sub3A_576], %get3A_565 : memref<8960xi32, #tpu.memory_space<vmem>>[vector<16xi32>], vector<16xi32>,
        tpu.vector_store_idx %arg22[%and3A_570], %unique3A_573 masked %unique3A {add = true} : memref<512xi32, #tpu.memory_space<vmem>>[vector<16xi32>], vector<16xi32>, vector<16xi1>
        %while3A_577 = arith.constant 0 : i32
        scf.yield %while3A_577 : i32
      }
      %scan3A_516 = arith.constant 0 : i32
      %scan3A_517 = arith.constant 0 : i32
      %scan3A_518 = arith.constant 32 : i32
      %scan3A_519 = arith.addi %scan3A_517, %scan3A_518 : i32
      %scan3A_520 = arith.constant 1 : i32
      %scan3A_521 = scf.for %scan3A_559 = %scan3A_517 to %scan3A_519 step %scan3A_520 iter_args(%scan3A_560 = %scan3A_516) -> (i32)  : i32 {
        %mul3A_561 = arith.constant 16 : i32
        %mul3A_562 = arith.muli %scan3A_559, %mul3A_561 : i32
        %swap3A_563 = arith.index_cast %mul3A_562 : i32 to index
        %swap3A_564 = tpu.vector_load %arg21[%swap3A_563] {strides = array<i32>} : memref<512xi32, #tpu.memory_space<vmem>>, vector<16xi32>,
        tpu.vector_store %arg21[%swap3A_563], %broadcast_in_dim3A_390 {strides = array<i32>} : memref<512xi32, #tpu.memory_space<vmem>>, vector<16xi32>,
        %scan3A_565 = arith.constant 0 : i32
        scf.yield %scan3A_565 : i32
      }
      %scan3A_522 = arith.constant 32 : i32
      %while3A_523 = arith.constant 0 : i32
      %while3A_524 = arith.constant 0 : i32
      %while3A_525 = arith.subi %shift_right_arithmetic3A_434, %while3A_524 : i32
      %while3A_526 = arith.addi %while3A_524, %while3A_525 : i32
      %while3A_527 = arith.constant 1 : i32
      %while3A_528 = arith.divsi %while3A_525, %while3A_527 : i32
      %while3A_529 = arith.muli %while3A_528, %while3A_527 : i32
      %while3A_530 = arith.addi %while3A_524, %while3A_529 : i32
      %while3A_531 = arith.constant 1 : i32
      scf.for %while3A_559 = %while3A_524 to %while3A_530 step %while3A_531  : i32 {
        %mul3A_560 = arith.constant 16 : i32
        %mul3A_561 = arith.muli %while3A_559, %mul3A_560 : i32
        %get3A = arith.index_cast %mul3A_561 : i32 to index
        %get3A_562 = tpu.vector_load %arg15[%get3A] {strides = array<i32>} : memref<8960xi32, #tpu.memory_space<vmem>>, vector<16xi32>,
        %shift_right_arithmetic3A_563 = arith.constant 18 : i32
        %shift_right_arithmetic3A_564 = vector.broadcast %shift_right_arithmetic3A_563 : i32 to vector<16xi32>
        %shift_right_arithmetic3A_565 = arith.shrsi %get3A_562, %shift_right_arithmetic3A_564 : vector<16xi32>
        %and3A = arith.constant 511 : i32
        %and3A_566 = vector.broadcast %and3A : i32 to vector<16xi32>
        %and3A_567 = arith.andi %shift_right_arithmetic3A_565, %and3A_566 : vector<16xi32>
        %broadcast_in_dim3A_568 = arith.constant true
        %broadcast_in_dim3A_569 = vector.broadcast %broadcast_in_dim3A_568 : i1 to vector<16xi1>
        %unique3A, %unique3A_570 = tpu.scan_count mask(%broadcast_in_dim3A_569 : vector<16xi1>) value(%and3A_567 : vector<16xi32>) : vector<16xi1>, vector<16xi32>
        tpu.vector_store_idx %arg21[%and3A_567], %unique3A_570 masked %unique3A {add = true} : memref<512xi32, #tpu.memory_space<vmem>>[vector<16xi32>], vector<16xi32>, vector<16xi1>
      }
      %while3A_532 = arith.constant 1 : i32
      scf.for %while3A_559 = %while3A_530 to %while3A_526 step %while3A_532  : i32 {
        %mul3A_560 = arith.constant 16 : i32
        %mul3A_561 = arith.muli %while3A_559, %mul3A_560 : i32
        %get3A = arith.index_cast %mul3A_561 : i32 to index
        %get3A_562 = tpu.vector_load %arg15[%get3A] {strides = array<i32>} : memref<8960xi32, #tpu.memory_space<vmem>>, vector<16xi32>,
        %shift_right_arithmetic3A_563 = arith.constant 18 : i32
        %shift_right_arithmetic3A_564 = vector.broadcast %shift_right_arithmetic3A_563 : i32 to vector<16xi32>
        %shift_right_arithmetic3A_565 = arith.shrsi %get3A_562, %shift_right_arithmetic3A_564 : vector<16xi32>
        %and3A = arith.constant 511 : i32
        %and3A_566 = vector.broadcast %and3A : i32 to vector<16xi32>
        %and3A_567 = arith.andi %shift_right_arithmetic3A_565, %and3A_566 : vector<16xi32>
        %broadcast_in_dim3A_568 = arith.constant true
        %broadcast_in_dim3A_569 = vector.broadcast %broadcast_in_dim3A_568 : i1 to vector<16xi1>
        %unique3A, %unique3A_570 = tpu.scan_count mask(%broadcast_in_dim3A_569 : vector<16xi1>) value(%and3A_567 : vector<16xi32>) : vector<16xi1>, vector<16xi32>
        tpu.vector_store_idx %arg21[%and3A_567], %unique3A_570 masked %unique3A {add = true} : memref<512xi32, #tpu.memory_space<vmem>>[vector<16xi32>], vector<16xi32>, vector<16xi1>
      }
      %scan3A_533 = arith.constant 0 : i32
      %scan3A_534 = arith.constant 0 : i32
      %scan3A_535 = arith.constant 32 : i32
      %scan3A_536 = arith.addi %scan3A_534, %scan3A_535 : i32
      %scan3A_537 = arith.constant 1 : i32
      %scan3A_538 = scf.for %scan3A_559 = %scan3A_534 to %scan3A_536 step %scan3A_537 iter_args(%scan3A_560 = %scan3A_533) -> (i32)  : i32 {
        %mul3A_561 = arith.constant 16 : i32
        %mul3A_562 = arith.muli %scan3A_559, %mul3A_561 : i32
        %get3A = arith.index_cast %mul3A_562 : i32 to index
        %get3A_563 = tpu.vector_load %arg21[%get3A] {strides = array<i32>} : memref<512xi32, #tpu.memory_space<vmem>>, vector<16xi32>,
        %broadcast_in_dim3A_564 = arith.constant true
        %broadcast_in_dim3A_565 = vector.broadcast %broadcast_in_dim3A_564 : i1 to vector<16xi1>
        %masked_cumsum3A = tpu.scan <sum>, %get3A_563 masked %broadcast_in_dim3A_565 : vector<16xi32>, vector<16xi1> -> vector<16xi32>
        %sub3A = arith.subi %masked_cumsum3A, %get3A_563 : vector<16xi32>
        %add3A_566 = vector.broadcast %scan3A_560 : i32 to vector<16xi32>
        %add3A_567 = arith.addi %sub3A, %add3A_566 : vector<16xi32>
        %mul3A_568 = arith.constant 16 : i32
        %mul3A_569 = arith.muli %scan3A_559, %mul3A_568 : i32
        %swap3A_570 = arith.index_cast %mul3A_569 : i32 to index
        %swap3A_571 = tpu.vector_load %arg22[%swap3A_570] {strides = array<i32>} : memref<512xi32, #tpu.memory_space<vmem>>, vector<16xi32>,
        tpu.vector_store %arg22[%swap3A_570], %add3A_567 {strides = array<i32>} : memref<512xi32, #tpu.memory_space<vmem>>, vector<16xi32>,
        %reduce_max3A = arith.constant true
        %reduce_max3A_572 = vector.broadcast %reduce_max3A : i1 to vector<16xi1>
        %reduce_max3A_573 = arith.constant -2147483648 : i32
        %reduce_max3A_574 = vector.broadcast %reduce_max3A_573 : i32 to vector<16xi32>
        %reduce_max3A_575 = arith.xori %masked_cumsum3A, %reduce_max3A_574 : vector<16xi32>
        %reduce_max3A_576 = tpu.scan <max>, %reduce_max3A_575 masked %reduce_max3A_572 : vector<16xi32>, vector<16xi1> -> vector<16xi32>
        %reduce_max3A_577 = arith.xori %reduce_max3A_576, %reduce_max3A_574 : vector<16xi32>
        %reduce_max3A_578 = vector.extract %reduce_max3A_577[15] : i32 from vector<16xi32>
        %add3A_579 = arith.addi %scan3A_560, %reduce_max3A_578 : i32
        scf.yield %add3A_579 : i32
      }
      %scan3A_539 = arith.constant 32 : i32
      %while3A_540 = arith.constant 0 : i32
      %while3A_541 = arith.constant 0 : i32
      %while3A_542 = arith.subi %shift_right_arithmetic3A_434, %while3A_540 : i32
      %while3A_543 = arith.addi %while3A_540, %while3A_542 : i32
      %while3A_544 = arith.constant 1 : i32
      %while3A_545 = arith.divsi %while3A_542, %while3A_544 : i32
      %while3A_546 = arith.muli %while3A_545, %while3A_544 : i32
      %while3A_547 = arith.addi %while3A_540, %while3A_546 : i32
      %while3A_548 = arith.constant 1 : i32
      %while3A_549 = scf.for %while3A_559 = %while3A_540 to %while3A_547 step %while3A_548 iter_args(%while3A_560 = %while3A_541) -> (i32)  : i32 {
        %mul3A_561 = arith.constant 16 : i32
        %mul3A_562 = arith.muli %while3A_559, %mul3A_561 : i32
        %get3A = arith.index_cast %mul3A_562 : i32 to index
        %get3A_563 = tpu.vector_load %arg15[%get3A] {strides = array<i32>} : memref<8960xi32, #tpu.memory_space<vmem>>, vector<16xi32>,
        %get3A_564 = arith.index_cast %mul3A_562 : i32 to index
        %get3A_565 = tpu.vector_load %arg16[%get3A_564] {strides = array<i32>} : memref<8960xi32, #tpu.memory_space<vmem>>, vector<16xi32>,
        %shift_right_arithmetic3A_566 = arith.constant 18 : i32
        %shift_right_arithmetic3A_567 = vector.broadcast %shift_right_arithmetic3A_566 : i32 to vector<16xi32>
        %shift_right_arithmetic3A_568 = arith.shrsi %get3A_563, %shift_right_arithmetic3A_567 : vector<16xi32>
        %and3A = arith.constant 511 : i32
        %and3A_569 = vector.broadcast %and3A : i32 to vector<16xi32>
        %and3A_570 = arith.andi %shift_right_arithmetic3A_568, %and3A_569 : vector<16xi32>
        %broadcast_in_dim3A_571 = arith.constant true
        %broadcast_in_dim3A_572 = vector.broadcast %broadcast_in_dim3A_571 : i1 to vector<16xi1>
        %unique3A, %unique3A_573 = tpu.scan_count mask(%broadcast_in_dim3A_572 : vector<16xi1>) value(%and3A_570 : vector<16xi32>) : vector<16xi1>, vector<16xi32>
        %gather3A = tpu.vector_load_idx %arg22[%and3A_570] : memref<512xi32, #tpu.memory_space<vmem>>[vector<16xi32>], vector<16xi32>,
        %add3A_574 = arith.addi %gather3A, %unique3A_573 : vector<16xi32>
        %sub3A = arith.constant 1 : i32
        %sub3A_575 = vector.broadcast %sub3A : i32 to vector<16xi32>
        %sub3A_576 = arith.subi %add3A_574, %sub3A_575 : vector<16xi32>
        tpu.vector_store_idx %arg13[%sub3A_576], %get3A_563 : memref<8960xi32, #tpu.memory_space<vmem>>[vector<16xi32>], vector<16xi32>,
        tpu.vector_store_idx %arg14[%sub3A_576], %get3A_565 : memref<8960xi32, #tpu.memory_space<vmem>>[vector<16xi32>], vector<16xi32>,
        tpu.vector_store_idx %arg22[%and3A_570], %unique3A_573 masked %unique3A {add = true} : memref<512xi32, #tpu.memory_space<vmem>>[vector<16xi32>], vector<16xi32>, vector<16xi1>
        %while3A_577 = arith.constant 0 : i32
        scf.yield %while3A_577 : i32
      }
      %while3A_550 = arith.constant 1 : i32
      %while3A_551 = scf.for %while3A_559 = %while3A_547 to %while3A_543 step %while3A_550 iter_args(%while3A_560 = %while3A_549) -> (i32)  : i32 {
        %mul3A_561 = arith.constant 16 : i32
        %mul3A_562 = arith.muli %while3A_559, %mul3A_561 : i32
        %get3A = arith.index_cast %mul3A_562 : i32 to index
        %get3A_563 = tpu.vector_load %arg15[%get3A] {strides = array<i32>} : memref<8960xi32, #tpu.memory_space<vmem>>, vector<16xi32>,
        %get3A_564 = arith.index_cast %mul3A_562 : i32 to index
        %get3A_565 = tpu.vector_load %arg16[%get3A_564] {strides = array<i32>} : memref<8960xi32, #tpu.memory_space<vmem>>, vector<16xi32>,
        %shift_right_arithmetic3A_566 = arith.constant 18 : i32
        %shift_right_arithmetic3A_567 = vector.broadcast %shift_right_arithmetic3A_566 : i32 to vector<16xi32>
        %shift_right_arithmetic3A_568 = arith.shrsi %get3A_563, %shift_right_arithmetic3A_567 : vector<16xi32>
        %and3A = arith.constant 511 : i32
        %and3A_569 = vector.broadcast %and3A : i32 to vector<16xi32>
        %and3A_570 = arith.andi %shift_right_arithmetic3A_568, %and3A_569 : vector<16xi32>
        %broadcast_in_dim3A_571 = arith.constant true
        %broadcast_in_dim3A_572 = vector.broadcast %broadcast_in_dim3A_571 : i1 to vector<16xi1>
        %unique3A, %unique3A_573 = tpu.scan_count mask(%broadcast_in_dim3A_572 : vector<16xi1>) value(%and3A_570 : vector<16xi32>) : vector<16xi1>, vector<16xi32>
        %gather3A = tpu.vector_load_idx %arg22[%and3A_570] : memref<512xi32, #tpu.memory_space<vmem>>[vector<16xi32>], vector<16xi32>,
        %add3A_574 = arith.addi %gather3A, %unique3A_573 : vector<16xi32>
        %sub3A = arith.constant 1 : i32
        %sub3A_575 = vector.broadcast %sub3A : i32 to vector<16xi32>
        %sub3A_576 = arith.subi %add3A_574, %sub3A_575 : vector<16xi32>
        tpu.vector_store_idx %arg13[%sub3A_576], %get3A_563 : memref<8960xi32, #tpu.memory_space<vmem>>[vector<16xi32>], vector<16xi32>,
        tpu.vector_store_idx %arg14[%sub3A_576], %get3A_565 : memref<8960xi32, #tpu.memory_space<vmem>>[vector<16xi32>], vector<16xi32>,
        tpu.vector_store_idx %arg22[%and3A_570], %unique3A_573 masked %unique3A {add = true} : memref<512xi32, #tpu.memory_space<vmem>>[vector<16xi32>], vector<16xi32>, vector<16xi1>
        %while3A_577 = arith.constant 0 : i32
        scf.yield %while3A_577 : i32
      }
      "tpu.region"() ({
        %run_scoped3A = tpu.sem_alloc : memref<!tpu.dma_semaphore, #tpu.memory_space<semaphore_mem>>
        %dma_start3A = arith.constant 0 : i32
        %dma_start3A_559 = tpu.memref_slice %arg3[%add3A_383, %dma_start3A] : memref<4x8960xf32, #tpu.memory_space<hbm>> -> memref<1x8960xf32, #tpu.memory_space<hbm>>
        %dma_start3A_560 = tpu.memref_squeeze %dma_start3A_559 : memref<1x8960xf32, #tpu.memory_space<hbm>> -> memref<8960xf32, #tpu.memory_space<hbm>>
        %dma_start3A_561 = arith.constant 0 : i32
        %dma_start3A_562 = tpu.memref_slice %arg3[%add3A_383, %dma_start3A_561] : memref<4x8960xf32, #tpu.memory_space<hbm>> -> memref<1x8960xf32, #tpu.memory_space<hbm>>
        %dma_start3A_563 = tpu.memref_squeeze %dma_start3A_562 : memref<1x8960xf32, #tpu.memory_space<hbm>> -> memref<8960xf32, #tpu.memory_space<hbm>>
        tpu.enqueue_dma source(%dma_start3A_563 : memref<8960xf32, #tpu.memory_space<hbm>>) target(%arg17 : memref<8960xf32, #tpu.memory_space<vmem>>) target_semaphore(%run_scoped3A : memref<!tpu.dma_semaphore, #tpu.memory_space<semaphore_mem>>)
        %dma_wait3A = arith.constant 0 : i32
        %dma_wait3A_564 = tpu.memref_slice %arg3[%add3A_383, %dma_wait3A] : memref<4x8960xf32, #tpu.memory_space<hbm>> -> memref<1x8960xf32, #tpu.memory_space<hbm>>
        %dma_wait3A_565 = tpu.memref_squeeze %dma_wait3A_564 : memref<1x8960xf32, #tpu.memory_space<hbm>> -> memref<8960xf32, #tpu.memory_space<hbm>>
        %dma_wait3A_566 = arith.constant 0 : i32
        %dma_wait3A_567 = tpu.memref_slice %arg3[%add3A_383, %dma_wait3A_566] : memref<4x8960xf32, #tpu.memory_space<hbm>> -> memref<1x8960xf32, #tpu.memory_space<hbm>>
        %dma_wait3A_568 = tpu.memref_squeeze %dma_wait3A_567 : memref<1x8960xf32, #tpu.memory_space<hbm>> -> memref<8960xf32, #tpu.memory_space<hbm>>
        tpu.wait_dma2 semaphore(%run_scoped3A : memref<!tpu.dma_semaphore, #tpu.memory_space<semaphore_mem>>) src(%dma_wait3A_568 : memref<8960xf32, #tpu.memory_space<hbm>>) dst(%arg17 : memref<8960xf32, #tpu.memory_space<vmem>>)
        tpu.yield
      }) : () -> ()
      "tpu.region"() ({
        %run_scoped3A = tpu.sem_alloc : memref<!tpu.dma_semaphore, #tpu.memory_space<semaphore_mem>>
        %dma_start3A = arith.constant 0 : i32
        %dma_start3A_559 = tpu.memref_slice %arg4[%add3A_383, %dma_start3A] : memref<4x8960xf32, #tpu.memory_space<hbm>> -> memref<1x8960xf32, #tpu.memory_space<hbm>>
        %dma_start3A_560 = tpu.memref_squeeze %dma_start3A_559 : memref<1x8960xf32, #tpu.memory_space<hbm>> -> memref<8960xf32, #tpu.memory_space<hbm>>
        %dma_start3A_561 = arith.constant 0 : i32
        %dma_start3A_562 = tpu.memref_slice %arg4[%add3A_383, %dma_start3A_561] : memref<4x8960xf32, #tpu.memory_space<hbm>> -> memref<1x8960xf32, #tpu.memory_space<hbm>>
        %dma_start3A_563 = tpu.memref_squeeze %dma_start3A_562 : memref<1x8960xf32, #tpu.memory_space<hbm>> -> memref<8960xf32, #tpu.memory_space<hbm>>
        tpu.enqueue_dma source(%dma_start3A_563 : memref<8960xf32, #tpu.memory_space<hbm>>) target(%arg18 : memref<8960xf32, #tpu.memory_space<vmem>>) target_semaphore(%run_scoped3A : memref<!tpu.dma_semaphore, #tpu.memory_space<semaphore_mem>>)
        %dma_wait3A = arith.constant 0 : i32
        %dma_wait3A_564 = tpu.memref_slice %arg4[%add3A_383, %dma_wait3A] : memref<4x8960xf32, #tpu.memory_space<hbm>> -> memref<1x8960xf32, #tpu.memory_space<hbm>>
        %dma_wait3A_565 = tpu.memref_squeeze %dma_wait3A_564 : memref<1x8960xf32, #tpu.memory_space<hbm>> -> memref<8960xf32, #tpu.memory_space<hbm>>
        %dma_wait3A_566 = arith.constant 0 : i32
        %dma_wait3A_567 = tpu.memref_slice %arg4[%add3A_383, %dma_wait3A_566] : memref<4x8960xf32, #tpu.memory_space<hbm>> -> memref<1x8960xf32, #tpu.memory_space<hbm>>
        %dma_wait3A_568 = tpu.memref_squeeze %dma_wait3A_567 : memref<1x8960xf32, #tpu.memory_space<hbm>> -> memref<8960xf32, #tpu.memory_space<hbm>>
        tpu.wait_dma2 semaphore(%run_scoped3A : memref<!tpu.dma_semaphore, #tpu.memory_space<semaphore_mem>>) src(%dma_wait3A_568 : memref<8960xf32, #tpu.memory_space<hbm>>) dst(%arg18 : memref<8960xf32, #tpu.memory_space<vmem>>)
        tpu.yield
      }) : () -> ()
      "tpu.region"() ({
        %run_scoped3A = tpu.sem_alloc : memref<!tpu.dma_semaphore, #tpu.memory_space<semaphore_mem>>
        %dma_start3A = arith.constant 0 : i32
        %dma_start3A_559 = tpu.memref_slice %arg5[%add3A_383, %dma_start3A] : memref<4x8960xf32, #tpu.memory_space<hbm>> -> memref<1x8960xf32, #tpu.memory_space<hbm>>
        %dma_start3A_560 = tpu.memref_squeeze %dma_start3A_559 : memref<1x8960xf32, #tpu.memory_space<hbm>> -> memref<8960xf32, #tpu.memory_space<hbm>>
        %dma_start3A_561 = arith.constant 0 : i32
        %dma_start3A_562 = tpu.memref_slice %arg5[%add3A_383, %dma_start3A_561] : memref<4x8960xf32, #tpu.memory_space<hbm>> -> memref<1x8960xf32, #tpu.memory_space<hbm>>
        %dma_start3A_563 = tpu.memref_squeeze %dma_start3A_562 : memref<1x8960xf32, #tpu.memory_space<hbm>> -> memref<8960xf32, #tpu.memory_space<hbm>>
        tpu.enqueue_dma source(%dma_start3A_563 : memref<8960xf32, #tpu.memory_space<hbm>>) target(%arg19 : memref<8960xf32, #tpu.memory_space<vmem>>) target_semaphore(%run_scoped3A : memref<!tpu.dma_semaphore, #tpu.memory_space<semaphore_mem>>)
        %dma_wait3A = arith.constant 0 : i32
        %dma_wait3A_564 = tpu.memref_slice %arg5[%add3A_383, %dma_wait3A] : memref<4x8960xf32, #tpu.memory_space<hbm>> -> memref<1x8960xf32, #tpu.memory_space<hbm>>
        %dma_wait3A_565 = tpu.memref_squeeze %dma_wait3A_564 : memref<1x8960xf32, #tpu.memory_space<hbm>> -> memref<8960xf32, #tpu.memory_space<hbm>>
        %dma_wait3A_566 = arith.constant 0 : i32
        %dma_wait3A_567 = tpu.memref_slice %arg5[%add3A_383, %dma_wait3A_566] : memref<4x8960xf32, #tpu.memory_space<hbm>> -> memref<1x8960xf32, #tpu.memory_space<hbm>>
        %dma_wait3A_568 = tpu.memref_squeeze %dma_wait3A_567 : memref<1x8960xf32, #tpu.memory_space<hbm>> -> memref<8960xf32, #tpu.memory_space<hbm>>
        tpu.wait_dma2 semaphore(%run_scoped3A : memref<!tpu.dma_semaphore, #tpu.memory_space<semaphore_mem>>) src(%dma_wait3A_568 : memref<8960xf32, #tpu.memory_space<hbm>>) dst(%arg19 : memref<8960xf32, #tpu.memory_space<vmem>>)
        tpu.yield
      }) : () -> ()
      "tpu.region"() ({
        %run_scoped3A = tpu.sem_alloc : memref<!tpu.dma_semaphore, #tpu.memory_space<semaphore_mem>>
        %dma_start3A = arith.constant 0 : i32
        %dma_start3A_559 = tpu.memref_slice %arg6[%add3A_383, %dma_start3A] : memref<4x8960xf32, #tpu.memory_space<hbm>> -> memref<1x8960xf32, #tpu.memory_space<hbm>>
        %dma_start3A_560 = tpu.memref_squeeze %dma_start3A_559 : memref<1x8960xf32, #tpu.memory_space<hbm>> -> memref<8960xf32, #tpu.memory_space<hbm>>
        %dma_start3A_561 = arith.constant 0 : i32
        %dma_start3A_562 = tpu.memref_slice %arg6[%add3A_383, %dma_start3A_561] : memref<4x8960xf32, #tpu.memory_space<hbm>> -> memref<1x8960xf32, #tpu.memory_space<hbm>>
        %dma_start3A_563 = tpu.memref_squeeze %dma_start3A_562 : memref<1x8960xf32, #tpu.memory_space<hbm>> -> memref<8960xf32, #tpu.memory_space<hbm>>
        tpu.enqueue_dma source(%dma_start3A_563 : memref<8960xf32, #tpu.memory_space<hbm>>) target(%arg20 : memref<8960xf32, #tpu.memory_space<vmem>>) target_semaphore(%run_scoped3A : memref<!tpu.dma_semaphore, #tpu.memory_space<semaphore_mem>>)
        %dma_wait3A = arith.constant 0 : i32
        %dma_wait3A_564 = tpu.memref_slice %arg6[%add3A_383, %dma_wait3A] : memref<4x8960xf32, #tpu.memory_space<hbm>> -> memref<1x8960xf32, #tpu.memory_space<hbm>>
        %dma_wait3A_565 = tpu.memref_squeeze %dma_wait3A_564 : memref<1x8960xf32, #tpu.memory_space<hbm>> -> memref<8960xf32, #tpu.memory_space<hbm>>
        %dma_wait3A_566 = arith.constant 0 : i32
        %dma_wait3A_567 = tpu.memref_slice %arg6[%add3A_383, %dma_wait3A_566] : memref<4x8960xf32, #tpu.memory_space<hbm>> -> memref<1x8960xf32, #tpu.memory_space<hbm>>
        %dma_wait3A_568 = tpu.memref_squeeze %dma_wait3A_567 : memref<1x8960xf32, #tpu.memory_space<hbm>> -> memref<8960xf32, #tpu.memory_space<hbm>>
        tpu.wait_dma2 semaphore(%run_scoped3A : memref<!tpu.dma_semaphore, #tpu.memory_space<semaphore_mem>>) src(%dma_wait3A_568 : memref<8960xf32, #tpu.memory_space<hbm>>) dst(%arg20 : memref<8960xf32, #tpu.memory_space<vmem>>)
        tpu.yield
      }) : () -> ()
      %scan3A_552 = arith.constant 0 : i32
      %scan3A_553 = arith.constant 0 : i32
      %scan3A_554 = arith.constant 16 : i32
      %scan3A_555 = arith.addi %scan3A_553, %scan3A_554 : i32
      %scan3A_556 = arith.constant 1 : i32
      %scan3A_557 = scf.for %scan3A_559 = %scan3A_553 to %scan3A_555 step %scan3A_556 iter_args(%scan3A_560 = %scan3A_552) -> (i32)  : i32 {
        %mul3A_561 = arith.constant 16 : i32
        %mul3A_562 = arith.muli %scan3A_559, %mul3A_561 : i32
        %get3A = arith.index_cast %mul3A_562 : i32 to index
        %get3A_563 = tpu.vector_load %arg14[%get3A] {strides = array<i32>} : memref<8960xi32, #tpu.memory_space<vmem>>, vector<16xi32>,
        %gather3A = tpu.vector_load_idx %arg17[%get3A_563] : memref<8960xf32, #tpu.memory_space<vmem>>[vector<16xi32>], vector<16xf32>,
        %swap3A_564 = arith.index_cast %mul3A_562 : i32 to index
        %swap3A_565 = tpu.vector_load %arg23[%swap3A_564] {strides = array<i32>} : memref<256xf32, #tpu.memory_space<vmem>>, vector<16xf32>,
        tpu.vector_store %arg23[%swap3A_564], %gather3A {strides = array<i32>} : memref<256xf32, #tpu.memory_space<vmem>>, vector<16xf32>,
        %gather3A_566 = tpu.vector_load_idx %arg18[%get3A_563] : memref<8960xf32, #tpu.memory_space<vmem>>[vector<16xi32>], vector<16xf32>,
        %swap3A_567 = arith.index_cast %mul3A_562 : i32 to index
        %swap3A_568 = tpu.vector_load %arg24[%swap3A_567] {strides = array<i32>} : memref<256xf32, #tpu.memory_space<vmem>>, vector<16xf32>,
        tpu.vector_store %arg24[%swap3A_567], %gather3A_566 {strides = array<i32>} : memref<256xf32, #tpu.memory_space<vmem>>, vector<16xf32>,
        %gather3A_569 = tpu.vector_load_idx %arg19[%get3A_563] : memref<8960xf32, #tpu.memory_space<vmem>>[vector<16xi32>], vector<16xf32>,
        %swap3A_570 = arith.index_cast %mul3A_562 : i32 to index
        %swap3A_571 = tpu.vector_load %arg25[%swap3A_570] {strides = array<i32>} : memref<256xf32, #tpu.memory_space<vmem>>, vector<16xf32>,
        tpu.vector_store %arg25[%swap3A_570], %gather3A_569 {strides = array<i32>} : memref<256xf32, #tpu.memory_space<vmem>>, vector<16xf32>,
        %gather3A_572 = tpu.vector_load_idx %arg20[%get3A_563] : memref<8960xf32, #tpu.memory_space<vmem>>[vector<16xi32>], vector<16xf32>,
        %swap3A_573 = arith.index_cast %mul3A_562 : i32 to index
        %swap3A_574 = tpu.vector_load %arg26[%swap3A_573] {strides = array<i32>} : memref<256xf32, #tpu.memory_space<vmem>>, vector<16xf32>,
        tpu.vector_store %arg26[%swap3A_573], %gather3A_572 {strides = array<i32>} : memref<256xf32, #tpu.memory_space<vmem>>, vector<16xf32>,
        %scan3A_575 = arith.constant 0 : i32
        scf.yield %scan3A_575 : i32
      }
      %scan3A_558 = arith.constant 16 : i32
      "tpu.region"() ({
        %run_scoped3A = tpu.sem_alloc : memref<!tpu.dma_semaphore, #tpu.memory_space<semaphore_mem>>
        %dma_start3A = arith.constant 0 : i32
        %dma_start3A_559 = tpu.memref_slice %arg13[%dma_start3A] : memref<8960xi32, #tpu.memory_space<vmem>> -> memref<256xi32, #tpu.memory_space<vmem>>
        %dma_start3A_560 = arith.constant 0 : i32
        %dma_start3A_561 = tpu.memref_slice %arg7[%add3A_369, %dma_start3A_560] : memref<80x256xi32, #tpu.memory_space<hbm>> -> memref<1x256xi32, #tpu.memory_space<hbm>>
        %dma_start3A_562 = tpu.memref_squeeze %dma_start3A_561 : memref<1x256xi32, #tpu.memory_space<hbm>> -> memref<256xi32, #tpu.memory_space<hbm>>
        %dma_start3A_563 = arith.constant 0 : i32
        %dma_start3A_564 = tpu.memref_slice %arg7[%add3A_369, %dma_start3A_563] : memref<80x256xi32, #tpu.memory_space<hbm>> -> memref<1x256xi32, #tpu.memory_space<hbm>>
        %dma_start3A_565 = tpu.memref_squeeze %dma_start3A_564 : memref<1x256xi32, #tpu.memory_space<hbm>> -> memref<256xi32, #tpu.memory_space<hbm>>
        %dma_start3A_566 = arith.constant 0 : i32
        %dma_start3A_567 = tpu.memref_slice %arg13[%dma_start3A_566] : memref<8960xi32, #tpu.memory_space<vmem>> -> memref<256xi32, #tpu.memory_space<vmem>>
        tpu.enqueue_dma source(%dma_start3A_567 : memref<256xi32, #tpu.memory_space<vmem>>) target(%dma_start3A_565 : memref<256xi32, #tpu.memory_space<hbm>>) target_semaphore(%run_scoped3A : memref<!tpu.dma_semaphore, #tpu.memory_space<semaphore_mem>>)
        %dma_wait3A = arith.constant 0 : i32
        %dma_wait3A_568 = tpu.memref_slice %arg13[%dma_wait3A] : memref<8960xi32, #tpu.memory_space<vmem>> -> memref<256xi32, #tpu.memory_space<vmem>>
        %dma_wait3A_569 = arith.constant 0 : i32
        %dma_wait3A_570 = tpu.memref_slice %arg7[%add3A_369, %dma_wait3A_569] : memref<80x256xi32, #tpu.memory_space<hbm>> -> memref<1x256xi32, #tpu.memory_space<hbm>>
        %dma_wait3A_571 = tpu.memref_squeeze %dma_wait3A_570 : memref<1x256xi32, #tpu.memory_space<hbm>> -> memref<256xi32, #tpu.memory_space<hbm>>
        %dma_wait3A_572 = arith.constant 0 : i32
        %dma_wait3A_573 = tpu.memref_slice %arg7[%add3A_369, %dma_wait3A_572] : memref<80x256xi32, #tpu.memory_space<hbm>> -> memref<1x256xi32, #tpu.memory_space<hbm>>
        %dma_wait3A_574 = tpu.memref_squeeze %dma_wait3A_573 : memref<1x256xi32, #tpu.memory_space<hbm>> -> memref<256xi32, #tpu.memory_space<hbm>>
        %dma_wait3A_575 = arith.constant 0 : i32
        %dma_wait3A_576 = tpu.memref_slice %arg13[%dma_wait3A_575] : memref<8960xi32, #tpu.memory_space<vmem>> -> memref<256xi32, #tpu.memory_space<vmem>>
        tpu.wait_dma2 semaphore(%run_scoped3A : memref<!tpu.dma_semaphore, #tpu.memory_space<semaphore_mem>>) src(%dma_wait3A_576 : memref<256xi32, #tpu.memory_space<vmem>>) dst(%dma_wait3A_574 : memref<256xi32, #tpu.memory_space<hbm>>)
        tpu.yield
      }) : () -> ()
      "tpu.region"() ({
        %run_scoped3A = tpu.sem_alloc : memref<!tpu.dma_semaphore, #tpu.memory_space<semaphore_mem>>
        %dma_start3A = arith.constant 0 : i32
        %dma_start3A_559 = tpu.memref_slice %arg8[%add3A_369, %dma_start3A] : memref<80x256xf32, #tpu.memory_space<hbm>> -> memref<1x256xf32, #tpu.memory_space<hbm>>
        %dma_start3A_560 = tpu.memref_squeeze %dma_start3A_559 : memref<1x256xf32, #tpu.memory_space<hbm>> -> memref<256xf32, #tpu.memory_space<hbm>>
        %dma_start3A_561 = arith.constant 0 : i32
        %dma_start3A_562 = tpu.memref_slice %arg8[%add3A_369, %dma_start3A_561] : memref<80x256xf32, #tpu.memory_space<hbm>> -> memref<1x256xf32, #tpu.memory_space<hbm>>
        %dma_start3A_563 = tpu.memref_squeeze %dma_start3A_562 : memref<1x256xf32, #tpu.memory_space<hbm>> -> memref<256xf32, #tpu.memory_space<hbm>>
        tpu.enqueue_dma source(%arg23 : memref<256xf32, #tpu.memory_space<vmem>>) target(%dma_start3A_563 : memref<256xf32, #tpu.memory_space<hbm>>) target_semaphore(%run_scoped3A : memref<!tpu.dma_semaphore, #tpu.memory_space<semaphore_mem>>)
        %dma_wait3A = arith.constant 0 : i32
        %dma_wait3A_564 = tpu.memref_slice %arg8[%add3A_369, %dma_wait3A] : memref<80x256xf32, #tpu.memory_space<hbm>> -> memref<1x256xf32, #tpu.memory_space<hbm>>
        %dma_wait3A_565 = tpu.memref_squeeze %dma_wait3A_564 : memref<1x256xf32, #tpu.memory_space<hbm>> -> memref<256xf32, #tpu.memory_space<hbm>>
        %dma_wait3A_566 = arith.constant 0 : i32
        %dma_wait3A_567 = tpu.memref_slice %arg8[%add3A_369, %dma_wait3A_566] : memref<80x256xf32, #tpu.memory_space<hbm>> -> memref<1x256xf32, #tpu.memory_space<hbm>>
        %dma_wait3A_568 = tpu.memref_squeeze %dma_wait3A_567 : memref<1x256xf32, #tpu.memory_space<hbm>> -> memref<256xf32, #tpu.memory_space<hbm>>
        tpu.wait_dma2 semaphore(%run_scoped3A : memref<!tpu.dma_semaphore, #tpu.memory_space<semaphore_mem>>) src(%arg23 : memref<256xf32, #tpu.memory_space<vmem>>) dst(%dma_wait3A_568 : memref<256xf32, #tpu.memory_space<hbm>>)
        tpu.yield
      }) : () -> ()
      "tpu.region"() ({
        %run_scoped3A = tpu.sem_alloc : memref<!tpu.dma_semaphore, #tpu.memory_space<semaphore_mem>>
        %dma_start3A = arith.constant 0 : i32
        %dma_start3A_559 = tpu.memref_slice %arg9[%add3A_369, %dma_start3A] : memref<80x256xf32, #tpu.memory_space<hbm>> -> memref<1x256xf32, #tpu.memory_space<hbm>>
        %dma_start3A_560 = tpu.memref_squeeze %dma_start3A_559 : memref<1x256xf32, #tpu.memory_space<hbm>> -> memref<256xf32, #tpu.memory_space<hbm>>
        %dma_start3A_561 = arith.constant 0 : i32
        %dma_start3A_562 = tpu.memref_slice %arg9[%add3A_369, %dma_start3A_561] : memref<80x256xf32, #tpu.memory_space<hbm>> -> memref<1x256xf32, #tpu.memory_space<hbm>>
        %dma_start3A_563 = tpu.memref_squeeze %dma_start3A_562 : memref<1x256xf32, #tpu.memory_space<hbm>> -> memref<256xf32, #tpu.memory_space<hbm>>
        tpu.enqueue_dma source(%arg24 : memref<256xf32, #tpu.memory_space<vmem>>) target(%dma_start3A_563 : memref<256xf32, #tpu.memory_space<hbm>>) target_semaphore(%run_scoped3A : memref<!tpu.dma_semaphore, #tpu.memory_space<semaphore_mem>>)
        %dma_wait3A = arith.constant 0 : i32
        %dma_wait3A_564 = tpu.memref_slice %arg9[%add3A_369, %dma_wait3A] : memref<80x256xf32, #tpu.memory_space<hbm>> -> memref<1x256xf32, #tpu.memory_space<hbm>>
        %dma_wait3A_565 = tpu.memref_squeeze %dma_wait3A_564 : memref<1x256xf32, #tpu.memory_space<hbm>> -> memref<256xf32, #tpu.memory_space<hbm>>
        %dma_wait3A_566 = arith.constant 0 : i32
        %dma_wait3A_567 = tpu.memref_slice %arg9[%add3A_369, %dma_wait3A_566] : memref<80x256xf32, #tpu.memory_space<hbm>> -> memref<1x256xf32, #tpu.memory_space<hbm>>
        %dma_wait3A_568 = tpu.memref_squeeze %dma_wait3A_567 : memref<1x256xf32, #tpu.memory_space<hbm>> -> memref<256xf32, #tpu.memory_space<hbm>>
        tpu.wait_dma2 semaphore(%run_scoped3A : memref<!tpu.dma_semaphore, #tpu.memory_space<semaphore_mem>>) src(%arg24 : memref<256xf32, #tpu.memory_space<vmem>>) dst(%dma_wait3A_568 : memref<256xf32, #tpu.memory_space<hbm>>)
        tpu.yield
      }) : () -> ()
      "tpu.region"() ({
        %run_scoped3A = tpu.sem_alloc : memref<!tpu.dma_semaphore, #tpu.memory_space<semaphore_mem>>
        %dma_start3A = arith.constant 0 : i32
        %dma_start3A_559 = tpu.memref_slice %arg10[%add3A_369, %dma_start3A] : memref<80x256xf32, #tpu.memory_space<hbm>> -> memref<1x256xf32, #tpu.memory_space<hbm>>
        %dma_start3A_560 = tpu.memref_squeeze %dma_start3A_559 : memref<1x256xf32, #tpu.memory_space<hbm>> -> memref<256xf32, #tpu.memory_space<hbm>>
        %dma_start3A_561 = arith.constant 0 : i32
        %dma_start3A_562 = tpu.memref_slice %arg10[%add3A_369, %dma_start3A_561] : memref<80x256xf32, #tpu.memory_space<hbm>> -> memref<1x256xf32, #tpu.memory_space<hbm>>
        %dma_start3A_563 = tpu.memref_squeeze %dma_start3A_562 : memref<1x256xf32, #tpu.memory_space<hbm>> -> memref<256xf32, #tpu.memory_space<hbm>>
        tpu.enqueue_dma source(%arg25 : memref<256xf32, #tpu.memory_space<vmem>>) target(%dma_start3A_563 : memref<256xf32, #tpu.memory_space<hbm>>) target_semaphore(%run_scoped3A : memref<!tpu.dma_semaphore, #tpu.memory_space<semaphore_mem>>)
        %dma_wait3A = arith.constant 0 : i32
        %dma_wait3A_564 = tpu.memref_slice %arg10[%add3A_369, %dma_wait3A] : memref<80x256xf32, #tpu.memory_space<hbm>> -> memref<1x256xf32, #tpu.memory_space<hbm>>
        %dma_wait3A_565 = tpu.memref_squeeze %dma_wait3A_564 : memref<1x256xf32, #tpu.memory_space<hbm>> -> memref<256xf32, #tpu.memory_space<hbm>>
        %dma_wait3A_566 = arith.constant 0 : i32
        %dma_wait3A_567 = tpu.memref_slice %arg10[%add3A_369, %dma_wait3A_566] : memref<80x256xf32, #tpu.memory_space<hbm>> -> memref<1x256xf32, #tpu.memory_space<hbm>>
        %dma_wait3A_568 = tpu.memref_squeeze %dma_wait3A_567 : memref<1x256xf32, #tpu.memory_space<hbm>> -> memref<256xf32, #tpu.memory_space<hbm>>
        tpu.wait_dma2 semaphore(%run_scoped3A : memref<!tpu.dma_semaphore, #tpu.memory_space<semaphore_mem>>) src(%arg25 : memref<256xf32, #tpu.memory_space<vmem>>) dst(%dma_wait3A_568 : memref<256xf32, #tpu.memory_space<hbm>>)
        tpu.yield
      }) : () -> ()
      "tpu.region"() ({
        %run_scoped3A = tpu.sem_alloc : memref<!tpu.dma_semaphore, #tpu.memory_space<semaphore_mem>>
        %dma_start3A = arith.constant 0 : i32
        %dma_start3A_559 = tpu.memref_slice %arg11[%add3A_369, %dma_start3A] : memref<80x256xf32, #tpu.memory_space<hbm>> -> memref<1x256xf32, #tpu.memory_space<hbm>>
        %dma_start3A_560 = tpu.memref_squeeze %dma_start3A_559 : memref<1x256xf32, #tpu.memory_space<hbm>> -> memref<256xf32, #tpu.memory_space<hbm>>
        %dma_start3A_561 = arith.constant 0 : i32
        %dma_start3A_562 = tpu.memref_slice %arg11[%add3A_369, %dma_start3A_561] : memref<80x256xf32, #tpu.memory_space<hbm>> -> memref<1x256xf32, #tpu.memory_space<hbm>>
        %dma_start3A_563 = tpu.memref_squeeze %dma_start3A_562 : memref<1x256xf32, #tpu.memory_space<hbm>> -> memref<256xf32, #tpu.memory_space<hbm>>
        tpu.enqueue_dma source(%arg26 : memref<256xf32, #tpu.memory_space<vmem>>) target(%dma_start3A_563 : memref<256xf32, #tpu.memory_space<hbm>>) target_semaphore(%run_scoped3A : memref<!tpu.dma_semaphore, #tpu.memory_space<semaphore_mem>>)
        %dma_wait3A = arith.constant 0 : i32
        %dma_wait3A_564 = tpu.memref_slice %arg11[%add3A_369, %dma_wait3A] : memref<80x256xf32, #tpu.memory_space<hbm>> -> memref<1x256xf32, #tpu.memory_space<hbm>>
        %dma_wait3A_565 = tpu.memref_squeeze %dma_wait3A_564 : memref<1x256xf32, #tpu.memory_space<hbm>> -> memref<256xf32, #tpu.memory_space<hbm>>
        %dma_wait3A_566 = arith.constant 0 : i32
        %dma_wait3A_567 = tpu.memref_slice %arg11[%add3A_369, %dma_wait3A_566] : memref<80x256xf32, #tpu.memory_space<hbm>> -> memref<1x256xf32, #tpu.memory_space<hbm>>
        %dma_wait3A_568 = tpu.memref_squeeze %dma_wait3A_567 : memref<1x256xf32, #tpu.memory_space<hbm>> -> memref<256xf32, #tpu.memory_space<hbm>>
        tpu.wait_dma2 semaphore(%run_scoped3A : memref<!tpu.dma_semaphore, #tpu.memory_space<semaphore_mem>>) src(%arg26 : memref<256xf32, #tpu.memory_space<vmem>>) dst(%dma_wait3A_568 : memref<256xf32, #tpu.memory_space<hbm>>)
        tpu.yield
      }) : () -> ()
    } else {
    }
    return
  }
}

</mosaic_0001>

<sc_bundles>
// kernel: _sc_sort.3.cloned.1.call-start
scs
__scs_entry_jumppad:
0x0: {  	(pc) =	sbr.rel $0x88, $3  }
0x1: {  	(tag) =	ssettag $0x0;
	lr =	simm.s32 $0x1  }
0x2: {  	[smem:$0x3F9C] =	sst lr;
	_ =	strace $0xD0000000  }
0x3: {  	_ = 	snop  }
0x4: {  	_ = 	snop  }
0x5: {  	_ = 	snop  }
0x6: {  	_ = 	snop  }
0x7: {  	_ = 	snop  }
__scs_overlays_trampoline_lowered:
0x8: {  	[smem:$0x3FAB] =	sst s0  }
0x9: {  	[smem:$0x3FAC] =	sst s1  }
0xa: {  	[smem:$0x3FAD] =	sst s2  }
0xb: {  	[smem:$0x3FAE] =	sst s3  }
0xc: {  	[smem:$0x3FAF] =	sst s4  }
0xd: {  	[smem:$0x3FB0] =	sst s5  }
0xe: {  	[smem:$0x3FB1] =	sst s6  }
0xf: {  	[smem:$0x3FB2] =	sst s7  }
0x10: {  	[smem:$0x3FB3] =	sst s8  }
0x11: {  	[smem:$0x3FB4] =	sst s9;
	s0 =	simm.s32 @!p0 $0x0  }
0x12: {  	s1 =	sld [smem:$0x3F9A];
	s0 =	simm.s32 @p0 $0x1  }
0x13: {  	[smem:$0x3FB5] =	sst s0;
	s0 =	simm.s32 @!p1 $0x0  }
0x14: {  	s2 =	sld [smem:$0x3F99];
	s0 =	simm.s32 @p1 $0x1  }
0x15: {  	[smem:$0x3FB6] =	sst s0;
	s0 =	simm.s32 @!p2 $0x0  }
0x16: {  	s3 =	sld [smem:$0x3FDB];
	s0 =	simm.s32 @p2 $0x1  }
0x17: {  	s4 =	simm.s32 $0x1BF5;
	[smem:$0x3FB8] =	sst s0  }
0x18: {  	s0 =	sld [smem:$0x3F9B];
	_ =	swait.ge [sflag:s4], $0x0  }
0x19: {  	s7 =	sld [smem:$0x3F9C]  }
0x1a: {  	s8 =	sadd.s32 $0xFFFFE003, lr  }
0x1b: {  	s9 =	sadd.s32 $0xFFFFFEF7, lr;
	s5 =	simm.s32 $0xFFFFFFFF;
	p2 =	slt.u32 s8, $0xFFFFF086  }
0x1c: {  	p1 =	slt.u32 s9, $0xF7A;
	s5 =	simm.s32 @!p2 $0x0  }
0x1d: {  	s5 =	simm.s32 @p1 $0x1;
	p0 =	seq.s32 s7, s2  }
0x1e: {  	s7 =	smul.u32 @!p0 $0xF7A, s2;
	p2 =	seq.s32 @!p0 s5, $0x0  }
0x1f: {  	s9 =	smul.u32 $0xF7A, s1;
	s8 =	simm.s32 @!p0 $0x1BF5;
	p2 =	por !p2, p0  }
0x20: {  	[sflag:s8] =	ssyncset.s32 @!p0 $0xFFFFF086;
	s6 =	sadd.s32 @!p0 s3, s7;
	s7 =	simm.s32 @!p0 $0x108  }
0x21: {  	s3 =	sadd.s32 s3, s9;
	s6 =	sadd.s32 @!p0 $0x88, s6;
	s7 =	simm.s32 @p2 $0x1082  }
0x22: {  	[simem:s7], [sflag:s8] =	dma.local @!p0 [hbm:s6], $0xF7A  }
0x23: {  	s9 =	sor.u32 $0xD0000000, s2;
	s6 =	simm.s32 $0x108;
	_ =	swait.ge @!p0 [sflag:s8], $0x0  }
0x24: {  	s3 =	sadd.s32 $0x88, s3;
	s6 =	simm.s32 @!p1 $0x1082;
	[sflag:s4] =	ssyncset.s32 $0xFFFFF086  }
0x25: {  	[simem:s6], [sflag:s4] =	dma.local [hbm:s3], $0xF7A  }
0x26: {  	[smem:$0x3F9C] =	sst s1;
	(tag) =	ssettag s2;
	_ =	strace s9  }
0x27: {  	s1 =	sld [smem:$0x3FAC]  }
0x28: {  	s2 =	sld [smem:$0x3FAD]  }
0x29: {  	s4 =	sld [smem:$0x3FAF]  }
0x2a: {  	p0 =	seq.s32 s5, $0x0;
	s5 =	sld [smem:$0x3FB0]  }
0x2b: {  	s6 =	sld [smem:$0x3FB1]  }
0x2c: {  	s7 =	sld [smem:$0x3FB2]  }
0x2d: {  	s3 =	simm.s32 $0x108;
	s8 =	sld [smem:$0x3FB3]  }
0x2e: {  	s3 =	simm.s32 @!p0 $0x1082;
	s9 =	sld [smem:$0x3FB4]  }
0x2f: {  	lr =	sadd.s32 s0, s3;
	s0 =	sld [smem:$0x3FAB]  }
0x30: {  	s3 =	sld [smem:$0x3FAE]  }
0x31: {  	[smem:$0x3FB7] =	sst s10  }
0x32: {  	s10 =	sld [smem:$0x3FB5];
	_ =	sdelay $0x3  }
0x33: {  	p0 =	seq.s32 s10, $0x1;
	s10 =	sld [smem:$0x3FB7];
	_ =	sdelay $0x3  }
0x34: {  	[smem:$0x3FB7] =	sst s10  }
0x35: {  	s10 =	sld [smem:$0x3FB6];
	_ =	sdelay $0x3  }
0x36: {  	p1 =	seq.s32 s10, $0x1;
	s10 =	sld [smem:$0x3FB7];
	_ =	sdelay $0x3  }
0x37: {  	[smem:$0x3FB7] =	sst s10  }
0x38: {  	s10 =	sld [smem:$0x3FB8]  }
0x39: {  	_ = 	snop;
	(pc) =	sbr.ind lr, $3  }
0x3a: {  	_ = 	snop  }
0x3b: {  	_ = 	snop  }
0x3c: {  	p2 =	seq.s32 s10, $0x1;
	s10 =	sld [smem:$0x3FB7]  }
0x3d: {  	_ =	shalt  }
0x3e: {  	_ =	shalt  }
0x3f: {  	_ =	shalt  }
0x40: {  	_ =	shalt  }
0x41: {  	_ =	shalt  }
0x42: {  	_ =	shalt  }
0x43: {  	_ =	shalt  }
0x44: {  	_ =	shalt  }
0x45: {  	_ =	shalt  }
0x46: {  	_ =	shalt  }
0x47: {  	_ =	shalt  }
0x48: {  	_ =	shalt  }
0x49: {  	_ =	shalt  }
0x4a: {  	_ =	shalt  }
0x4b: {  	_ =	shalt  }
0x4c: {  	_ =	shalt  }
0x4d: {  	_ =	shalt  }
0x4e: {  	_ =	shalt  }
0x4f: {  	_ =	shalt  }
0x50: {  	_ =	shalt  }
0x51: {  	_ =	shalt  }
0x52: {  	_ =	shalt  }
0x53: {  	_ =	shalt  }
0x54: {  	_ =	shalt  }
0x55: {  	_ =	shalt  }
0x56: {  	_ =	shalt  }
0x57: {  	_ =	shalt  }
0x58: {  	_ =	shalt  }
0x59: {  	_ =	shalt  }
0x5a: {  	_ =	shalt  }
0x5b: {  	_ =	shalt  }
0x5c: {  	_ =	shalt  }
0x5d: {  	_ =	shalt  }
0x5e: {  	_ =	shalt  }
0x5f: {  	_ =	shalt  }
0x60: {  	_ =	shalt  }
0x61: {  	_ =	shalt  }
0x62: {  	_ =	shalt  }
0x63: {  	_ =	shalt  }
0x64: {  	_ =	shalt  }
0x65: {  	_ =	shalt  }
0x66: {  	_ =	shalt  }
0x67: {  	_ =	shalt  }
0x68: {  	_ =	shalt  }
0x69: {  	_ =	shalt  }
0x6a: {  	_ =	shalt  }
0x6b: {  	_ =	shalt  }
0x6c: {  	_ =	shalt  }
0x6d: {  	_ =	shalt  }
0x6e: {  	_ =	shalt  }
0x6f: {  	_ =	shalt  }
0x70: {  	_ =	shalt  }
0x71: {  	_ =	shalt  }
0x72: {  	_ =	shalt  }
0x73: {  	_ =	shalt  }
0x74: {  	_ =	shalt  }
0x75: {  	_ =	shalt  }
0x76: {  	_ =	shalt  }
0x77: {  	_ =	shalt  }
0x78: {  	_ =	shalt  }
0x79: {  	_ =	shalt  }
0x7a: {  	_ =	shalt  }
0x7b: {  	_ =	shalt  }
0x7c: {  	_ =	shalt  }
0x7d: {  	_ =	shalt  }
0x7e: {  	_ =	shalt  }
0x7f: {  	_ =	shalt  }
0x80: {  	_ =	shalt  }
0x81: {  	_ =	shalt  }
0x82: {  	_ =	shalt  }
0x83: {  	_ =	shalt  }
0x84: {  	_ =	shalt  }
0x85: {  	_ =	shalt  }
0x86: {  	_ =	shalt  }
0x87: {  	_ =	shalt  }
.Lfunc_end0:
.L_simem_size_0:
called_computation_lowered:
.L_overlay_start_0:
0x88: {  	s2 =	sld [smem:$0x3FD9]  }
0x89: {  	s3 =	sld [smem:$0x3FFE];
	_ =	sdelay $0x1  }
0x8a: {  	s1 =	srdreg.scid  }
0x8b: {  	s0 =	sand.u32 $0x1, s1  }
0x8c: {  	s30 =	sshll.u32 s0, $0xA;
	s2 =	sadd.s32 s3, s2  }
0x8d: {  	s2 =	sadd.s32 s2, s30  }
0x8e: {  	[smem:$0x3FC3] =	sst s2  }
0x8f: {  	_ = 	snop  }
0x90: {  	s2 =	sld [smem:$0x3FC9]  }
0x91: {  	s31 =	sld [smem:$0x3FC8]  }
0x92: {  	s4 =	sld [smem:$0x3FD0]  }
0x93: {  	s5 =	sld [smem:$0x3FC7]  }
0x94: {  	s6 =	sld [smem:$0x3FC6]  }
0x95: {  	s8 =	simm.s32 $0xA;
	s9 =	simm.s32 $0x10;
	s7 =	sld [smem:$0x3FC5]  }
0x96: {  	[smem:s9], [sflag:s8] =	dma.local [hbm:s4], $0x1  }
0x97: {  	_ =	swait.eq [sflag:s8], $0x1  }
0x98: {  	s9 =	sld [smem:$0x10]  }
0x99: {  	s17 =	sld [smem:$0x11]  }
0x9a: {  	s10 =	sld [smem:$0x12];
	[sflag:s8] =	ssyncset.done $0x0  }
0x9b: {  	s11 =	sld [smem:$0x13];
	[sflag:s8] =	ssyncadd.s32 $0xFFFFFFFF  }
0x9c: {  	s18 =	sld [smem:$0x14];
	(tm) =	ssettm $0x1  }
0x9d: {  	s12 =	sld [smem:$0x3FFB];
	_ =	sdelay $0x3  }
0x9e: {  	_ =	strace s12  }
0x9f: {  	s12 =	sld [smem:$0x3FFC];
	_ =	sdelay $0x3  }
0xa0: {  	_ =	strace s12  }
0xa1: {  	s12 =	sld [smem:$0x3FFD];
	_ =	sdelay $0x3  }
0xa2: {  	_ =	strace s12  }
0xa3: {  	_ =	strace $0x8FFFFFFF  }
0xa4: {  	s19 =	sld [smem:$0x3FDB];
	_ =	sdelay $0x1  }
0xa5: {  	s13 =	simm.s32 $_scs_section_size  }
0xa6: {  	s14 =	simm.s32 $_size__tile_overlayer_lowered;
	s15 =	simm.s32 $_tile_overlayer_lowered  }
0xa7: {  	s22 =	simm.s32 $0x1BFF;
	s21 =	sshll.u32 s15, $0x1;
	s12 =	sadd.s32 s13, s19  }
0xa8: {  	s16 =	simm.s32 $0x0;
	s20 =	sshll.u32 s14, $0x1;
	s14 =	sadd.s32 s21, s12  }
0xa9: {  	[timem:s16], [sflag:s22] =	dma.local [hbm:s14], s20  }
0xaa: {  	_ =	swait.ge [sflag:s22], s20  }
0xab: {  	s13 =	ssub.s32 $0x0, s20;
	[sflag:s22] =	ssyncset.done $0x0  }
0xac: {  	[sflag:s22] =	ssyncadd.s32 s13;
	_ =	sdelay $0x1  }
0xad: {  	s23 =	simm.s32 $0x1B8B  }
0xae: {  	_ =	swait.ge [sflag:s23], $0x1  }
0xaf: {  	[sflag:s23] =	ssyncset.done $0x0  }
0xb0: {  	s25 =	simm.s32 $0x1B8E;
	s24 =	sld [smem:$0x3FFE];
	[sflag:s23] =	ssyncadd.s32 $0xFFFFFFFF  }
0xb1: {  	s26 =	simm.s32 $execute0_lowered;
	[smem:$0x3FD2] =	sst s25  }
0xb2: {  	s14 =	sshll.u32 s26, $0x1;
	_ =	strace $0x80000046;
	[dreg:$0x1] =	wrdreg $0xFFFFFFFF  }
0xb3: {  	s28 =	simm.s32 $_size_execute0_lowered;
	s12 =	sadd.s32 s12, s14;
	[dreg:$0x0] =	wrdreg $0x0  }
0xb4: {  	s14 =	sshll.u32 s28, $0x1;
	[dreg:$0x2] =	wrdreg s12  }
0xb5: {  	[dreg:$0x3] =	wrdreg s14  }
0xb6: {  	[dreg:$0x4] =	wrdreg $0xC0  }
0xb7: {  	_ =	task [dreg:s16], $0x5FFFF  }
0xb8: {  	[dreg:$0x1] =	wrdreg $0xFFFFFFFF  }
0xb9: {  	[dreg:$0x0] =	wrdreg $0x60  }
0xba: {  	[dreg:$0x2] =	wrdreg s2  }
0xbb: {  	[dreg:$0x3] =	wrdreg s31  }
0xbc: {  	[dreg:$0x4] =	wrdreg s5  }
0xbd: {  	[dreg:$0x5] =	wrdreg s6  }
0xbe: {  	[dreg:$0x6] =	wrdreg s7  }
0xbf: {  	[dreg:$0x7] =	wrdreg s9  }
0xc0: {  	[dreg:$0x8] =	wrdreg s17  }
0xc1: {  	[dreg:$0x9] =	wrdreg s10  }
0xc2: {  	[dreg:$0xa] =	wrdreg s11  }
0xc3: {  	[dreg:$0xb] =	wrdreg s18  }
0xc4: {  	[dreg:$0xc] =	wrdreg s24  }
0xc5: {  	[dreg:$0xd] =	wrdreg $0x9  }
0xc6: {  	_ =	task.clear_ibuf [dreg:s16], $0xEFFFF;
	_ =	strace $0x90000046  }
0xc7: {  	s29 =	simm.s32 $0x9;
	_ =	strace $0x80000048  }
0xc8: {  	_ =	swait.ge [sflag:s29], $0x1  }
0xc9: {  	[sflag:s29] =	ssyncadd.s32 $0xFFFFFFFF  }
0xca: {  	_ =	strace $0x90000048  }
0xcb: {  	_ =	sfence  }
0xcc: {  	s30 =	sld [smem:$0x0];
	_ =	sdelay $0x2  }
0xcd: {  	s31 =	sshll.u32 s1, $0xD;
	s1 =	sshrl.u32 s1, $0x2  }
0xce: {  	s3 =	sand.u32 $0x4000, s31;
	s1 =	sadd.s32 s1, s30  }
0xcf: {  	s0 =	sor.u32 s3, s0;
	s1 =	sshll.u32 s1, $0x11  }
0xd0: {  	s0 =	sor.u32 s1, s0  }
0xd1: {  	s0 =	sadd.s32 $0x8F2B, s0  }
0xd2: {  	[sflag:s0] =	ssyncadd.remote.s32 $0x1  }
0xd3: {  	_ =	sfence.sel $0xFFFF  }
0xd4: {  	[dreg:$0x0] =	wrdreg $0xFFFFFFFF;
	(pc) =	sbr.abs _section_cstart, $3  }
0xd5: {  	[dreg:$0x1] =	wrdreg $0xFFFFFFFF  }
0xd6: {  	_ =	task.clear_ibuf [dreg:s16], $0x2FFFF;
	_ =	strace $0x9FFFFFFF  }
0xd7: {  	(tm) =	ssettm $0x7FFFFFFF  }
tec
execute0_lowered:
.L_overlay_start_1:
0x0: {  	(tag) =	ssettag $0x1  }
0x1: {  	s7 =	rddreg [dreg:$0x0]  }
0x2: {  	s5 =	rddreg [dreg:$0x5]  }
0x3: {  	s6 =	rddreg [dreg:$0x6]  }
0x4: {  	s3 =	rddreg [dreg:$0x7]  }
0x5: {  	s4 =	rddreg [dreg:$0x8]  }
0x6: {  	s2 =	rddreg [dreg:$0x9]  }
0x7: {  	s1 =	rddreg [dreg:$0xa];
	s0 =	simm.s32 $0x0;
	s8 =	srdreg.scid  }
0x8: {  	s16 =	stileid.u32;
	[smem:$0x7FF] =	sst s0  }
0x9: {  	s8 =	sand.u32 $0x1, s8;
	s9 =	sadd.s32 $0x800, s1;
	s11 =	sshrl.u32 s16, $0x2  }
0xa: {  	s12 =	sshll.u32 s16, $0x8;
	p0 =	sgt.u32 s16, $0x3;
	s31 =	ssub.s32 $0x2, s8  }
0xb: {  	s8 =	sshll.u32 s8, $0x7;
	s12 =	sand.u32 $0x300, s12;
	s13 =	smul.u32 $0x11800, s11  }
0xc: {  	s14 =	sshll.u32 s11, $0xA;
	s10 =	sshrl.u32 s31, $0x1;
	s8 =	sor.u32 s8, s12  }
0xd: {  	s15 =	sshll.u32 s11, $0xB;
	s1 =	ssub.s32 s31, s10;
	s12 =	sor.u32 s13, s8  }
0xe: {  	s10 =	sor.u32 s14, s8;
	s13 =	sor.u32 s15, s8;
	s14 =	sor.u32 $0x4, s11  }
0xf: {  	s11 =	sor.u32 $0x8, s11;
	s12 =	sshrl.u32 s12, $0x3;
	s10 =	sshrl.u32 s10, $0x3  }
0x10: {  	s17 =	sshrl.u32 s13, $0x3;
	s20 =	smul.u32 $0x11800, s14;
	s21 =	sshll.u32 s14, $0xA  }
0x11: {  	s23 =	smul.u32 $0x11800, s11;
	s24 =	sshll.u32 s14, $0xB;
	s12 =	sadd.s32 s7, s12  }
0x12: {  	s26 =	sshll.u32 s11, $0xA;
	s10 =	sadd.s32 s9, s10;
	[dreg:$0xc] =	wrdreg s12  }
0x13: {  	s31 =	sshll.u32 s11, $0xB;
	s18 =	sadd.s32 s5, s17;
	[dreg:$0xd] =	wrdreg s10  }
0x14: {  	s1 =	smax.u32 s1, $0x1;
	s13 =	sadd.s32 s6, s17;
	[dreg:$0xe] =	wrdreg s18  }
0x15: {  	s19 =	sadd.s32 s3, s17;
	s15 =	sadd.s32 s4, s17;
	[dreg:$0xf] =	wrdreg s13  }
0x16: {  	s14 =	sor.u32 s8, s26;
	s12 =	simm.s32 $0x2;
	[dreg:$0x10] =	wrdreg s19  }
0x17: {  	s13 =	simm.s32 $0x1;
	[dreg:$0x11] =	wrdreg s15;
	s10 =	sadd.s32 s2, s17  }
0x18: {  	s22 =	sor.u32 s8, s20;
	s25 =	sor.u32 s8, s23;
	s15 =	rddreg [dreg:$0x1]  }
0x19: {  	s18 =	rddreg [dreg:$0x2];
	s12 =	simm.s32 @!p0 $0x1;
	p0 =	sgt.u32 s16, $0xD  }
0x1a: {  	s29 =	sshrl.u32 s14, $0x3;
	s20 =	rddreg [dreg:$0x3];
	s13 =	simm.s32 @!p0 $0x0  }
0x1b: {  	[dreg:$0x12] =	wrdreg s10;
	p0 =	sgt.u32 s16, $0x9;
	s10 =	sadd.s32 s13, s12  }
0x1c: {  	s12 =	sor.u32 s8, s21;
	s13 =	sshrl.u32 s22, $0x3;
	s21 =	rddreg [dreg:$0x4]  }
0x1d: {  	s12 =	sshrl.u32 s12, $0x3;
	s13 =	sadd.s32 s7, s13;
	s22 =	sshll.u32 s10, $0x4  }
0x1e: {  	[dreg:$0x13] =	wrdreg s13;
	s12 =	sadd.s32 s9, s12;
	s13 =	sshrl.u32 s25, $0x3  }
0x1f: {  	[dreg:$0x14] =	wrdreg s12;
	s12 =	sor.u32 s8, s24;
	s7 =	sadd.s32 s7, s13  }
0x20: {  	s12 =	sshrl.u32 s12, $0x3;
	[dreg:$0x16] =	wrdreg s7;
	s7 =	sadd.s32 s9, s29  }
0x21: {  	s10 =	simm.s32 $0x11D00;
	s28 =	sadd.s32 s5, s12;
	[dreg:$0x18] =	wrdreg s7  }
0x22: {  	s9 =	simm.s32 $0x11C00;
	s30 =	sadd.s32 s6, s12;
	[dreg:$0x15] =	wrdreg s28  }
0x23: {  	s11 =	sadd.s32 s3, s12;
	s7 =	sor.u32 s8, s31;
	[dreg:$0x17] =	wrdreg s30  }
0x24: {  	s13 =	sadd.s32 s4, s12;
	s14 =	sadd.s32 s2, s12;
	[dreg:$0x19] =	wrdreg s11  }
0x25: {  	s31 =	sadd.s32 $0x30, s18;
	[dreg:$0x1a] =	wrdreg s13;
	s7 =	sshrl.u32 s7, $0x3  }
0x26: {  	s8 =	simm.s32 $0xF500;
	[dreg:$0x1b] =	wrdreg s14;
	s5 =	sadd.s32 s5, s7  }
0x27: {  	s30 =	sadd.s32 $0x30, s15;
	s17 =	sadd.s32 s6, s7;
	[dreg:$0x1c] =	wrdreg s5  }
0x28: {  	s14 =	simm.s32 $0x11A00;
	s3 =	sadd.s32 s3, s7;
	[dreg:$0x1d] =	wrdreg s17  }
0x29: {  	s11 =	simm.s32 $0x11E00;
	s19 =	sadd.s32 s4, s7;
	[dreg:$0x1e] =	wrdreg s3  }
0x2a: {  	s2 =	sadd.s32 s2, s7;
	s4 =	sand.u32 $0x30, s22;
	[dreg:$0x1f] =	wrdreg s19  }
0x2b: {  	s13 =	simm.s32 $0x11F00;
	[smem:$0x7F0] =	sst s2;
	s26 =	sadd.s32 s15, s4  }
0x2c: {  	s28 =	sadd.s32 s18, s4;
	_ =	strace $0x80000047;
	[smem:$0x7F5] =	sst s26  }
0x2d: {  	s6 =	simm.s32 $0x10;
	s29 =	sadd.s32 s20, s4;
	[smem:$0x7F6] =	sst s28  }
0x2e: {  	s22 =	simm.s32 $0x80;
	s4 =	sadd.s32 s21, s4;
	[smem:$0x7F7] =	sst s29  }
0x2f: {  	s7 =	simm.s32 $0xD200;
	s6 =	simm.s32 @!p0 $0x0;
	[smem:$0x7F8] =	sst s4  }
0x30: {  	s3 =	sadd.s32 $0x30, s20;
	s2 =	sadd.s32 $0x30, s21;
	[smem:$0x7F9] =	sst s30  }
0x31: {  	p0 =	sgt.u32 s16, $0x7;
	s5 =	simm.s32 $0x8C00;
	[smem:$0x7FA] =	sst s31  }
0x32: {  	s23 =	sadd.s32 s15, s6;
	s24 =	sadd.s32 s18, s6;
	[smem:$0x7FB] =	sst s3  }
0x33: {  	s25 =	sadd.s32 s20, s6;
	s6 =	sadd.s32 s21, s6;
	[smem:$0x7FC] =	sst s2  }
.Ltmp0:
0x34: {  	[smem:$0x7FD] =	sst s1;
	s20 =	simm.s32 $0x1;
	(pc) =	sbr.rel .LBB2_1-.Ltmp0, $4  }
0x35: {  	s1 =	simm.s32 $0x11800;
	s18 =	simm.s32 $0x4600;
	[smem:$0x7F1] =	sst s23  }
0x36: {  	s2 =	simm.s32 $0x6900;
	s3 =	simm.s32 $0x2300;
	[smem:$0x7F2] =	sst s24  }
0x37: {  	s4 =	simm.s32 $0x200;
	s15 =	simm.s32 $0x0;
	[smem:$0x7F3] =	sst s25  }
0x38: {  	v0 =	vimm.s32 $0x0;
	v1 =	vlaneseq.u32;
	[smem:$0x7F4] =	sst s6;
	s23 =	simm.s32 $0x400;
	s6 =	simm.s32 $0xAF00  }
.LBB2_95:
0x39: {  	_ =	sdelay $0x1  }
0x3a: {  	v4 =	vld [tilespmem:s21+$0x2300]  }
0x3b: {  	[tilespmem:s16+$0x11E00] =	vst v3  }
0x3c: {  	v2 =	vld.idx.msk [tilespmem:v2+s8+$0x0], $0xffff;
	_ =	sdelay $0x4  }
0x3d: {  	[tilespmem:s16+$0x11F00] =	vst v2  }
0x3e: {  	v2 =	vld.idx.msk [tilespmem:v4+s5+$0x0], $0xffff;
	_ =	sdelay $0x4  }
0x3f: {  	[tilespmem:s21+$0x11C00] =	vst v2  }
0x40: {  	v2 =	vld.idx.msk [tilespmem:v4+s6+$0x0], $0xffff;
	_ =	sdelay $0x4  }
0x41: {  	[tilespmem:s21+$0x11D00] =	vst v2  }
0x42: {  	v2 =	vld.idx.msk [tilespmem:v4+s7+$0x0], $0xffff;
	_ =	sdelay $0x4  }
0x43: {  	[tilespmem:s21+$0x11E00] =	vst v2  }
0x44: {  	v2 =	vld.idx.msk [tilespmem:v4+s8+$0x0], $0xffff;
	_ =	sdelay $0x4  }
0x45: {  	s12 =	rddreg [dreg:$0x1c];
	[tilespmem:s21+$0x11F00] =	vst v2  }
0x46: {  	[hbm4b:s12+s22] =	stream.strided.scatter [tilespmem:s0], [sflag:$0x1], $0x100, s23, s22, $0x38;
	[tilespmem:$0x12080] =	vst v63  }
0x47: {  	_ =	swait.ge [sflag:s20], $0x100  }
0x48: {  	[sflag:s20] =	ssyncset.done $0x0  }
0x49: {  	s28 =	rddreg [dreg:$0x1d];
	[sflag:s20] =	ssyncadd.s32 $0xFFFFFF00  }
0x4a: {  	[hbm4b:s28+s22] =	stream.strided.scatter [tilespmem:s9], [sflag:$0x1], $0x100, s23, s22, $0x38;
	[tilespmem:$0x12080] =	vst v63  }
0x4b: {  	_ =	swait.ge [sflag:s20], $0x100  }
0x4c: {  	[sflag:s20] =	ssyncset.done $0x0  }
0x4d: {  	s29 =	rddreg [dreg:$0x1e];
	[sflag:s20] =	ssyncadd.s32 $0xFFFFFF00  }
0x4e: {  	[hbm4b:s29+s22] =	stream.strided.scatter [tilespmem:s10], [sflag:$0x1], $0x100, s23, s22, $0x38;
	[tilespmem:$0x12080] =	vst v63  }
0x4f: {  	_ =	swait.ge [sflag:s20], $0x100  }
0x50: {  	[sflag:s20] =	ssyncset.done $0x0  }
0x51: {  	s30 =	rddreg [dreg:$0x1f];
	[sflag:s20] =	ssyncadd.s32 $0xFFFFFF00  }
0x52: {  	[hbm4b:s30+s22] =	stream.strided.scatter [tilespmem:s11], [sflag:$0x1], $0x100, s23, s22, $0x38;
	[tilespmem:$0x12080] =	vst v63  }
0x53: {  	_ =	swait.ge [sflag:s20], $0x100  }
0x54: {  	s31 =	sld [smem:$0x7F0]  }
0x55: {  	[sflag:s20] =	ssyncset.done $0x0  }
0x56: {  	[sflag:s20] =	ssyncadd.s32 $0xFFFFFF00  }
0x57: {  	[hbm4b:s31+s22] =	stream.strided.scatter [tilespmem:s13], [sflag:$0x1], $0x100, s23, s22, $0x38;
	[tilespmem:$0x12080] =	vst v63  }
0x58: {  	_ =	swait.ge [sflag:s20], $0x100  }
0x59: {  	[sflag:s20] =	ssyncset.done $0x0  }
0x5a: {  	[sflag:s20] =	ssyncadd.s32 $0xFFFFFF00  }
.LBB2_96:
0x5b: {  	s12 =	sld [smem:$0x7FD];
	_ =	sdelay $0x1  }
0x5c: {  	s15 =	sadd.s32 $0x1, s15  }
0x5d: {  	p1 =	sne.s32 s15, s12  }
.Ltmp1:
0x5e: {  	_ = 	snop;
	(pc) =	sbr.rel @!p1 .LBB2_97-.Ltmp1, $1  }
0x5f: {  	_ =	sdelay $0x3  }
.LBB2_1:
0x60: {  	s12 =	rddreg [dreg:$0xc]  }
0x61: {  	[tilespmem:s0], [sflag:$0x1] =	stream.strided.gather [hbm4b:s12+s22], $0x2300, s23, s22, $0x38;
	[tilespmem:$0x12080] =	vst v63  }
0x62: {  	_ =	swait.ge [sflag:s20], $0x2300  }
0x63: {  	[sflag:s20] =	ssyncset.done $0x0  }
0x64: {  	[sflag:s20] =	ssyncadd.s32 $0xFFFFDD00  }
0x65: {  	[tilespmem:$0x11800] =	vst v0  }
0x66: {  	[tilespmem:$0x11810] =	vst v0  }
0x67: {  	[tilespmem:$0x11820] =	vst v0  }
0x68: {  	[tilespmem:$0x11830] =	vst v0  }
0x69: {  	[tilespmem:$0x11840] =	vst v0  }
0x6a: {  	[tilespmem:$0x11850] =	vst v0  }
0x6b: {  	[tilespmem:$0x11860] =	vst v0  }
0x6c: {  	[tilespmem:$0x11870] =	vst v0  }
0x6d: {  	[tilespmem:$0x11880] =	vst v0  }
0x6e: {  	[tilespmem:$0x11890] =	vst v0  }
0x6f: {  	[tilespmem:$0x118A0] =	vst v0  }
0x70: {  	[tilespmem:$0x118B0] =	vst v0  }
0x71: {  	[tilespmem:$0x118C0] =	vst v0  }
0x72: {  	[tilespmem:$0x118D0] =	vst v0  }
0x73: {  	[tilespmem:$0x118E0] =	vst v0  }
0x74: {  	[tilespmem:$0x118F0] =	vst v0  }
0x75: {  	[tilespmem:$0x11900] =	vst v0  }
0x76: {  	[tilespmem:$0x11910] =	vst v0  }
0x77: {  	[tilespmem:$0x11920] =	vst v0  }
0x78: {  	[tilespmem:$0x11930] =	vst v0  }
0x79: {  	[tilespmem:$0x11940] =	vst v0  }
0x7a: {  	[tilespmem:$0x11950] =	vst v0  }
0x7b: {  	[tilespmem:$0x11960] =	vst v0  }
0x7c: {  	[tilespmem:$0x11970] =	vst v0  }
0x7d: {  	[tilespmem:$0x11980] =	vst v0  }
0x7e: {  	[tilespmem:$0x11990] =	vst v0  }
0x7f: {  	[tilespmem:$0x119A0] =	vst v0  }
0x80: {  	[tilespmem:$0x119B0] =	vst v0  }
0x81: {  	[tilespmem:$0x119C0] =	vst v0  }
0x82: {  	[tilespmem:$0x119D0] =	vst v0  }
0x83: {  	[tilespmem:$0x119E0] =	vst v0  }
0x84: {  	s16 =	simm.s32 $0x0;
	[tilespmem:$0x119F0] =	vst v0  }
0x85: {  	v3 =	vld [tilespmem:s16+$0x0];
	_ =	sdelay $0x4  }
0x86: {  	v2 =	vshrl.u32 v3, $0x12  }
0x87: {  	vm0 =	vlt.s32 v3, $0x35C28F5;
	v2 =	vand.u32 $0x1FF, v2  }
0x88: {  	v3 =	vsel vm0, $0x1, v0;
	(xrf1) =	vunique.msk.u32 $0xffff, v2  }
0x89: {  	(xrf0) =	vadd.scan.msk.s32 $0xffff, v3;
	_ =	sdelay $0x5  }
0x8a: {  	v3, _, _ =	vpop (xrf0)  }
0x8b: {  	(v2sf) =	vpush v3, $0xF;
	_ =	sdelay $0x5  }
0x8c: {  	_, v3, vm0 =	vpop (xrf1);
	_ =	sdelay $0x2  }
0x8d: {  	s17 =	simm.s32 $0x40;
	s24 =	simm.s32 $0x80;
	s16 =	simm.s32 $0x0  }
.LBB2_2:
0x8e: {  	p1 =	sne.s32 s24, $0x8BC0;
	_ =	sdelay $0x1  }
0x8f: {  	s21 =	sshra.s32 s17, $0x2;
	s17 =	smov.u32 s24;
	[tilespmem:v2+s1+$0x0] =	vst.idx.add.s32.msk vm0, v3  }
0x90: {  	v2 =	vld [tilespmem:s21+$0x0];
	_ =	sdelay $0x1  }
0x91: {  	s21 =	spop (v2sf)  }
0x92: {  	s16 =	sadd.s32 s16, s21;
	_ =	sdelay $0x1  }
0x93: {  	v3 =	vshrl.u32 v2, $0x12;
	vm0 =	vlt.s32 v2, $0x35C28F5  }
0x94: {  	v2 =	vand.u32 $0x1FF, v3;
	v3 =	vsel vm0, $0x1, v0  }
0x95: {  	(xrf1) =	vunique.msk.u32 $0xffff, v2  }
0x96: {  	(xrf0) =	vadd.scan.msk.s32 $0xffff, v3;
	_ =	sdelay $0x5  }
0x97: {  	v3, _, _ =	vpop (xrf0)  }
0x98: {  	(v2sf) =	vpush v3, $0xF;
	_ =	sdelay $0x4  }
.Ltmp2:
0x99: {  	(pc) =	sbr.rel @p1 .LBB2_2-.Ltmp2, $2  }
0x9a: {  	_, v3, vm0 =	vpop (xrf1);
	_ =	sdelay $0x2  }
0x9b: {  	s24 =	sadd.s32 $0x40, s24  }
0x9c: {  	_ =	sdelay $0x4  }
0x9d: {  	s17 =	sshra.s32 s17, $0x2;
	[tilespmem:v2+s1+$0x0] =	vst.idx.add.s32.msk vm0, v3  }
0x9e: {  	v2 =	vld [tilespmem:s17+$0x0];
	_ =	sdelay $0x4  }
0x9f: {  	vm14 =	vlt.s32 v2, $0x35C28F5  }
0xa0: {  	v3 =	vsel vm14, $0x1, v0  }
0xa1: {  	(xrf0) =	vadd.scan.msk.s32 $0xffff, v3;
	_ =	sdelay $0x1  }
0xa2: {  	v2 =	vshrl.u32 v2, $0x12  }
0xa3: {  	v2 =	vand.u32 $0x1FF, v2  }
0xa4: {  	(xrf1) =	vunique.msk.u32 $0xffff, v2;
	_ =	sdelay $0x1  }
0xa5: {  	v3, _, _ =	vpop (xrf0)  }
0xa6: {  	(v2sf) =	vpush v3, $0xF;
	_ =	sdelay $0xa  }
0xa7: {  	_, v3, vm15 =	vpop (xrf1);
	_ =	sdelay $0x2  }
0xa8: {  	s24 =	spop (v2sf)  }
0xa9: {  	s16 =	sadd.s32 s16, s24;
	s25 =	spop (v2sf)  }
0xaa: {  	s16 =	sadd.s32 s16, s25  }
0xab: {  	[tilespmem:v2+s1+$0x0] =	vst.idx.add.s32.msk vm15, v3;
	v2 =	vmov s16  }
0xac: {  	s30 =	simm.s32 $0x0;
	s12 =	rddreg [dreg:$0xd];
	s26 =	simm.s32 $0x12000;
	[tilespmem:$0x12000] =	vst v2  }
0xad: {  	[hbm4b:s12+s30] =	stream.linear.scatter [tilespmem:s26], [sflag:$0x1], $0x80, $0x38;
	[tilespmem:$0x12080] =	vst v63  }
0xae: {  	_ =	swait.ge [sflag:s20], $0x80  }
0xaf: {  	[sflag:s20] =	ssyncset.done $0x0  }
0xb0: {  	s16 =	simm.s32 $0x0;
	[sflag:s20] =	ssyncadd.s32 $0xFFFFFF80  }
0xb1: {  	v9 =	vld [tilespmem:s16+$0x11800];
	_ =	sdelay $0x3  }
0xb2: {  	s24 =	simm.s32 $0x10  }
0xb3: {  	v3 =	vld [tilespmem:s24+$0x11800];
	(xrf0) =	vadd.scan.msk.s32 $0xffff, v9;
	_ =	sdelay $0x2  }
0xb4: {  	s26 =	simm.s32 $0x20  }
0xb5: {  	v2 =	vld [tilespmem:s26+$0x11800]  }
0xb6: {  	(xrf0) =	vadd.scan.msk.s32 $0xffff, v3  }
0xb7: {  	v10, _, _ =	vpop (xrf0)  }
0xb8: {  	v4 =	vxor.u32 $0x80000000, v10  }
0xb9: {  	(xrf0) =	vmax.scan.msk.u32 $0xffff, v4  }
0xba: {  	(xrf0) =	vadd.scan.msk.s32 $0xffff, v2  }
0xbb: {  	s25 =	simm.s32 $0x30  }
0xbc: {  	v6, _, _ =	vpop (xrf0);
	v4 =	vld [tilespmem:s25+$0x11800]  }
0xbd: {  	v5 =	vxor.u32 $0x80000000, v6;
	_ =	sdelay $0x1  }
0xbe: {  	v7, _, _ =	vpop (xrf0)  }
0xbf: {  	(xrf0) =	vmax.scan.msk.u32 $0xffff, v5;
	v5, _, _ =	vpop (xrf0)  }
0xc0: {  	(xrf0) =	vadd.scan.msk.s32 $0xffff, v4;
	v8 =	vxor.u32 $0x80000000, v5  }
0xc1: {  	(xrf0) =	vmax.scan.msk.u32 $0xffff, v8;
	_ =	sdelay $0x2  }
0xc2: {  	(v2sf) =	vpush v7, $0xF  }
0xc3: {  	v11, _, _ =	vpop (xrf0)  }
0xc4: {  	v7, _, _ =	vpop (xrf0)  }
0xc5: {  	s28 =	simm.s32 $0x40;
	(v2sf) =	vpush v11, $0xF;
	v12, _, _ =	vpop (xrf0)  }
0xc6: {  	v8 =	vld [tilespmem:s28+$0x11800];
	(v2sf) =	vpush v12, $0xF;
	_ =	sdelay $0x4  }
0xc7: {  	s29 =	simm.s32 $0x50;
	(xrf0) =	vadd.scan.msk.s32 $0xffff, v8  }
0xc8: {  	v13 =	vsub.s32 s30, v9;
	v9 =	vld [tilespmem:s29+$0x11800];
	v11 =	vxor.u32 $0x80000000, v7  }
0xc9: {  	(xrf0) =	vmax.scan.msk.u32 $0xffff, v11  }
0xca: {  	s21 =	simm.s32 $0x180;
	s31 =	simm.s32 $0x0;
	s17 =	simm.s32 $0x40;
	v10 =	vadd.s32 v10, v13  }
.LBB2_4:
0xcb: {  	s19 =	sshra.s32 s21, $0x2  }
0xcc: {  	[tilespmem:s31+$0x11A00] =	vst v10;
	s31 =	smov.u32 s24;
	s24 =	smov.u32 s26;
	p1 =	sne.s32 s21, $0x7C0  }
.Ltmp3:
0xcd: {  	s21 =	sadd.s32 $0x40, s21;
	(xrf0) =	vadd.scan.msk.s32 $0xffff, v9;
	v11, _, _ =	vpop (xrf0);
	s26 =	spop (v2sf);
	(pc) =	sbr.rel @p1 .LBB2_4-.Ltmp3, $4  }
0xce: {  	v12 =	vmov v9;
	v13 =	vxor.u32 $0x80000000, v11;
	s30 =	sadd.s32 s26, s30;
	v9 =	vld [tilespmem:s19+$0x11800];
	s26 =	smov.u32 s25;
	s25 =	smov.u32 s28  }
0xcf: {  	s28 =	smov.u32 s29;
	s29 =	smov.u32 s19;
	(xrf0) =	vmax.scan.msk.u32 $0xffff, v13;
	v10, _, _ =	vpop (xrf0);
	s30 =	sadd.s32 $0x80000000, s30  }
0xd0: {  	(v2sf) =	vpush v10, $0xF;
	v10 =	vsub.s32 s30, v3;
	v3 =	vmovc v2;
	v2 =	vmovc v4;
	v4 =	vmov v8  }
0xd1: {  	v8 =	vmovc v12;
	v10 =	vadd.s32 v6, v10;
	v6 =	vmovc v5;
	v5 =	vmov v7;
	v7 =	vmov v11  }
0xd2: {  	_ = 	snop  }
0xd3: {  	v11, _, _ =	vpop (xrf0)  }
0xd4: {  	(xrf0) =	vadd.scan.msk.s32 $0xffff, v9;
	v12 =	vxor.u32 $0x80000000, v11  }
0xd5: {  	(xrf0) =	vmax.scan.msk.u32 $0xffff, v12;
	_ =	sdelay $0x3  }
0xd6: {  	v62, _, _ =	vpop (xrf0)  }
0xd7: {  	(v2sf) =	vpush v62, $0xF;
	v63, _, _ =	vpop (xrf0)  }
0xd8: {  	v14, _, _ =	vpop (xrf0)  }
0xd9: {  	(v2sf) =	vpush v14, $0xF;
	_ =	sdelay $0x1  }
0xda: {  	v13 =	vxor.u32 $0x80000000, v63  }
0xdb: {  	(xrf0) =	vmax.scan.msk.u32 $0xffff, v13;
	_ =	sdelay $0x3  }
0xdc: {  	s19 =	spop (v2sf)  }
0xdd: {  	s19 =	sadd.s32 s19, s30  }
0xde: {  	s21 =	spop (v2sf);
	s19 =	sadd.s32 $0x80000000, s19;
	v13, _, _ =	vpop (xrf0)  }
0xdf: {  	s21 =	sadd.s32 s21, s19;
	(v2sf) =	vpush v13, $0xF  }
0xe0: {  	s21 =	sadd.s32 $0x80000000, s21;
	s12 =	spop (v2sf)  }
0xe1: {  	s30 =	sadd.s32 s12, s21  }
0xe2: {  	s30 =	sadd.s32 $0x80000000, s30;
	s12 =	spop (v2sf)  }
0xe3: {  	v3 =	vsub.s32 s19, v3;
	s12 =	sadd.s32 s12, s30  }
0xe4: {  	[tilespmem:s31+$0x11A00] =	vst v10;
	v3 =	vadd.s32 v6, v3;
	v2 =	vsub.s32 s21, v2;
	s12 =	sadd.s32 $0x80000000, s12;
	s21 =	spop (v2sf)  }
0xe5: {  	[tilespmem:s24+$0x11A00] =	vst v3;
	v2 =	vadd.s32 v5, v2;
	v3 =	vsub.s32 s30, v4;
	s19 =	sadd.s32 s21, s12  }
0xe6: {  	[tilespmem:s26+$0x11A00] =	vst v2;
	v2 =	vadd.s32 v7, v3;
	v3 =	vsub.s32 s12, v8;
	s30 =	sadd.s32 $0x80000000, s19  }
0xe7: {  	[tilespmem:s25+$0x11A00] =	vst v2;
	v2 =	vadd.s32 v11, v3;
	v3 =	vsub.s32 s30, v9  }
0xe8: {  	[tilespmem:s28+$0x11A00] =	vst v2;
	v2 =	vadd.s32 v63, v3  }
0xe9: {  	[tilespmem:s29+$0x11A00] =	vst v2  }
0xea: {  	v3 =	vld [tilespmem:s16+$0x11A00]  }
0xeb: {  	v4 =	vld [tilespmem:s16+$0x11800];
	_ =	sdelay $0x2  }
0xec: {  	v2 =	vimm.s32 $0x2310;
	s31 =	spop (v2sf)  }
.LBB2_6:
0xed: {  	s12 =	sshra.s32 s17, $0x2;
	p1 =	sne.s32 s17, $0x7C0  }
.Ltmp4:
0xee: {  	s17 =	sadd.s32 $0x40, s17;
	v5 =	vadd.s32 v3, v4;
	v3 =	vld [tilespmem:s12+$0x11A00];
	(pc) =	sbr.rel @p1 .LBB2_6-.Ltmp4, $4  }
0xef: {  	v4 =	vld [tilespmem:s12+$0x11800];
	vm0 =	vgt.s32 v5, $0xFF  }
0xf0: {  	v5 =	vnsel vm0, $0x2310, v5  }
0xf1: {  	vm0 =	vlt.s32 v2, v5  }
0xf2: {  	v2 =	vsel vm0, v2, v5  }
0xf3: {  	_ = 	snop  }
0xf4: {  	v3 =	vadd.s32 v3, v4  }
0xf5: {  	vm0 =	vgt.s32 v3, $0xFF  }
0xf6: {  	v3 =	vnsel vm0, $0x2310, v3  }
0xf7: {  	vm0 =	vlt.s32 v2, v3  }
0xf8: {  	v2 =	vsel vm0, v2, v3  }
0xf9: {  	v2 =	vxor.u32 $0x80000000, v2  }
0xfa: {  	(xrf0) =	vmin.scan.msk.u32 $0xffff, v2;
	_ =	sdelay $0x5  }
0xfb: {  	v2, _, _ =	vpop (xrf0)  }
0xfc: {  	(v2sf) =	vpush v2, $0xF;
	_ =	sdelay $0xe  }
0xfd: {  	s17 =	simm.s32 $0x0;
	s12 =	spop (v2sf)  }
0xfe: {  	v3 =	vld [tilespmem:s17+$0x0];
	s16 =	sadd.s32 $0x8000000F, s12  }
0xff: {  	s12 =	sand.u32 $0xFFFFFFF0, s16  }
0x100: {  	s24 =	simm.s32 $0x10;
	s25 =	simm.s32 $0x0;
	v2 =	vmov s12  }
.LBB2_8:
0x101: {  	p1 =	sne.s32 s24, $0x22F0;
	_ =	sdelay $0x1  }
0x102: {  	v4 =	vshrl.u32 v3, $0x12  }
0x103: {  	v4 =	vand.u32 $0x1FF, v4  }
0x104: {  	(xrf1) =	vunique.msk.u32 $0xffff, v4;
	_ =	sdelay $0x8  }
0x105: {  	v5 =	vld.idx.msk [tilespmem:v4+s14+$0x0], $0xffff;
	_ =	sdelay $0x4  }
0x106: {  	_, v6, vm0 =	vpop (xrf1)  }
0x107: {  	v5 =	vadd.s32 v6, v5  }
0x108: {  	v5 =	vadd.s32 $0xFFFFFFFF, v5  }
0x109: {  	vm1 =	vlt.s32 v5, v2;
	_ =	sdelay $0x5  }
0x10a: {  	v7 =	vor.u32 s17, v1;
	s17 =	smov.u32 s24;
	[tilespmem:v5+s18+$0x0] =	vst.idx.msk vm1, v3  }
.Ltmp5:
0x10b: {  	[tilespmem:v5+s2+$0x0] =	vst.idx.msk vm1, v7;
	(pc) =	sbr.rel @p1 .LBB2_8-.Ltmp5, $3  }
0x10c: {  	s25 =	sadd.s32 $0x10, s25;
	[tilespmem:v4+s14+$0x0] =	vst.idx.add.s32.msk vm0, v6  }
0x10d: {  	v3 =	vld [tilespmem:s25+$0x0];
	_ =	sdelay $0x1  }
0x10e: {  	s24 =	sadd.s32 $0x10, s24  }
0x10f: {  	_ =	sdelay $0x1  }
0x110: {  	v4 =	vshrl.u32 v3, $0x12  }
0x111: {  	v4 =	vand.u32 $0x1FF, v4  }
0x112: {  	(xrf1) =	vunique.msk.u32 $0xffff, v4;
	_ =	sdelay $0x9  }
0x113: {  	v5 =	vld.idx.msk [tilespmem:v4+s14+$0x0], $0xffff;
	_ =	sdelay $0x3  }
0x114: {  	_, v6, vm0 =	vpop (xrf1)  }
0x115: {  	v5 =	vadd.s32 v6, v5  }
0x116: {  	v5 =	vadd.s32 $0xFFFFFFFF, v5  }
0x117: {  	vm1 =	vlt.s32 v5, v2;
	_ =	sdelay $0x5  }
0x118: {  	v2 =	vor.u32 s17, v1;
	[tilespmem:v5+s18+$0x0] =	vst.idx.msk vm1, v3  }
0x119: {  	[tilespmem:v5+s2+$0x0] =	vst.idx.msk vm1, v2  }
0x11a: {  	[tilespmem:v4+s14+$0x0] =	vst.idx.add.s32.msk vm0, v6  }
0x11b: {  	[tilespmem:$0x11800] =	vst v0  }
0x11c: {  	[tilespmem:$0x11810] =	vst v0  }
0x11d: {  	[tilespmem:$0x11820] =	vst v0  }
0x11e: {  	[tilespmem:$0x11830] =	vst v0  }
0x11f: {  	[tilespmem:$0x11840] =	vst v0  }
0x120: {  	[tilespmem:$0x11850] =	vst v0  }
0x121: {  	[tilespmem:$0x11860] =	vst v0  }
0x122: {  	[tilespmem:$0x11870] =	vst v0  }
0x123: {  	[tilespmem:$0x11880] =	vst v0  }
0x124: {  	[tilespmem:$0x11890] =	vst v0  }
0x125: {  	[tilespmem:$0x118A0] =	vst v0  }
0x126: {  	[tilespmem:$0x118B0] =	vst v0  }
0x127: {  	[tilespmem:$0x118C0] =	vst v0  }
0x128: {  	[tilespmem:$0x118D0] =	vst v0  }
0x129: {  	[tilespmem:$0x118E0] =	vst v0  }
0x12a: {  	[tilespmem:$0x118F0] =	vst v0  }
0x12b: {  	[tilespmem:$0x11900] =	vst v0  }
0x12c: {  	[tilespmem:$0x11910] =	vst v0  }
0x12d: {  	[tilespmem:$0x11920] =	vst v0  }
0x12e: {  	[tilespmem:$0x11930] =	vst v0  }
0x12f: {  	[tilespmem:$0x11940] =	vst v0  }
0x130: {  	[tilespmem:$0x11950] =	vst v0  }
0x131: {  	[tilespmem:$0x11960] =	vst v0  }
0x132: {  	[tilespmem:$0x11970] =	vst v0  }
0x133: {  	[tilespmem:$0x11980] =	vst v0  }
0x134: {  	s16 =	sshra.s32 s16, $0x4;
	[tilespmem:$0x11990] =	vst v0  }
0x135: {  	p1 =	sgt.s32 s16, $0x0;
	[tilespmem:$0x119A0] =	vst v0  }
.Ltmp6:
0x136: {  	[tilespmem:$0x119B0] =	vst v0;
	(pc) =	sbr.rel @!p1 .LBB2_10-.Ltmp6, $4  }
0x137: {  	[tilespmem:$0x119C0] =	vst v0  }
0x138: {  	[tilespmem:$0x119D0] =	vst v0  }
0x139: {  	[tilespmem:$0x119E0] =	vst v0  }
0x13a: {  	s17 =	simm.s32 $0x4600;
	[tilespmem:$0x119F0] =	vst v0  }
0x13b: {  	p2 =	seq.s32 s16, $0x1  }
.Ltmp7:
0x13c: {  	_ = 	snop;
	(pc) =	sbr.rel @p2 .LBB2_100-.Ltmp7, $2  }
0x13d: {  	_ =	sdelay $0x2  }
0x13e: {  	v2 =	vld [tilespmem:s17+$0x0];
	s21 =	sadd.s32 $0xFFFFFFFF, s16  }
.LBB2_99:
0x13f: {  	p2 =	seq.s32 s21, $0x1;
	_ =	sdelay $0x3  }
0x140: {  	v2 =	vand.u32 $0x1FF, v2  }
0x141: {  	(xrf1) =	vunique.msk.u32 $0xffff, v2;
	_ =	sdelay $0xd  }
0x142: {  	_, v3, vm0 =	vpop (xrf1);
	_ =	sdelay $0x2  }
.Ltmp8:
0x143: {  	(pc) =	sbr.rel @!p2 .LBB2_99-.Ltmp8, $3  }
0x144: {  	_ =	sdelay $0x1  }
0x145: {  	s17 =	sadd.s32 $0x10, s17;
	[tilespmem:v2+s1+$0x0] =	vst.idx.add.s32.msk vm0, v3  }
0x146: {  	s21 =	sadd.s32 $0xFFFFFFFF, s21;
	v2 =	vld [tilespmem:s17+$0x0]  }
.LBB2_100:
0x147: {  	_ =	sdelay $0x3  }
0x148: {  	v2 =	vand.u32 $0x1FF, v2  }
0x149: {  	(xrf1) =	vunique.msk.u32 $0xffff, v2;
	_ =	sdelay $0xd  }
0x14a: {  	_, v3, vm0 =	vpop (xrf1);
	_ =	sdelay $0x5  }
0x14b: {  	[tilespmem:v2+s1+$0x0] =	vst.idx.add.s32.msk vm0, v3  }
.LBB2_10:
0x14c: {  	s25 =	simm.s32 $0x0  }
0x14d: {  	v9 =	vld [tilespmem:s25+$0x11800];
	_ =	sdelay $0x4  }
0x14e: {  	s17 =	simm.s32 $0x10;
	(xrf0) =	vadd.scan.msk.s32 $0xffff, v9  }
0x14f: {  	v3 =	vld [tilespmem:s17+$0x11800];
	_ =	sdelay $0x2  }
0x150: {  	s26 =	simm.s32 $0x20  }
0x151: {  	v2 =	vld [tilespmem:s26+$0x11800]  }
0x152: {  	v10, _, _ =	vpop (xrf0);
	(xrf0) =	vadd.scan.msk.s32 $0xffff, v3;
	_ =	sdelay $0x1  }
0x153: {  	v4 =	vxor.u32 $0x80000000, v10  }
0x154: {  	(xrf0) =	vmax.scan.msk.u32 $0xffff, v4  }
0x155: {  	(xrf0) =	vadd.scan.msk.s32 $0xffff, v2  }
0x156: {  	s24 =	simm.s32 $0x30  }
0x157: {  	v4 =	vld [tilespmem:s24+$0x11800];
	v6, _, _ =	vpop (xrf0)  }
0x158: {  	v5 =	vxor.u32 $0x80000000, v6;
	_ =	sdelay $0x1  }
0x159: {  	v7, _, _ =	vpop (xrf0)  }
0x15a: {  	(xrf0) =	vmax.scan.msk.u32 $0xffff, v5;
	v5, _, _ =	vpop (xrf0)  }
0x15b: {  	(xrf0) =	vadd.scan.msk.s32 $0xffff, v4;
	v8 =	vxor.u32 $0x80000000, v5  }
0x15c: {  	(xrf0) =	vmax.scan.msk.u32 $0xffff, v8;
	_ =	sdelay $0x2  }
0x15d: {  	(v2sf) =	vpush v7, $0xF  }
0x15e: {  	v11, _, _ =	vpop (xrf0)  }
0x15f: {  	v7, _, _ =	vpop (xrf0)  }
0x160: {  	s28 =	simm.s32 $0x40;
	(v2sf) =	vpush v11, $0xF;
	v12, _, _ =	vpop (xrf0)  }
0x161: {  	v8 =	vld [tilespmem:s28+$0x11800];
	(v2sf) =	vpush v12, $0xF;
	_ =	sdelay $0x4  }
0x162: {  	s30 =	simm.s32 $0x0;
	s29 =	simm.s32 $0x50;
	(xrf0) =	vadd.scan.msk.s32 $0xffff, v8  }
0x163: {  	v13 =	vsub.s32 s30, v9;
	v9 =	vld [tilespmem:s29+$0x11800];
	v11 =	vxor.u32 $0x80000000, v7  }
0x164: {  	(xrf0) =	vmax.scan.msk.u32 $0xffff, v11  }
0x165: {  	s21 =	simm.s32 $0x180;
	v10 =	vadd.s32 v10, v13  }
.LBB2_11:
0x166: {  	s12 =	sshra.s32 s21, $0x2  }
0x167: {  	[tilespmem:s25+$0x11A00] =	vst v10;
	s25 =	smov.u32 s17;
	s17 =	smov.u32 s26;
	p2 =	seq.s32 s21, $0x7C0  }
.Ltmp9:
0x168: {  	s21 =	sadd.s32 $0x40, s21;
	(xrf0) =	vadd.scan.msk.s32 $0xffff, v9;
	v11, _, _ =	vpop (xrf0);
	s19 =	spop (v2sf);
	(pc) =	sbr.rel @!p2 .LBB2_11-.Ltmp9, $4  }
0x169: {  	s26 =	smov.u32 s24;
	s24 =	smov.u32 s28;
	v12 =	vmov v9;
	v13 =	vxor.u32 $0x80000000, v11;
	s19 =	sadd.s32 s19, s30;
	v9 =	vld [tilespmem:s12+$0x11800]  }
0x16a: {  	s28 =	smov.u32 s29;
	s29 =	smov.u32 s12;
	(xrf0) =	vmax.scan.msk.u32 $0xffff, v13;
	v10, _, _ =	vpop (xrf0);
	s30 =	sadd.s32 $0x80000000, s19  }
0x16b: {  	(v2sf) =	vpush v10, $0xF;
	v10 =	vsub.s32 s30, v3;
	v3 =	vmovc v2;
	v2 =	vmovc v4;
	v4 =	vmov v8  }
0x16c: {  	v8 =	vmovc v12;
	v10 =	vadd.s32 v6, v10;
	v6 =	vmovc v5;
	v5 =	vmov v7;
	v7 =	vmov v11  }
0x16d: {  	_ = 	snop  }
0x16e: {  	(xrf0) =	vadd.scan.msk.s32 $0xffff, v9  }
0x16f: {  	v11, _, _ =	vpop (xrf0)  }
0x170: {  	v12 =	vxor.u32 $0x80000000, v11  }
0x171: {  	(xrf0) =	vmax.scan.msk.u32 $0xffff, v12;
	_ =	sdelay $0x1  }
0x172: {  	v61, _, _ =	vpop (xrf0)  }
0x173: {  	v13, _, _ =	vpop (xrf0)  }
0x174: {  	v14 =	vxor.u32 $0x80000000, v13  }
0x175: {  	(v2sf) =	vpush v61, $0xF;
	(xrf0) =	vmax.scan.msk.u32 $0xffff, v14  }
0x176: {  	v62, _, _ =	vpop (xrf0)  }
0x177: {  	(v2sf) =	vpush v62, $0xF;
	_ =	sdelay $0x3  }
0x178: {  	v63, _, _ =	vpop (xrf0)  }
0x179: {  	(v2sf) =	vpush v63, $0xF;
	_ =	sdelay $0x1  }
0x17a: {  	s12 =	spop (v2sf)  }
0x17b: {  	s12 =	sadd.s32 s12, s30  }
0x17c: {  	s19 =	spop (v2sf);
	s12 =	sadd.s32 $0x80000000, s12  }
0x17d: {  	s19 =	sadd.s32 s19, s12  }
0x17e: {  	s19 =	sadd.s32 $0x80000000, s19;
	s21 =	spop (v2sf)  }
0x17f: {  	s21 =	sadd.s32 s21, s19  }
0x180: {  	s21 =	sadd.s32 $0x80000000, s21;
	s31 =	spop (v2sf)  }
0x181: {  	v3 =	vsub.s32 s12, v3;
	s30 =	sadd.s32 s31, s21  }
0x182: {  	[tilespmem:s25+$0x11A00] =	vst v10;
	v3 =	vadd.s32 v6, v3;
	v2 =	vsub.s32 s19, v2;
	s12 =	sadd.s32 $0x80000000, s30;
	s31 =	spop (v2sf)  }
.Ltmp10:
0x183: {  	[tilespmem:s17+$0x11A00] =	vst v3;
	v2 =	vadd.s32 v5, v2;
	v3 =	vsub.s32 s21, v4;
	s25 =	sadd.s32 s31, s12;
	(pc) =	sbr.rel @!p1 .LBB2_16-.Ltmp10, $4  }
0x184: {  	[tilespmem:s26+$0x11A00] =	vst v2;
	v2 =	vadd.s32 v7, v3;
	v3 =	vsub.s32 s12, v8;
	s30 =	sadd.s32 $0x80000000, s25  }
0x185: {  	[tilespmem:s24+$0x11A00] =	vst v2;
	v2 =	vadd.s32 v11, v3;
	v3 =	vsub.s32 s30, v9  }
0x186: {  	[tilespmem:s28+$0x11A00] =	vst v2;
	v2 =	vadd.s32 v13, v3  }
0x187: {  	[tilespmem:s29+$0x11A00] =	vst v2;
	s31 =	spop (v2sf)  }
0x188: {  	p2 =	seq.s32 s16, $0x1  }
.Ltmp11:
0x189: {  	_ = 	snop;
	(pc) =	sbr.rel @p2 .LBB2_15-.Ltmp11, $4  }
0x18a: {  	s17 =	simm.s32 $0x4600  }
0x18b: {  	v2 =	vld [tilespmem:s17+$0x0]  }
0x18c: {  	s24 =	simm.s32 $0x6900  }
0x18d: {  	s25 =	sadd.s32 $0xFFFFFFFF, s16;
	v3 =	vld [tilespmem:s24+$0x0]  }
.LBB2_14:
0x18e: {  	p2 =	seq.s32 s25, $0x1;
	_ =	sdelay $0x1  }
0x18f: {  	v4 =	vand.u32 $0x1FF, v2  }
0x190: {  	(xrf1) =	vunique.msk.u32 $0xffff, v4;
	_ =	sdelay $0x8  }
0x191: {  	v5 =	vld.idx.msk [tilespmem:v4+s14+$0x0], $0xffff;
	_ =	sdelay $0x4  }
0x192: {  	_, v6, vm0 =	vpop (xrf1)  }
0x193: {  	v5 =	vadd.s32 v6, v5  }
0x194: {  	v5 =	vadd.s32 $0xFFFFFFFF, v5;
	_ =	sdelay $0x4  }
0x195: {  	[tilespmem:v5+s0+$0x0] =	vst.idx.msk $0xffff, v2  }
.Ltmp12:
0x196: {  	[tilespmem:v5+s3+$0x0] =	vst.idx.msk $0xffff, v3;
	(pc) =	sbr.rel @!p2 .LBB2_14-.Ltmp12, $4  }
0x197: {  	s17 =	sadd.s32 $0x10, s17;
	[tilespmem:v4+s14+$0x0] =	vst.idx.add.s32.msk vm0, v6  }
0x198: {  	s24 =	sadd.s32 $0x10, s24;
	v2 =	vld [tilespmem:s17+$0x0]  }
0x199: {  	v3 =	vld [tilespmem:s24+$0x0]  }
0x19a: {  	s25 =	sadd.s32 $0xFFFFFFFF, s25  }
.LBB2_15:
0x19b: {  	_ =	sdelay $0x1  }
0x19c: {  	v4 =	vand.u32 $0x1FF, v2  }
0x19d: {  	(xrf1) =	vunique.msk.u32 $0xffff, v4;
	_ =	sdelay $0x9  }
0x19e: {  	v5 =	vld.idx.msk [tilespmem:v4+s14+$0x0], $0xffff;
	_ =	sdelay $0x3  }
0x19f: {  	_, v6, vm0 =	vpop (xrf1)  }
0x1a0: {  	v5 =	vadd.s32 v6, v5  }
0x1a1: {  	v5 =	vadd.s32 $0xFFFFFFFF, v5;
	_ =	sdelay $0x4  }
0x1a2: {  	[tilespmem:v5+s0+$0x0] =	vst.idx.msk $0xffff, v2  }
0x1a3: {  	[tilespmem:v5+s3+$0x0] =	vst.idx.msk $0xffff, v3  }
0x1a4: {  	[tilespmem:v4+s14+$0x0] =	vst.idx.add.s32.msk vm0, v6  }
.LBB2_16:
0x1a5: {  	[tilespmem:$0x11800] =	vst v0  }
0x1a6: {  	[tilespmem:$0x11810] =	vst v0  }
0x1a7: {  	[tilespmem:$0x11820] =	vst v0  }
0x1a8: {  	[tilespmem:$0x11830] =	vst v0  }
0x1a9: {  	[tilespmem:$0x11840] =	vst v0  }
0x1aa: {  	[tilespmem:$0x11850] =	vst v0  }
0x1ab: {  	[tilespmem:$0x11860] =	vst v0  }
0x1ac: {  	[tilespmem:$0x11870] =	vst v0  }
0x1ad: {  	[tilespmem:$0x11880] =	vst v0  }
0x1ae: {  	[tilespmem:$0x11890] =	vst v0  }
0x1af: {  	[tilespmem:$0x118A0] =	vst v0  }
0x1b0: {  	[tilespmem:$0x118B0] =	vst v0  }
0x1b1: {  	[tilespmem:$0x118C0] =	vst v0  }
0x1b2: {  	[tilespmem:$0x118D0] =	vst v0  }
0x1b3: {  	[tilespmem:$0x118E0] =	vst v0  }
0x1b4: {  	[tilespmem:$0x118F0] =	vst v0  }
0x1b5: {  	[tilespmem:$0x11900] =	vst v0  }
0x1b6: {  	[tilespmem:$0x11910] =	vst v0  }
0x1b7: {  	[tilespmem:$0x11920] =	vst v0  }
0x1b8: {  	[tilespmem:$0x11930] =	vst v0  }
0x1b9: {  	[tilespmem:$0x11940] =	vst v0  }
0x1ba: {  	[tilespmem:$0x11950] =	vst v0  }
0x1bb: {  	[tilespmem:$0x11960] =	vst v0  }
0x1bc: {  	[tilespmem:$0x11970] =	vst v0  }
0x1bd: {  	[tilespmem:$0x11980] =	vst v0  }
0x1be: {  	[tilespmem:$0x11990] =	vst v0  }
0x1bf: {  	[tilespmem:$0x119A0] =	vst v0  }
.Ltmp13:
0x1c0: {  	[tilespmem:$0x119B0] =	vst v0;
	(pc) =	sbr.rel @!p1 .LBB2_17-.Ltmp13, $4  }
0x1c1: {  	[tilespmem:$0x119C0] =	vst v0  }
0x1c2: {  	[tilespmem:$0x119D0] =	vst v0  }
0x1c3: {  	[tilespmem:$0x119E0] =	vst v0  }
0x1c4: {  	[tilespmem:$0x119F0] =	vst v0;
	s17 =	simm.s32 $0x0  }
0x1c5: {  	p2 =	seq.s32 s16, $0x1  }
.Ltmp14:
0x1c6: {  	_ = 	snop;
	(pc) =	sbr.rel @p2 .LBB2_103-.Ltmp14, $2  }
0x1c7: {  	_ =	sdelay $0x2  }
0x1c8: {  	v2 =	vld [tilespmem:s17+$0x0];
	s21 =	sadd.s32 $0xFFFFFFFF, s16  }
.LBB2_102:
0x1c9: {  	p2 =	seq.s32 s21, $0x1;
	_ =	sdelay $0x3  }
0x1ca: {  	v2 =	vshrl.u32 v2, $0x9  }
0x1cb: {  	v2 =	vand.u32 $0x1FF, v2  }
0x1cc: {  	(xrf1) =	vunique.msk.u32 $0xffff, v2;
	_ =	sdelay $0xd  }
0x1cd: {  	_, v3, vm0 =	vpop (xrf1);
	_ =	sdelay $0x2  }
.Ltmp15:
0x1ce: {  	(pc) =	sbr.rel @!p2 .LBB2_102-.Ltmp15, $3  }
0x1cf: {  	_ =	sdelay $0x1  }
0x1d0: {  	s17 =	sadd.s32 $0x10, s17;
	[tilespmem:v2+s1+$0x0] =	vst.idx.add.s32.msk vm0, v3  }
0x1d1: {  	s21 =	sadd.s32 $0xFFFFFFFF, s21;
	v2 =	vld [tilespmem:s17+$0x0]  }
.LBB2_103:
0x1d2: {  	_ =	sdelay $0x3  }
0x1d3: {  	v2 =	vshrl.u32 v2, $0x9  }
0x1d4: {  	v2 =	vand.u32 $0x1FF, v2  }
0x1d5: {  	(xrf1) =	vunique.msk.u32 $0xffff, v2;
	_ =	sdelay $0xd  }
0x1d6: {  	_, v3, vm0 =	vpop (xrf1);
	_ =	sdelay $0x5  }
0x1d7: {  	[tilespmem:v2+s1+$0x0] =	vst.idx.add.s32.msk vm0, v3  }
.LBB2_17:
0x1d8: {  	s25 =	simm.s32 $0x0  }
0x1d9: {  	v9 =	vld [tilespmem:s25+$0x11800];
	_ =	sdelay $0x4  }
0x1da: {  	s17 =	simm.s32 $0x10;
	(xrf0) =	vadd.scan.msk.s32 $0xffff, v9  }
0x1db: {  	v3 =	vld [tilespmem:s17+$0x11800];
	_ =	sdelay $0x2  }
0x1dc: {  	s26 =	simm.s32 $0x20  }
0x1dd: {  	v2 =	vld [tilespmem:s26+$0x11800]  }
0x1de: {  	v10, _, _ =	vpop (xrf0);
	(xrf0) =	vadd.scan.msk.s32 $0xffff, v3;
	_ =	sdelay $0x1  }
0x1df: {  	v4 =	vxor.u32 $0x80000000, v10  }
0x1e0: {  	(xrf0) =	vmax.scan.msk.u32 $0xffff, v4  }
0x1e1: {  	(xrf0) =	vadd.scan.msk.s32 $0xffff, v2  }
0x1e2: {  	s24 =	simm.s32 $0x30  }
0x1e3: {  	v4 =	vld [tilespmem:s24+$0x11800];
	v6, _, _ =	vpop (xrf0)  }
0x1e4: {  	v5 =	vxor.u32 $0x80000000, v6;
	_ =	sdelay $0x1  }
0x1e5: {  	v7, _, _ =	vpop (xrf0)  }
0x1e6: {  	(xrf0) =	vmax.scan.msk.u32 $0xffff, v5;
	v5, _, _ =	vpop (xrf0)  }
0x1e7: {  	(xrf0) =	vadd.scan.msk.s32 $0xffff, v4;
	v8 =	vxor.u32 $0x80000000, v5  }
0x1e8: {  	(xrf0) =	vmax.scan.msk.u32 $0xffff, v8;
	_ =	sdelay $0x2  }
0x1e9: {  	(v2sf) =	vpush v7, $0xF  }
0x1ea: {  	v11, _, _ =	vpop (xrf0)  }
0x1eb: {  	v7, _, _ =	vpop (xrf0)  }
0x1ec: {  	s28 =	simm.s32 $0x40;
	(v2sf) =	vpush v11, $0xF;
	v12, _, _ =	vpop (xrf0)  }
0x1ed: {  	v8 =	vld [tilespmem:s28+$0x11800];
	(v2sf) =	vpush v12, $0xF;
	_ =	sdelay $0x4  }
0x1ee: {  	s30 =	simm.s32 $0x0;
	s29 =	simm.s32 $0x50;
	(xrf0) =	vadd.scan.msk.s32 $0xffff, v8  }
0x1ef: {  	v13 =	vsub.s32 s30, v9;
	v9 =	vld [tilespmem:s29+$0x11800];
	v11 =	vxor.u32 $0x80000000, v7  }
0x1f0: {  	(xrf0) =	vmax.scan.msk.u32 $0xffff, v11  }
0x1f1: {  	s21 =	simm.s32 $0x180;
	v10 =	vadd.s32 v10, v13  }
.LBB2_18:
0x1f2: {  	s12 =	sshra.s32 s21, $0x2  }
0x1f3: {  	[tilespmem:s25+$0x11A00] =	vst v10;
	s25 =	smov.u32 s17;
	s17 =	smov.u32 s26;
	p2 =	seq.s32 s21, $0x7C0  }
.Ltmp16:
0x1f4: {  	s21 =	sadd.s32 $0x40, s21;
	(xrf0) =	vadd.scan.msk.s32 $0xffff, v9;
	v11, _, _ =	vpop (xrf0);
	s19 =	spop (v2sf);
	(pc) =	sbr.rel @!p2 .LBB2_18-.Ltmp16, $4  }
0x1f5: {  	s26 =	smov.u32 s24;
	s24 =	smov.u32 s28;
	v12 =	vmov v9;
	v13 =	vxor.u32 $0x80000000, v11;
	s19 =	sadd.s32 s19, s30;
	v9 =	vld [tilespmem:s12+$0x11800]  }
0x1f6: {  	s28 =	smov.u32 s29;
	s29 =	smov.u32 s12;
	(xrf0) =	vmax.scan.msk.u32 $0xffff, v13;
	v10, _, _ =	vpop (xrf0);
	s30 =	sadd.s32 $0x80000000, s19  }
0x1f7: {  	(v2sf) =	vpush v10, $0xF;
	v10 =	vsub.s32 s30, v3;
	v3 =	vmovc v2;
	v2 =	vmovc v4;
	v4 =	vmov v8  }
0x1f8: {  	v8 =	vmovc v12;
	v10 =	vadd.s32 v6, v10;
	v6 =	vmovc v5;
	v5 =	vmov v7;
	v7 =	vmov v11  }
0x1f9: {  	_ = 	snop  }
0x1fa: {  	(xrf0) =	vadd.scan.msk.s32 $0xffff, v9  }
0x1fb: {  	v11, _, _ =	vpop (xrf0)  }
0x1fc: {  	v12 =	vxor.u32 $0x80000000, v11  }
0x1fd: {  	(xrf0) =	vmax.scan.msk.u32 $0xffff, v12;
	_ =	sdelay $0x1  }
0x1fe: {  	v61, _, _ =	vpop (xrf0)  }
0x1ff: {  	v13, _, _ =	vpop (xrf0)  }
0x200: {  	v14 =	vxor.u32 $0x80000000, v13  }
0x201: {  	(v2sf) =	vpush v61, $0xF;
	(xrf0) =	vmax.scan.msk.u32 $0xffff, v14  }
0x202: {  	v62, _, _ =	vpop (xrf0)  }
0x203: {  	(v2sf) =	vpush v62, $0xF;
	_ =	sdelay $0x3  }
0x204: {  	v63, _, _ =	vpop (xrf0)  }
0x205: {  	(v2sf) =	vpush v63, $0xF;
	_ =	sdelay $0x1  }
0x206: {  	s12 =	spop (v2sf)  }
0x207: {  	s12 =	sadd.s32 s12, s30  }
0x208: {  	s19 =	spop (v2sf);
	s12 =	sadd.s32 $0x80000000, s12  }
0x209: {  	s19 =	sadd.s32 s19, s12  }
0x20a: {  	s19 =	sadd.s32 $0x80000000, s19;
	s21 =	spop (v2sf)  }
0x20b: {  	s21 =	sadd.s32 s21, s19  }
0x20c: {  	s21 =	sadd.s32 $0x80000000, s21;
	s31 =	spop (v2sf)  }
0x20d: {  	v3 =	vsub.s32 s12, v3;
	s30 =	sadd.s32 s31, s21  }
0x20e: {  	[tilespmem:s25+$0x11A00] =	vst v10;
	v3 =	vadd.s32 v6, v3;
	v2 =	vsub.s32 s19, v2;
	s12 =	sadd.s32 $0x80000000, s30;
	s31 =	spop (v2sf)  }
.Ltmp17:
0x20f: {  	[tilespmem:s17+$0x11A00] =	vst v3;
	v2 =	vadd.s32 v5, v2;
	v3 =	vsub.s32 s21, v4;
	s25 =	sadd.s32 s31, s12;
	(pc) =	sbr.rel @!p1 .LBB2_23-.Ltmp17, $4  }
0x210: {  	[tilespmem:s26+$0x11A00] =	vst v2;
	v2 =	vadd.s32 v7, v3;
	v3 =	vsub.s32 s12, v8;
	s30 =	sadd.s32 $0x80000000, s25  }
0x211: {  	[tilespmem:s24+$0x11A00] =	vst v2;
	v2 =	vadd.s32 v11, v3;
	v3 =	vsub.s32 s30, v9  }
0x212: {  	[tilespmem:s28+$0x11A00] =	vst v2;
	v2 =	vadd.s32 v13, v3  }
0x213: {  	[tilespmem:s29+$0x11A00] =	vst v2;
	s31 =	spop (v2sf)  }
0x214: {  	p2 =	seq.s32 s16, $0x1  }
.Ltmp18:
0x215: {  	_ = 	snop;
	(pc) =	sbr.rel @p2 .LBB2_22-.Ltmp18, $4  }
0x216: {  	s17 =	simm.s32 $0x0  }
0x217: {  	v2 =	vld [tilespmem:s17+$0x0]  }
0x218: {  	s24 =	simm.s32 $0x2300  }
0x219: {  	s25 =	sadd.s32 $0xFFFFFFFF, s16;
	v3 =	vld [tilespmem:s24+$0x0]  }
.LBB2_21:
0x21a: {  	p2 =	seq.s32 s25, $0x1;
	_ =	sdelay $0x1  }
0x21b: {  	v4 =	vshrl.u32 v2, $0x9  }
0x21c: {  	v4 =	vand.u32 $0x1FF, v4  }
0x21d: {  	(xrf1) =	vunique.msk.u32 $0xffff, v4;
	_ =	sdelay $0x8  }
0x21e: {  	v5 =	vld.idx.msk [tilespmem:v4+s14+$0x0], $0xffff;
	_ =	sdelay $0x4  }
0x21f: {  	_, v6, vm0 =	vpop (xrf1)  }
0x220: {  	v5 =	vadd.s32 v6, v5  }
0x221: {  	v5 =	vadd.s32 $0xFFFFFFFF, v5;
	_ =	sdelay $0x4  }
0x222: {  	[tilespmem:v5+s18+$0x0] =	vst.idx.msk $0xffff, v2  }
.Ltmp19:
0x223: {  	[tilespmem:v5+s2+$0x0] =	vst.idx.msk $0xffff, v3;
	(pc) =	sbr.rel @!p2 .LBB2_21-.Ltmp19, $4  }
0x224: {  	s17 =	sadd.s32 $0x10, s17;
	[tilespmem:v4+s14+$0x0] =	vst.idx.add.s32.msk vm0, v6  }
0x225: {  	s24 =	sadd.s32 $0x10, s24;
	v2 =	vld [tilespmem:s17+$0x0]  }
0x226: {  	v3 =	vld [tilespmem:s24+$0x0]  }
0x227: {  	s25 =	sadd.s32 $0xFFFFFFFF, s25  }
.LBB2_22:
0x228: {  	_ =	sdelay $0x1  }
0x229: {  	v4 =	vshrl.u32 v2, $0x9  }
0x22a: {  	v4 =	vand.u32 $0x1FF, v4  }
0x22b: {  	(xrf1) =	vunique.msk.u32 $0xffff, v4;
	_ =	sdelay $0x9  }
0x22c: {  	v5 =	vld.idx.msk [tilespmem:v4+s14+$0x0], $0xffff;
	_ =	sdelay $0x3  }
0x22d: {  	_, v6, vm0 =	vpop (xrf1)  }
0x22e: {  	v5 =	vadd.s32 v6, v5  }
0x22f: {  	v5 =	vadd.s32 $0xFFFFFFFF, v5;
	_ =	sdelay $0x4  }
0x230: {  	[tilespmem:v5+s18+$0x0] =	vst.idx.msk $0xffff, v2  }
0x231: {  	[tilespmem:v5+s2+$0x0] =	vst.idx.msk $0xffff, v3  }
0x232: {  	[tilespmem:v4+s14+$0x0] =	vst.idx.add.s32.msk vm0, v6  }
.LBB2_23:
0x233: {  	[tilespmem:$0x11800] =	vst v0  }
0x234: {  	[tilespmem:$0x11810] =	vst v0  }
0x235: {  	[tilespmem:$0x11820] =	vst v0  }
0x236: {  	[tilespmem:$0x11830] =	vst v0  }
0x237: {  	[tilespmem:$0x11840] =	vst v0  }
0x238: {  	[tilespmem:$0x11850] =	vst v0  }
0x239: {  	[tilespmem:$0x11860] =	vst v0  }
0x23a: {  	[tilespmem:$0x11870] =	vst v0  }
0x23b: {  	[tilespmem:$0x11880] =	vst v0  }
0x23c: {  	[tilespmem:$0x11890] =	vst v0  }
0x23d: {  	[tilespmem:$0x118A0] =	vst v0  }
0x23e: {  	[tilespmem:$0x118B0] =	vst v0  }
0x23f: {  	[tilespmem:$0x118C0] =	vst v0  }
0x240: {  	[tilespmem:$0x118D0] =	vst v0  }
0x241: {  	[tilespmem:$0x118E0] =	vst v0  }
0x242: {  	[tilespmem:$0x118F0] =	vst v0  }
0x243: {  	[tilespmem:$0x11900] =	vst v0  }
0x244: {  	[tilespmem:$0x11910] =	vst v0  }
0x245: {  	[tilespmem:$0x11920] =	vst v0  }
0x246: {  	[tilespmem:$0x11930] =	vst v0  }
0x247: {  	[tilespmem:$0x11940] =	vst v0  }
0x248: {  	[tilespmem:$0x11950] =	vst v0  }
0x249: {  	[tilespmem:$0x11960] =	vst v0  }
0x24a: {  	[tilespmem:$0x11970] =	vst v0  }
0x24b: {  	[tilespmem:$0x11980] =	vst v0  }
0x24c: {  	[tilespmem:$0x11990] =	vst v0  }
0x24d: {  	[tilespmem:$0x119A0] =	vst v0  }
.Ltmp20:
0x24e: {  	[tilespmem:$0x119B0] =	vst v0;
	(pc) =	sbr.rel @!p1 .LBB2_24-.Ltmp20, $4  }
0x24f: {  	[tilespmem:$0x119C0] =	vst v0  }
0x250: {  	[tilespmem:$0x119D0] =	vst v0  }
0x251: {  	[tilespmem:$0x119E0] =	vst v0  }
0x252: {  	[tilespmem:$0x119F0] =	vst v0;
	s17 =	simm.s32 $0x4600  }
0x253: {  	p2 =	seq.s32 s16, $0x1  }
.Ltmp21:
0x254: {  	_ = 	snop;
	(pc) =	sbr.rel @p2 .LBB2_106-.Ltmp21, $2  }
0x255: {  	_ =	sdelay $0x2  }
0x256: {  	v2 =	vld [tilespmem:s17+$0x0];
	s21 =	sadd.s32 $0xFFFFFFFF, s16  }
.LBB2_105:
0x257: {  	p2 =	seq.s32 s21, $0x1;
	_ =	sdelay $0x3  }
0x258: {  	v2 =	vshrl.u32 v2, $0x12  }
0x259: {  	v2 =	vand.u32 $0x1FF, v2  }
0x25a: {  	(xrf1) =	vunique.msk.u32 $0xffff, v2;
	_ =	sdelay $0xd  }
0x25b: {  	_, v3, vm0 =	vpop (xrf1);
	_ =	sdelay $0x2  }
.Ltmp22:
0x25c: {  	(pc) =	sbr.rel @!p2 .LBB2_105-.Ltmp22, $3  }
0x25d: {  	_ =	sdelay $0x1  }
0x25e: {  	s17 =	sadd.s32 $0x10, s17;
	[tilespmem:v2+s1+$0x0] =	vst.idx.add.s32.msk vm0, v3  }
0x25f: {  	s21 =	sadd.s32 $0xFFFFFFFF, s21;
	v2 =	vld [tilespmem:s17+$0x0]  }
.LBB2_106:
0x260: {  	_ =	sdelay $0x3  }
0x261: {  	v2 =	vshrl.u32 v2, $0x12  }
0x262: {  	v2 =	vand.u32 $0x1FF, v2  }
0x263: {  	(xrf1) =	vunique.msk.u32 $0xffff, v2;
	_ =	sdelay $0xd  }
0x264: {  	_, v3, vm0 =	vpop (xrf1);
	_ =	sdelay $0x5  }
0x265: {  	[tilespmem:v2+s1+$0x0] =	vst.idx.add.s32.msk vm0, v3  }
.LBB2_24:
0x266: {  	s25 =	simm.s32 $0x0  }
0x267: {  	v9 =	vld [tilespmem:s25+$0x11800];
	_ =	sdelay $0x4  }
0x268: {  	s17 =	simm.s32 $0x10;
	(xrf0) =	vadd.scan.msk.s32 $0xffff, v9  }
0x269: {  	v3 =	vld [tilespmem:s17+$0x11800];
	_ =	sdelay $0x2  }
0x26a: {  	s26 =	simm.s32 $0x20  }
0x26b: {  	v2 =	vld [tilespmem:s26+$0x11800]  }
0x26c: {  	v10, _, _ =	vpop (xrf0);
	(xrf0) =	vadd.scan.msk.s32 $0xffff, v3;
	_ =	sdelay $0x1  }
0x26d: {  	v4 =	vxor.u32 $0x80000000, v10  }
0x26e: {  	(xrf0) =	vmax.scan.msk.u32 $0xffff, v4  }
0x26f: {  	(xrf0) =	vadd.scan.msk.s32 $0xffff, v2  }
0x270: {  	s24 =	simm.s32 $0x30  }
0x271: {  	v4 =	vld [tilespmem:s24+$0x11800];
	v6, _, _ =	vpop (xrf0)  }
0x272: {  	v5 =	vxor.u32 $0x80000000, v6;
	_ =	sdelay $0x1  }
0x273: {  	v7, _, _ =	vpop (xrf0)  }
0x274: {  	(xrf0) =	vmax.scan.msk.u32 $0xffff, v5;
	v5, _, _ =	vpop (xrf0)  }
0x275: {  	(xrf0) =	vadd.scan.msk.s32 $0xffff, v4;
	v8 =	vxor.u32 $0x80000000, v5  }
0x276: {  	(xrf0) =	vmax.scan.msk.u32 $0xffff, v8;
	_ =	sdelay $0x2  }
0x277: {  	(v2sf) =	vpush v7, $0xF  }
0x278: {  	v11, _, _ =	vpop (xrf0)  }
0x279: {  	v7, _, _ =	vpop (xrf0)  }
0x27a: {  	s28 =	simm.s32 $0x40;
	(v2sf) =	vpush v11, $0xF;
	v12, _, _ =	vpop (xrf0)  }
0x27b: {  	v8 =	vld [tilespmem:s28+$0x11800];
	(v2sf) =	vpush v12, $0xF;
	_ =	sdelay $0x4  }
0x27c: {  	s30 =	simm.s32 $0x0;
	s29 =	simm.s32 $0x50;
	(xrf0) =	vadd.scan.msk.s32 $0xffff, v8  }
0x27d: {  	v13 =	vsub.s32 s30, v9;
	v9 =	vld [tilespmem:s29+$0x11800];
	v11 =	vxor.u32 $0x80000000, v7  }
0x27e: {  	(xrf0) =	vmax.scan.msk.u32 $0xffff, v11  }
0x27f: {  	s21 =	simm.s32 $0x180;
	v10 =	vadd.s32 v10, v13  }
.LBB2_25:
0x280: {  	s12 =	sshra.s32 s21, $0x2  }
0x281: {  	[tilespmem:s25+$0x11A00] =	vst v10;
	s25 =	smov.u32 s17;
	s17 =	smov.u32 s26;
	p2 =	seq.s32 s21, $0x7C0  }
.Ltmp23:
0x282: {  	s21 =	sadd.s32 $0x40, s21;
	(xrf0) =	vadd.scan.msk.s32 $0xffff, v9;
	v11, _, _ =	vpop (xrf0);
	s19 =	spop (v2sf);
	(pc) =	sbr.rel @!p2 .LBB2_25-.Ltmp23, $4  }
0x283: {  	s26 =	smov.u32 s24;
	s24 =	smov.u32 s28;
	v12 =	vmov v9;
	v13 =	vxor.u32 $0x80000000, v11;
	s19 =	sadd.s32 s19, s30;
	v9 =	vld [tilespmem:s12+$0x11800]  }
0x284: {  	s28 =	smov.u32 s29;
	s29 =	smov.u32 s12;
	(xrf0) =	vmax.scan.msk.u32 $0xffff, v13;
	v10, _, _ =	vpop (xrf0);
	s30 =	sadd.s32 $0x80000000, s19  }
0x285: {  	(v2sf) =	vpush v10, $0xF;
	v10 =	vsub.s32 s30, v3;
	v3 =	vmovc v2;
	v2 =	vmovc v4;
	v4 =	vmov v8  }
0x286: {  	v8 =	vmovc v12;
	v10 =	vadd.s32 v6, v10;
	v6 =	vmovc v5;
	v5 =	vmov v7;
	v7 =	vmov v11  }
0x287: {  	_ = 	snop  }
0x288: {  	(xrf0) =	vadd.scan.msk.s32 $0xffff, v9  }
0x289: {  	v11, _, _ =	vpop (xrf0)  }
0x28a: {  	v12 =	vxor.u32 $0x80000000, v11  }
0x28b: {  	(xrf0) =	vmax.scan.msk.u32 $0xffff, v12;
	_ =	sdelay $0x1  }
0x28c: {  	v61, _, _ =	vpop (xrf0)  }
0x28d: {  	v13, _, _ =	vpop (xrf0)  }
0x28e: {  	v14 =	vxor.u32 $0x80000000, v13  }
0x28f: {  	(v2sf) =	vpush v61, $0xF;
	(xrf0) =	vmax.scan.msk.u32 $0xffff, v14  }
0x290: {  	v62, _, _ =	vpop (xrf0)  }
0x291: {  	(v2sf) =	vpush v62, $0xF;
	_ =	sdelay $0x3  }
0x292: {  	v63, _, _ =	vpop (xrf0)  }
0x293: {  	(v2sf) =	vpush v63, $0xF;
	_ =	sdelay $0x1  }
0x294: {  	s12 =	spop (v2sf)  }
0x295: {  	s12 =	sadd.s32 s12, s30  }
0x296: {  	s19 =	spop (v2sf);
	s12 =	sadd.s32 $0x80000000, s12  }
0x297: {  	s19 =	sadd.s32 s19, s12  }
0x298: {  	s19 =	sadd.s32 $0x80000000, s19;
	s21 =	spop (v2sf)  }
0x299: {  	s21 =	sadd.s32 s21, s19  }
0x29a: {  	s21 =	sadd.s32 $0x80000000, s21;
	s31 =	spop (v2sf)  }
0x29b: {  	v3 =	vsub.s32 s12, v3;
	s30 =	sadd.s32 s31, s21  }
0x29c: {  	[tilespmem:s25+$0x11A00] =	vst v10;
	v3 =	vadd.s32 v6, v3;
	v2 =	vsub.s32 s19, v2;
	s12 =	sadd.s32 $0x80000000, s30;
	s31 =	spop (v2sf)  }
.Ltmp24:
0x29d: {  	[tilespmem:s17+$0x11A00] =	vst v3;
	v2 =	vadd.s32 v5, v2;
	v3 =	vsub.s32 s21, v4;
	s25 =	sadd.s32 s31, s12;
	(pc) =	sbr.rel @!p1 .LBB2_30-.Ltmp24, $4  }
0x29e: {  	[tilespmem:s26+$0x11A00] =	vst v2;
	v2 =	vadd.s32 v7, v3;
	v3 =	vsub.s32 s12, v8;
	s30 =	sadd.s32 $0x80000000, s25  }
0x29f: {  	[tilespmem:s24+$0x11A00] =	vst v2;
	v2 =	vadd.s32 v11, v3;
	v3 =	vsub.s32 s30, v9  }
0x2a0: {  	[tilespmem:s28+$0x11A00] =	vst v2;
	v2 =	vadd.s32 v13, v3  }
0x2a1: {  	[tilespmem:s29+$0x11A00] =	vst v2;
	s31 =	spop (v2sf)  }
0x2a2: {  	p1 =	sne.s32 s16, $0x1  }
.Ltmp25:
0x2a3: {  	_ = 	snop;
	(pc) =	sbr.rel @!p1 .LBB2_29-.Ltmp25, $4  }
0x2a4: {  	s17 =	simm.s32 $0x4600  }
0x2a5: {  	v2 =	vld [tilespmem:s17+$0x0]  }
0x2a6: {  	s24 =	simm.s32 $0x6900  }
0x2a7: {  	s16 =	sadd.s32 $0xFFFFFFFF, s16;
	v3 =	vld [tilespmem:s24+$0x0]  }
.LBB2_28:
0x2a8: {  	p1 =	sne.s32 s16, $0x1;
	_ =	sdelay $0x1  }
0x2a9: {  	v4 =	vshrl.u32 v2, $0x12  }
0x2aa: {  	v4 =	vand.u32 $0x1FF, v4  }
0x2ab: {  	(xrf1) =	vunique.msk.u32 $0xffff, v4;
	_ =	sdelay $0x8  }
0x2ac: {  	v5 =	vld.idx.msk [tilespmem:v4+s14+$0x0], $0xffff;
	_ =	sdelay $0x4  }
0x2ad: {  	_, v6, vm0 =	vpop (xrf1)  }
0x2ae: {  	v5 =	vadd.s32 v6, v5  }
0x2af: {  	v5 =	vadd.s32 $0xFFFFFFFF, v5;
	_ =	sdelay $0x4  }
0x2b0: {  	[tilespmem:v5+s0+$0x0] =	vst.idx.msk $0xffff, v2  }
.Ltmp26:
0x2b1: {  	[tilespmem:v5+s3+$0x0] =	vst.idx.msk $0xffff, v3;
	(pc) =	sbr.rel @p1 .LBB2_28-.Ltmp26, $4  }
0x2b2: {  	s17 =	sadd.s32 $0x10, s17;
	[tilespmem:v4+s14+$0x0] =	vst.idx.add.s32.msk vm0, v6  }
0x2b3: {  	s24 =	sadd.s32 $0x10, s24;
	v2 =	vld [tilespmem:s17+$0x0]  }
0x2b4: {  	v3 =	vld [tilespmem:s24+$0x0]  }
0x2b5: {  	s16 =	sadd.s32 $0xFFFFFFFF, s16  }
.LBB2_29:
0x2b6: {  	_ =	sdelay $0x1  }
0x2b7: {  	v4 =	vshrl.u32 v2, $0x12  }
0x2b8: {  	v4 =	vand.u32 $0x1FF, v4  }
0x2b9: {  	(xrf1) =	vunique.msk.u32 $0xffff, v4;
	_ =	sdelay $0x9  }
0x2ba: {  	v5 =	vld.idx.msk [tilespmem:v4+s14+$0x0], $0xffff;
	_ =	sdelay $0x3  }
0x2bb: {  	_, v6, vm0 =	vpop (xrf1)  }
0x2bc: {  	v5 =	vadd.s32 v6, v5  }
0x2bd: {  	v5 =	vadd.s32 $0xFFFFFFFF, v5;
	_ =	sdelay $0x4  }
0x2be: {  	[tilespmem:v5+s0+$0x0] =	vst.idx.msk $0xffff, v2  }
0x2bf: {  	[tilespmem:v5+s3+$0x0] =	vst.idx.msk $0xffff, v3  }
0x2c0: {  	[tilespmem:v4+s14+$0x0] =	vst.idx.add.s32.msk vm0, v6  }
.LBB2_30:
0x2c1: {  	s12 =	sld [smem:$0x7F1];
	_ =	sdelay $0x2  }
0x2c2: {  	[tilespmem:s5], [sflag:$0x1] =	stream.strided.gather [hbm4b:s12+s22], $0x2300, s4, s22, $0x38;
	[tilespmem:$0x12080] =	vst v63  }
0x2c3: {  	_ =	swait.ge [sflag:s20], $0x2300  }
0x2c4: {  	s29 =	sld [smem:$0x7F2]  }
0x2c5: {  	[sflag:s20] =	ssyncset.done $0x0  }
0x2c6: {  	[sflag:s20] =	ssyncadd.s32 $0xFFFFDD00  }
0x2c7: {  	[tilespmem:s6], [sflag:$0x1] =	stream.strided.gather [hbm4b:s29+s22], $0x2300, s4, s22, $0x38;
	[tilespmem:$0x12080] =	vst v63  }
0x2c8: {  	_ =	swait.ge [sflag:s20], $0x2300  }
0x2c9: {  	s30 =	sld [smem:$0x7F3]  }
0x2ca: {  	[sflag:s20] =	ssyncset.done $0x0  }
0x2cb: {  	[sflag:s20] =	ssyncadd.s32 $0xFFFFDD00  }
0x2cc: {  	[tilespmem:s7], [sflag:$0x1] =	stream.strided.gather [hbm4b:s30+s22], $0x2300, s4, s22, $0x38;
	[tilespmem:$0x12080] =	vst v63  }
0x2cd: {  	_ =	swait.ge [sflag:s20], $0x2300  }
0x2ce: {  	s31 =	sld [smem:$0x7F4]  }
0x2cf: {  	[sflag:s20] =	ssyncset.done $0x0  }
0x2d0: {  	[sflag:s20] =	ssyncadd.s32 $0xFFFFDD00  }
0x2d1: {  	[tilespmem:s8], [sflag:$0x1] =	stream.strided.gather [hbm4b:s31+s22], $0x2300, s4, s22, $0x38;
	[tilespmem:$0x12080] =	vst v63  }
0x2d2: {  	_ =	swait.ge [sflag:s20], $0x2300  }
0x2d3: {  	[sflag:s20] =	ssyncset.done $0x0  }
0x2d4: {  	s16 =	simm.s32 $0x0;
	[sflag:s20] =	ssyncadd.s32 $0xFFFFDD00  }
0x2d5: {  	v2 =	vld [tilespmem:s16+$0x2300];
	_ =	sdelay $0x7  }
0x2d6: {  	v3 =	vld.idx.msk [tilespmem:v2+s5+$0x0], $0xffff;
	_ =	sdelay $0x4  }
0x2d7: {  	[tilespmem:s16+$0x11C00] =	vst v3  }
0x2d8: {  	v3 =	vld.idx.msk [tilespmem:v2+s6+$0x0], $0xffff;
	_ =	sdelay $0x4  }
0x2d9: {  	[tilespmem:s16+$0x11D00] =	vst v3  }
0x2da: {  	v3 =	vld.idx.msk [tilespmem:v2+s7+$0x0], $0xffff;
	_ =	sdelay $0x3  }
0x2db: {  	s21 =	simm.s32 $0x10;
	s17 =	simm.s32 $0x80  }
.LBB2_31:
0x2dc: {  	p1 =	sne.s32 s17, $0x3C0;
	v4 =	vld [tilespmem:s21+$0x2300];
	[tilespmem:s16+$0x11E00] =	vst v3  }
0x2dd: {  	v3 =	vld.idx.msk [tilespmem:v2+s8+$0x0], $0xffff;
	_ =	sdelay $0x3  }
0x2de: {  	v2 =	vmov v4;
	_ =	sdelay $0x1  }
0x2df: {  	[tilespmem:s16+$0x11F00] =	vst v3;
	s16 =	smov.u32 s21  }
0x2e0: {  	v3 =	vld.idx.msk [tilespmem:v4+s5+$0x0], $0xffff;
	_ =	sdelay $0x5  }
0x2e1: {  	[tilespmem:s16+$0x11C00] =	vst v3  }
0x2e2: {  	v3 =	vld.idx.msk [tilespmem:v4+s6+$0x0], $0xffff;
	_ =	sdelay $0x5  }
0x2e3: {  	[tilespmem:s16+$0x11D00] =	vst v3  }
0x2e4: {  	v3 =	vld.idx.msk [tilespmem:v4+s7+$0x0], $0xffff  }
.Ltmp27:
0x2e5: {  	(pc) =	sbr.rel @p1 .LBB2_31-.Ltmp27, $2  }
0x2e6: {  	_ =	sdelay $0x2  }
0x2e7: {  	s21 =	sshra.s32 s17, $0x2;
	s17 =	sadd.s32 $0x40, s17  }
0x2e8: {  	_ =	sdelay $0x1  }
0x2e9: {  	v4 =	vld [tilespmem:s21+$0x2300]  }
0x2ea: {  	[tilespmem:s16+$0x11E00] =	vst v3  }
0x2eb: {  	v2 =	vld.idx.msk [tilespmem:v2+s8+$0x0], $0xffff;
	_ =	sdelay $0x4  }
0x2ec: {  	[tilespmem:s16+$0x11F00] =	vst v2  }
0x2ed: {  	v2 =	vld.idx.msk [tilespmem:v4+s5+$0x0], $0xffff;
	_ =	sdelay $0x4  }
0x2ee: {  	[tilespmem:s21+$0x11C00] =	vst v2  }
0x2ef: {  	v2 =	vld.idx.msk [tilespmem:v4+s6+$0x0], $0xffff;
	_ =	sdelay $0x4  }
0x2f0: {  	[tilespmem:s21+$0x11D00] =	vst v2  }
0x2f1: {  	v2 =	vld.idx.msk [tilespmem:v4+s7+$0x0], $0xffff;
	_ =	sdelay $0x4  }
0x2f2: {  	[tilespmem:s21+$0x11E00] =	vst v2  }
0x2f3: {  	v2 =	vld.idx.msk [tilespmem:v4+s8+$0x0], $0xffff;
	_ =	sdelay $0x4  }
0x2f4: {  	s12 =	rddreg [dreg:$0xe];
	s16 =	simm.s32 $0x0;
	[tilespmem:s21+$0x11F00] =	vst v2  }
0x2f5: {  	[hbm4b:s12+s22] =	stream.strided.scatter [tilespmem:s16], [sflag:$0x1], $0x100, s23, s22, $0x38;
	[tilespmem:$0x12080] =	vst v63  }
0x2f6: {  	_ =	swait.ge [sflag:s20], $0x100  }
0x2f7: {  	[sflag:s20] =	ssyncset.done $0x0  }
0x2f8: {  	s25 =	rddreg [dreg:$0xf];
	[sflag:s20] =	ssyncadd.s32 $0xFFFFFF00  }
0x2f9: {  	[hbm4b:s25+s22] =	stream.strided.scatter [tilespmem:s9], [sflag:$0x1], $0x100, s23, s22, $0x38;
	[tilespmem:$0x12080] =	vst v63  }
0x2fa: {  	_ =	swait.ge [sflag:s20], $0x100  }
0x2fb: {  	[sflag:s20] =	ssyncset.done $0x0  }
0x2fc: {  	s26 =	rddreg [dreg:$0x10];
	[sflag:s20] =	ssyncadd.s32 $0xFFFFFF00  }
0x2fd: {  	[hbm4b:s26+s22] =	stream.strided.scatter [tilespmem:s10], [sflag:$0x1], $0x100, s23, s22, $0x38;
	[tilespmem:$0x12080] =	vst v63  }
0x2fe: {  	_ =	swait.ge [sflag:s20], $0x100  }
0x2ff: {  	[sflag:s20] =	ssyncset.done $0x0  }
0x300: {  	s28 =	rddreg [dreg:$0x11];
	[sflag:s20] =	ssyncadd.s32 $0xFFFFFF00  }
0x301: {  	[hbm4b:s28+s22] =	stream.strided.scatter [tilespmem:s11], [sflag:$0x1], $0x100, s23, s22, $0x38;
	[tilespmem:$0x12080] =	vst v63  }
0x302: {  	_ =	swait.ge [sflag:s20], $0x100  }
0x303: {  	[sflag:s20] =	ssyncset.done $0x0  }
0x304: {  	s29 =	rddreg [dreg:$0x12];
	[sflag:s20] =	ssyncadd.s32 $0xFFFFFF00  }
0x305: {  	[hbm4b:s29+s22] =	stream.strided.scatter [tilespmem:s13], [sflag:$0x1], $0x100, s23, s22, $0x38;
	[tilespmem:$0x12080] =	vst v63  }
0x306: {  	_ =	swait.ge [sflag:s20], $0x100  }
0x307: {  	[sflag:s20] =	ssyncset.done $0x0  }
0x308: {  	s30 =	rddreg [dreg:$0x13];
	[sflag:s20] =	ssyncadd.s32 $0xFFFFFF00  }
0x309: {  	[tilespmem:s16], [sflag:$0x1] =	stream.strided.gather [hbm4b:s30+s22], $0x2300, s23, s22, $0x38;
	[tilespmem:$0x12080] =	vst v63  }
0x30a: {  	_ =	swait.ge [sflag:s20], $0x2300  }
0x30b: {  	[sflag:s20] =	ssyncset.done $0x0  }
0x30c: {  	[sflag:s20] =	ssyncadd.s32 $0xFFFFDD00  }
0x30d: {  	[tilespmem:$0x11800] =	vst v0  }
0x30e: {  	[tilespmem:$0x11810] =	vst v0  }
0x30f: {  	[tilespmem:$0x11820] =	vst v0  }
0x310: {  	[tilespmem:$0x11830] =	vst v0  }
0x311: {  	[tilespmem:$0x11840] =	vst v0  }
0x312: {  	[tilespmem:$0x11850] =	vst v0  }
0x313: {  	[tilespmem:$0x11860] =	vst v0  }
0x314: {  	[tilespmem:$0x11870] =	vst v0  }
0x315: {  	[tilespmem:$0x11880] =	vst v0  }
0x316: {  	[tilespmem:$0x11890] =	vst v0  }
0x317: {  	[tilespmem:$0x118A0] =	vst v0  }
0x318: {  	[tilespmem:$0x118B0] =	vst v0  }
0x319: {  	[tilespmem:$0x118C0] =	vst v0  }
0x31a: {  	[tilespmem:$0x118D0] =	vst v0  }
0x31b: {  	[tilespmem:$0x118E0] =	vst v0  }
0x31c: {  	[tilespmem:$0x118F0] =	vst v0  }
0x31d: {  	[tilespmem:$0x11900] =	vst v0  }
0x31e: {  	[tilespmem:$0x11910] =	vst v0  }
0x31f: {  	[tilespmem:$0x11920] =	vst v0  }
0x320: {  	[tilespmem:$0x11930] =	vst v0  }
0x321: {  	[tilespmem:$0x11940] =	vst v0  }
0x322: {  	[tilespmem:$0x11950] =	vst v0  }
0x323: {  	[tilespmem:$0x11960] =	vst v0  }
0x324: {  	[tilespmem:$0x11970] =	vst v0  }
0x325: {  	[tilespmem:$0x11980] =	vst v0  }
0x326: {  	[tilespmem:$0x11990] =	vst v0  }
0x327: {  	[tilespmem:$0x119A0] =	vst v0  }
0x328: {  	[tilespmem:$0x119B0] =	vst v0  }
0x329: {  	[tilespmem:$0x119C0] =	vst v0  }
0x32a: {  	[tilespmem:$0x119D0] =	vst v0  }
0x32b: {  	[tilespmem:$0x119E0] =	vst v0  }
0x32c: {  	s31 =	simm.s32 $0x0;
	[tilespmem:$0x119F0] =	vst v0  }
0x32d: {  	v3 =	vld [tilespmem:s31+$0x0];
	_ =	sdelay $0x4  }
0x32e: {  	v2 =	vshrl.u32 v3, $0x12  }
0x32f: {  	vm0 =	vlt.s32 v3, $0x35C28F5;
	v2 =	vand.u32 $0x1FF, v2  }
0x330: {  	v3 =	vsel vm0, $0x1, v0;
	(xrf1) =	vunique.msk.u32 $0xffff, v2  }
0x331: {  	(xrf0) =	vadd.scan.msk.s32 $0xffff, v3;
	_ =	sdelay $0x5  }
0x332: {  	v3, _, _ =	vpop (xrf0)  }
0x333: {  	(v2sf) =	vpush v3, $0xF;
	_ =	sdelay $0x5  }
0x334: {  	_, v3, vm0 =	vpop (xrf1);
	_ =	sdelay $0x2  }
0x335: {  	s17 =	simm.s32 $0x40;
	s21 =	simm.s32 $0x80  }
.LBB2_33:
0x336: {  	p1 =	sne.s32 s21, $0x8BC0;
	_ =	sdelay $0x1  }
0x337: {  	s12 =	sshra.s32 s17, $0x2;
	s17 =	smov.u32 s21;
	[tilespmem:v2+s1+$0x0] =	vst.idx.add.s32.msk vm0, v3  }
0x338: {  	v2 =	vld [tilespmem:s12+$0x0];
	_ =	sdelay $0x1  }
0x339: {  	s12 =	spop (v2sf)  }
0x33a: {  	s16 =	sadd.s32 s16, s12;
	_ =	sdelay $0x1  }
0x33b: {  	v3 =	vshrl.u32 v2, $0x12;
	vm0 =	vlt.s32 v2, $0x35C28F5  }
0x33c: {  	v2 =	vand.u32 $0x1FF, v3;
	v3 =	vsel vm0, $0x1, v0  }
0x33d: {  	(xrf1) =	vunique.msk.u32 $0xffff, v2  }
0x33e: {  	(xrf0) =	vadd.scan.msk.s32 $0xffff, v3;
	_ =	sdelay $0x5  }
0x33f: {  	v3, _, _ =	vpop (xrf0)  }
0x340: {  	(v2sf) =	vpush v3, $0xF;
	_ =	sdelay $0x4  }
.Ltmp28:
0x341: {  	(pc) =	sbr.rel @p1 .LBB2_33-.Ltmp28, $2  }
0x342: {  	_, v3, vm0 =	vpop (xrf1);
	_ =	sdelay $0x2  }
0x343: {  	s21 =	sadd.s32 $0x40, s21  }
0x344: {  	_ =	sdelay $0x4  }
0x345: {  	s12 =	sshra.s32 s17, $0x2;
	[tilespmem:v2+s1+$0x0] =	vst.idx.add.s32.msk vm0, v3  }
0x346: {  	v2 =	vld [tilespmem:s12+$0x0];
	_ =	sdelay $0x4  }
0x347: {  	vm14 =	vlt.s32 v2, $0x35C28F5  }
0x348: {  	v3 =	vsel vm14, $0x1, v0  }
0x349: {  	(xrf0) =	vadd.scan.msk.s32 $0xffff, v3;
	_ =	sdelay $0x1  }
0x34a: {  	v2 =	vshrl.u32 v2, $0x12  }
0x34b: {  	v2 =	vand.u32 $0x1FF, v2  }
0x34c: {  	(xrf1) =	vunique.msk.u32 $0xffff, v2;
	_ =	sdelay $0x1  }
0x34d: {  	v3, _, _ =	vpop (xrf0)  }
0x34e: {  	(v2sf) =	vpush v3, $0xF;
	_ =	sdelay $0xa  }
0x34f: {  	_, v3, vm15 =	vpop (xrf1);
	_ =	sdelay $0x2  }
0x350: {  	s21 =	spop (v2sf)  }
0x351: {  	s12 =	sadd.s32 s16, s21;
	s24 =	spop (v2sf)  }
0x352: {  	s12 =	sadd.s32 s12, s24  }
0x353: {  	[tilespmem:v2+s1+$0x0] =	vst.idx.add.s32.msk vm15, v3;
	v2 =	vmov s12  }
0x354: {  	s30 =	simm.s32 $0x0;
	s25 =	rddreg [dreg:$0x14];
	s26 =	simm.s32 $0x12000;
	[tilespmem:$0x12000] =	vst v2  }
0x355: {  	[hbm4b:s25+s30] =	stream.linear.scatter [tilespmem:s26], [sflag:$0x1], $0x80, $0x38;
	[tilespmem:$0x12080] =	vst v63  }
0x356: {  	_ =	swait.ge [sflag:s20], $0x80  }
0x357: {  	[sflag:s20] =	ssyncset.done $0x0  }
0x358: {  	s16 =	simm.s32 $0x0;
	[sflag:s20] =	ssyncadd.s32 $0xFFFFFF80  }
0x359: {  	v9 =	vld [tilespmem:s16+$0x11800];
	_ =	sdelay $0x3  }
0x35a: {  	s24 =	simm.s32 $0x10  }
0x35b: {  	v3 =	vld [tilespmem:s24+$0x11800];
	(xrf0) =	vadd.scan.msk.s32 $0xffff, v9;
	_ =	sdelay $0x2  }
0x35c: {  	s26 =	simm.s32 $0x20  }
0x35d: {  	v2 =	vld [tilespmem:s26+$0x11800]  }
0x35e: {  	(xrf0) =	vadd.scan.msk.s32 $0xffff, v3  }
0x35f: {  	v10, _, _ =	vpop (xrf0)  }
0x360: {  	v4 =	vxor.u32 $0x80000000, v10  }
0x361: {  	(xrf0) =	vmax.scan.msk.u32 $0xffff, v4  }
0x362: {  	(xrf0) =	vadd.scan.msk.s32 $0xffff, v2  }
0x363: {  	s25 =	simm.s32 $0x30  }
0x364: {  	v6, _, _ =	vpop (xrf0);
	v4 =	vld [tilespmem:s25+$0x11800]  }
0x365: {  	v5 =	vxor.u32 $0x80000000, v6;
	_ =	sdelay $0x1  }
0x366: {  	v7, _, _ =	vpop (xrf0)  }
0x367: {  	(xrf0) =	vmax.scan.msk.u32 $0xffff, v5;
	v5, _, _ =	vpop (xrf0)  }
0x368: {  	(xrf0) =	vadd.scan.msk.s32 $0xffff, v4;
	v8 =	vxor.u32 $0x80000000, v5  }
0x369: {  	(xrf0) =	vmax.scan.msk.u32 $0xffff, v8;
	_ =	sdelay $0x2  }
0x36a: {  	(v2sf) =	vpush v7, $0xF  }
0x36b: {  	v11, _, _ =	vpop (xrf0)  }
0x36c: {  	v7, _, _ =	vpop (xrf0)  }
0x36d: {  	s28 =	simm.s32 $0x40;
	(v2sf) =	vpush v11, $0xF;
	v12, _, _ =	vpop (xrf0)  }
0x36e: {  	v8 =	vld [tilespmem:s28+$0x11800];
	(v2sf) =	vpush v12, $0xF;
	_ =	sdelay $0x4  }
0x36f: {  	s29 =	simm.s32 $0x50;
	(xrf0) =	vadd.scan.msk.s32 $0xffff, v8  }
0x370: {  	v13 =	vsub.s32 s30, v9;
	v9 =	vld [tilespmem:s29+$0x11800];
	v11 =	vxor.u32 $0x80000000, v7  }
0x371: {  	(xrf0) =	vmax.scan.msk.u32 $0xffff, v11  }
0x372: {  	s17 =	simm.s32 $0x40;
	s31 =	simm.s32 $0x0;
	s21 =	simm.s32 $0x180;
	v10 =	vadd.s32 v10, v13  }
.LBB2_35:
0x373: {  	s12 =	sshra.s32 s21, $0x2  }
0x374: {  	[tilespmem:s31+$0x11A00] =	vst v10;
	s31 =	smov.u32 s24;
	s24 =	smov.u32 s26;
	p1 =	sne.s32 s21, $0x7C0  }
.Ltmp29:
0x375: {  	s21 =	sadd.s32 $0x40, s21;
	(xrf0) =	vadd.scan.msk.s32 $0xffff, v9;
	v11, _, _ =	vpop (xrf0);
	s19 =	spop (v2sf);
	(pc) =	sbr.rel @p1 .LBB2_35-.Ltmp29, $4  }
0x376: {  	s26 =	smov.u32 s25;
	s25 =	smov.u32 s28;
	v12 =	vmov v9;
	v13 =	vxor.u32 $0x80000000, v11;
	s19 =	sadd.s32 s19, s30;
	v9 =	vld [tilespmem:s12+$0x11800]  }
0x377: {  	s28 =	smov.u32 s29;
	s29 =	smov.u32 s12;
	(xrf0) =	vmax.scan.msk.u32 $0xffff, v13;
	v10, _, _ =	vpop (xrf0);
	s30 =	sadd.s32 $0x80000000, s19  }
0x378: {  	(v2sf) =	vpush v10, $0xF;
	v10 =	vsub.s32 s30, v3;
	v3 =	vmovc v2;
	v2 =	vmovc v4;
	v4 =	vmov v8  }
0x379: {  	v8 =	vmovc v12;
	v10 =	vadd.s32 v6, v10;
	v6 =	vmovc v5;
	v5 =	vmov v7;
	v7 =	vmov v11  }
0x37a: {  	_ = 	snop  }
0x37b: {  	v11, _, _ =	vpop (xrf0)  }
0x37c: {  	(xrf0) =	vadd.scan.msk.s32 $0xffff, v9;
	v12 =	vxor.u32 $0x80000000, v11  }
0x37d: {  	(xrf0) =	vmax.scan.msk.u32 $0xffff, v12;
	_ =	sdelay $0x3  }
0x37e: {  	v62, _, _ =	vpop (xrf0)  }
0x37f: {  	(v2sf) =	vpush v62, $0xF;
	v63, _, _ =	vpop (xrf0)  }
0x380: {  	v14, _, _ =	vpop (xrf0)  }
0x381: {  	(v2sf) =	vpush v14, $0xF;
	_ =	sdelay $0x1  }
0x382: {  	v13 =	vxor.u32 $0x80000000, v63  }
0x383: {  	(xrf0) =	vmax.scan.msk.u32 $0xffff, v13;
	_ =	sdelay $0x3  }
0x384: {  	s12 =	spop (v2sf)  }
0x385: {  	s12 =	sadd.s32 s12, s30  }
0x386: {  	s19 =	spop (v2sf);
	s12 =	sadd.s32 $0x80000000, s12;
	v13, _, _ =	vpop (xrf0)  }
0x387: {  	s19 =	sadd.s32 s19, s12;
	(v2sf) =	vpush v13, $0xF  }
0x388: {  	s19 =	sadd.s32 $0x80000000, s19;
	s21 =	spop (v2sf)  }
0x389: {  	s21 =	sadd.s32 s21, s19  }
0x38a: {  	s21 =	sadd.s32 $0x80000000, s21;
	s30 =	spop (v2sf)  }
0x38b: {  	v3 =	vsub.s32 s12, v3;
	s30 =	sadd.s32 s30, s21  }
0x38c: {  	[tilespmem:s31+$0x11A00] =	vst v10;
	v3 =	vadd.s32 v6, v3;
	v2 =	vsub.s32 s19, v2;
	s12 =	sadd.s32 $0x80000000, s30;
	s31 =	spop (v2sf)  }
0x38d: {  	[tilespmem:s24+$0x11A00] =	vst v3;
	v2 =	vadd.s32 v5, v2;
	v3 =	vsub.s32 s21, v4;
	s19 =	sadd.s32 s31, s12  }
0x38e: {  	[tilespmem:s26+$0x11A00] =	vst v2;
	v2 =	vadd.s32 v7, v3;
	v3 =	vsub.s32 s12, v8;
	s30 =	sadd.s32 $0x80000000, s19  }
0x38f: {  	[tilespmem:s25+$0x11A00] =	vst v2;
	v2 =	vadd.s32 v11, v3;
	v3 =	vsub.s32 s30, v9  }
0x390: {  	[tilespmem:s28+$0x11A00] =	vst v2;
	v2 =	vadd.s32 v63, v3  }
0x391: {  	[tilespmem:s29+$0x11A00] =	vst v2  }
0x392: {  	v3 =	vld [tilespmem:s16+$0x11A00]  }
0x393: {  	v4 =	vld [tilespmem:s16+$0x11800];
	_ =	sdelay $0x2  }
0x394: {  	v2 =	vimm.s32 $0x2310;
	s31 =	spop (v2sf)  }
.LBB2_37:
0x395: {  	s12 =	sshra.s32 s17, $0x2;
	p1 =	sne.s32 s17, $0x7C0  }
.Ltmp30:
0x396: {  	s17 =	sadd.s32 $0x40, s17;
	v5 =	vadd.s32 v3, v4;
	v3 =	vld [tilespmem:s12+$0x11A00];
	(pc) =	sbr.rel @p1 .LBB2_37-.Ltmp30, $4  }
0x397: {  	v4 =	vld [tilespmem:s12+$0x11800];
	vm0 =	vgt.s32 v5, $0xFF  }
0x398: {  	v5 =	vnsel vm0, $0x2310, v5  }
0x399: {  	vm0 =	vlt.s32 v2, v5  }
0x39a: {  	v2 =	vsel vm0, v2, v5  }
0x39b: {  	_ = 	snop  }
0x39c: {  	v3 =	vadd.s32 v3, v4  }
0x39d: {  	vm0 =	vgt.s32 v3, $0xFF  }
0x39e: {  	v3 =	vnsel vm0, $0x2310, v3  }
0x39f: {  	vm0 =	vlt.s32 v2, v3  }
0x3a0: {  	v2 =	vsel vm0, v2, v3  }
0x3a1: {  	v2 =	vxor.u32 $0x80000000, v2  }
0x3a2: {  	(xrf0) =	vmin.scan.msk.u32 $0xffff, v2;
	_ =	sdelay $0x5  }
0x3a3: {  	v2, _, _ =	vpop (xrf0)  }
0x3a4: {  	(v2sf) =	vpush v2, $0xF;
	_ =	sdelay $0xe  }
0x3a5: {  	s17 =	simm.s32 $0x0;
	s12 =	spop (v2sf)  }
0x3a6: {  	v3 =	vld [tilespmem:s17+$0x0];
	s16 =	sadd.s32 $0x8000000F, s12  }
0x3a7: {  	s12 =	sand.u32 $0xFFFFFFF0, s16  }
0x3a8: {  	s24 =	simm.s32 $0x10;
	s25 =	simm.s32 $0x0;
	v2 =	vmov s12  }
.LBB2_39:
0x3a9: {  	p1 =	sne.s32 s24, $0x22F0;
	_ =	sdelay $0x1  }
0x3aa: {  	v4 =	vshrl.u32 v3, $0x12  }
0x3ab: {  	v4 =	vand.u32 $0x1FF, v4  }
0x3ac: {  	(xrf1) =	vunique.msk.u32 $0xffff, v4;
	_ =	sdelay $0x8  }
0x3ad: {  	v5 =	vld.idx.msk [tilespmem:v4+s14+$0x0], $0xffff;
	_ =	sdelay $0x4  }
0x3ae: {  	_, v6, vm0 =	vpop (xrf1)  }
0x3af: {  	v5 =	vadd.s32 v6, v5  }
0x3b0: {  	v5 =	vadd.s32 $0xFFFFFFFF, v5  }
0x3b1: {  	vm1 =	vlt.s32 v5, v2;
	_ =	sdelay $0x5  }
0x3b2: {  	v7 =	vor.u32 s17, v1;
	s17 =	smov.u32 s24;
	[tilespmem:v5+s18+$0x0] =	vst.idx.msk vm1, v3  }
.Ltmp31:
0x3b3: {  	[tilespmem:v5+s2+$0x0] =	vst.idx.msk vm1, v7;
	(pc) =	sbr.rel @p1 .LBB2_39-.Ltmp31, $3  }
0x3b4: {  	s25 =	sadd.s32 $0x10, s25;
	[tilespmem:v4+s14+$0x0] =	vst.idx.add.s32.msk vm0, v6  }
0x3b5: {  	v3 =	vld [tilespmem:s25+$0x0];
	_ =	sdelay $0x1  }
0x3b6: {  	s24 =	sadd.s32 $0x10, s24  }
0x3b7: {  	_ =	sdelay $0x1  }
0x3b8: {  	v4 =	vshrl.u32 v3, $0x12  }
0x3b9: {  	v4 =	vand.u32 $0x1FF, v4  }
0x3ba: {  	(xrf1) =	vunique.msk.u32 $0xffff, v4;
	_ =	sdelay $0x9  }
0x3bb: {  	v5 =	vld.idx.msk [tilespmem:v4+s14+$0x0], $0xffff;
	_ =	sdelay $0x3  }
0x3bc: {  	_, v6, vm0 =	vpop (xrf1)  }
0x3bd: {  	v5 =	vadd.s32 v6, v5  }
0x3be: {  	v5 =	vadd.s32 $0xFFFFFFFF, v5  }
0x3bf: {  	vm1 =	vlt.s32 v5, v2;
	_ =	sdelay $0x5  }
0x3c0: {  	v2 =	vor.u32 s17, v1;
	[tilespmem:v5+s18+$0x0] =	vst.idx.msk vm1, v3  }
0x3c1: {  	[tilespmem:v5+s2+$0x0] =	vst.idx.msk vm1, v2  }
0x3c2: {  	[tilespmem:v4+s14+$0x0] =	vst.idx.add.s32.msk vm0, v6  }
0x3c3: {  	[tilespmem:$0x11800] =	vst v0  }
0x3c4: {  	[tilespmem:$0x11810] =	vst v0  }
0x3c5: {  	[tilespmem:$0x11820] =	vst v0  }
0x3c6: {  	[tilespmem:$0x11830] =	vst v0  }
0x3c7: {  	[tilespmem:$0x11840] =	vst v0  }
0x3c8: {  	[tilespmem:$0x11850] =	vst v0  }
0x3c9: {  	[tilespmem:$0x11860] =	vst v0  }
0x3ca: {  	[tilespmem:$0x11870] =	vst v0  }
0x3cb: {  	[tilespmem:$0x11880] =	vst v0  }
0x3cc: {  	[tilespmem:$0x11890] =	vst v0  }
0x3cd: {  	[tilespmem:$0x118A0] =	vst v0  }
0x3ce: {  	[tilespmem:$0x118B0] =	vst v0  }
0x3cf: {  	[tilespmem:$0x118C0] =	vst v0  }
0x3d0: {  	[tilespmem:$0x118D0] =	vst v0  }
0x3d1: {  	[tilespmem:$0x118E0] =	vst v0  }
0x3d2: {  	[tilespmem:$0x118F0] =	vst v0  }
0x3d3: {  	[tilespmem:$0x11900] =	vst v0  }
0x3d4: {  	[tilespmem:$0x11910] =	vst v0  }
0x3d5: {  	[tilespmem:$0x11920] =	vst v0  }
0x3d6: {  	[tilespmem:$0x11930] =	vst v0  }
0x3d7: {  	[tilespmem:$0x11940] =	vst v0  }
0x3d8: {  	[tilespmem:$0x11950] =	vst v0  }
0x3d9: {  	[tilespmem:$0x11960] =	vst v0  }
0x3da: {  	[tilespmem:$0x11970] =	vst v0  }
0x3db: {  	[tilespmem:$0x11980] =	vst v0  }
0x3dc: {  	s16 =	sshra.s32 s16, $0x4;
	[tilespmem:$0x11990] =	vst v0  }
0x3dd: {  	p1 =	sgt.s32 s16, $0x0;
	[tilespmem:$0x119A0] =	vst v0  }
.Ltmp32:
0x3de: {  	[tilespmem:$0x119B0] =	vst v0;
	(pc) =	sbr.rel @!p1 .LBB2_41-.Ltmp32, $4  }
0x3df: {  	[tilespmem:$0x119C0] =	vst v0  }
0x3e0: {  	[tilespmem:$0x119D0] =	vst v0  }
0x3e1: {  	[tilespmem:$0x119E0] =	vst v0  }
0x3e2: {  	s17 =	simm.s32 $0x4600;
	[tilespmem:$0x119F0] =	vst v0  }
0x3e3: {  	p2 =	seq.s32 s16, $0x1  }
.Ltmp33:
0x3e4: {  	_ = 	snop;
	(pc) =	sbr.rel @p2 .LBB2_109-.Ltmp33, $2  }
0x3e5: {  	_ =	sdelay $0x2  }
0x3e6: {  	v2 =	vld [tilespmem:s17+$0x0];
	s21 =	sadd.s32 $0xFFFFFFFF, s16  }
.LBB2_108:
0x3e7: {  	p2 =	seq.s32 s21, $0x1;
	_ =	sdelay $0x3  }
0x3e8: {  	v2 =	vand.u32 $0x1FF, v2  }
0x3e9: {  	(xrf1) =	vunique.msk.u32 $0xffff, v2;
	_ =	sdelay $0xd  }
0x3ea: {  	_, v3, vm0 =	vpop (xrf1);
	_ =	sdelay $0x2  }
.Ltmp34:
0x3eb: {  	(pc) =	sbr.rel @!p2 .LBB2_108-.Ltmp34, $3  }
0x3ec: {  	_ =	sdelay $0x1  }
0x3ed: {  	s17 =	sadd.s32 $0x10, s17;
	[tilespmem:v2+s1+$0x0] =	vst.idx.add.s32.msk vm0, v3  }
0x3ee: {  	s21 =	sadd.s32 $0xFFFFFFFF, s21;
	v2 =	vld [tilespmem:s17+$0x0]  }
.LBB2_109:
0x3ef: {  	_ =	sdelay $0x3  }
0x3f0: {  	v2 =	vand.u32 $0x1FF, v2  }
0x3f1: {  	(xrf1) =	vunique.msk.u32 $0xffff, v2;
	_ =	sdelay $0xd  }
0x3f2: {  	_, v3, vm0 =	vpop (xrf1);
	_ =	sdelay $0x5  }
0x3f3: {  	[tilespmem:v2+s1+$0x0] =	vst.idx.add.s32.msk vm0, v3  }
.LBB2_41:
0x3f4: {  	s25 =	simm.s32 $0x0  }
0x3f5: {  	v9 =	vld [tilespmem:s25+$0x11800];
	_ =	sdelay $0x4  }
0x3f6: {  	s17 =	simm.s32 $0x10;
	(xrf0) =	vadd.scan.msk.s32 $0xffff, v9  }
0x3f7: {  	v3 =	vld [tilespmem:s17+$0x11800];
	_ =	sdelay $0x2  }
0x3f8: {  	s26 =	simm.s32 $0x20  }
0x3f9: {  	v2 =	vld [tilespmem:s26+$0x11800]  }
0x3fa: {  	v10, _, _ =	vpop (xrf0);
	(xrf0) =	vadd.scan.msk.s32 $0xffff, v3;
	_ =	sdelay $0x1  }
0x3fb: {  	v4 =	vxor.u32 $0x80000000, v10  }
0x3fc: {  	(xrf0) =	vmax.scan.msk.u32 $0xffff, v4  }
0x3fd: {  	(xrf0) =	vadd.scan.msk.s32 $0xffff, v2  }
0x3fe: {  	s24 =	simm.s32 $0x30  }
0x3ff: {  	v4 =	vld [tilespmem:s24+$0x11800];
	v6, _, _ =	vpop (xrf0)  }
0x400: {  	v5 =	vxor.u32 $0x80000000, v6;
	_ =	sdelay $0x1  }
0x401: {  	v7, _, _ =	vpop (xrf0)  }
0x402: {  	(xrf0) =	vmax.scan.msk.u32 $0xffff, v5;
	v5, _, _ =	vpop (xrf0)  }
0x403: {  	(xrf0) =	vadd.scan.msk.s32 $0xffff, v4;
	v8 =	vxor.u32 $0x80000000, v5  }
0x404: {  	(xrf0) =	vmax.scan.msk.u32 $0xffff, v8;
	_ =	sdelay $0x2  }
0x405: {  	(v2sf) =	vpush v7, $0xF  }
0x406: {  	v11, _, _ =	vpop (xrf0)  }
0x407: {  	v7, _, _ =	vpop (xrf0)  }
0x408: {  	s28 =	simm.s32 $0x40;
	(v2sf) =	vpush v11, $0xF;
	v12, _, _ =	vpop (xrf0)  }
0x409: {  	v8 =	vld [tilespmem:s28+$0x11800];
	(v2sf) =	vpush v12, $0xF;
	_ =	sdelay $0x4  }
0x40a: {  	s30 =	simm.s32 $0x0;
	s29 =	simm.s32 $0x50;
	(xrf0) =	vadd.scan.msk.s32 $0xffff, v8  }
0x40b: {  	v13 =	vsub.s32 s30, v9;
	v9 =	vld [tilespmem:s29+$0x11800];
	v11 =	vxor.u32 $0x80000000, v7  }
0x40c: {  	(xrf0) =	vmax.scan.msk.u32 $0xffff, v11  }
0x40d: {  	s21 =	simm.s32 $0x180;
	v10 =	vadd.s32 v10, v13  }
.LBB2_42:
0x40e: {  	s12 =	sshra.s32 s21, $0x2  }
0x40f: {  	[tilespmem:s25+$0x11A00] =	vst v10;
	s25 =	smov.u32 s17;
	s17 =	smov.u32 s26;
	p2 =	seq.s32 s21, $0x7C0  }
.Ltmp35:
0x410: {  	s21 =	sadd.s32 $0x40, s21;
	(xrf0) =	vadd.scan.msk.s32 $0xffff, v9;
	v11, _, _ =	vpop (xrf0);
	s19 =	spop (v2sf);
	(pc) =	sbr.rel @!p2 .LBB2_42-.Ltmp35, $4  }
0x411: {  	s26 =	smov.u32 s24;
	s24 =	smov.u32 s28;
	v12 =	vmov v9;
	v13 =	vxor.u32 $0x80000000, v11;
	s19 =	sadd.s32 s19, s30;
	v9 =	vld [tilespmem:s12+$0x11800]  }
0x412: {  	s28 =	smov.u32 s29;
	s29 =	smov.u32 s12;
	(xrf0) =	vmax.scan.msk.u32 $0xffff, v13;
	v10, _, _ =	vpop (xrf0);
	s30 =	sadd.s32 $0x80000000, s19  }
0x413: {  	(v2sf) =	vpush v10, $0xF;
	v10 =	vsub.s32 s30, v3;
	v3 =	vmovc v2;
	v2 =	vmovc v4;
	v4 =	vmov v8  }
0x414: {  	v8 =	vmovc v12;
	v10 =	vadd.s32 v6, v10;
	v6 =	vmovc v5;
	v5 =	vmov v7;
	v7 =	vmov v11  }
0x415: {  	_ = 	snop  }
0x416: {  	(xrf0) =	vadd.scan.msk.s32 $0xffff, v9  }
0x417: {  	v11, _, _ =	vpop (xrf0)  }
0x418: {  	v12 =	vxor.u32 $0x80000000, v11  }
0x419: {  	(xrf0) =	vmax.scan.msk.u32 $0xffff, v12;
	_ =	sdelay $0x1  }
0x41a: {  	v61, _, _ =	vpop (xrf0)  }
0x41b: {  	v13, _, _ =	vpop (xrf0)  }
0x41c: {  	v14 =	vxor.u32 $0x80000000, v13  }
0x41d: {  	(v2sf) =	vpush v61, $0xF;
	(xrf0) =	vmax.scan.msk.u32 $0xffff, v14  }
0x41e: {  	v62, _, _ =	vpop (xrf0)  }
0x41f: {  	(v2sf) =	vpush v62, $0xF;
	_ =	sdelay $0x3  }
0x420: {  	v63, _, _ =	vpop (xrf0)  }
0x421: {  	(v2sf) =	vpush v63, $0xF;
	_ =	sdelay $0x1  }
0x422: {  	s12 =	spop (v2sf)  }
0x423: {  	s12 =	sadd.s32 s12, s30  }
0x424: {  	s19 =	spop (v2sf);
	s12 =	sadd.s32 $0x80000000, s12  }
0x425: {  	s19 =	sadd.s32 s19, s12  }
0x426: {  	s19 =	sadd.s32 $0x80000000, s19;
	s21 =	spop (v2sf)  }
0x427: {  	s21 =	sadd.s32 s21, s19  }
0x428: {  	s21 =	sadd.s32 $0x80000000, s21;
	s31 =	spop (v2sf)  }
0x429: {  	v3 =	vsub.s32 s12, v3;
	s30 =	sadd.s32 s31, s21  }
0x42a: {  	[tilespmem:s25+$0x11A00] =	vst v10;
	v3 =	vadd.s32 v6, v3;
	v2 =	vsub.s32 s19, v2;
	s12 =	sadd.s32 $0x80000000, s30;
	s31 =	spop (v2sf)  }
.Ltmp36:
0x42b: {  	[tilespmem:s17+$0x11A00] =	vst v3;
	v2 =	vadd.s32 v5, v2;
	v3 =	vsub.s32 s21, v4;
	s25 =	sadd.s32 s31, s12;
	(pc) =	sbr.rel @!p1 .LBB2_47-.Ltmp36, $4  }
0x42c: {  	[tilespmem:s26+$0x11A00] =	vst v2;
	v2 =	vadd.s32 v7, v3;
	v3 =	vsub.s32 s12, v8;
	s30 =	sadd.s32 $0x80000000, s25  }
0x42d: {  	[tilespmem:s24+$0x11A00] =	vst v2;
	v2 =	vadd.s32 v11, v3;
	v3 =	vsub.s32 s30, v9  }
0x42e: {  	[tilespmem:s28+$0x11A00] =	vst v2;
	v2 =	vadd.s32 v13, v3  }
0x42f: {  	[tilespmem:s29+$0x11A00] =	vst v2;
	s31 =	spop (v2sf)  }
0x430: {  	p2 =	seq.s32 s16, $0x1  }
.Ltmp37:
0x431: {  	_ = 	snop;
	(pc) =	sbr.rel @p2 .LBB2_46-.Ltmp37, $4  }
0x432: {  	s17 =	simm.s32 $0x4600  }
0x433: {  	v2 =	vld [tilespmem:s17+$0x0]  }
0x434: {  	s24 =	simm.s32 $0x6900  }
0x435: {  	s25 =	sadd.s32 $0xFFFFFFFF, s16;
	v3 =	vld [tilespmem:s24+$0x0]  }
.LBB2_45:
0x436: {  	p2 =	seq.s32 s25, $0x1;
	_ =	sdelay $0x1  }
0x437: {  	v4 =	vand.u32 $0x1FF, v2  }
0x438: {  	(xrf1) =	vunique.msk.u32 $0xffff, v4;
	_ =	sdelay $0x8  }
0x439: {  	v5 =	vld.idx.msk [tilespmem:v4+s14+$0x0], $0xffff;
	_ =	sdelay $0x4  }
0x43a: {  	_, v6, vm0 =	vpop (xrf1)  }
0x43b: {  	v5 =	vadd.s32 v6, v5  }
0x43c: {  	v5 =	vadd.s32 $0xFFFFFFFF, v5;
	_ =	sdelay $0x4  }
0x43d: {  	[tilespmem:v5+s0+$0x0] =	vst.idx.msk $0xffff, v2  }
.Ltmp38:
0x43e: {  	[tilespmem:v5+s3+$0x0] =	vst.idx.msk $0xffff, v3;
	(pc) =	sbr.rel @!p2 .LBB2_45-.Ltmp38, $4  }
0x43f: {  	s17 =	sadd.s32 $0x10, s17;
	[tilespmem:v4+s14+$0x0] =	vst.idx.add.s32.msk vm0, v6  }
0x440: {  	s24 =	sadd.s32 $0x10, s24;
	v2 =	vld [tilespmem:s17+$0x0]  }
0x441: {  	v3 =	vld [tilespmem:s24+$0x0]  }
0x442: {  	s25 =	sadd.s32 $0xFFFFFFFF, s25  }
.LBB2_46:
0x443: {  	_ =	sdelay $0x1  }
0x444: {  	v4 =	vand.u32 $0x1FF, v2  }
0x445: {  	(xrf1) =	vunique.msk.u32 $0xffff, v4;
	_ =	sdelay $0x9  }
0x446: {  	v5 =	vld.idx.msk [tilespmem:v4+s14+$0x0], $0xffff;
	_ =	sdelay $0x3  }
0x447: {  	_, v6, vm0 =	vpop (xrf1)  }
0x448: {  	v5 =	vadd.s32 v6, v5  }
0x449: {  	v5 =	vadd.s32 $0xFFFFFFFF, v5;
	_ =	sdelay $0x4  }
0x44a: {  	[tilespmem:v5+s0+$0x0] =	vst.idx.msk $0xffff, v2  }
0x44b: {  	[tilespmem:v5+s3+$0x0] =	vst.idx.msk $0xffff, v3  }
0x44c: {  	[tilespmem:v4+s14+$0x0] =	vst.idx.add.s32.msk vm0, v6  }
.LBB2_47:
0x44d: {  	[tilespmem:$0x11800] =	vst v0  }
0x44e: {  	[tilespmem:$0x11810] =	vst v0  }
0x44f: {  	[tilespmem:$0x11820] =	vst v0  }
0x450: {  	[tilespmem:$0x11830] =	vst v0  }
0x451: {  	[tilespmem:$0x11840] =	vst v0  }
0x452: {  	[tilespmem:$0x11850] =	vst v0  }
0x453: {  	[tilespmem:$0x11860] =	vst v0  }
0x454: {  	[tilespmem:$0x11870] =	vst v0  }
0x455: {  	[tilespmem:$0x11880] =	vst v0  }
0x456: {  	[tilespmem:$0x11890] =	vst v0  }
0x457: {  	[tilespmem:$0x118A0] =	vst v0  }
0x458: {  	[tilespmem:$0x118B0] =	vst v0  }
0x459: {  	[tilespmem:$0x118C0] =	vst v0  }
0x45a: {  	[tilespmem:$0x118D0] =	vst v0  }
0x45b: {  	[tilespmem:$0x118E0] =	vst v0  }
0x45c: {  	[tilespmem:$0x118F0] =	vst v0  }
0x45d: {  	[tilespmem:$0x11900] =	vst v0  }
0x45e: {  	[tilespmem:$0x11910] =	vst v0  }
0x45f: {  	[tilespmem:$0x11920] =	vst v0  }
0x460: {  	[tilespmem:$0x11930] =	vst v0  }
0x461: {  	[tilespmem:$0x11940] =	vst v0  }
0x462: {  	[tilespmem:$0x11950] =	vst v0  }
0x463: {  	[tilespmem:$0x11960] =	vst v0  }
0x464: {  	[tilespmem:$0x11970] =	vst v0  }
0x465: {  	[tilespmem:$0x11980] =	vst v0  }
0x466: {  	[tilespmem:$0x11990] =	vst v0  }
0x467: {  	[tilespmem:$0x119A0] =	vst v0  }
.Ltmp39:
0x468: {  	[tilespmem:$0x119B0] =	vst v0;
	(pc) =	sbr.rel @!p1 .LBB2_48-.Ltmp39, $4  }
0x469: {  	[tilespmem:$0x119C0] =	vst v0  }
0x46a: {  	[tilespmem:$0x119D0] =	vst v0  }
0x46b: {  	[tilespmem:$0x119E0] =	vst v0  }
0x46c: {  	[tilespmem:$0x119F0] =	vst v0;
	s17 =	simm.s32 $0x0  }
0x46d: {  	p2 =	seq.s32 s16, $0x1  }
.Ltmp40:
0x46e: {  	_ = 	snop;
	(pc) =	sbr.rel @p2 .LBB2_112-.Ltmp40, $2  }
0x46f: {  	_ =	sdelay $0x2  }
0x470: {  	v2 =	vld [tilespmem:s17+$0x0];
	s21 =	sadd.s32 $0xFFFFFFFF, s16  }
.LBB2_111:
0x471: {  	p2 =	seq.s32 s21, $0x1;
	_ =	sdelay $0x3  }
0x472: {  	v2 =	vshrl.u32 v2, $0x9  }
0x473: {  	v2 =	vand.u32 $0x1FF, v2  }
0x474: {  	(xrf1) =	vunique.msk.u32 $0xffff, v2;
	_ =	sdelay $0xd  }
0x475: {  	_, v3, vm0 =	vpop (xrf1);
	_ =	sdelay $0x2  }
.Ltmp41:
0x476: {  	(pc) =	sbr.rel @!p2 .LBB2_111-.Ltmp41, $3  }
0x477: {  	_ =	sdelay $0x1  }
0x478: {  	s17 =	sadd.s32 $0x10, s17;
	[tilespmem:v2+s1+$0x0] =	vst.idx.add.s32.msk vm0, v3  }
0x479: {  	s21 =	sadd.s32 $0xFFFFFFFF, s21;
	v2 =	vld [tilespmem:s17+$0x0]  }
.LBB2_112:
0x47a: {  	_ =	sdelay $0x3  }
0x47b: {  	v2 =	vshrl.u32 v2, $0x9  }
0x47c: {  	v2 =	vand.u32 $0x1FF, v2  }
0x47d: {  	(xrf1) =	vunique.msk.u32 $0xffff, v2;
	_ =	sdelay $0xd  }
0x47e: {  	_, v3, vm0 =	vpop (xrf1);
	_ =	sdelay $0x5  }
0x47f: {  	[tilespmem:v2+s1+$0x0] =	vst.idx.add.s32.msk vm0, v3  }
.LBB2_48:
0x480: {  	s25 =	simm.s32 $0x0  }
0x481: {  	v9 =	vld [tilespmem:s25+$0x11800];
	_ =	sdelay $0x4  }
0x482: {  	s17 =	simm.s32 $0x10;
	(xrf0) =	vadd.scan.msk.s32 $0xffff, v9  }
0x483: {  	v3 =	vld [tilespmem:s17+$0x11800];
	_ =	sdelay $0x2  }
0x484: {  	s26 =	simm.s32 $0x20  }
0x485: {  	v2 =	vld [tilespmem:s26+$0x11800]  }
0x486: {  	v10, _, _ =	vpop (xrf0);
	(xrf0) =	vadd.scan.msk.s32 $0xffff, v3;
	_ =	sdelay $0x1  }
0x487: {  	v4 =	vxor.u32 $0x80000000, v10  }
0x488: {  	(xrf0) =	vmax.scan.msk.u32 $0xffff, v4  }
0x489: {  	(xrf0) =	vadd.scan.msk.s32 $0xffff, v2  }
0x48a: {  	s24 =	simm.s32 $0x30  }
0x48b: {  	v4 =	vld [tilespmem:s24+$0x11800];
	v6, _, _ =	vpop (xrf0)  }
0x48c: {  	v5 =	vxor.u32 $0x80000000, v6;
	_ =	sdelay $0x1  }
0x48d: {  	v7, _, _ =	vpop (xrf0)  }
0x48e: {  	(xrf0) =	vmax.scan.msk.u32 $0xffff, v5;
	v5, _, _ =	vpop (xrf0)  }
0x48f: {  	(xrf0) =	vadd.scan.msk.s32 $0xffff, v4;
	v8 =	vxor.u32 $0x80000000, v5  }
0x490: {  	(xrf0) =	vmax.scan.msk.u32 $0xffff, v8;
	_ =	sdelay $0x2  }
0x491: {  	(v2sf) =	vpush v7, $0xF  }
0x492: {  	v11, _, _ =	vpop (xrf0)  }
0x493: {  	v7, _, _ =	vpop (xrf0)  }
0x494: {  	s28 =	simm.s32 $0x40;
	(v2sf) =	vpush v11, $0xF;
	v12, _, _ =	vpop (xrf0)  }
0x495: {  	v8 =	vld [tilespmem:s28+$0x11800];
	(v2sf) =	vpush v12, $0xF;
	_ =	sdelay $0x4  }
0x496: {  	s30 =	simm.s32 $0x0;
	s29 =	simm.s32 $0x50;
	(xrf0) =	vadd.scan.msk.s32 $0xffff, v8  }
0x497: {  	v13 =	vsub.s32 s30, v9;
	v9 =	vld [tilespmem:s29+$0x11800];
	v11 =	vxor.u32 $0x80000000, v7  }
0x498: {  	(xrf0) =	vmax.scan.msk.u32 $0xffff, v11  }
0x499: {  	s21 =	simm.s32 $0x180;
	v10 =	vadd.s32 v10, v13  }
.LBB2_49:
0x49a: {  	s12 =	sshra.s32 s21, $0x2  }
0x49b: {  	[tilespmem:s25+$0x11A00] =	vst v10;
	s25 =	smov.u32 s17;
	s17 =	smov.u32 s26;
	p2 =	seq.s32 s21, $0x7C0  }
.Ltmp42:
0x49c: {  	s21 =	sadd.s32 $0x40, s21;
	(xrf0) =	vadd.scan.msk.s32 $0xffff, v9;
	v11, _, _ =	vpop (xrf0);
	s19 =	spop (v2sf);
	(pc) =	sbr.rel @!p2 .LBB2_49-.Ltmp42, $4  }
0x49d: {  	s26 =	smov.u32 s24;
	s24 =	smov.u32 s28;
	v12 =	vmov v9;
	v13 =	vxor.u32 $0x80000000, v11;
	s19 =	sadd.s32 s19, s30;
	v9 =	vld [tilespmem:s12+$0x11800]  }
0x49e: {  	s28 =	smov.u32 s29;
	s29 =	smov.u32 s12;
	(xrf0) =	vmax.scan.msk.u32 $0xffff, v13;
	v10, _, _ =	vpop (xrf0);
	s30 =	sadd.s32 $0x80000000, s19  }
0x49f: {  	(v2sf) =	vpush v10, $0xF;
	v10 =	vsub.s32 s30, v3;
	v3 =	vmovc v2;
	v2 =	vmovc v4;
	v4 =	vmov v8  }
0x4a0: {  	v8 =	vmovc v12;
	v10 =	vadd.s32 v6, v10;
	v6 =	vmovc v5;
	v5 =	vmov v7;
	v7 =	vmov v11  }
0x4a1: {  	_ = 	snop  }
0x4a2: {  	(xrf0) =	vadd.scan.msk.s32 $0xffff, v9  }
0x4a3: {  	v11, _, _ =	vpop (xrf0)  }
0x4a4: {  	v12 =	vxor.u32 $0x80000000, v11  }
0x4a5: {  	(xrf0) =	vmax.scan.msk.u32 $0xffff, v12;
	_ =	sdelay $0x1  }
0x4a6: {  	v61, _, _ =	vpop (xrf0)  }
0x4a7: {  	v13, _, _ =	vpop (xrf0)  }
0x4a8: {  	v14 =	vxor.u32 $0x80000000, v13  }
0x4a9: {  	(v2sf) =	vpush v61, $0xF;
	(xrf0) =	vmax.scan.msk.u32 $0xffff, v14  }
0x4aa: {  	v62, _, _ =	vpop (xrf0)  }
0x4ab: {  	(v2sf) =	vpush v62, $0xF;
	_ =	sdelay $0x3  }
0x4ac: {  	v63, _, _ =	vpop (xrf0)  }
0x4ad: {  	(v2sf) =	vpush v63, $0xF;
	_ =	sdelay $0x1  }
0x4ae: {  	s12 =	spop (v2sf)  }
0x4af: {  	s12 =	sadd.s32 s12, s30  }
0x4b0: {  	s19 =	spop (v2sf);
	s12 =	sadd.s32 $0x80000000, s12  }
0x4b1: {  	s19 =	sadd.s32 s19, s12  }
0x4b2: {  	s19 =	sadd.s32 $0x80000000, s19;
	s21 =	spop (v2sf)  }
0x4b3: {  	s21 =	sadd.s32 s21, s19  }
0x4b4: {  	s21 =	sadd.s32 $0x80000000, s21;
	s31 =	spop (v2sf)  }
0x4b5: {  	v3 =	vsub.s32 s12, v3;
	s30 =	sadd.s32 s31, s21  }
0x4b6: {  	[tilespmem:s25+$0x11A00] =	vst v10;
	v3 =	vadd.s32 v6, v3;
	v2 =	vsub.s32 s19, v2;
	s12 =	sadd.s32 $0x80000000, s30;
	s31 =	spop (v2sf)  }
.Ltmp43:
0x4b7: {  	[tilespmem:s17+$0x11A00] =	vst v3;
	v2 =	vadd.s32 v5, v2;
	v3 =	vsub.s32 s21, v4;
	s25 =	sadd.s32 s31, s12;
	(pc) =	sbr.rel @!p1 .LBB2_54-.Ltmp43, $4  }
0x4b8: {  	[tilespmem:s26+$0x11A00] =	vst v2;
	v2 =	vadd.s32 v7, v3;
	v3 =	vsub.s32 s12, v8;
	s30 =	sadd.s32 $0x80000000, s25  }
0x4b9: {  	[tilespmem:s24+$0x11A00] =	vst v2;
	v2 =	vadd.s32 v11, v3;
	v3 =	vsub.s32 s30, v9  }
0x4ba: {  	[tilespmem:s28+$0x11A00] =	vst v2;
	v2 =	vadd.s32 v13, v3  }
0x4bb: {  	[tilespmem:s29+$0x11A00] =	vst v2;
	s31 =	spop (v2sf)  }
0x4bc: {  	p2 =	seq.s32 s16, $0x1  }
.Ltmp44:
0x4bd: {  	_ = 	snop;
	(pc) =	sbr.rel @p2 .LBB2_53-.Ltmp44, $4  }
0x4be: {  	s17 =	simm.s32 $0x0  }
0x4bf: {  	v2 =	vld [tilespmem:s17+$0x0]  }
0x4c0: {  	s24 =	simm.s32 $0x2300  }
0x4c1: {  	s25 =	sadd.s32 $0xFFFFFFFF, s16;
	v3 =	vld [tilespmem:s24+$0x0]  }
.LBB2_52:
0x4c2: {  	p2 =	seq.s32 s25, $0x1;
	_ =	sdelay $0x1  }
0x4c3: {  	v4 =	vshrl.u32 v2, $0x9  }
0x4c4: {  	v4 =	vand.u32 $0x1FF, v4  }
0x4c5: {  	(xrf1) =	vunique.msk.u32 $0xffff, v4;
	_ =	sdelay $0x8  }
0x4c6: {  	v5 =	vld.idx.msk [tilespmem:v4+s14+$0x0], $0xffff;
	_ =	sdelay $0x4  }
0x4c7: {  	_, v6, vm0 =	vpop (xrf1)  }
0x4c8: {  	v5 =	vadd.s32 v6, v5  }
0x4c9: {  	v5 =	vadd.s32 $0xFFFFFFFF, v5;
	_ =	sdelay $0x4  }
0x4ca: {  	[tilespmem:v5+s18+$0x0] =	vst.idx.msk $0xffff, v2  }
.Ltmp45:
0x4cb: {  	[tilespmem:v5+s2+$0x0] =	vst.idx.msk $0xffff, v3;
	(pc) =	sbr.rel @!p2 .LBB2_52-.Ltmp45, $4  }
0x4cc: {  	s17 =	sadd.s32 $0x10, s17;
	[tilespmem:v4+s14+$0x0] =	vst.idx.add.s32.msk vm0, v6  }
0x4cd: {  	s24 =	sadd.s32 $0x10, s24;
	v2 =	vld [tilespmem:s17+$0x0]  }
0x4ce: {  	v3 =	vld [tilespmem:s24+$0x0]  }
0x4cf: {  	s25 =	sadd.s32 $0xFFFFFFFF, s25  }
.LBB2_53:
0x4d0: {  	_ =	sdelay $0x1  }
0x4d1: {  	v4 =	vshrl.u32 v2, $0x9  }
0x4d2: {  	v4 =	vand.u32 $0x1FF, v4  }
0x4d3: {  	(xrf1) =	vunique.msk.u32 $0xffff, v4;
	_ =	sdelay $0x9  }
0x4d4: {  	v5 =	vld.idx.msk [tilespmem:v4+s14+$0x0], $0xffff;
	_ =	sdelay $0x3  }
0x4d5: {  	_, v6, vm0 =	vpop (xrf1)  }
0x4d6: {  	v5 =	vadd.s32 v6, v5  }
0x4d7: {  	v5 =	vadd.s32 $0xFFFFFFFF, v5;
	_ =	sdelay $0x4  }
0x4d8: {  	[tilespmem:v5+s18+$0x0] =	vst.idx.msk $0xffff, v2  }
0x4d9: {  	[tilespmem:v5+s2+$0x0] =	vst.idx.msk $0xffff, v3  }
0x4da: {  	[tilespmem:v4+s14+$0x0] =	vst.idx.add.s32.msk vm0, v6  }
.LBB2_54:
0x4db: {  	[tilespmem:$0x11800] =	vst v0  }
0x4dc: {  	[tilespmem:$0x11810] =	vst v0  }
0x4dd: {  	[tilespmem:$0x11820] =	vst v0  }
0x4de: {  	[tilespmem:$0x11830] =	vst v0  }
0x4df: {  	[tilespmem:$0x11840] =	vst v0  }
0x4e0: {  	[tilespmem:$0x11850] =	vst v0  }
0x4e1: {  	[tilespmem:$0x11860] =	vst v0  }
0x4e2: {  	[tilespmem:$0x11870] =	vst v0  }
0x4e3: {  	[tilespmem:$0x11880] =	vst v0  }
0x4e4: {  	[tilespmem:$0x11890] =	vst v0  }
0x4e5: {  	[tilespmem:$0x118A0] =	vst v0  }
0x4e6: {  	[tilespmem:$0x118B0] =	vst v0  }
0x4e7: {  	[tilespmem:$0x118C0] =	vst v0  }
0x4e8: {  	[tilespmem:$0x118D0] =	vst v0  }
0x4e9: {  	[tilespmem:$0x118E0] =	vst v0  }
0x4ea: {  	[tilespmem:$0x118F0] =	vst v0  }
0x4eb: {  	[tilespmem:$0x11900] =	vst v0  }
0x4ec: {  	[tilespmem:$0x11910] =	vst v0  }
0x4ed: {  	[tilespmem:$0x11920] =	vst v0  }
0x4ee: {  	[tilespmem:$0x11930] =	vst v0  }
0x4ef: {  	[tilespmem:$0x11940] =	vst v0  }
0x4f0: {  	[tilespmem:$0x11950] =	vst v0  }
0x4f1: {  	[tilespmem:$0x11960] =	vst v0  }
0x4f2: {  	[tilespmem:$0x11970] =	vst v0  }
0x4f3: {  	[tilespmem:$0x11980] =	vst v0  }
0x4f4: {  	[tilespmem:$0x11990] =	vst v0  }
0x4f5: {  	[tilespmem:$0x119A0] =	vst v0  }
.Ltmp46:
0x4f6: {  	[tilespmem:$0x119B0] =	vst v0;
	(pc) =	sbr.rel @!p1 .LBB2_55-.Ltmp46, $4  }
0x4f7: {  	[tilespmem:$0x119C0] =	vst v0  }
0x4f8: {  	[tilespmem:$0x119D0] =	vst v0  }
0x4f9: {  	[tilespmem:$0x119E0] =	vst v0  }
0x4fa: {  	[tilespmem:$0x119F0] =	vst v0;
	s17 =	simm.s32 $0x4600  }
0x4fb: {  	p2 =	seq.s32 s16, $0x1  }
.Ltmp47:
0x4fc: {  	_ = 	snop;
	(pc) =	sbr.rel @p2 .LBB2_115-.Ltmp47, $2  }
0x4fd: {  	_ =	sdelay $0x2  }
0x4fe: {  	v2 =	vld [tilespmem:s17+$0x0];
	s21 =	sadd.s32 $0xFFFFFFFF, s16  }
.LBB2_114:
0x4ff: {  	p2 =	seq.s32 s21, $0x1;
	_ =	sdelay $0x3  }
0x500: {  	v2 =	vshrl.u32 v2, $0x12  }
0x501: {  	v2 =	vand.u32 $0x1FF, v2  }
0x502: {  	(xrf1) =	vunique.msk.u32 $0xffff, v2;
	_ =	sdelay $0xd  }
0x503: {  	_, v3, vm0 =	vpop (xrf1);
	_ =	sdelay $0x2  }
.Ltmp48:
0x504: {  	(pc) =	sbr.rel @!p2 .LBB2_114-.Ltmp48, $3  }
0x505: {  	_ =	sdelay $0x1  }
0x506: {  	s17 =	sadd.s32 $0x10, s17;
	[tilespmem:v2+s1+$0x0] =	vst.idx.add.s32.msk vm0, v3  }
0x507: {  	s21 =	sadd.s32 $0xFFFFFFFF, s21;
	v2 =	vld [tilespmem:s17+$0x0]  }
.LBB2_115:
0x508: {  	_ =	sdelay $0x3  }
0x509: {  	v2 =	vshrl.u32 v2, $0x12  }
0x50a: {  	v2 =	vand.u32 $0x1FF, v2  }
0x50b: {  	(xrf1) =	vunique.msk.u32 $0xffff, v2;
	_ =	sdelay $0xd  }
0x50c: {  	_, v3, vm0 =	vpop (xrf1);
	_ =	sdelay $0x5  }
0x50d: {  	[tilespmem:v2+s1+$0x0] =	vst.idx.add.s32.msk vm0, v3  }
.LBB2_55:
0x50e: {  	s25 =	simm.s32 $0x0  }
0x50f: {  	v9 =	vld [tilespmem:s25+$0x11800];
	_ =	sdelay $0x4  }
0x510: {  	s17 =	simm.s32 $0x10;
	(xrf0) =	vadd.scan.msk.s32 $0xffff, v9  }
0x511: {  	v3 =	vld [tilespmem:s17+$0x11800];
	_ =	sdelay $0x2  }
0x512: {  	s26 =	simm.s32 $0x20  }
0x513: {  	v2 =	vld [tilespmem:s26+$0x11800]  }
0x514: {  	v10, _, _ =	vpop (xrf0);
	(xrf0) =	vadd.scan.msk.s32 $0xffff, v3;
	_ =	sdelay $0x1  }
0x515: {  	v4 =	vxor.u32 $0x80000000, v10  }
0x516: {  	(xrf0) =	vmax.scan.msk.u32 $0xffff, v4  }
0x517: {  	(xrf0) =	vadd.scan.msk.s32 $0xffff, v2  }
0x518: {  	s24 =	simm.s32 $0x30  }
0x519: {  	v4 =	vld [tilespmem:s24+$0x11800];
	v6, _, _ =	vpop (xrf0)  }
0x51a: {  	v5 =	vxor.u32 $0x80000000, v6;
	_ =	sdelay $0x1  }
0x51b: {  	v7, _, _ =	vpop (xrf0)  }
0x51c: {  	(xrf0) =	vmax.scan.msk.u32 $0xffff, v5;
	v5, _, _ =	vpop (xrf0)  }
0x51d: {  	(xrf0) =	vadd.scan.msk.s32 $0xffff, v4;
	v8 =	vxor.u32 $0x80000000, v5  }
0x51e: {  	(xrf0) =	vmax.scan.msk.u32 $0xffff, v8;
	_ =	sdelay $0x2  }
0x51f: {  	(v2sf) =	vpush v7, $0xF  }
0x520: {  	v11, _, _ =	vpop (xrf0)  }
0x521: {  	v7, _, _ =	vpop (xrf0)  }
0x522: {  	s28 =	simm.s32 $0x40;
	(v2sf) =	vpush v11, $0xF;
	v12, _, _ =	vpop (xrf0)  }
0x523: {  	v8 =	vld [tilespmem:s28+$0x11800];
	(v2sf) =	vpush v12, $0xF;
	_ =	sdelay $0x4  }
0x524: {  	s30 =	simm.s32 $0x0;
	s29 =	simm.s32 $0x50;
	(xrf0) =	vadd.scan.msk.s32 $0xffff, v8  }
0x525: {  	v13 =	vsub.s32 s30, v9;
	v9 =	vld [tilespmem:s29+$0x11800];
	v11 =	vxor.u32 $0x80000000, v7  }
0x526: {  	(xrf0) =	vmax.scan.msk.u32 $0xffff, v11  }
0x527: {  	s21 =	simm.s32 $0x180;
	v10 =	vadd.s32 v10, v13  }
.LBB2_56:
0x528: {  	s12 =	sshra.s32 s21, $0x2  }
0x529: {  	[tilespmem:s25+$0x11A00] =	vst v10;
	s25 =	smov.u32 s17;
	s17 =	smov.u32 s26;
	p2 =	seq.s32 s21, $0x7C0  }
.Ltmp49:
0x52a: {  	s21 =	sadd.s32 $0x40, s21;
	(xrf0) =	vadd.scan.msk.s32 $0xffff, v9;
	v11, _, _ =	vpop (xrf0);
	s19 =	spop (v2sf);
	(pc) =	sbr.rel @!p2 .LBB2_56-.Ltmp49, $4  }
0x52b: {  	s26 =	smov.u32 s24;
	s24 =	smov.u32 s28;
	v12 =	vmov v9;
	v13 =	vxor.u32 $0x80000000, v11;
	s19 =	sadd.s32 s19, s30;
	v9 =	vld [tilespmem:s12+$0x11800]  }
0x52c: {  	s28 =	smov.u32 s29;
	s29 =	smov.u32 s12;
	(xrf0) =	vmax.scan.msk.u32 $0xffff, v13;
	v10, _, _ =	vpop (xrf0);
	s30 =	sadd.s32 $0x80000000, s19  }
0x52d: {  	(v2sf) =	vpush v10, $0xF;
	v10 =	vsub.s32 s30, v3;
	v3 =	vmovc v2;
	v2 =	vmovc v4;
	v4 =	vmov v8  }
0x52e: {  	v8 =	vmovc v12;
	v10 =	vadd.s32 v6, v10;
	v6 =	vmovc v5;
	v5 =	vmov v7;
	v7 =	vmov v11  }
0x52f: {  	_ = 	snop  }
0x530: {  	(xrf0) =	vadd.scan.msk.s32 $0xffff, v9  }
0x531: {  	v11, _, _ =	vpop (xrf0)  }
0x532: {  	v12 =	vxor.u32 $0x80000000, v11  }
0x533: {  	(xrf0) =	vmax.scan.msk.u32 $0xffff, v12;
	_ =	sdelay $0x1  }
0x534: {  	v61, _, _ =	vpop (xrf0)  }
0x535: {  	v13, _, _ =	vpop (xrf0)  }
0x536: {  	v14 =	vxor.u32 $0x80000000, v13  }
0x537: {  	(v2sf) =	vpush v61, $0xF;
	(xrf0) =	vmax.scan.msk.u32 $0xffff, v14  }
0x538: {  	v62, _, _ =	vpop (xrf0)  }
0x539: {  	(v2sf) =	vpush v62, $0xF;
	_ =	sdelay $0x3  }
0x53a: {  	v63, _, _ =	vpop (xrf0)  }
0x53b: {  	(v2sf) =	vpush v63, $0xF;
	_ =	sdelay $0x1  }
0x53c: {  	s12 =	spop (v2sf)  }
0x53d: {  	s12 =	sadd.s32 s12, s30  }
0x53e: {  	s19 =	spop (v2sf);
	s12 =	sadd.s32 $0x80000000, s12  }
0x53f: {  	s19 =	sadd.s32 s19, s12  }
0x540: {  	s19 =	sadd.s32 $0x80000000, s19;
	s21 =	spop (v2sf)  }
0x541: {  	s21 =	sadd.s32 s21, s19  }
0x542: {  	s21 =	sadd.s32 $0x80000000, s21;
	s31 =	spop (v2sf)  }
0x543: {  	v3 =	vsub.s32 s12, v3;
	s30 =	sadd.s32 s31, s21  }
0x544: {  	[tilespmem:s25+$0x11A00] =	vst v10;
	v3 =	vadd.s32 v6, v3;
	v2 =	vsub.s32 s19, v2;
	s12 =	sadd.s32 $0x80000000, s30;
	s31 =	spop (v2sf)  }
.Ltmp50:
0x545: {  	[tilespmem:s17+$0x11A00] =	vst v3;
	v2 =	vadd.s32 v5, v2;
	v3 =	vsub.s32 s21, v4;
	s25 =	sadd.s32 s31, s12;
	(pc) =	sbr.rel @!p1 .LBB2_61-.Ltmp50, $4  }
0x546: {  	[tilespmem:s26+$0x11A00] =	vst v2;
	v2 =	vadd.s32 v7, v3;
	v3 =	vsub.s32 s12, v8;
	s30 =	sadd.s32 $0x80000000, s25  }
0x547: {  	[tilespmem:s24+$0x11A00] =	vst v2;
	v2 =	vadd.s32 v11, v3;
	v3 =	vsub.s32 s30, v9  }
0x548: {  	[tilespmem:s28+$0x11A00] =	vst v2;
	v2 =	vadd.s32 v13, v3  }
0x549: {  	[tilespmem:s29+$0x11A00] =	vst v2;
	s31 =	spop (v2sf)  }
0x54a: {  	p1 =	sne.s32 s16, $0x1  }
.Ltmp51:
0x54b: {  	_ = 	snop;
	(pc) =	sbr.rel @!p1 .LBB2_60-.Ltmp51, $4  }
0x54c: {  	s17 =	simm.s32 $0x4600  }
0x54d: {  	v2 =	vld [tilespmem:s17+$0x0]  }
0x54e: {  	s24 =	simm.s32 $0x6900  }
0x54f: {  	s16 =	sadd.s32 $0xFFFFFFFF, s16;
	v3 =	vld [tilespmem:s24+$0x0]  }
.LBB2_59:
0x550: {  	p1 =	sne.s32 s16, $0x1;
	_ =	sdelay $0x1  }
0x551: {  	v4 =	vshrl.u32 v2, $0x12  }
0x552: {  	v4 =	vand.u32 $0x1FF, v4  }
0x553: {  	(xrf1) =	vunique.msk.u32 $0xffff, v4;
	_ =	sdelay $0x8  }
0x554: {  	v5 =	vld.idx.msk [tilespmem:v4+s14+$0x0], $0xffff;
	_ =	sdelay $0x4  }
0x555: {  	_, v6, vm0 =	vpop (xrf1)  }
0x556: {  	v5 =	vadd.s32 v6, v5  }
0x557: {  	v5 =	vadd.s32 $0xFFFFFFFF, v5;
	_ =	sdelay $0x4  }
0x558: {  	[tilespmem:v5+s0+$0x0] =	vst.idx.msk $0xffff, v2  }
.Ltmp52:
0x559: {  	[tilespmem:v5+s3+$0x0] =	vst.idx.msk $0xffff, v3;
	(pc) =	sbr.rel @p1 .LBB2_59-.Ltmp52, $4  }
0x55a: {  	s17 =	sadd.s32 $0x10, s17;
	[tilespmem:v4+s14+$0x0] =	vst.idx.add.s32.msk vm0, v6  }
0x55b: {  	s24 =	sadd.s32 $0x10, s24;
	v2 =	vld [tilespmem:s17+$0x0]  }
0x55c: {  	v3 =	vld [tilespmem:s24+$0x0]  }
0x55d: {  	s16 =	sadd.s32 $0xFFFFFFFF, s16  }
.LBB2_60:
0x55e: {  	_ =	sdelay $0x1  }
0x55f: {  	v4 =	vshrl.u32 v2, $0x12  }
0x560: {  	v4 =	vand.u32 $0x1FF, v4  }
0x561: {  	(xrf1) =	vunique.msk.u32 $0xffff, v4;
	_ =	sdelay $0x9  }
0x562: {  	v5 =	vld.idx.msk [tilespmem:v4+s14+$0x0], $0xffff;
	_ =	sdelay $0x3  }
0x563: {  	_, v6, vm0 =	vpop (xrf1)  }
0x564: {  	v5 =	vadd.s32 v6, v5  }
0x565: {  	v5 =	vadd.s32 $0xFFFFFFFF, v5;
	_ =	sdelay $0x4  }
0x566: {  	[tilespmem:v5+s0+$0x0] =	vst.idx.msk $0xffff, v2  }
0x567: {  	[tilespmem:v5+s3+$0x0] =	vst.idx.msk $0xffff, v3  }
0x568: {  	[tilespmem:v4+s14+$0x0] =	vst.idx.add.s32.msk vm0, v6  }
.LBB2_61:
0x569: {  	s12 =	sld [smem:$0x7F5];
	_ =	sdelay $0x2  }
0x56a: {  	[tilespmem:s5], [sflag:$0x1] =	stream.strided.gather [hbm4b:s12+s22], $0x2300, s4, s22, $0x38;
	[tilespmem:$0x12080] =	vst v63  }
0x56b: {  	_ =	swait.ge [sflag:s20], $0x2300  }
0x56c: {  	s29 =	sld [smem:$0x7F6]  }
0x56d: {  	[sflag:s20] =	ssyncset.done $0x0  }
0x56e: {  	[sflag:s20] =	ssyncadd.s32 $0xFFFFDD00  }
0x56f: {  	[tilespmem:s6], [sflag:$0x1] =	stream.strided.gather [hbm4b:s29+s22], $0x2300, s4, s22, $0x38;
	[tilespmem:$0x12080] =	vst v63  }
0x570: {  	_ =	swait.ge [sflag:s20], $0x2300  }
0x571: {  	s30 =	sld [smem:$0x7F7]  }
0x572: {  	[sflag:s20] =	ssyncset.done $0x0  }
0x573: {  	[sflag:s20] =	ssyncadd.s32 $0xFFFFDD00  }
0x574: {  	[tilespmem:s7], [sflag:$0x1] =	stream.strided.gather [hbm4b:s30+s22], $0x2300, s4, s22, $0x38;
	[tilespmem:$0x12080] =	vst v63  }
0x575: {  	_ =	swait.ge [sflag:s20], $0x2300  }
0x576: {  	s31 =	sld [smem:$0x7F8]  }
0x577: {  	[sflag:s20] =	ssyncset.done $0x0  }
0x578: {  	[sflag:s20] =	ssyncadd.s32 $0xFFFFDD00  }
0x579: {  	[tilespmem:s8], [sflag:$0x1] =	stream.strided.gather [hbm4b:s31+s22], $0x2300, s4, s22, $0x38;
	[tilespmem:$0x12080] =	vst v63  }
0x57a: {  	_ =	swait.ge [sflag:s20], $0x2300  }
0x57b: {  	[sflag:s20] =	ssyncset.done $0x0  }
0x57c: {  	s16 =	simm.s32 $0x0;
	[sflag:s20] =	ssyncadd.s32 $0xFFFFDD00  }
0x57d: {  	v2 =	vld [tilespmem:s16+$0x2300];
	_ =	sdelay $0x7  }
0x57e: {  	v3 =	vld.idx.msk [tilespmem:v2+s5+$0x0], $0xffff;
	_ =	sdelay $0x4  }
0x57f: {  	[tilespmem:s16+$0x11C00] =	vst v3  }
0x580: {  	v3 =	vld.idx.msk [tilespmem:v2+s6+$0x0], $0xffff;
	_ =	sdelay $0x4  }
0x581: {  	[tilespmem:s16+$0x11D00] =	vst v3  }
0x582: {  	v3 =	vld.idx.msk [tilespmem:v2+s7+$0x0], $0xffff;
	_ =	sdelay $0x3  }
0x583: {  	s21 =	simm.s32 $0x10;
	s17 =	simm.s32 $0x80  }
.LBB2_62:
0x584: {  	p1 =	sne.s32 s17, $0x3C0;
	v4 =	vld [tilespmem:s21+$0x2300];
	[tilespmem:s16+$0x11E00] =	vst v3  }
0x585: {  	v3 =	vld.idx.msk [tilespmem:v2+s8+$0x0], $0xffff;
	_ =	sdelay $0x3  }
0x586: {  	v2 =	vmov v4;
	_ =	sdelay $0x1  }
0x587: {  	[tilespmem:s16+$0x11F00] =	vst v3;
	s16 =	smov.u32 s21  }
0x588: {  	v3 =	vld.idx.msk [tilespmem:v4+s5+$0x0], $0xffff;
	_ =	sdelay $0x5  }
0x589: {  	[tilespmem:s16+$0x11C00] =	vst v3  }
0x58a: {  	v3 =	vld.idx.msk [tilespmem:v4+s6+$0x0], $0xffff;
	_ =	sdelay $0x5  }
0x58b: {  	[tilespmem:s16+$0x11D00] =	vst v3  }
0x58c: {  	v3 =	vld.idx.msk [tilespmem:v4+s7+$0x0], $0xffff  }
.Ltmp53:
0x58d: {  	(pc) =	sbr.rel @p1 .LBB2_62-.Ltmp53, $2  }
0x58e: {  	_ =	sdelay $0x2  }
0x58f: {  	s21 =	sshra.s32 s17, $0x2;
	s17 =	sadd.s32 $0x40, s17  }
0x590: {  	_ =	sdelay $0x1  }
0x591: {  	v4 =	vld [tilespmem:s21+$0x2300]  }
0x592: {  	[tilespmem:s16+$0x11E00] =	vst v3  }
0x593: {  	v2 =	vld.idx.msk [tilespmem:v2+s8+$0x0], $0xffff;
	_ =	sdelay $0x4  }
0x594: {  	[tilespmem:s16+$0x11F00] =	vst v2  }
0x595: {  	v2 =	vld.idx.msk [tilespmem:v4+s5+$0x0], $0xffff;
	_ =	sdelay $0x4  }
0x596: {  	[tilespmem:s21+$0x11C00] =	vst v2  }
0x597: {  	v2 =	vld.idx.msk [tilespmem:v4+s6+$0x0], $0xffff;
	_ =	sdelay $0x4  }
0x598: {  	[tilespmem:s21+$0x11D00] =	vst v2  }
0x599: {  	v2 =	vld.idx.msk [tilespmem:v4+s7+$0x0], $0xffff;
	_ =	sdelay $0x4  }
0x59a: {  	[tilespmem:s21+$0x11E00] =	vst v2  }
0x59b: {  	v2 =	vld.idx.msk [tilespmem:v4+s8+$0x0], $0xffff;
	_ =	sdelay $0x4  }
0x59c: {  	s12 =	rddreg [dreg:$0x15];
	[tilespmem:s21+$0x11F00] =	vst v2  }
0x59d: {  	[hbm4b:s12+s22] =	stream.strided.scatter [tilespmem:s0], [sflag:$0x1], $0x100, s23, s22, $0x38;
	[tilespmem:$0x12080] =	vst v63  }
0x59e: {  	_ =	swait.ge [sflag:s20], $0x100  }
0x59f: {  	[sflag:s20] =	ssyncset.done $0x0  }
0x5a0: {  	s28 =	rddreg [dreg:$0x17];
	[sflag:s20] =	ssyncadd.s32 $0xFFFFFF00  }
0x5a1: {  	[hbm4b:s28+s22] =	stream.strided.scatter [tilespmem:s9], [sflag:$0x1], $0x100, s23, s22, $0x38;
	[tilespmem:$0x12080] =	vst v63  }
0x5a2: {  	_ =	swait.ge [sflag:s20], $0x100  }
0x5a3: {  	[sflag:s20] =	ssyncset.done $0x0  }
0x5a4: {  	s29 =	rddreg [dreg:$0x19];
	[sflag:s20] =	ssyncadd.s32 $0xFFFFFF00  }
0x5a5: {  	[hbm4b:s29+s22] =	stream.strided.scatter [tilespmem:s10], [sflag:$0x1], $0x100, s23, s22, $0x38;
	[tilespmem:$0x12080] =	vst v63  }
0x5a6: {  	_ =	swait.ge [sflag:s20], $0x100  }
0x5a7: {  	[sflag:s20] =	ssyncset.done $0x0  }
0x5a8: {  	s30 =	rddreg [dreg:$0x1a];
	[sflag:s20] =	ssyncadd.s32 $0xFFFFFF00  }
0x5a9: {  	[hbm4b:s30+s22] =	stream.strided.scatter [tilespmem:s11], [sflag:$0x1], $0x100, s23, s22, $0x38;
	[tilespmem:$0x12080] =	vst v63  }
0x5aa: {  	_ =	swait.ge [sflag:s20], $0x100  }
0x5ab: {  	[sflag:s20] =	ssyncset.done $0x0  }
.Ltmp54:
0x5ac: {  	s31 =	rddreg [dreg:$0x1b];
	[sflag:s20] =	ssyncadd.s32 $0xFFFFFF00;
	(pc) =	sbr.rel @p0 .LBB2_96-.Ltmp54, $4  }
0x5ad: {  	[hbm4b:s31+s22] =	stream.strided.scatter [tilespmem:s13], [sflag:$0x1], $0x100, s23, s22, $0x38;
	[tilespmem:$0x12080] =	vst v63  }
0x5ae: {  	_ =	swait.ge [sflag:s20], $0x100  }
0x5af: {  	[sflag:s20] =	ssyncset.done $0x0  }
0x5b0: {  	[sflag:s20] =	ssyncadd.s32 $0xFFFFFF00  }
0x5b1: {  	s16 =	simm.s32 $0x0;
	s12 =	rddreg [dreg:$0x16]  }
0x5b2: {  	[tilespmem:s16], [sflag:$0x1] =	stream.strided.gather [hbm4b:s12+s22], $0x2300, s23, s22, $0x38;
	[tilespmem:$0x12080] =	vst v63  }
0x5b3: {  	_ =	swait.ge [sflag:s20], $0x2300  }
0x5b4: {  	[sflag:s20] =	ssyncset.done $0x0  }
0x5b5: {  	[sflag:s20] =	ssyncadd.s32 $0xFFFFDD00  }
0x5b6: {  	[tilespmem:$0x11800] =	vst v0  }
0x5b7: {  	[tilespmem:$0x11810] =	vst v0  }
0x5b8: {  	[tilespmem:$0x11820] =	vst v0  }
0x5b9: {  	[tilespmem:$0x11830] =	vst v0  }
0x5ba: {  	[tilespmem:$0x11840] =	vst v0  }
0x5bb: {  	[tilespmem:$0x11850] =	vst v0  }
0x5bc: {  	[tilespmem:$0x11860] =	vst v0  }
0x5bd: {  	[tilespmem:$0x11870] =	vst v0  }
0x5be: {  	[tilespmem:$0x11880] =	vst v0  }
0x5bf: {  	[tilespmem:$0x11890] =	vst v0  }
0x5c0: {  	[tilespmem:$0x118A0] =	vst v0  }
0x5c1: {  	[tilespmem:$0x118B0] =	vst v0  }
0x5c2: {  	[tilespmem:$0x118C0] =	vst v0  }
0x5c3: {  	[tilespmem:$0x118D0] =	vst v0  }
0x5c4: {  	[tilespmem:$0x118E0] =	vst v0  }
0x5c5: {  	[tilespmem:$0x118F0] =	vst v0  }
0x5c6: {  	[tilespmem:$0x11900] =	vst v0  }
0x5c7: {  	[tilespmem:$0x11910] =	vst v0  }
0x5c8: {  	[tilespmem:$0x11920] =	vst v0  }
0x5c9: {  	[tilespmem:$0x11930] =	vst v0  }
0x5ca: {  	[tilespmem:$0x11940] =	vst v0  }
0x5cb: {  	[tilespmem:$0x11950] =	vst v0  }
0x5cc: {  	[tilespmem:$0x11960] =	vst v0  }
0x5cd: {  	[tilespmem:$0x11970] =	vst v0  }
0x5ce: {  	[tilespmem:$0x11980] =	vst v0  }
0x5cf: {  	[tilespmem:$0x11990] =	vst v0  }
0x5d0: {  	[tilespmem:$0x119A0] =	vst v0  }
0x5d1: {  	[tilespmem:$0x119B0] =	vst v0  }
0x5d2: {  	[tilespmem:$0x119C0] =	vst v0  }
0x5d3: {  	[tilespmem:$0x119D0] =	vst v0  }
0x5d4: {  	[tilespmem:$0x119E0] =	vst v0  }
0x5d5: {  	s31 =	simm.s32 $0x0;
	[tilespmem:$0x119F0] =	vst v0  }
0x5d6: {  	v3 =	vld [tilespmem:s31+$0x0];
	_ =	sdelay $0x4  }
0x5d7: {  	v2 =	vshrl.u32 v3, $0x12  }
0x5d8: {  	vm0 =	vlt.s32 v3, $0x35C28F5;
	v2 =	vand.u32 $0x1FF, v2  }
0x5d9: {  	v3 =	vsel vm0, $0x1, v0;
	(xrf1) =	vunique.msk.u32 $0xffff, v2  }
0x5da: {  	(xrf0) =	vadd.scan.msk.s32 $0xffff, v3;
	_ =	sdelay $0x5  }
0x5db: {  	v3, _, _ =	vpop (xrf0)  }
0x5dc: {  	(v2sf) =	vpush v3, $0xF;
	_ =	sdelay $0x5  }
0x5dd: {  	_, v3, vm0 =	vpop (xrf1);
	_ =	sdelay $0x2  }
0x5de: {  	s17 =	simm.s32 $0x40;
	s21 =	simm.s32 $0x80  }
.LBB2_65:
0x5df: {  	p1 =	sne.s32 s21, $0x8BC0;
	_ =	sdelay $0x1  }
0x5e0: {  	s12 =	sshra.s32 s17, $0x2;
	s17 =	smov.u32 s21;
	[tilespmem:v2+s1+$0x0] =	vst.idx.add.s32.msk vm0, v3  }
0x5e1: {  	v2 =	vld [tilespmem:s12+$0x0];
	_ =	sdelay $0x1  }
0x5e2: {  	s12 =	spop (v2sf)  }
0x5e3: {  	s16 =	sadd.s32 s16, s12;
	_ =	sdelay $0x1  }
0x5e4: {  	v3 =	vshrl.u32 v2, $0x12;
	vm0 =	vlt.s32 v2, $0x35C28F5  }
0x5e5: {  	v2 =	vand.u32 $0x1FF, v3;
	v3 =	vsel vm0, $0x1, v0  }
0x5e6: {  	(xrf1) =	vunique.msk.u32 $0xffff, v2  }
0x5e7: {  	(xrf0) =	vadd.scan.msk.s32 $0xffff, v3;
	_ =	sdelay $0x5  }
0x5e8: {  	v3, _, _ =	vpop (xrf0)  }
0x5e9: {  	(v2sf) =	vpush v3, $0xF;
	_ =	sdelay $0x4  }
.Ltmp55:
0x5ea: {  	(pc) =	sbr.rel @p1 .LBB2_65-.Ltmp55, $2  }
0x5eb: {  	_, v3, vm0 =	vpop (xrf1);
	_ =	sdelay $0x2  }
0x5ec: {  	s21 =	sadd.s32 $0x40, s21  }
0x5ed: {  	_ =	sdelay $0x4  }
0x5ee: {  	s12 =	sshra.s32 s17, $0x2;
	[tilespmem:v2+s1+$0x0] =	vst.idx.add.s32.msk vm0, v3  }
0x5ef: {  	v2 =	vld [tilespmem:s12+$0x0];
	_ =	sdelay $0x4  }
0x5f0: {  	vm14 =	vlt.s32 v2, $0x35C28F5  }
0x5f1: {  	v3 =	vsel vm14, $0x1, v0  }
0x5f2: {  	(xrf0) =	vadd.scan.msk.s32 $0xffff, v3;
	_ =	sdelay $0x1  }
0x5f3: {  	v2 =	vshrl.u32 v2, $0x12  }
0x5f4: {  	v2 =	vand.u32 $0x1FF, v2  }
0x5f5: {  	(xrf1) =	vunique.msk.u32 $0xffff, v2;
	_ =	sdelay $0x1  }
0x5f6: {  	v3, _, _ =	vpop (xrf0)  }
0x5f7: {  	(v2sf) =	vpush v3, $0xF;
	_ =	sdelay $0xa  }
0x5f8: {  	_, v3, vm15 =	vpop (xrf1);
	_ =	sdelay $0x2  }
0x5f9: {  	s21 =	spop (v2sf)  }
0x5fa: {  	s12 =	sadd.s32 s16, s21;
	s24 =	spop (v2sf)  }
0x5fb: {  	s12 =	sadd.s32 s12, s24  }
0x5fc: {  	[tilespmem:v2+s1+$0x0] =	vst.idx.add.s32.msk vm15, v3;
	v2 =	vmov s12  }
0x5fd: {  	s30 =	simm.s32 $0x0;
	s25 =	rddreg [dreg:$0x18];
	s26 =	simm.s32 $0x12000;
	[tilespmem:$0x12000] =	vst v2  }
0x5fe: {  	[hbm4b:s25+s30] =	stream.linear.scatter [tilespmem:s26], [sflag:$0x1], $0x80, $0x38;
	[tilespmem:$0x12080] =	vst v63  }
0x5ff: {  	_ =	swait.ge [sflag:s20], $0x80  }
0x600: {  	[sflag:s20] =	ssyncset.done $0x0  }
0x601: {  	s16 =	simm.s32 $0x0;
	[sflag:s20] =	ssyncadd.s32 $0xFFFFFF80  }
0x602: {  	v9 =	vld [tilespmem:s16+$0x11800];
	_ =	sdelay $0x3  }
0x603: {  	s24 =	simm.s32 $0x10  }
0x604: {  	v3 =	vld [tilespmem:s24+$0x11800];
	(xrf0) =	vadd.scan.msk.s32 $0xffff, v9;
	_ =	sdelay $0x2  }
0x605: {  	s26 =	simm.s32 $0x20  }
0x606: {  	v2 =	vld [tilespmem:s26+$0x11800]  }
0x607: {  	(xrf0) =	vadd.scan.msk.s32 $0xffff, v3  }
0x608: {  	v10, _, _ =	vpop (xrf0)  }
0x609: {  	v4 =	vxor.u32 $0x80000000, v10  }
0x60a: {  	(xrf0) =	vmax.scan.msk.u32 $0xffff, v4  }
0x60b: {  	(xrf0) =	vadd.scan.msk.s32 $0xffff, v2  }
0x60c: {  	s25 =	simm.s32 $0x30  }
0x60d: {  	v6, _, _ =	vpop (xrf0);
	v4 =	vld [tilespmem:s25+$0x11800]  }
0x60e: {  	v5 =	vxor.u32 $0x80000000, v6;
	_ =	sdelay $0x1  }
0x60f: {  	v7, _, _ =	vpop (xrf0)  }
0x610: {  	(xrf0) =	vmax.scan.msk.u32 $0xffff, v5;
	v5, _, _ =	vpop (xrf0)  }
0x611: {  	(xrf0) =	vadd.scan.msk.s32 $0xffff, v4;
	v8 =	vxor.u32 $0x80000000, v5  }
0x612: {  	(xrf0) =	vmax.scan.msk.u32 $0xffff, v8;
	_ =	sdelay $0x2  }
0x613: {  	(v2sf) =	vpush v7, $0xF  }
0x614: {  	v11, _, _ =	vpop (xrf0)  }
0x615: {  	v7, _, _ =	vpop (xrf0)  }
0x616: {  	s28 =	simm.s32 $0x40;
	(v2sf) =	vpush v11, $0xF;
	v12, _, _ =	vpop (xrf0)  }
0x617: {  	v8 =	vld [tilespmem:s28+$0x11800];
	(v2sf) =	vpush v12, $0xF;
	_ =	sdelay $0x4  }
0x618: {  	s29 =	simm.s32 $0x50;
	(xrf0) =	vadd.scan.msk.s32 $0xffff, v8  }
0x619: {  	v13 =	vsub.s32 s30, v9;
	v9 =	vld [tilespmem:s29+$0x11800];
	v11 =	vxor.u32 $0x80000000, v7  }
0x61a: {  	(xrf0) =	vmax.scan.msk.u32 $0xffff, v11  }
0x61b: {  	s17 =	simm.s32 $0x40;
	s31 =	simm.s32 $0x0;
	s21 =	simm.s32 $0x180;
	v10 =	vadd.s32 v10, v13  }
.LBB2_67:
0x61c: {  	s12 =	sshra.s32 s21, $0x2  }
0x61d: {  	[tilespmem:s31+$0x11A00] =	vst v10;
	s31 =	smov.u32 s24;
	s24 =	smov.u32 s26;
	p1 =	sne.s32 s21, $0x7C0  }
.Ltmp56:
0x61e: {  	s21 =	sadd.s32 $0x40, s21;
	(xrf0) =	vadd.scan.msk.s32 $0xffff, v9;
	v11, _, _ =	vpop (xrf0);
	s19 =	spop (v2sf);
	(pc) =	sbr.rel @p1 .LBB2_67-.Ltmp56, $4  }
0x61f: {  	s26 =	smov.u32 s25;
	s25 =	smov.u32 s28;
	v12 =	vmov v9;
	v13 =	vxor.u32 $0x80000000, v11;
	s19 =	sadd.s32 s19, s30;
	v9 =	vld [tilespmem:s12+$0x11800]  }
0x620: {  	s28 =	smov.u32 s29;
	s29 =	smov.u32 s12;
	(xrf0) =	vmax.scan.msk.u32 $0xffff, v13;
	v10, _, _ =	vpop (xrf0);
	s30 =	sadd.s32 $0x80000000, s19  }
0x621: {  	(v2sf) =	vpush v10, $0xF;
	v10 =	vsub.s32 s30, v3;
	v3 =	vmovc v2;
	v2 =	vmovc v4;
	v4 =	vmov v8  }
0x622: {  	v8 =	vmovc v12;
	v10 =	vadd.s32 v6, v10;
	v6 =	vmovc v5;
	v5 =	vmov v7;
	v7 =	vmov v11  }
0x623: {  	_ = 	snop  }
0x624: {  	v11, _, _ =	vpop (xrf0)  }
0x625: {  	(xrf0) =	vadd.scan.msk.s32 $0xffff, v9;
	v12 =	vxor.u32 $0x80000000, v11  }
0x626: {  	(xrf0) =	vmax.scan.msk.u32 $0xffff, v12;
	_ =	sdelay $0x3  }
0x627: {  	v62, _, _ =	vpop (xrf0)  }
0x628: {  	(v2sf) =	vpush v62, $0xF;
	v63, _, _ =	vpop (xrf0)  }
0x629: {  	v14, _, _ =	vpop (xrf0)  }
0x62a: {  	(v2sf) =	vpush v14, $0xF;
	_ =	sdelay $0x1  }
0x62b: {  	v13 =	vxor.u32 $0x80000000, v63  }
0x62c: {  	(xrf0) =	vmax.scan.msk.u32 $0xffff, v13;
	_ =	sdelay $0x3  }
0x62d: {  	s12 =	spop (v2sf)  }
0x62e: {  	s12 =	sadd.s32 s12, s30  }
0x62f: {  	s19 =	spop (v2sf);
	s12 =	sadd.s32 $0x80000000, s12;
	v13, _, _ =	vpop (xrf0)  }
0x630: {  	s19 =	sadd.s32 s19, s12;
	(v2sf) =	vpush v13, $0xF  }
0x631: {  	s19 =	sadd.s32 $0x80000000, s19;
	s21 =	spop (v2sf)  }
0x632: {  	s21 =	sadd.s32 s21, s19  }
0x633: {  	s21 =	sadd.s32 $0x80000000, s21;
	s30 =	spop (v2sf)  }
0x634: {  	v3 =	vsub.s32 s12, v3;
	s30 =	sadd.s32 s30, s21  }
0x635: {  	[tilespmem:s31+$0x11A00] =	vst v10;
	v3 =	vadd.s32 v6, v3;
	v2 =	vsub.s32 s19, v2;
	s12 =	sadd.s32 $0x80000000, s30;
	s31 =	spop (v2sf)  }
0x636: {  	[tilespmem:s24+$0x11A00] =	vst v3;
	v2 =	vadd.s32 v5, v2;
	v3 =	vsub.s32 s21, v4;
	s19 =	sadd.s32 s31, s12  }
0x637: {  	[tilespmem:s26+$0x11A00] =	vst v2;
	v2 =	vadd.s32 v7, v3;
	v3 =	vsub.s32 s12, v8;
	s30 =	sadd.s32 $0x80000000, s19  }
0x638: {  	[tilespmem:s25+$0x11A00] =	vst v2;
	v2 =	vadd.s32 v11, v3;
	v3 =	vsub.s32 s30, v9  }
0x639: {  	[tilespmem:s28+$0x11A00] =	vst v2;
	v2 =	vadd.s32 v63, v3  }
0x63a: {  	[tilespmem:s29+$0x11A00] =	vst v2  }
0x63b: {  	v3 =	vld [tilespmem:s16+$0x11A00]  }
0x63c: {  	v4 =	vld [tilespmem:s16+$0x11800];
	_ =	sdelay $0x2  }
0x63d: {  	v2 =	vimm.s32 $0x2310;
	s31 =	spop (v2sf)  }
.LBB2_69:
0x63e: {  	s12 =	sshra.s32 s17, $0x2;
	p1 =	sne.s32 s17, $0x7C0  }
.Ltmp57:
0x63f: {  	s17 =	sadd.s32 $0x40, s17;
	v5 =	vadd.s32 v3, v4;
	v3 =	vld [tilespmem:s12+$0x11A00];
	(pc) =	sbr.rel @p1 .LBB2_69-.Ltmp57, $4  }
0x640: {  	v4 =	vld [tilespmem:s12+$0x11800];
	vm0 =	vgt.s32 v5, $0xFF  }
0x641: {  	v5 =	vnsel vm0, $0x2310, v5  }
0x642: {  	vm0 =	vlt.s32 v2, v5  }
0x643: {  	v2 =	vsel vm0, v2, v5  }
0x644: {  	_ = 	snop  }
0x645: {  	v3 =	vadd.s32 v3, v4  }
0x646: {  	vm0 =	vgt.s32 v3, $0xFF  }
0x647: {  	v3 =	vnsel vm0, $0x2310, v3  }
0x648: {  	vm0 =	vlt.s32 v2, v3  }
0x649: {  	v2 =	vsel vm0, v2, v3  }
0x64a: {  	v2 =	vxor.u32 $0x80000000, v2  }
0x64b: {  	(xrf0) =	vmin.scan.msk.u32 $0xffff, v2;
	_ =	sdelay $0x5  }
0x64c: {  	v2, _, _ =	vpop (xrf0)  }
0x64d: {  	(v2sf) =	vpush v2, $0xF;
	_ =	sdelay $0xe  }
0x64e: {  	s17 =	simm.s32 $0x0;
	s12 =	spop (v2sf)  }
0x64f: {  	v3 =	vld [tilespmem:s17+$0x0];
	s16 =	sadd.s32 $0x8000000F, s12  }
0x650: {  	s12 =	sand.u32 $0xFFFFFFF0, s16  }
0x651: {  	s24 =	simm.s32 $0x10;
	s25 =	simm.s32 $0x0;
	v2 =	vmov s12  }
.LBB2_71:
0x652: {  	p1 =	sne.s32 s24, $0x22F0;
	_ =	sdelay $0x1  }
0x653: {  	v4 =	vshrl.u32 v3, $0x12  }
0x654: {  	v4 =	vand.u32 $0x1FF, v4  }
0x655: {  	(xrf1) =	vunique.msk.u32 $0xffff, v4;
	_ =	sdelay $0x8  }
0x656: {  	v5 =	vld.idx.msk [tilespmem:v4+s14+$0x0], $0xffff;
	_ =	sdelay $0x4  }
0x657: {  	_, v6, vm0 =	vpop (xrf1)  }
0x658: {  	v5 =	vadd.s32 v6, v5  }
0x659: {  	v5 =	vadd.s32 $0xFFFFFFFF, v5  }
0x65a: {  	vm1 =	vlt.s32 v5, v2;
	_ =	sdelay $0x5  }
0x65b: {  	v7 =	vor.u32 s17, v1;
	s17 =	smov.u32 s24;
	[tilespmem:v5+s18+$0x0] =	vst.idx.msk vm1, v3  }
.Ltmp58:
0x65c: {  	[tilespmem:v5+s2+$0x0] =	vst.idx.msk vm1, v7;
	(pc) =	sbr.rel @p1 .LBB2_71-.Ltmp58, $3  }
0x65d: {  	s25 =	sadd.s32 $0x10, s25;
	[tilespmem:v4+s14+$0x0] =	vst.idx.add.s32.msk vm0, v6  }
0x65e: {  	v3 =	vld [tilespmem:s25+$0x0];
	_ =	sdelay $0x1  }
0x65f: {  	s24 =	sadd.s32 $0x10, s24  }
0x660: {  	_ =	sdelay $0x1  }
0x661: {  	v4 =	vshrl.u32 v3, $0x12  }
0x662: {  	v4 =	vand.u32 $0x1FF, v4  }
0x663: {  	(xrf1) =	vunique.msk.u32 $0xffff, v4;
	_ =	sdelay $0x9  }
0x664: {  	v5 =	vld.idx.msk [tilespmem:v4+s14+$0x0], $0xffff;
	_ =	sdelay $0x3  }
0x665: {  	_, v6, vm0 =	vpop (xrf1)  }
0x666: {  	v5 =	vadd.s32 v6, v5  }
0x667: {  	v5 =	vadd.s32 $0xFFFFFFFF, v5  }
0x668: {  	vm1 =	vlt.s32 v5, v2;
	_ =	sdelay $0x5  }
0x669: {  	v2 =	vor.u32 s17, v1;
	[tilespmem:v5+s18+$0x0] =	vst.idx.msk vm1, v3  }
0x66a: {  	[tilespmem:v5+s2+$0x0] =	vst.idx.msk vm1, v2  }
0x66b: {  	[tilespmem:v4+s14+$0x0] =	vst.idx.add.s32.msk vm0, v6  }
0x66c: {  	[tilespmem:$0x11800] =	vst v0  }
0x66d: {  	[tilespmem:$0x11810] =	vst v0  }
0x66e: {  	[tilespmem:$0x11820] =	vst v0  }
0x66f: {  	[tilespmem:$0x11830] =	vst v0  }
0x670: {  	[tilespmem:$0x11840] =	vst v0  }
0x671: {  	[tilespmem:$0x11850] =	vst v0  }
0x672: {  	[tilespmem:$0x11860] =	vst v0  }
0x673: {  	[tilespmem:$0x11870] =	vst v0  }
0x674: {  	[tilespmem:$0x11880] =	vst v0  }
0x675: {  	[tilespmem:$0x11890] =	vst v0  }
0x676: {  	[tilespmem:$0x118A0] =	vst v0  }
0x677: {  	[tilespmem:$0x118B0] =	vst v0  }
0x678: {  	[tilespmem:$0x118C0] =	vst v0  }
0x679: {  	[tilespmem:$0x118D0] =	vst v0  }
0x67a: {  	[tilespmem:$0x118E0] =	vst v0  }
0x67b: {  	[tilespmem:$0x118F0] =	vst v0  }
0x67c: {  	[tilespmem:$0x11900] =	vst v0  }
0x67d: {  	[tilespmem:$0x11910] =	vst v0  }
0x67e: {  	[tilespmem:$0x11920] =	vst v0  }
0x67f: {  	[tilespmem:$0x11930] =	vst v0  }
0x680: {  	[tilespmem:$0x11940] =	vst v0  }
0x681: {  	[tilespmem:$0x11950] =	vst v0  }
0x682: {  	[tilespmem:$0x11960] =	vst v0  }
0x683: {  	[tilespmem:$0x11970] =	vst v0  }
0x684: {  	[tilespmem:$0x11980] =	vst v0  }
0x685: {  	s16 =	sshra.s32 s16, $0x4;
	[tilespmem:$0x11990] =	vst v0  }
0x686: {  	p1 =	sgt.s32 s16, $0x0;
	[tilespmem:$0x119A0] =	vst v0  }
.Ltmp59:
0x687: {  	[tilespmem:$0x119B0] =	vst v0;
	(pc) =	sbr.rel @!p1 .LBB2_73-.Ltmp59, $4  }
0x688: {  	[tilespmem:$0x119C0] =	vst v0  }
0x689: {  	[tilespmem:$0x119D0] =	vst v0  }
0x68a: {  	[tilespmem:$0x119E0] =	vst v0  }
0x68b: {  	s17 =	simm.s32 $0x4600;
	[tilespmem:$0x119F0] =	vst v0  }
0x68c: {  	p2 =	seq.s32 s16, $0x1  }
.Ltmp60:
0x68d: {  	_ = 	snop;
	(pc) =	sbr.rel @p2 .LBB2_118-.Ltmp60, $2  }
0x68e: {  	_ =	sdelay $0x2  }
0x68f: {  	v2 =	vld [tilespmem:s17+$0x0];
	s21 =	sadd.s32 $0xFFFFFFFF, s16  }
.LBB2_117:
0x690: {  	p2 =	seq.s32 s21, $0x1;
	_ =	sdelay $0x3  }
0x691: {  	v2 =	vand.u32 $0x1FF, v2  }
0x692: {  	(xrf1) =	vunique.msk.u32 $0xffff, v2;
	_ =	sdelay $0xd  }
0x693: {  	_, v3, vm0 =	vpop (xrf1);
	_ =	sdelay $0x2  }
.Ltmp61:
0x694: {  	(pc) =	sbr.rel @!p2 .LBB2_117-.Ltmp61, $3  }
0x695: {  	_ =	sdelay $0x1  }
0x696: {  	s17 =	sadd.s32 $0x10, s17;
	[tilespmem:v2+s1+$0x0] =	vst.idx.add.s32.msk vm0, v3  }
0x697: {  	s21 =	sadd.s32 $0xFFFFFFFF, s21;
	v2 =	vld [tilespmem:s17+$0x0]  }
.LBB2_118:
0x698: {  	_ =	sdelay $0x3  }
0x699: {  	v2 =	vand.u32 $0x1FF, v2  }
0x69a: {  	(xrf1) =	vunique.msk.u32 $0xffff, v2;
	_ =	sdelay $0xd  }
0x69b: {  	_, v3, vm0 =	vpop (xrf1);
	_ =	sdelay $0x5  }
0x69c: {  	[tilespmem:v2+s1+$0x0] =	vst.idx.add.s32.msk vm0, v3  }
.LBB2_73:
0x69d: {  	s25 =	simm.s32 $0x0  }
0x69e: {  	v9 =	vld [tilespmem:s25+$0x11800];
	_ =	sdelay $0x4  }
0x69f: {  	s17 =	simm.s32 $0x10;
	(xrf0) =	vadd.scan.msk.s32 $0xffff, v9  }
0x6a0: {  	v3 =	vld [tilespmem:s17+$0x11800];
	_ =	sdelay $0x2  }
0x6a1: {  	s26 =	simm.s32 $0x20  }
0x6a2: {  	v2 =	vld [tilespmem:s26+$0x11800]  }
0x6a3: {  	v10, _, _ =	vpop (xrf0);
	(xrf0) =	vadd.scan.msk.s32 $0xffff, v3;
	_ =	sdelay $0x1  }
0x6a4: {  	v4 =	vxor.u32 $0x80000000, v10  }
0x6a5: {  	(xrf0) =	vmax.scan.msk.u32 $0xffff, v4  }
0x6a6: {  	(xrf0) =	vadd.scan.msk.s32 $0xffff, v2  }
0x6a7: {  	s24 =	simm.s32 $0x30  }
0x6a8: {  	v4 =	vld [tilespmem:s24+$0x11800];
	v6, _, _ =	vpop (xrf0)  }
0x6a9: {  	v5 =	vxor.u32 $0x80000000, v6;
	_ =	sdelay $0x1  }
0x6aa: {  	v7, _, _ =	vpop (xrf0)  }
0x6ab: {  	(xrf0) =	vmax.scan.msk.u32 $0xffff, v5;
	v5, _, _ =	vpop (xrf0)  }
0x6ac: {  	(xrf0) =	vadd.scan.msk.s32 $0xffff, v4;
	v8 =	vxor.u32 $0x80000000, v5  }
0x6ad: {  	(xrf0) =	vmax.scan.msk.u32 $0xffff, v8;
	_ =	sdelay $0x2  }
0x6ae: {  	(v2sf) =	vpush v7, $0xF  }
0x6af: {  	v11, _, _ =	vpop (xrf0)  }
0x6b0: {  	v7, _, _ =	vpop (xrf0)  }
0x6b1: {  	s28 =	simm.s32 $0x40;
	(v2sf) =	vpush v11, $0xF;
	v12, _, _ =	vpop (xrf0)  }
0x6b2: {  	v8 =	vld [tilespmem:s28+$0x11800];
	(v2sf) =	vpush v12, $0xF;
	_ =	sdelay $0x4  }
0x6b3: {  	s30 =	simm.s32 $0x0;
	s29 =	simm.s32 $0x50;
	(xrf0) =	vadd.scan.msk.s32 $0xffff, v8  }
0x6b4: {  	v13 =	vsub.s32 s30, v9;
	v9 =	vld [tilespmem:s29+$0x11800];
	v11 =	vxor.u32 $0x80000000, v7  }
0x6b5: {  	(xrf0) =	vmax.scan.msk.u32 $0xffff, v11  }
0x6b6: {  	s21 =	simm.s32 $0x180;
	v10 =	vadd.s32 v10, v13  }
.LBB2_74:
0x6b7: {  	s12 =	sshra.s32 s21, $0x2  }
0x6b8: {  	[tilespmem:s25+$0x11A00] =	vst v10;
	s25 =	smov.u32 s17;
	s17 =	smov.u32 s26;
	p2 =	seq.s32 s21, $0x7C0  }
.Ltmp62:
0x6b9: {  	s21 =	sadd.s32 $0x40, s21;
	(xrf0) =	vadd.scan.msk.s32 $0xffff, v9;
	v11, _, _ =	vpop (xrf0);
	s19 =	spop (v2sf);
	(pc) =	sbr.rel @!p2 .LBB2_74-.Ltmp62, $4  }
0x6ba: {  	s26 =	smov.u32 s24;
	s24 =	smov.u32 s28;
	v12 =	vmov v9;
	v13 =	vxor.u32 $0x80000000, v11;
	s19 =	sadd.s32 s19, s30;
	v9 =	vld [tilespmem:s12+$0x11800]  }
0x6bb: {  	s28 =	smov.u32 s29;
	s29 =	smov.u32 s12;
	(xrf0) =	vmax.scan.msk.u32 $0xffff, v13;
	v10, _, _ =	vpop (xrf0);
	s30 =	sadd.s32 $0x80000000, s19  }
0x6bc: {  	(v2sf) =	vpush v10, $0xF;
	v10 =	vsub.s32 s30, v3;
	v3 =	vmovc v2;
	v2 =	vmovc v4;
	v4 =	vmov v8  }
0x6bd: {  	v8 =	vmovc v12;
	v10 =	vadd.s32 v6, v10;
	v6 =	vmovc v5;
	v5 =	vmov v7;
	v7 =	vmov v11  }
0x6be: {  	_ = 	snop  }
0x6bf: {  	(xrf0) =	vadd.scan.msk.s32 $0xffff, v9  }
0x6c0: {  	v11, _, _ =	vpop (xrf0)  }
0x6c1: {  	v12 =	vxor.u32 $0x80000000, v11  }
0x6c2: {  	(xrf0) =	vmax.scan.msk.u32 $0xffff, v12;
	_ =	sdelay $0x1  }
0x6c3: {  	v61, _, _ =	vpop (xrf0)  }
0x6c4: {  	v13, _, _ =	vpop (xrf0)  }
0x6c5: {  	v14 =	vxor.u32 $0x80000000, v13  }
0x6c6: {  	(v2sf) =	vpush v61, $0xF;
	(xrf0) =	vmax.scan.msk.u32 $0xffff, v14  }
0x6c7: {  	v62, _, _ =	vpop (xrf0)  }
0x6c8: {  	(v2sf) =	vpush v62, $0xF;
	_ =	sdelay $0x3  }
0x6c9: {  	v63, _, _ =	vpop (xrf0)  }
0x6ca: {  	(v2sf) =	vpush v63, $0xF;
	_ =	sdelay $0x1  }
0x6cb: {  	s12 =	spop (v2sf)  }
0x6cc: {  	s12 =	sadd.s32 s12, s30  }
0x6cd: {  	s19 =	spop (v2sf);
	s12 =	sadd.s32 $0x80000000, s12  }
0x6ce: {  	s19 =	sadd.s32 s19, s12  }
0x6cf: {  	s19 =	sadd.s32 $0x80000000, s19;
	s21 =	spop (v2sf)  }
0x6d0: {  	s21 =	sadd.s32 s21, s19  }
0x6d1: {  	s21 =	sadd.s32 $0x80000000, s21;
	s31 =	spop (v2sf)  }
0x6d2: {  	v3 =	vsub.s32 s12, v3;
	s30 =	sadd.s32 s31, s21  }
0x6d3: {  	[tilespmem:s25+$0x11A00] =	vst v10;
	v3 =	vadd.s32 v6, v3;
	v2 =	vsub.s32 s19, v2;
	s12 =	sadd.s32 $0x80000000, s30;
	s31 =	spop (v2sf)  }
.Ltmp63:
0x6d4: {  	[tilespmem:s17+$0x11A00] =	vst v3;
	v2 =	vadd.s32 v5, v2;
	v3 =	vsub.s32 s21, v4;
	s25 =	sadd.s32 s31, s12;
	(pc) =	sbr.rel @!p1 .LBB2_79-.Ltmp63, $4  }
0x6d5: {  	[tilespmem:s26+$0x11A00] =	vst v2;
	v2 =	vadd.s32 v7, v3;
	v3 =	vsub.s32 s12, v8;
	s30 =	sadd.s32 $0x80000000, s25  }
0x6d6: {  	[tilespmem:s24+$0x11A00] =	vst v2;
	v2 =	vadd.s32 v11, v3;
	v3 =	vsub.s32 s30, v9  }
0x6d7: {  	[tilespmem:s28+$0x11A00] =	vst v2;
	v2 =	vadd.s32 v13, v3  }
0x6d8: {  	[tilespmem:s29+$0x11A00] =	vst v2;
	s31 =	spop (v2sf)  }
0x6d9: {  	p2 =	seq.s32 s16, $0x1  }
.Ltmp64:
0x6da: {  	_ = 	snop;
	(pc) =	sbr.rel @p2 .LBB2_78-.Ltmp64, $4  }
0x6db: {  	s17 =	simm.s32 $0x4600  }
0x6dc: {  	v2 =	vld [tilespmem:s17+$0x0]  }
0x6dd: {  	s24 =	simm.s32 $0x6900  }
0x6de: {  	s25 =	sadd.s32 $0xFFFFFFFF, s16;
	v3 =	vld [tilespmem:s24+$0x0]  }
.LBB2_77:
0x6df: {  	p2 =	seq.s32 s25, $0x1;
	_ =	sdelay $0x1  }
0x6e0: {  	v4 =	vand.u32 $0x1FF, v2  }
0x6e1: {  	(xrf1) =	vunique.msk.u32 $0xffff, v4;
	_ =	sdelay $0x8  }
0x6e2: {  	v5 =	vld.idx.msk [tilespmem:v4+s14+$0x0], $0xffff;
	_ =	sdelay $0x4  }
0x6e3: {  	_, v6, vm0 =	vpop (xrf1)  }
0x6e4: {  	v5 =	vadd.s32 v6, v5  }
0x6e5: {  	v5 =	vadd.s32 $0xFFFFFFFF, v5;
	_ =	sdelay $0x4  }
0x6e6: {  	[tilespmem:v5+s0+$0x0] =	vst.idx.msk $0xffff, v2  }
.Ltmp65:
0x6e7: {  	[tilespmem:v5+s3+$0x0] =	vst.idx.msk $0xffff, v3;
	(pc) =	sbr.rel @!p2 .LBB2_77-.Ltmp65, $4  }
0x6e8: {  	s17 =	sadd.s32 $0x10, s17;
	[tilespmem:v4+s14+$0x0] =	vst.idx.add.s32.msk vm0, v6  }
0x6e9: {  	s24 =	sadd.s32 $0x10, s24;
	v2 =	vld [tilespmem:s17+$0x0]  }
0x6ea: {  	v3 =	vld [tilespmem:s24+$0x0]  }
0x6eb: {  	s25 =	sadd.s32 $0xFFFFFFFF, s25  }
.LBB2_78:
0x6ec: {  	_ =	sdelay $0x1  }
0x6ed: {  	v4 =	vand.u32 $0x1FF, v2  }
0x6ee: {  	(xrf1) =	vunique.msk.u32 $0xffff, v4;
	_ =	sdelay $0x9  }
0x6ef: {  	v5 =	vld.idx.msk [tilespmem:v4+s14+$0x0], $0xffff;
	_ =	sdelay $0x3  }
0x6f0: {  	_, v6, vm0 =	vpop (xrf1)  }
0x6f1: {  	v5 =	vadd.s32 v6, v5  }
0x6f2: {  	v5 =	vadd.s32 $0xFFFFFFFF, v5;
	_ =	sdelay $0x4  }
0x6f3: {  	[tilespmem:v5+s0+$0x0] =	vst.idx.msk $0xffff, v2  }
0x6f4: {  	[tilespmem:v5+s3+$0x0] =	vst.idx.msk $0xffff, v3  }
0x6f5: {  	[tilespmem:v4+s14+$0x0] =	vst.idx.add.s32.msk vm0, v6  }
.LBB2_79:
0x6f6: {  	[tilespmem:$0x11800] =	vst v0  }
0x6f7: {  	[tilespmem:$0x11810] =	vst v0  }
0x6f8: {  	[tilespmem:$0x11820] =	vst v0  }
0x6f9: {  	[tilespmem:$0x11830] =	vst v0  }
0x6fa: {  	[tilespmem:$0x11840] =	vst v0  }
0x6fb: {  	[tilespmem:$0x11850] =	vst v0  }
0x6fc: {  	[tilespmem:$0x11860] =	vst v0  }
0x6fd: {  	[tilespmem:$0x11870] =	vst v0  }
0x6fe: {  	[tilespmem:$0x11880] =	vst v0  }
0x6ff: {  	[tilespmem:$0x11890] =	vst v0  }
0x700: {  	[tilespmem:$0x118A0] =	vst v0  }
0x701: {  	[tilespmem:$0x118B0] =	vst v0  }
0x702: {  	[tilespmem:$0x118C0] =	vst v0  }
0x703: {  	[tilespmem:$0x118D0] =	vst v0  }
0x704: {  	[tilespmem:$0x118E0] =	vst v0  }
0x705: {  	[tilespmem:$0x118F0] =	vst v0  }
0x706: {  	[tilespmem:$0x11900] =	vst v0  }
0x707: {  	[tilespmem:$0x11910] =	vst v0  }
0x708: {  	[tilespmem:$0x11920] =	vst v0  }
0x709: {  	[tilespmem:$0x11930] =	vst v0  }
0x70a: {  	[tilespmem:$0x11940] =	vst v0  }
0x70b: {  	[tilespmem:$0x11950] =	vst v0  }
0x70c: {  	[tilespmem:$0x11960] =	vst v0  }
0x70d: {  	[tilespmem:$0x11970] =	vst v0  }
0x70e: {  	[tilespmem:$0x11980] =	vst v0  }
0x70f: {  	[tilespmem:$0x11990] =	vst v0  }
0x710: {  	[tilespmem:$0x119A0] =	vst v0  }
.Ltmp66:
0x711: {  	[tilespmem:$0x119B0] =	vst v0;
	(pc) =	sbr.rel @!p1 .LBB2_80-.Ltmp66, $4  }
0x712: {  	[tilespmem:$0x119C0] =	vst v0  }
0x713: {  	[tilespmem:$0x119D0] =	vst v0  }
0x714: {  	[tilespmem:$0x119E0] =	vst v0  }
0x715: {  	[tilespmem:$0x119F0] =	vst v0;
	s17 =	simm.s32 $0x0  }
0x716: {  	p2 =	seq.s32 s16, $0x1  }
.Ltmp67:
0x717: {  	_ = 	snop;
	(pc) =	sbr.rel @p2 .LBB2_121-.Ltmp67, $2  }
0x718: {  	_ =	sdelay $0x2  }
0x719: {  	v2 =	vld [tilespmem:s17+$0x0];
	s21 =	sadd.s32 $0xFFFFFFFF, s16  }
.LBB2_120:
0x71a: {  	p2 =	seq.s32 s21, $0x1;
	_ =	sdelay $0x3  }
0x71b: {  	v2 =	vshrl.u32 v2, $0x9  }
0x71c: {  	v2 =	vand.u32 $0x1FF, v2  }
0x71d: {  	(xrf1) =	vunique.msk.u32 $0xffff, v2;
	_ =	sdelay $0xd  }
0x71e: {  	_, v3, vm0 =	vpop (xrf1);
	_ =	sdelay $0x2  }
.Ltmp68:
0x71f: {  	(pc) =	sbr.rel @!p2 .LBB2_120-.Ltmp68, $3  }
0x720: {  	_ =	sdelay $0x1  }
0x721: {  	s17 =	sadd.s32 $0x10, s17;
	[tilespmem:v2+s1+$0x0] =	vst.idx.add.s32.msk vm0, v3  }
0x722: {  	s21 =	sadd.s32 $0xFFFFFFFF, s21;
	v2 =	vld [tilespmem:s17+$0x0]  }
.LBB2_121:
0x723: {  	_ =	sdelay $0x3  }
0x724: {  	v2 =	vshrl.u32 v2, $0x9  }
0x725: {  	v2 =	vand.u32 $0x1FF, v2  }
0x726: {  	(xrf1) =	vunique.msk.u32 $0xffff, v2;
	_ =	sdelay $0xd  }
0x727: {  	_, v3, vm0 =	vpop (xrf1);
	_ =	sdelay $0x5  }
0x728: {  	[tilespmem:v2+s1+$0x0] =	vst.idx.add.s32.msk vm0, v3  }
.LBB2_80:
0x729: {  	s25 =	simm.s32 $0x0  }
0x72a: {  	v9 =	vld [tilespmem:s25+$0x11800];
	_ =	sdelay $0x4  }
0x72b: {  	s17 =	simm.s32 $0x10;
	(xrf0) =	vadd.scan.msk.s32 $0xffff, v9  }
0x72c: {  	v3 =	vld [tilespmem:s17+$0x11800];
	_ =	sdelay $0x2  }
0x72d: {  	s26 =	simm.s32 $0x20  }
0x72e: {  	v2 =	vld [tilespmem:s26+$0x11800]  }
0x72f: {  	v10, _, _ =	vpop (xrf0);
	(xrf0) =	vadd.scan.msk.s32 $0xffff, v3;
	_ =	sdelay $0x1  }
0x730: {  	v4 =	vxor.u32 $0x80000000, v10  }
0x731: {  	(xrf0) =	vmax.scan.msk.u32 $0xffff, v4  }
0x732: {  	(xrf0) =	vadd.scan.msk.s32 $0xffff, v2  }
0x733: {  	s24 =	simm.s32 $0x30  }
0x734: {  	v4 =	vld [tilespmem:s24+$0x11800];
	v6, _, _ =	vpop (xrf0)  }
0x735: {  	v5 =	vxor.u32 $0x80000000, v6;
	_ =	sdelay $0x1  }
0x736: {  	v7, _, _ =	vpop (xrf0)  }
0x737: {  	(xrf0) =	vmax.scan.msk.u32 $0xffff, v5;
	v5, _, _ =	vpop (xrf0)  }
0x738: {  	(xrf0) =	vadd.scan.msk.s32 $0xffff, v4;
	v8 =	vxor.u32 $0x80000000, v5  }
0x739: {  	(xrf0) =	vmax.scan.msk.u32 $0xffff, v8;
	_ =	sdelay $0x2  }
0x73a: {  	(v2sf) =	vpush v7, $0xF  }
0x73b: {  	v11, _, _ =	vpop (xrf0)  }
0x73c: {  	v7, _, _ =	vpop (xrf0)  }
0x73d: {  	s28 =	simm.s32 $0x40;
	(v2sf) =	vpush v11, $0xF;
	v12, _, _ =	vpop (xrf0)  }
0x73e: {  	v8 =	vld [tilespmem:s28+$0x11800];
	(v2sf) =	vpush v12, $0xF;
	_ =	sdelay $0x4  }
0x73f: {  	s30 =	simm.s32 $0x0;
	s29 =	simm.s32 $0x50;
	(xrf0) =	vadd.scan.msk.s32 $0xffff, v8  }
0x740: {  	v13 =	vsub.s32 s30, v9;
	v9 =	vld [tilespmem:s29+$0x11800];
	v11 =	vxor.u32 $0x80000000, v7  }
0x741: {  	(xrf0) =	vmax.scan.msk.u32 $0xffff, v11  }
0x742: {  	s21 =	simm.s32 $0x180;
	v10 =	vadd.s32 v10, v13  }
.LBB2_81:
0x743: {  	s12 =	sshra.s32 s21, $0x2  }
0x744: {  	[tilespmem:s25+$0x11A00] =	vst v10;
	s25 =	smov.u32 s17;
	s17 =	smov.u32 s26;
	p2 =	seq.s32 s21, $0x7C0  }
.Ltmp69:
0x745: {  	s21 =	sadd.s32 $0x40, s21;
	(xrf0) =	vadd.scan.msk.s32 $0xffff, v9;
	v11, _, _ =	vpop (xrf0);
	s19 =	spop (v2sf);
	(pc) =	sbr.rel @!p2 .LBB2_81-.Ltmp69, $4  }
0x746: {  	s26 =	smov.u32 s24;
	s24 =	smov.u32 s28;
	v12 =	vmov v9;
	v13 =	vxor.u32 $0x80000000, v11;
	s19 =	sadd.s32 s19, s30;
	v9 =	vld [tilespmem:s12+$0x11800]  }
0x747: {  	s28 =	smov.u32 s29;
	s29 =	smov.u32 s12;
	(xrf0) =	vmax.scan.msk.u32 $0xffff, v13;
	v10, _, _ =	vpop (xrf0);
	s30 =	sadd.s32 $0x80000000, s19  }
0x748: {  	(v2sf) =	vpush v10, $0xF;
	v10 =	vsub.s32 s30, v3;
	v3 =	vmovc v2;
	v2 =	vmovc v4;
	v4 =	vmov v8  }
0x749: {  	v8 =	vmovc v12;
	v10 =	vadd.s32 v6, v10;
	v6 =	vmovc v5;
	v5 =	vmov v7;
	v7 =	vmov v11  }
0x74a: {  	_ = 	snop  }
0x74b: {  	(xrf0) =	vadd.scan.msk.s32 $0xffff, v9  }
0x74c: {  	v11, _, _ =	vpop (xrf0)  }
0x74d: {  	v12 =	vxor.u32 $0x80000000, v11  }
0x74e: {  	(xrf0) =	vmax.scan.msk.u32 $0xffff, v12;
	_ =	sdelay $0x1  }
0x74f: {  	v61, _, _ =	vpop (xrf0)  }
0x750: {  	v13, _, _ =	vpop (xrf0)  }
0x751: {  	v14 =	vxor.u32 $0x80000000, v13  }
0x752: {  	(v2sf) =	vpush v61, $0xF;
	(xrf0) =	vmax.scan.msk.u32 $0xffff, v14  }
0x753: {  	v62, _, _ =	vpop (xrf0)  }
0x754: {  	(v2sf) =	vpush v62, $0xF;
	_ =	sdelay $0x3  }
0x755: {  	v63, _, _ =	vpop (xrf0)  }
0x756: {  	(v2sf) =	vpush v63, $0xF;
	_ =	sdelay $0x1  }
0x757: {  	s12 =	spop (v2sf)  }
0x758: {  	s12 =	sadd.s32 s12, s30  }
0x759: {  	s19 =	spop (v2sf);
	s12 =	sadd.s32 $0x80000000, s12  }
0x75a: {  	s19 =	sadd.s32 s19, s12  }
0x75b: {  	s19 =	sadd.s32 $0x80000000, s19;
	s21 =	spop (v2sf)  }
0x75c: {  	s21 =	sadd.s32 s21, s19  }
0x75d: {  	s21 =	sadd.s32 $0x80000000, s21;
	s31 =	spop (v2sf)  }
0x75e: {  	v3 =	vsub.s32 s12, v3;
	s30 =	sadd.s32 s31, s21  }
0x75f: {  	[tilespmem:s25+$0x11A00] =	vst v10;
	v3 =	vadd.s32 v6, v3;
	v2 =	vsub.s32 s19, v2;
	s12 =	sadd.s32 $0x80000000, s30;
	s31 =	spop (v2sf)  }
.Ltmp70:
0x760: {  	[tilespmem:s17+$0x11A00] =	vst v3;
	v2 =	vadd.s32 v5, v2;
	v3 =	vsub.s32 s21, v4;
	s25 =	sadd.s32 s31, s12;
	(pc) =	sbr.rel @!p1 .LBB2_86-.Ltmp70, $4  }
0x761: {  	[tilespmem:s26+$0x11A00] =	vst v2;
	v2 =	vadd.s32 v7, v3;
	v3 =	vsub.s32 s12, v8;
	s30 =	sadd.s32 $0x80000000, s25  }
0x762: {  	[tilespmem:s24+$0x11A00] =	vst v2;
	v2 =	vadd.s32 v11, v3;
	v3 =	vsub.s32 s30, v9  }
0x763: {  	[tilespmem:s28+$0x11A00] =	vst v2;
	v2 =	vadd.s32 v13, v3  }
0x764: {  	[tilespmem:s29+$0x11A00] =	vst v2;
	s31 =	spop (v2sf)  }
0x765: {  	p2 =	seq.s32 s16, $0x1  }
.Ltmp71:
0x766: {  	_ = 	snop;
	(pc) =	sbr.rel @p2 .LBB2_85-.Ltmp71, $4  }
0x767: {  	s17 =	simm.s32 $0x0  }
0x768: {  	v2 =	vld [tilespmem:s17+$0x0]  }
0x769: {  	s24 =	simm.s32 $0x2300  }
0x76a: {  	s25 =	sadd.s32 $0xFFFFFFFF, s16;
	v3 =	vld [tilespmem:s24+$0x0]  }
.LBB2_84:
0x76b: {  	p2 =	seq.s32 s25, $0x1;
	_ =	sdelay $0x1  }
0x76c: {  	v4 =	vshrl.u32 v2, $0x9  }
0x76d: {  	v4 =	vand.u32 $0x1FF, v4  }
0x76e: {  	(xrf1) =	vunique.msk.u32 $0xffff, v4;
	_ =	sdelay $0x8  }
0x76f: {  	v5 =	vld.idx.msk [tilespmem:v4+s14+$0x0], $0xffff;
	_ =	sdelay $0x4  }
0x770: {  	_, v6, vm0 =	vpop (xrf1)  }
0x771: {  	v5 =	vadd.s32 v6, v5  }
0x772: {  	v5 =	vadd.s32 $0xFFFFFFFF, v5;
	_ =	sdelay $0x4  }
0x773: {  	[tilespmem:v5+s18+$0x0] =	vst.idx.msk $0xffff, v2  }
.Ltmp72:
0x774: {  	[tilespmem:v5+s2+$0x0] =	vst.idx.msk $0xffff, v3;
	(pc) =	sbr.rel @!p2 .LBB2_84-.Ltmp72, $4  }
0x775: {  	s17 =	sadd.s32 $0x10, s17;
	[tilespmem:v4+s14+$0x0] =	vst.idx.add.s32.msk vm0, v6  }
0x776: {  	s24 =	sadd.s32 $0x10, s24;
	v2 =	vld [tilespmem:s17+$0x0]  }
0x777: {  	v3 =	vld [tilespmem:s24+$0x0]  }
0x778: {  	s25 =	sadd.s32 $0xFFFFFFFF, s25  }
.LBB2_85:
0x779: {  	_ =	sdelay $0x1  }
0x77a: {  	v4 =	vshrl.u32 v2, $0x9  }
0x77b: {  	v4 =	vand.u32 $0x1FF, v4  }
0x77c: {  	(xrf1) =	vunique.msk.u32 $0xffff, v4;
	_ =	sdelay $0x9  }
0x77d: {  	v5 =	vld.idx.msk [tilespmem:v4+s14+$0x0], $0xffff;
	_ =	sdelay $0x3  }
0x77e: {  	_, v6, vm0 =	vpop (xrf1)  }
0x77f: {  	v5 =	vadd.s32 v6, v5  }
0x780: {  	v5 =	vadd.s32 $0xFFFFFFFF, v5;
	_ =	sdelay $0x4  }
0x781: {  	[tilespmem:v5+s18+$0x0] =	vst.idx.msk $0xffff, v2  }
0x782: {  	[tilespmem:v5+s2+$0x0] =	vst.idx.msk $0xffff, v3  }
0x783: {  	[tilespmem:v4+s14+$0x0] =	vst.idx.add.s32.msk vm0, v6  }
.LBB2_86:
0x784: {  	[tilespmem:$0x11800] =	vst v0  }
0x785: {  	[tilespmem:$0x11810] =	vst v0  }
0x786: {  	[tilespmem:$0x11820] =	vst v0  }
0x787: {  	[tilespmem:$0x11830] =	vst v0  }
0x788: {  	[tilespmem:$0x11840] =	vst v0  }
0x789: {  	[tilespmem:$0x11850] =	vst v0  }
0x78a: {  	[tilespmem:$0x11860] =	vst v0  }
0x78b: {  	[tilespmem:$0x11870] =	vst v0  }
0x78c: {  	[tilespmem:$0x11880] =	vst v0  }
0x78d: {  	[tilespmem:$0x11890] =	vst v0  }
0x78e: {  	[tilespmem:$0x118A0] =	vst v0  }
0x78f: {  	[tilespmem:$0x118B0] =	vst v0  }
0x790: {  	[tilespmem:$0x118C0] =	vst v0  }
0x791: {  	[tilespmem:$0x118D0] =	vst v0  }
0x792: {  	[tilespmem:$0x118E0] =	vst v0  }
0x793: {  	[tilespmem:$0x118F0] =	vst v0  }
0x794: {  	[tilespmem:$0x11900] =	vst v0  }
0x795: {  	[tilespmem:$0x11910] =	vst v0  }
0x796: {  	[tilespmem:$0x11920] =	vst v0  }
0x797: {  	[tilespmem:$0x11930] =	vst v0  }
0x798: {  	[tilespmem:$0x11940] =	vst v0  }
0x799: {  	[tilespmem:$0x11950] =	vst v0  }
0x79a: {  	[tilespmem:$0x11960] =	vst v0  }
0x79b: {  	[tilespmem:$0x11970] =	vst v0  }
0x79c: {  	[tilespmem:$0x11980] =	vst v0  }
0x79d: {  	[tilespmem:$0x11990] =	vst v0  }
0x79e: {  	[tilespmem:$0x119A0] =	vst v0  }
.Ltmp73:
0x79f: {  	[tilespmem:$0x119B0] =	vst v0;
	(pc) =	sbr.rel @!p1 .LBB2_87-.Ltmp73, $4  }
0x7a0: {  	[tilespmem:$0x119C0] =	vst v0  }
0x7a1: {  	[tilespmem:$0x119D0] =	vst v0  }
0x7a2: {  	[tilespmem:$0x119E0] =	vst v0  }
0x7a3: {  	[tilespmem:$0x119F0] =	vst v0;
	s17 =	simm.s32 $0x4600  }
0x7a4: {  	p2 =	seq.s32 s16, $0x1  }
.Ltmp74:
0x7a5: {  	_ = 	snop;
	(pc) =	sbr.rel @p2 .LBB2_124-.Ltmp74, $2  }
0x7a6: {  	_ =	sdelay $0x2  }
0x7a7: {  	v2 =	vld [tilespmem:s17+$0x0];
	s21 =	sadd.s32 $0xFFFFFFFF, s16  }
.LBB2_123:
0x7a8: {  	p2 =	seq.s32 s21, $0x1;
	_ =	sdelay $0x3  }
0x7a9: {  	v2 =	vshrl.u32 v2, $0x12  }
0x7aa: {  	v2 =	vand.u32 $0x1FF, v2  }
0x7ab: {  	(xrf1) =	vunique.msk.u32 $0xffff, v2;
	_ =	sdelay $0xd  }
0x7ac: {  	_, v3, vm0 =	vpop (xrf1);
	_ =	sdelay $0x2  }
.Ltmp75:
0x7ad: {  	(pc) =	sbr.rel @!p2 .LBB2_123-.Ltmp75, $3  }
0x7ae: {  	_ =	sdelay $0x1  }
0x7af: {  	s17 =	sadd.s32 $0x10, s17;
	[tilespmem:v2+s1+$0x0] =	vst.idx.add.s32.msk vm0, v3  }
0x7b0: {  	s21 =	sadd.s32 $0xFFFFFFFF, s21;
	v2 =	vld [tilespmem:s17+$0x0]  }
.LBB2_124:
0x7b1: {  	_ =	sdelay $0x3  }
0x7b2: {  	v2 =	vshrl.u32 v2, $0x12  }
0x7b3: {  	v2 =	vand.u32 $0x1FF, v2  }
0x7b4: {  	(xrf1) =	vunique.msk.u32 $0xffff, v2;
	_ =	sdelay $0xd  }
0x7b5: {  	_, v3, vm0 =	vpop (xrf1);
	_ =	sdelay $0x5  }
0x7b6: {  	[tilespmem:v2+s1+$0x0] =	vst.idx.add.s32.msk vm0, v3  }
.LBB2_87:
0x7b7: {  	s25 =	simm.s32 $0x0  }
0x7b8: {  	v9 =	vld [tilespmem:s25+$0x11800];
	_ =	sdelay $0x4  }
0x7b9: {  	s17 =	simm.s32 $0x10;
	(xrf0) =	vadd.scan.msk.s32 $0xffff, v9  }
0x7ba: {  	v3 =	vld [tilespmem:s17+$0x11800];
	_ =	sdelay $0x2  }
0x7bb: {  	s26 =	simm.s32 $0x20  }
0x7bc: {  	v2 =	vld [tilespmem:s26+$0x11800]  }
0x7bd: {  	v10, _, _ =	vpop (xrf0);
	(xrf0) =	vadd.scan.msk.s32 $0xffff, v3;
	_ =	sdelay $0x1  }
0x7be: {  	v4 =	vxor.u32 $0x80000000, v10  }
0x7bf: {  	(xrf0) =	vmax.scan.msk.u32 $0xffff, v4  }
0x7c0: {  	(xrf0) =	vadd.scan.msk.s32 $0xffff, v2  }
0x7c1: {  	s24 =	simm.s32 $0x30  }
0x7c2: {  	v4 =	vld [tilespmem:s24+$0x11800];
	v6, _, _ =	vpop (xrf0)  }
0x7c3: {  	v5 =	vxor.u32 $0x80000000, v6;
	_ =	sdelay $0x1  }
0x7c4: {  	v7, _, _ =	vpop (xrf0)  }
0x7c5: {  	(xrf0) =	vmax.scan.msk.u32 $0xffff, v5;
	v5, _, _ =	vpop (xrf0)  }
0x7c6: {  	(xrf0) =	vadd.scan.msk.s32 $0xffff, v4;
	v8 =	vxor.u32 $0x80000000, v5  }
0x7c7: {  	(xrf0) =	vmax.scan.msk.u32 $0xffff, v8;
	_ =	sdelay $0x2  }
0x7c8: {  	(v2sf) =	vpush v7, $0xF  }
0x7c9: {  	v11, _, _ =	vpop (xrf0)  }
0x7ca: {  	v7, _, _ =	vpop (xrf0)  }
0x7cb: {  	s28 =	simm.s32 $0x40;
	(v2sf) =	vpush v11, $0xF;
	v12, _, _ =	vpop (xrf0)  }
0x7cc: {  	v8 =	vld [tilespmem:s28+$0x11800];
	(v2sf) =	vpush v12, $0xF;
	_ =	sdelay $0x4  }
0x7cd: {  	s30 =	simm.s32 $0x0;
	s29 =	simm.s32 $0x50;
	(xrf0) =	vadd.scan.msk.s32 $0xffff, v8  }
0x7ce: {  	v13 =	vsub.s32 s30, v9;
	v9 =	vld [tilespmem:s29+$0x11800];
	v11 =	vxor.u32 $0x80000000, v7  }
0x7cf: {  	(xrf0) =	vmax.scan.msk.u32 $0xffff, v11  }
0x7d0: {  	s21 =	simm.s32 $0x180;
	v10 =	vadd.s32 v10, v13  }
.LBB2_88:
0x7d1: {  	s12 =	sshra.s32 s21, $0x2  }
0x7d2: {  	[tilespmem:s25+$0x11A00] =	vst v10;
	s25 =	smov.u32 s17;
	s17 =	smov.u32 s26;
	p2 =	seq.s32 s21, $0x7C0  }
.Ltmp76:
0x7d3: {  	s21 =	sadd.s32 $0x40, s21;
	(xrf0) =	vadd.scan.msk.s32 $0xffff, v9;
	v11, _, _ =	vpop (xrf0);
	s19 =	spop (v2sf);
	(pc) =	sbr.rel @!p2 .LBB2_88-.Ltmp76, $4  }
0x7d4: {  	s26 =	smov.u32 s24;
	s24 =	smov.u32 s28;
	v12 =	vmov v9;
	v13 =	vxor.u32 $0x80000000, v11;
	s19 =	sadd.s32 s19, s30;
	v9 =	vld [tilespmem:s12+$0x11800]  }
0x7d5: {  	s28 =	smov.u32 s29;
	s29 =	smov.u32 s12;
	(xrf0) =	vmax.scan.msk.u32 $0xffff, v13;
	v10, _, _ =	vpop (xrf0);
	s30 =	sadd.s32 $0x80000000, s19  }
0x7d6: {  	(v2sf) =	vpush v10, $0xF;
	v10 =	vsub.s32 s30, v3;
	v3 =	vmovc v2;
	v2 =	vmovc v4;
	v4 =	vmov v8  }
0x7d7: {  	v8 =	vmovc v12;
	v10 =	vadd.s32 v6, v10;
	v6 =	vmovc v5;
	v5 =	vmov v7;
	v7 =	vmov v11  }
0x7d8: {  	_ = 	snop  }
0x7d9: {  	(xrf0) =	vadd.scan.msk.s32 $0xffff, v9  }
0x7da: {  	v11, _, _ =	vpop (xrf0)  }
0x7db: {  	v12 =	vxor.u32 $0x80000000, v11  }
0x7dc: {  	(xrf0) =	vmax.scan.msk.u32 $0xffff, v12;
	_ =	sdelay $0x1  }
0x7dd: {  	v61, _, _ =	vpop (xrf0)  }
0x7de: {  	v13, _, _ =	vpop (xrf0)  }
0x7df: {  	v14 =	vxor.u32 $0x80000000, v13  }
0x7e0: {  	(v2sf) =	vpush v61, $0xF;
	(xrf0) =	vmax.scan.msk.u32 $0xffff, v14  }
0x7e1: {  	v62, _, _ =	vpop (xrf0)  }
0x7e2: {  	(v2sf) =	vpush v62, $0xF;
	_ =	sdelay $0x3  }
0x7e3: {  	v63, _, _ =	vpop (xrf0)  }
0x7e4: {  	(v2sf) =	vpush v63, $0xF;
	_ =	sdelay $0x1  }
0x7e5: {  	s12 =	spop (v2sf)  }
0x7e6: {  	s12 =	sadd.s32 s12, s30  }
0x7e7: {  	s19 =	spop (v2sf);
	s12 =	sadd.s32 $0x80000000, s12  }
0x7e8: {  	s19 =	sadd.s32 s19, s12  }
0x7e9: {  	s19 =	sadd.s32 $0x80000000, s19;
	s21 =	spop (v2sf)  }
0x7ea: {  	s21 =	sadd.s32 s21, s19  }
0x7eb: {  	s21 =	sadd.s32 $0x80000000, s21;
	s31 =	spop (v2sf)  }
0x7ec: {  	v3 =	vsub.s32 s12, v3;
	s30 =	sadd.s32 s31, s21  }
0x7ed: {  	[tilespmem:s25+$0x11A00] =	vst v10;
	v3 =	vadd.s32 v6, v3;
	v2 =	vsub.s32 s19, v2;
	s12 =	sadd.s32 $0x80000000, s30;
	s31 =	spop (v2sf)  }
.Ltmp77:
0x7ee: {  	[tilespmem:s17+$0x11A00] =	vst v3;
	v2 =	vadd.s32 v5, v2;
	v3 =	vsub.s32 s21, v4;
	s25 =	sadd.s32 s31, s12;
	(pc) =	sbr.rel @!p1 .LBB2_93-.Ltmp77, $4  }
0x7ef: {  	[tilespmem:s26+$0x11A00] =	vst v2;
	v2 =	vadd.s32 v7, v3;
	v3 =	vsub.s32 s12, v8;
	s30 =	sadd.s32 $0x80000000, s25  }
0x7f0: {  	[tilespmem:s24+$0x11A00] =	vst v2;
	v2 =	vadd.s32 v11, v3;
	v3 =	vsub.s32 s30, v9  }
0x7f1: {  	[tilespmem:s28+$0x11A00] =	vst v2;
	v2 =	vadd.s32 v13, v3  }
0x7f2: {  	[tilespmem:s29+$0x11A00] =	vst v2;
	s31 =	spop (v2sf)  }
0x7f3: {  	p1 =	sne.s32 s16, $0x1  }
.Ltmp78:
0x7f4: {  	_ = 	snop;
	(pc) =	sbr.rel @!p1 .LBB2_92-.Ltmp78, $4  }
0x7f5: {  	s17 =	simm.s32 $0x4600  }
0x7f6: {  	v2 =	vld [tilespmem:s17+$0x0]  }
0x7f7: {  	s24 =	simm.s32 $0x6900  }
0x7f8: {  	s16 =	sadd.s32 $0xFFFFFFFF, s16;
	v3 =	vld [tilespmem:s24+$0x0]  }
.LBB2_91:
0x7f9: {  	p1 =	sne.s32 s16, $0x1;
	_ =	sdelay $0x1  }
0x7fa: {  	v4 =	vshrl.u32 v2, $0x12  }
0x7fb: {  	v4 =	vand.u32 $0x1FF, v4  }
0x7fc: {  	(xrf1) =	vunique.msk.u32 $0xffff, v4;
	_ =	sdelay $0x8  }
0x7fd: {  	v5 =	vld.idx.msk [tilespmem:v4+s14+$0x0], $0xffff;
	_ =	sdelay $0x4  }
0x7fe: {  	_, v6, vm0 =	vpop (xrf1)  }
0x7ff: {  	v5 =	vadd.s32 v6, v5  }
0x800: {  	v5 =	vadd.s32 $0xFFFFFFFF, v5;
	_ =	sdelay $0x4  }
0x801: {  	[tilespmem:v5+s0+$0x0] =	vst.idx.msk $0xffff, v2  }
.Ltmp79:
0x802: {  	[tilespmem:v5+s3+$0x0] =	vst.idx.msk $0xffff, v3;
	(pc) =	sbr.rel @p1 .LBB2_91-.Ltmp79, $4  }
0x803: {  	s17 =	sadd.s32 $0x10, s17;
	[tilespmem:v4+s14+$0x0] =	vst.idx.add.s32.msk vm0, v6  }
0x804: {  	s24 =	sadd.s32 $0x10, s24;
	v2 =	vld [tilespmem:s17+$0x0]  }
0x805: {  	v3 =	vld [tilespmem:s24+$0x0]  }
0x806: {  	s16 =	sadd.s32 $0xFFFFFFFF, s16  }
.LBB2_92:
0x807: {  	_ =	sdelay $0x1  }
0x808: {  	v4 =	vshrl.u32 v2, $0x12  }
0x809: {  	v4 =	vand.u32 $0x1FF, v4  }
0x80a: {  	(xrf1) =	vunique.msk.u32 $0xffff, v4;
	_ =	sdelay $0x9  }
0x80b: {  	v5 =	vld.idx.msk [tilespmem:v4+s14+$0x0], $0xffff;
	_ =	sdelay $0x3  }
0x80c: {  	_, v6, vm0 =	vpop (xrf1)  }
0x80d: {  	v5 =	vadd.s32 v6, v5  }
0x80e: {  	v5 =	vadd.s32 $0xFFFFFFFF, v5;
	_ =	sdelay $0x4  }
0x80f: {  	[tilespmem:v5+s0+$0x0] =	vst.idx.msk $0xffff, v2  }
0x810: {  	[tilespmem:v5+s3+$0x0] =	vst.idx.msk $0xffff, v3  }
0x811: {  	[tilespmem:v4+s14+$0x0] =	vst.idx.add.s32.msk vm0, v6  }
.LBB2_93:
0x812: {  	s12 =	sld [smem:$0x7F9];
	_ =	sdelay $0x2  }
0x813: {  	[tilespmem:s5], [sflag:$0x1] =	stream.strided.gather [hbm4b:s12+s22], $0x2300, s4, s22, $0x38;
	[tilespmem:$0x12080] =	vst v63  }
0x814: {  	_ =	swait.ge [sflag:s20], $0x2300  }
0x815: {  	s29 =	sld [smem:$0x7FA]  }
0x816: {  	[sflag:s20] =	ssyncset.done $0x0  }
0x817: {  	[sflag:s20] =	ssyncadd.s32 $0xFFFFDD00  }
0x818: {  	[tilespmem:s6], [sflag:$0x1] =	stream.strided.gather [hbm4b:s29+s22], $0x2300, s4, s22, $0x38;
	[tilespmem:$0x12080] =	vst v63  }
0x819: {  	_ =	swait.ge [sflag:s20], $0x2300  }
0x81a: {  	s30 =	sld [smem:$0x7FB]  }
0x81b: {  	[sflag:s20] =	ssyncset.done $0x0  }
0x81c: {  	[sflag:s20] =	ssyncadd.s32 $0xFFFFDD00  }
0x81d: {  	[tilespmem:s7], [sflag:$0x1] =	stream.strided.gather [hbm4b:s30+s22], $0x2300, s4, s22, $0x38;
	[tilespmem:$0x12080] =	vst v63  }
0x81e: {  	_ =	swait.ge [sflag:s20], $0x2300  }
0x81f: {  	s31 =	sld [smem:$0x7FC]  }
0x820: {  	[sflag:s20] =	ssyncset.done $0x0  }
0x821: {  	[sflag:s20] =	ssyncadd.s32 $0xFFFFDD00  }
0x822: {  	[tilespmem:s8], [sflag:$0x1] =	stream.strided.gather [hbm4b:s31+s22], $0x2300, s4, s22, $0x38;
	[tilespmem:$0x12080] =	vst v63  }
0x823: {  	_ =	swait.ge [sflag:s20], $0x2300  }
0x824: {  	[sflag:s20] =	ssyncset.done $0x0  }
0x825: {  	s16 =	simm.s32 $0x0;
	[sflag:s20] =	ssyncadd.s32 $0xFFFFDD00  }
0x826: {  	v2 =	vld [tilespmem:s16+$0x2300];
	_ =	sdelay $0x7  }
0x827: {  	v3 =	vld.idx.msk [tilespmem:v2+s5+$0x0], $0xffff;
	_ =	sdelay $0x4  }
0x828: {  	[tilespmem:s16+$0x11C00] =	vst v3  }
0x829: {  	v3 =	vld.idx.msk [tilespmem:v2+s6+$0x0], $0xffff;
	_ =	sdelay $0x4  }
0x82a: {  	[tilespmem:s16+$0x11D00] =	vst v3  }
0x82b: {  	v3 =	vld.idx.msk [tilespmem:v2+s7+$0x0], $0xffff;
	_ =	sdelay $0x3  }
0x82c: {  	s21 =	simm.s32 $0x10;
	s17 =	simm.s32 $0x80  }
.LBB2_94:
0x82d: {  	p1 =	sne.s32 s17, $0x3C0;
	v4 =	vld [tilespmem:s21+$0x2300];
	[tilespmem:s16+$0x11E00] =	vst v3  }
0x82e: {  	v3 =	vld.idx.msk [tilespmem:v2+s8+$0x0], $0xffff;
	_ =	sdelay $0x3  }
0x82f: {  	v2 =	vmov v4;
	_ =	sdelay $0x1  }
0x830: {  	[tilespmem:s16+$0x11F00] =	vst v3;
	s16 =	smov.u32 s21  }
0x831: {  	v3 =	vld.idx.msk [tilespmem:v4+s5+$0x0], $0xffff;
	_ =	sdelay $0x5  }
0x832: {  	[tilespmem:s16+$0x11C00] =	vst v3  }
0x833: {  	v3 =	vld.idx.msk [tilespmem:v4+s6+$0x0], $0xffff;
	_ =	sdelay $0x5  }
0x834: {  	[tilespmem:s16+$0x11D00] =	vst v3  }
0x835: {  	v3 =	vld.idx.msk [tilespmem:v4+s7+$0x0], $0xffff  }
.Ltmp80:
0x836: {  	(pc) =	sbr.rel @p1 .LBB2_94-.Ltmp80, $2  }
0x837: {  	_ =	sdelay $0x2  }
0x838: {  	s21 =	sshra.s32 s17, $0x2;
	s17 =	sadd.s32 $0x40, s17  }
.Ltmp81:
0x839: {  	_ = 	snop;
	(pc) =	sbr.rel .LBB2_95-.Ltmp81, $1  }
0x83a: {  	_ =	sdelay $0x3  }
.LBB2_97:
0x83b: {  	_ =	sfence.sel $0x180000  }
0x83c: {  	[bflag:$0x0] =	sbarrier.arrive $0xFFFF  }
0x83d: {  	_ =	strace $0x90000047  }
0x83e: {  	s0 =	stileid.u32;
	[bflag:$0x2] =	sbarrier.arrive $0xFFFF  }
0x83f: {  	p0 =	sne.s32 s0, $0x0;
	s0 =	rddreg [dreg:$0xb]  }
0x840: {  	s0 =	sadd.s32 @!p0 $0x100000, s0  }
0x841: {  	[sflag:s0] =	ssyncadd.tile.s32 @!p0 $0x1;
	_ =	shalt  }
.Lfunc_end2:
_tile_overlayer_lowered:
.L_overlay_start_2:
0x842: {  	(tag) =	ssettag $0x2  }
0x843: {  	s0 =	rddreg [dreg:$0x0];
	s2 =	stileid.u32  }
0x844: {  	s1 =	rddreg [dreg:$0x1];
	p0 =	sne.s32 s2, $0x0  }
0x845: {  	s3 =	rddreg [dreg:$0x2];
	[bflag:$0x3] =	sbarrier.arrive $0xFFFF;
	s2 =	simm.s32 @!p0 $0x1C01  }
0x846: {  	[timem:s3], [sflag:s2] =	dma.local @!p0 [hbm:s0], s1  }
0x847: {  	s0 =	simm.s32 @!p0 $0x1  }
0x848: {  	_ =	swait.ge @!p0 [sflag:s0], s1  }
0x849: {  	s1 =	ssub.s32 @!p0 $0x0, s1;
	[sflag:s0] =	ssyncset.done @!p0 $0x0  }
0x84a: {  	[sflag:s0] =	ssyncadd.s32 @!p0 s1  }
0x84b: {  	[bflag:$0x3] =	sbarrier.arrive $0xFFFF  }
0x84c: {  	_ =	shalt  }

</sc_bundles>
